<compile_context>
chip_gen: v7x
topology: tpu7x:2x2x1
jax: 0.10.2.dev20260603
libtpu: 0.0.44.dev20260713+nightly
codegen_flags: <defaults>
</compile_context>

<pallas_src>
import functools

import jax
import jax.numpy as jnp
from jax import lax
from jax.experimental import pallas as pl
from jax.experimental.pallas import tpu as pltpu
from jax.experimental.pallas import tpu_sc as plsc

_N = 10000
_K = 32
_D = 128
_NPAD = 10240
_H = 4
_NC = _NPAD // _H
_BN = 80
_NW = 32
_NBUF = 4


def _sc_gather(emb, idx_nbr2, idx_u2):
    mesh = plsc.VectorSubcoreMesh(core_axis_name="c", subcore_axis_name="s")
    rows_per_w = _K * _NC // _NW // 128
    ngroups = rows_per_w // _NBUF
    u_rows = _NC // 128

    @functools.partial(
        pl.kernel,
        out_type=(
            jax.ShapeDtypeStruct((_K * _NC, _D), jnp.float32),
            jax.ShapeDtypeStruct((_NC, _D), jnp.float32),
        ),
        mesh=mesh,
        scratch_types=[
            pltpu.VMEM((rows_per_w, 1, 128), jnp.int32),
            pltpu.VMEM((1, 1, 128), jnp.int32),
            pltpu.VMEM((_NBUF, 128, _D), jnp.float32),
            pltpu.SemaphoreType.DMA,
            pltpu.SemaphoreType.DMA,
            pltpu.SemaphoreType.DMA,
            pltpu.SemaphoreType.DMA,
            pltpu.SemaphoreType.DMA,
            pltpu.SemaphoreType.DMA,
            pltpu.SemaphoreType.DMA,
            pltpu.SemaphoreType.DMA,
        ],
    )
    def gather_kernel(emb_hbm, idxn_hbm, idxu_hbm, nbr_out, u_out,
                      idx_all, idx_u, bufs,
                      g0, g1, g2, g3, w0, w1, w2, w3):
        gsem = (g0, g1, g2, g3)
        wsem = (w0, w1, w2, w3)
        wid = lax.axis_index("s") * 2 + lax.axis_index("c")
        base_row = wid * rows_per_w
        base_emb = wid * rows_per_w * 128

        pltpu.sync_copy(idxn_hbm.at[pl.ds(base_row, rows_per_w)], idx_all)

        def fire(c, b):
            pltpu.async_copy(emb_hbm.at[idx_all.at[c, 0]], bufs.at[b],
                             gsem[b])

        def wait_gather(b):
            pltpu.make_async_copy(
                emb_hbm.at[pl.ds(0, 128)], bufs.at[b], gsem[b]).wait()

        def write(c, b):
            pltpu.async_copy(
                bufs.at[b], nbr_out.at[pl.ds(base_emb + c * 128, 128)],
                wsem[b])

        def wait_write(b):
            pltpu.make_async_copy(
                bufs.at[b], nbr_out.at[pl.ds(0, 128)], wsem[b]).wait()

        for b in range(_NBUF):
            fire(b, b)

        def group(g, carry):
            for b in range(_NBUF):
                c = g * _NBUF + b
                wait_gather(b)
                write(c, b)

                @pl.when(c + _NBUF < rows_per_w)
                def _():
                    wait_write(b)
                    fire(c + _NBUF, b)
            return carry

        lax.fori_loop(0, ngroups, group, 0)
        for b in range(_NBUF):
            wait_write(b)

        for r in range(-(-u_rows // _NW)):
            row = wid + r * _NW

            @pl.when(row < u_rows)
            def _(row=row):
                pltpu.sync_copy(idxu_hbm.at[pl.ds(row, 1)], idx_u)
                cp = pltpu.async_copy(
                    emb_hbm.at[idx_u.at[0, 0]], bufs.at[0], g0)
                cp.wait()
                pltpu.sync_copy(bufs.at[0],
                                u_out.at[pl.ds(row * 128, 128)])

    return gather_kernel(emb, idx_nbr2, idx_u2)


def _tc_body(nbr_ref, u_ref, w1a_ref, w1b_ref, b1_ref, w2_ref, b2_ref,
             w3_ref, out_ref):
    ub = u_ref[...]
    t = jnp.dot(ub, w1b_ref[...],
                preferred_element_type=jnp.float32) + b1_ref[...]
    nbr = nbr_ref[...]
    nbr_flat = nbr.reshape(_K * _BN, _D)
    h = jnp.dot(nbr_flat, w1a_ref[...], preferred_element_type=jnp.float32)
    h = h + jnp.broadcast_to(t[None], (_K, _BN, _D)).reshape(_K * _BN, _D)
    h = jnp.maximum(h, 0.0)
    h2 = jnp.dot(h, w2_ref[...], preferred_element_type=jnp.float32)
    h2 = jnp.maximum(h2 + b2_ref[...], 0.0)
    h2_3 = h2.reshape(_K, _BN, _D)
    w3v = w3_ref[...]
    s = [jnp.sum(h2_3[k] * w3v, axis=1, keepdims=True) for k in range(_K)]
    m = functools.reduce(jnp.maximum, s)
    e = [jnp.exp(sk - m) for sk in s]
    den = functools.reduce(lambda a, b: a + b, e)
    acc = e[0] * nbr[0]
    for k in range(1, _K):
        acc = acc + e[k] * nbr[k]
    out_ref[...] = acc / den


def _tc_mlp(nbr_t, u, w1a, w1b, b1, w2, b2, w3r, interpret=False):
    nc = nbr_t.shape[1]
    return pl.pallas_call(
        _tc_body,
        grid=(nc // _BN,),
        in_specs=[
            pl.BlockSpec((_K, _BN, _D), lambda i: (0, i, 0)),
            pl.BlockSpec((_BN, _D), lambda i: (i, 0)),
            pl.BlockSpec((_D, _D), lambda i: (0, 0)),
            pl.BlockSpec((_D, _D), lambda i: (0, 0)),
            pl.BlockSpec((1, _D), lambda i: (0, 0)),
            pl.BlockSpec((_D, _D), lambda i: (0, 0)),
            pl.BlockSpec((1, _D), lambda i: (0, 0)),
            pl.BlockSpec((1, _D), lambda i: (0, 0)),
        ],
        out_specs=pl.BlockSpec((_BN, _D), lambda i: (i, 0)),
        out_shape=jax.ShapeDtypeStruct((nc, _D), jnp.float32),
        interpret=interpret,
    )(nbr_t, u, w1a, w1b, b1, w2, b2, w3r)


def kernel(nodes, neighbor_nodes, emb, W1, b1, W2, b2, W3, b3):
    pad = jnp.arange(_NPAD - _N, dtype=neighbor_nodes.dtype)
    nbr_pad = jnp.concatenate(
        [neighbor_nodes, jnp.broadcast_to(pad[:, None], (_NPAD - _N, _K))],
        axis=0)
    nbr_t_idx = jnp.transpose(nbr_pad.reshape(_H, _NC, _K), (0, 2, 1))
    idx_nbr = nbr_t_idx.reshape(_H, -1, 1, 128)
    idx_u = jnp.concatenate([nodes, pad]).reshape(_H, -1, 1, 128)
    w1a, w1b = W1[:_D], W1[_D:]
    b1r, b2r, w3r = b1.reshape(1, _D), b2.reshape(1, _D), W3.reshape(1, _D)
    gathered = [_sc_gather(emb, idx_nbr[h], idx_u[h]) for h in range(_H)]
    outs = [_tc_mlp(nbr_flat.reshape(_K, _NC, _D), u,
                    w1a, w1b, b1r, W2, b2r, w3r)
            for nbr_flat, u in gathered]
    return jnp.concatenate(outs, axis=0)[:_N]

# --- scband reference (transcript-rebuilt; emitter-appended) ---
"""Pipeline reference for scband-social-aggregator-42906723287403 (READ-ONLY COPY).

The authoritative reference and input builder live on the scoring server;
editing this copy changes nothing except your own understanding.
"""

import jax, jax.numpy as jnp
import numpy as np

N = 10000   # number of target nodes in batch
K = 32      # neighbors per node (uniform ragged -> dense)
D = 128     # embed_dim
V = 100000  # user embedding table rows


def setup_inputs(seed: int = 0) -> dict:
    key = jax.random.key(seed)
    ks = jax.random.split(key, 9)
    nodes = jax.random.randint(ks[0], (N,), 0, V, dtype=jnp.int32)
    neighbor_nodes = jax.random.randint(ks[1], (N, K), 0, V, dtype=jnp.int32)
    emb = jax.random.normal(ks[2], (V, D), dtype=jnp.float32) * 0.05
    # GraphRec Attention(embed_dim): att1: Linear(2D->D), att2: Linear(D->D), att3: Linear(D->1)
    W1 = jax.random.normal(ks[3], (2 * D, D), dtype=jnp.float32) * (1.0 / np.sqrt(2 * D))
    b1 = jnp.zeros((D,), dtype=jnp.float32)
    W2 = jax.random.normal(ks[4], (D, D), dtype=jnp.float32) * (1.0 / np.sqrt(D))
    b2 = jnp.zeros((D,), dtype=jnp.float32)
    W3 = jax.random.normal(ks[5], (D, 1), dtype=jnp.float32) * (1.0 / np.sqrt(D))
    b3 = jnp.zeros((1,), dtype=jnp.float32)
    return {"nodes": nodes, "neighbor_nodes": neighbor_nodes, "emb": emb,
            "W1": W1, "b1": b1, "W2": W2, "b2": b2, "W3": W3, "b3": b3}


def reference(nodes, neighbor_nodes, emb, W1, b1, W2, b2, W3, b3):
    # gather neighbor and target-user embeddings (SparseCore gathers)
    nbr = jnp.take(emb, neighbor_nodes, axis=0)          # [N, K, D]
    u = jnp.take(emb, nodes, axis=0)                     # [N, D]
    u_rep = jnp.broadcast_to(u[:, None, :], (N, K, D))   # u_rep.repeat(num_neighs, 1)
    x = jnp.concatenate([nbr, u_rep], axis=-1)           # [N, K, 2D]
    # attention MLP (dropout is identity in eval mode)
    h = jax.nn.relu(x @ W1 + b1)
    h = jax.nn.relu(h @ W2 + b2)
    s = h @ W3 + b3                                      # [N, K, 1]
    # softmax over each node's neighbors (per-node softmax, dim=0 in the loop body)
    att = jax.nn.softmax(s, axis=1)                      # [N, K, 1]
    # weighted aggregation: neighbors_representation.T @ attention_weight, transposed
    out = jnp.sum(att * nbr, axis=1)                     # [N, D]
    return out

if __name__ == "__main__":
    import jax
    _d = setup_inputs()
    print(jax.jit(kernel)(*tuple(_d.values())))

</pallas_src>

<mosaic_0001>
#map = affine_map<(d0, d1) -> (0, 0)>
#map1 = affine_map<(d0, d1) -> (0, 0, 0)>
module attributes {stable_mosaic.version = 14 : i64} {
  func.func @gather_kernel(%arg0: i32, %arg1: i32, %arg2: memref<100000x128xf32, #tpu.memory_space<hbm>>, %arg3: memref<640x1x128xi32, #tpu.memory_space<hbm>>, %arg4: memref<20x1x128xi32, #tpu.memory_space<hbm>>, %arg5: memref<81920x128xf32, #tpu.memory_space<hbm>>, %arg6: memref<2560x128xf32, #tpu.memory_space<hbm>>, %arg7: memref<20x1x128xi32, #tpu.memory_space<vmem>>, %arg8: memref<1x1x128xi32, #tpu.memory_space<vmem>>, %arg9: memref<4x128x128xf32, #tpu.memory_space<vmem>>, %arg10: memref<!tpu.dma_semaphore, #tpu.memory_space<semaphore_mem>>, %arg11: memref<!tpu.dma_semaphore, #tpu.memory_space<semaphore_mem>>, %arg12: memref<!tpu.dma_semaphore, #tpu.memory_space<semaphore_mem>>, %arg13: memref<!tpu.dma_semaphore, #tpu.memory_space<semaphore_mem>>, %arg14: memref<!tpu.dma_semaphore, #tpu.memory_space<semaphore_mem>>, %arg15: memref<!tpu.dma_semaphore, #tpu.memory_space<semaphore_mem>>, %arg16: memref<!tpu.dma_semaphore, #tpu.memory_space<semaphore_mem>>, %arg17: memref<!tpu.dma_semaphore, #tpu.memory_space<semaphore_mem>>) attributes {dimension_semantics = [#tpu.dimension_semantics<core_parallel>, #tpu.dimension_semantics<subcore_parallel>], iteration_bounds = array<i64: 2, 16>, scalar_prefetch = 0 : i64, scratch_operands = 11 : i64, tpu.core_type = #tpu.core_type<sc_vector_subcore>, window_params = [{transform_indices = #map}, {transform_indices = #map1}, {transform_indices = #map1}, {transform_indices = #map}, {transform_indices = #map}]} {
    %mul3A = arith.constant 2 : i32
    %mul3A_0 = arith.muli %arg1, %mul3A : i32
    %add3A = arith.addi %mul3A_0, %arg0 : i32
    %mul3A_1 = arith.constant 20 : i32
    %mul3A_2 = arith.muli %add3A, %mul3A_1 : i32
    %mul3A_3 = arith.constant 20 : i32
    %mul3A_4 = arith.muli %add3A, %mul3A_3 : i32
    %mul3A_5 = arith.constant 128 : i32
    %mul3A_6 = arith.muli %mul3A_4, %mul3A_5 : i32
    "tpu.region"() ({
      %run_scoped3A = tpu.sem_alloc : memref<!tpu.dma_semaphore, #tpu.memory_space<semaphore_mem>>
      %dma_start3A_126 = arith.constant 0 : i32
      %dma_start3A_127 = arith.constant 0 : i32
      %dma_start3A_128 = tpu.memref_slice %arg3[%mul3A_2, %dma_start3A_126, %dma_start3A_127] : memref<640x1x128xi32, #tpu.memory_space<hbm>> -> memref<20x1x128xi32, #tpu.memory_space<hbm>>
      %dma_start3A_129 = arith.constant 0 : i32
      %dma_start3A_130 = arith.constant 0 : i32
      %dma_start3A_131 = tpu.memref_slice %arg3[%mul3A_2, %dma_start3A_129, %dma_start3A_130] : memref<640x1x128xi32, #tpu.memory_space<hbm>> -> memref<20x1x128xi32, #tpu.memory_space<hbm>>
      tpu.enqueue_dma source(%dma_start3A_131 : memref<20x1x128xi32, #tpu.memory_space<hbm>>) target(%arg7 : memref<20x1x128xi32, #tpu.memory_space<vmem>>) target_semaphore(%run_scoped3A : memref<!tpu.dma_semaphore, #tpu.memory_space<semaphore_mem>>)
      %dma_wait3A_132 = arith.constant 0 : i32
      %dma_wait3A_133 = arith.constant 0 : i32
      %dma_wait3A_134 = tpu.memref_slice %arg3[%mul3A_2, %dma_wait3A_132, %dma_wait3A_133] : memref<640x1x128xi32, #tpu.memory_space<hbm>> -> memref<20x1x128xi32, #tpu.memory_space<hbm>>
      %dma_wait3A_135 = arith.constant 0 : i32
      %dma_wait3A_136 = arith.constant 0 : i32
      %dma_wait3A_137 = tpu.memref_slice %arg3[%mul3A_2, %dma_wait3A_135, %dma_wait3A_136] : memref<640x1x128xi32, #tpu.memory_space<hbm>> -> memref<20x1x128xi32, #tpu.memory_space<hbm>>
      tpu.wait_dma2 semaphore(%run_scoped3A : memref<!tpu.dma_semaphore, #tpu.memory_space<semaphore_mem>>) src(%dma_wait3A_137 : memref<20x1x128xi32, #tpu.memory_space<hbm>>) dst(%arg7 : memref<20x1x128xi32, #tpu.memory_space<vmem>>)
      tpu.yield
    }) : () -> ()
    %dma_start3A = arith.constant 0 : i32
    %dma_start3A_7 = arith.constant 0 : i32
    %dma_start3A_8 = arith.constant 0 : i32
    %dma_start3A_9 = arith.constant 0 : i32
    %dma_start3A_10 = arith.constant 0 : i32
    %dma_start3A_11 = tpu.memref_slice %arg9[%dma_start3A_8, %dma_start3A_9, %dma_start3A_10] : memref<4x128x128xf32, #tpu.memory_space<vmem>> -> memref<1x128x128xf32, #tpu.memory_space<vmem>>
    %dma_start3A_12 = tpu.memref_squeeze %dma_start3A_11 : memref<1x128x128xf32, #tpu.memory_space<vmem>> -> memref<128x128xf32, #tpu.memory_space<vmem>>
    %dma_start3A_13 = arith.constant 0 : i32
    %dma_start3A_14 = tpu.memref_slice %arg7[%dma_start3A, %dma_start3A_7, %dma_start3A_13] : memref<20x1x128xi32, #tpu.memory_space<vmem>> -> memref<1x1x128xi32, #tpu.memory_space<vmem>>
    %dma_start3A_15 = tpu.memref_squeeze %dma_start3A_14 : memref<1x1x128xi32, #tpu.memory_space<vmem>> -> memref<128xi32, #tpu.memory_space<vmem>>
    %dma_start3A_16 = arith.constant 0 : i32
    %dma_start3A_17 = arith.constant 0 : i32
    %dma_start3A_18 = tpu.memref_slice %arg2[%dma_start3A_16, %dma_start3A_17] : memref<100000x128xf32, #tpu.memory_space<hbm>> -> memref<100000x128xf32, #tpu.memory_space<hbm>>
    tpu.enqueue_indirect_dma source(%dma_start3A_18 : memref<100000x128xf32, #tpu.memory_space<hbm>>) target(%dma_start3A_12 : memref<128x128xf32, #tpu.memory_space<vmem>>) offsets(%dma_start3A_15 : memref<128xi32, #tpu.memory_space<vmem>>) semaphore(%arg10 : memref<!tpu.dma_semaphore, #tpu.memory_space<semaphore_mem>>)
    %dma_start3A_19 = arith.constant 1 : i32
    %dma_start3A_20 = arith.constant 0 : i32
    %dma_start3A_21 = arith.constant 1 : i32
    %dma_start3A_22 = arith.constant 0 : i32
    %dma_start3A_23 = arith.constant 0 : i32
    %dma_start3A_24 = tpu.memref_slice %arg9[%dma_start3A_21, %dma_start3A_22, %dma_start3A_23] : memref<4x128x128xf32, #tpu.memory_space<vmem>> -> memref<1x128x128xf32, #tpu.memory_space<vmem>>
    %dma_start3A_25 = tpu.memref_squeeze %dma_start3A_24 : memref<1x128x128xf32, #tpu.memory_space<vmem>> -> memref<128x128xf32, #tpu.memory_space<vmem>>
    %dma_start3A_26 = arith.constant 0 : i32
    %dma_start3A_27 = tpu.memref_slice %arg7[%dma_start3A_19, %dma_start3A_20, %dma_start3A_26] : memref<20x1x128xi32, #tpu.memory_space<vmem>> -> memref<1x1x128xi32, #tpu.memory_space<vmem>>
    %dma_start3A_28 = tpu.memref_squeeze %dma_start3A_27 : memref<1x1x128xi32, #tpu.memory_space<vmem>> -> memref<128xi32, #tpu.memory_space<vmem>>
    %dma_start3A_29 = arith.constant 0 : i32
    %dma_start3A_30 = arith.constant 0 : i32
    %dma_start3A_31 = tpu.memref_slice %arg2[%dma_start3A_29, %dma_start3A_30] : memref<100000x128xf32, #tpu.memory_space<hbm>> -> memref<100000x128xf32, #tpu.memory_space<hbm>>
    tpu.enqueue_indirect_dma source(%dma_start3A_31 : memref<100000x128xf32, #tpu.memory_space<hbm>>) target(%dma_start3A_25 : memref<128x128xf32, #tpu.memory_space<vmem>>) offsets(%dma_start3A_28 : memref<128xi32, #tpu.memory_space<vmem>>) semaphore(%arg11 : memref<!tpu.dma_semaphore, #tpu.memory_space<semaphore_mem>>)
    %dma_start3A_32 = arith.constant 2 : i32
    %dma_start3A_33 = arith.constant 0 : i32
    %dma_start3A_34 = arith.constant 2 : i32
    %dma_start3A_35 = arith.constant 0 : i32
    %dma_start3A_36 = arith.constant 0 : i32
    %dma_start3A_37 = tpu.memref_slice %arg9[%dma_start3A_34, %dma_start3A_35, %dma_start3A_36] : memref<4x128x128xf32, #tpu.memory_space<vmem>> -> memref<1x128x128xf32, #tpu.memory_space<vmem>>
    %dma_start3A_38 = tpu.memref_squeeze %dma_start3A_37 : memref<1x128x128xf32, #tpu.memory_space<vmem>> -> memref<128x128xf32, #tpu.memory_space<vmem>>
    %dma_start3A_39 = arith.constant 0 : i32
    %dma_start3A_40 = tpu.memref_slice %arg7[%dma_start3A_32, %dma_start3A_33, %dma_start3A_39] : memref<20x1x128xi32, #tpu.memory_space<vmem>> -> memref<1x1x128xi32, #tpu.memory_space<vmem>>
    %dma_start3A_41 = tpu.memref_squeeze %dma_start3A_40 : memref<1x1x128xi32, #tpu.memory_space<vmem>> -> memref<128xi32, #tpu.memory_space<vmem>>
    %dma_start3A_42 = arith.constant 0 : i32
    %dma_start3A_43 = arith.constant 0 : i32
    %dma_start3A_44 = tpu.memref_slice %arg2[%dma_start3A_42, %dma_start3A_43] : memref<100000x128xf32, #tpu.memory_space<hbm>> -> memref<100000x128xf32, #tpu.memory_space<hbm>>
    tpu.enqueue_indirect_dma source(%dma_start3A_44 : memref<100000x128xf32, #tpu.memory_space<hbm>>) target(%dma_start3A_38 : memref<128x128xf32, #tpu.memory_space<vmem>>) offsets(%dma_start3A_41 : memref<128xi32, #tpu.memory_space<vmem>>) semaphore(%arg12 : memref<!tpu.dma_semaphore, #tpu.memory_space<semaphore_mem>>)
    %dma_start3A_45 = arith.constant 3 : i32
    %dma_start3A_46 = arith.constant 0 : i32
    %dma_start3A_47 = arith.constant 3 : i32
    %dma_start3A_48 = arith.constant 0 : i32
    %dma_start3A_49 = arith.constant 0 : i32
    %dma_start3A_50 = tpu.memref_slice %arg9[%dma_start3A_47, %dma_start3A_48, %dma_start3A_49] : memref<4x128x128xf32, #tpu.memory_space<vmem>> -> memref<1x128x128xf32, #tpu.memory_space<vmem>>
    %dma_start3A_51 = tpu.memref_squeeze %dma_start3A_50 : memref<1x128x128xf32, #tpu.memory_space<vmem>> -> memref<128x128xf32, #tpu.memory_space<vmem>>
    %dma_start3A_52 = arith.constant 0 : i32
    %dma_start3A_53 = tpu.memref_slice %arg7[%dma_start3A_45, %dma_start3A_46, %dma_start3A_52] : memref<20x1x128xi32, #tpu.memory_space<vmem>> -> memref<1x1x128xi32, #tpu.memory_space<vmem>>
    %dma_start3A_54 = tpu.memref_squeeze %dma_start3A_53 : memref<1x1x128xi32, #tpu.memory_space<vmem>> -> memref<128xi32, #tpu.memory_space<vmem>>
    %dma_start3A_55 = arith.constant 0 : i32
    %dma_start3A_56 = arith.constant 0 : i32
    %dma_start3A_57 = tpu.memref_slice %arg2[%dma_start3A_55, %dma_start3A_56] : memref<100000x128xf32, #tpu.memory_space<hbm>> -> memref<100000x128xf32, #tpu.memory_space<hbm>>
    tpu.enqueue_indirect_dma source(%dma_start3A_57 : memref<100000x128xf32, #tpu.memory_space<hbm>>) target(%dma_start3A_51 : memref<128x128xf32, #tpu.memory_space<vmem>>) offsets(%dma_start3A_54 : memref<128xi32, #tpu.memory_space<vmem>>) semaphore(%arg13 : memref<!tpu.dma_semaphore, #tpu.memory_space<semaphore_mem>>)
    %scan3A = arith.constant 0 : i32
    %scan3A_58 = arith.constant 0 : i32
    %scan3A_59 = arith.constant 5 : i32
    %scan3A_60 = arith.addi %scan3A_58, %scan3A_59 : i32
    %scan3A_61 = arith.constant 1 : i32
    scf.for %scan3A_126 = %scan3A_58 to %scan3A_60 step %scan3A_61  : i32 {
      %mul3A_127 = arith.constant 4 : i32
      %mul3A_128 = arith.muli %scan3A_126, %mul3A_127 : i32
      %add3A_129 = arith.constant 0 : i32
      %add3A_130 = arith.addi %mul3A_128, %add3A_129 : i32
      %dma_wait3A_131 = arith.constant 0 : i32
      %dma_wait3A_132 = arith.constant 0 : i32
      %dma_wait3A_133 = arith.constant 0 : i32
      %dma_wait3A_134 = tpu.memref_slice %arg9[%dma_wait3A_131, %dma_wait3A_132, %dma_wait3A_133] : memref<4x128x128xf32, #tpu.memory_space<vmem>> -> memref<1x128x128xf32, #tpu.memory_space<vmem>>
      %dma_wait3A_135 = tpu.memref_squeeze %dma_wait3A_134 : memref<1x128x128xf32, #tpu.memory_space<vmem>> -> memref<128x128xf32, #tpu.memory_space<vmem>>
      %dma_wait3A_136 = arith.constant 0 : i32
      %dma_wait3A_137 = arith.constant 0 : i32
      %dma_wait3A_138 = tpu.memref_slice %arg2[%dma_wait3A_136, %dma_wait3A_137] : memref<100000x128xf32, #tpu.memory_space<hbm>> -> memref<128x128xf32, #tpu.memory_space<hbm>>
      %dma_wait3A_139 = arith.constant 0 : i32
      %dma_wait3A_140 = arith.constant 0 : i32
      %dma_wait3A_141 = tpu.memref_slice %arg9[%dma_wait3A_131, %dma_wait3A_139, %dma_wait3A_140] : memref<4x128x128xf32, #tpu.memory_space<vmem>> -> memref<1x128x128xf32, #tpu.memory_space<vmem>>
      %dma_wait3A_142 = tpu.memref_squeeze %dma_wait3A_141 : memref<1x128x128xf32, #tpu.memory_space<vmem>> -> memref<128x128xf32, #tpu.memory_space<vmem>>
      %dma_wait3A_143 = arith.constant 0 : i32
      %dma_wait3A_144 = arith.constant 0 : i32
      %dma_wait3A_145 = tpu.memref_slice %arg2[%dma_wait3A_143, %dma_wait3A_144] : memref<100000x128xf32, #tpu.memory_space<hbm>> -> memref<128x128xf32, #tpu.memory_space<hbm>>
      tpu.wait_dma2 semaphore(%arg10 : memref<!tpu.dma_semaphore, #tpu.memory_space<semaphore_mem>>) src(%dma_wait3A_145 : memref<128x128xf32, #tpu.memory_space<hbm>>) dst(%dma_wait3A_142 : memref<128x128xf32, #tpu.memory_space<vmem>>)
      %mul3A_146 = arith.constant 128 : i32
      %mul3A_147 = arith.muli %add3A_130, %mul3A_146 : i32
      %add3A_148 = arith.addi %mul3A_6, %mul3A_147 : i32
      %dma_start3A_149 = arith.constant 0 : i32
      %dma_start3A_150 = arith.constant 0 : i32
      %dma_start3A_151 = arith.constant 0 : i32
      %dma_start3A_152 = tpu.memref_slice %arg9[%dma_start3A_149, %dma_start3A_150, %dma_start3A_151] : memref<4x128x128xf32, #tpu.memory_space<vmem>> -> memref<1x128x128xf32, #tpu.memory_space<vmem>>
      %dma_start3A_153 = tpu.memref_squeeze %dma_start3A_152 : memref<1x128x128xf32, #tpu.memory_space<vmem>> -> memref<128x128xf32, #tpu.memory_space<vmem>>
      %dma_start3A_154 = arith.constant 0 : i32
      %dma_start3A_155 = tpu.memref_slice %arg5[%add3A_148, %dma_start3A_154] : memref<81920x128xf32, #tpu.memory_space<hbm>> -> memref<128x128xf32, #tpu.memory_space<hbm>>
      %dma_start3A_156 = arith.constant 0 : i32
      %dma_start3A_157 = tpu.memref_slice %arg5[%add3A_148, %dma_start3A_156] : memref<81920x128xf32, #tpu.memory_space<hbm>> -> memref<128x128xf32, #tpu.memory_space<hbm>>
      %dma_start3A_158 = arith.constant 0 : i32
      %dma_start3A_159 = arith.constant 0 : i32
      %dma_start3A_160 = tpu.memref_slice %arg9[%dma_start3A_149, %dma_start3A_158, %dma_start3A_159] : memref<4x128x128xf32, #tpu.memory_space<vmem>> -> memref<1x128x128xf32, #tpu.memory_space<vmem>>
      %dma_start3A_161 = tpu.memref_squeeze %dma_start3A_160 : memref<1x128x128xf32, #tpu.memory_space<vmem>> -> memref<128x128xf32, #tpu.memory_space<vmem>>
      tpu.enqueue_dma source(%dma_start3A_161 : memref<128x128xf32, #tpu.memory_space<vmem>>) target(%dma_start3A_157 : memref<128x128xf32, #tpu.memory_space<hbm>>) target_semaphore(%arg14 : memref<!tpu.dma_semaphore, #tpu.memory_space<semaphore_mem>>)
      %add3A_162 = arith.constant 4 : i32
      %add3A_163 = arith.addi %add3A_130, %add3A_162 : i32
      %lt3A_164 = arith.constant 20 : i32
      %lt3A_165 = arith.cmpi slt, %add3A_163, %lt3A_164 : i32
      %convert_element_type3A_166 = arith.extui %lt3A_165 : i1 to i32
      %cond3A_167 = arith.constant 0 : i32
      %cond3A_168 = arith.cmpi ne, %convert_element_type3A_166, %cond3A_167 : i32
      scf.if %cond3A_168 {
        %dma_wait3A_295 = arith.constant 0 : i32
        %dma_wait3A_296 = arith.constant 0 : i32
        %dma_wait3A_297 = arith.constant 0 : i32
        %dma_wait3A_298 = tpu.memref_slice %arg9[%dma_wait3A_295, %dma_wait3A_296, %dma_wait3A_297] : memref<4x128x128xf32, #tpu.memory_space<vmem>> -> memref<1x128x128xf32, #tpu.memory_space<vmem>>
        %dma_wait3A_299 = tpu.memref_squeeze %dma_wait3A_298 : memref<1x128x128xf32, #tpu.memory_space<vmem>> -> memref<128x128xf32, #tpu.memory_space<vmem>>
        %dma_wait3A_300 = arith.constant 0 : i32
        %dma_wait3A_301 = arith.constant 0 : i32
        %dma_wait3A_302 = tpu.memref_slice %arg5[%dma_wait3A_300, %dma_wait3A_301] : memref<81920x128xf32, #tpu.memory_space<hbm>> -> memref<128x128xf32, #tpu.memory_space<hbm>>
        %dma_wait3A_303 = arith.constant 0 : i32
        %dma_wait3A_304 = arith.constant 0 : i32
        %dma_wait3A_305 = tpu.memref_slice %arg5[%dma_wait3A_303, %dma_wait3A_304] : memref<81920x128xf32, #tpu.memory_space<hbm>> -> memref<128x128xf32, #tpu.memory_space<hbm>>
        %dma_wait3A_306 = arith.constant 0 : i32
        %dma_wait3A_307 = arith.constant 0 : i32
        %dma_wait3A_308 = tpu.memref_slice %arg9[%dma_wait3A_295, %dma_wait3A_306, %dma_wait3A_307] : memref<4x128x128xf32, #tpu.memory_space<vmem>> -> memref<1x128x128xf32, #tpu.memory_space<vmem>>
        %dma_wait3A_309 = tpu.memref_squeeze %dma_wait3A_308 : memref<1x128x128xf32, #tpu.memory_space<vmem>> -> memref<128x128xf32, #tpu.memory_space<vmem>>
        tpu.wait_dma2 semaphore(%arg14 : memref<!tpu.dma_semaphore, #tpu.memory_space<semaphore_mem>>) src(%dma_wait3A_309 : memref<128x128xf32, #tpu.memory_space<vmem>>) dst(%dma_wait3A_305 : memref<128x128xf32, #tpu.memory_space<hbm>>)
        %add3A_310 = arith.constant 4 : i32
        %add3A_311 = arith.addi %add3A_130, %add3A_310 : i32
        %dma_start3A_312 = arith.constant 0 : i32
        %dma_start3A_313 = arith.constant 0 : i32
        %dma_start3A_314 = arith.constant 0 : i32
        %dma_start3A_315 = arith.constant 0 : i32
        %dma_start3A_316 = tpu.memref_slice %arg9[%dma_start3A_313, %dma_start3A_314, %dma_start3A_315] : memref<4x128x128xf32, #tpu.memory_space<vmem>> -> memref<1x128x128xf32, #tpu.memory_space<vmem>>
        %dma_start3A_317 = tpu.memref_squeeze %dma_start3A_316 : memref<1x128x128xf32, #tpu.memory_space<vmem>> -> memref<128x128xf32, #tpu.memory_space<vmem>>
        %dma_start3A_318 = arith.constant 0 : i32
        %dma_start3A_319 = tpu.memref_slice %arg7[%add3A_311, %dma_start3A_312, %dma_start3A_318] : memref<20x1x128xi32, #tpu.memory_space<vmem>> -> memref<1x1x128xi32, #tpu.memory_space<vmem>>
        %dma_start3A_320 = tpu.memref_squeeze %dma_start3A_319 : memref<1x1x128xi32, #tpu.memory_space<vmem>> -> memref<128xi32, #tpu.memory_space<vmem>>
        %dma_start3A_321 = arith.constant 0 : i32
        %dma_start3A_322 = arith.constant 0 : i32
        %dma_start3A_323 = tpu.memref_slice %arg2[%dma_start3A_321, %dma_start3A_322] : memref<100000x128xf32, #tpu.memory_space<hbm>> -> memref<100000x128xf32, #tpu.memory_space<hbm>>
        tpu.enqueue_indirect_dma source(%dma_start3A_323 : memref<100000x128xf32, #tpu.memory_space<hbm>>) target(%dma_start3A_317 : memref<128x128xf32, #tpu.memory_space<vmem>>) offsets(%dma_start3A_320 : memref<128xi32, #tpu.memory_space<vmem>>) semaphore(%arg10 : memref<!tpu.dma_semaphore, #tpu.memory_space<semaphore_mem>>)
      } else {
      }
      %mul3A_169 = arith.constant 4 : i32
      %mul3A_170 = arith.muli %scan3A_126, %mul3A_169 : i32
      %add3A_171 = arith.constant 1 : i32
      %add3A_172 = arith.addi %mul3A_170, %add3A_171 : i32
      %dma_wait3A_173 = arith.constant 1 : i32
      %dma_wait3A_174 = arith.constant 0 : i32
      %dma_wait3A_175 = arith.constant 0 : i32
      %dma_wait3A_176 = tpu.memref_slice %arg9[%dma_wait3A_173, %dma_wait3A_174, %dma_wait3A_175] : memref<4x128x128xf32, #tpu.memory_space<vmem>> -> memref<1x128x128xf32, #tpu.memory_space<vmem>>
      %dma_wait3A_177 = tpu.memref_squeeze %dma_wait3A_176 : memref<1x128x128xf32, #tpu.memory_space<vmem>> -> memref<128x128xf32, #tpu.memory_space<vmem>>
      %dma_wait3A_178 = arith.constant 0 : i32
      %dma_wait3A_179 = arith.constant 0 : i32
      %dma_wait3A_180 = tpu.memref_slice %arg2[%dma_wait3A_178, %dma_wait3A_179] : memref<100000x128xf32, #tpu.memory_space<hbm>> -> memref<128x128xf32, #tpu.memory_space<hbm>>
      %dma_wait3A_181 = arith.constant 0 : i32
      %dma_wait3A_182 = arith.constant 0 : i32
      %dma_wait3A_183 = tpu.memref_slice %arg9[%dma_wait3A_173, %dma_wait3A_181, %dma_wait3A_182] : memref<4x128x128xf32, #tpu.memory_space<vmem>> -> memref<1x128x128xf32, #tpu.memory_space<vmem>>
      %dma_wait3A_184 = tpu.memref_squeeze %dma_wait3A_183 : memref<1x128x128xf32, #tpu.memory_space<vmem>> -> memref<128x128xf32, #tpu.memory_space<vmem>>
      %dma_wait3A_185 = arith.constant 0 : i32
      %dma_wait3A_186 = arith.constant 0 : i32
      %dma_wait3A_187 = tpu.memref_slice %arg2[%dma_wait3A_185, %dma_wait3A_186] : memref<100000x128xf32, #tpu.memory_space<hbm>> -> memref<128x128xf32, #tpu.memory_space<hbm>>
      tpu.wait_dma2 semaphore(%arg11 : memref<!tpu.dma_semaphore, #tpu.memory_space<semaphore_mem>>) src(%dma_wait3A_187 : memref<128x128xf32, #tpu.memory_space<hbm>>) dst(%dma_wait3A_184 : memref<128x128xf32, #tpu.memory_space<vmem>>)
      %mul3A_188 = arith.constant 128 : i32
      %mul3A_189 = arith.muli %add3A_172, %mul3A_188 : i32
      %add3A_190 = arith.addi %mul3A_6, %mul3A_189 : i32
      %dma_start3A_191 = arith.constant 1 : i32
      %dma_start3A_192 = arith.constant 0 : i32
      %dma_start3A_193 = arith.constant 0 : i32
      %dma_start3A_194 = tpu.memref_slice %arg9[%dma_start3A_191, %dma_start3A_192, %dma_start3A_193] : memref<4x128x128xf32, #tpu.memory_space<vmem>> -> memref<1x128x128xf32, #tpu.memory_space<vmem>>
      %dma_start3A_195 = tpu.memref_squeeze %dma_start3A_194 : memref<1x128x128xf32, #tpu.memory_space<vmem>> -> memref<128x128xf32, #tpu.memory_space<vmem>>
      %dma_start3A_196 = arith.constant 0 : i32
      %dma_start3A_197 = tpu.memref_slice %arg5[%add3A_190, %dma_start3A_196] : memref<81920x128xf32, #tpu.memory_space<hbm>> -> memref<128x128xf32, #tpu.memory_space<hbm>>
      %dma_start3A_198 = arith.constant 0 : i32
      %dma_start3A_199 = tpu.memref_slice %arg5[%add3A_190, %dma_start3A_198] : memref<81920x128xf32, #tpu.memory_space<hbm>> -> memref<128x128xf32, #tpu.memory_space<hbm>>
      %dma_start3A_200 = arith.constant 0 : i32
      %dma_start3A_201 = arith.constant 0 : i32
      %dma_start3A_202 = tpu.memref_slice %arg9[%dma_start3A_191, %dma_start3A_200, %dma_start3A_201] : memref<4x128x128xf32, #tpu.memory_space<vmem>> -> memref<1x128x128xf32, #tpu.memory_space<vmem>>
      %dma_start3A_203 = tpu.memref_squeeze %dma_start3A_202 : memref<1x128x128xf32, #tpu.memory_space<vmem>> -> memref<128x128xf32, #tpu.memory_space<vmem>>
      tpu.enqueue_dma source(%dma_start3A_203 : memref<128x128xf32, #tpu.memory_space<vmem>>) target(%dma_start3A_199 : memref<128x128xf32, #tpu.memory_space<hbm>>) target_semaphore(%arg15 : memref<!tpu.dma_semaphore, #tpu.memory_space<semaphore_mem>>)
      %add3A_204 = arith.constant 4 : i32
      %add3A_205 = arith.addi %add3A_172, %add3A_204 : i32
      %lt3A_206 = arith.constant 20 : i32
      %lt3A_207 = arith.cmpi slt, %add3A_205, %lt3A_206 : i32
      %convert_element_type3A_208 = arith.extui %lt3A_207 : i1 to i32
      %cond3A_209 = arith.constant 0 : i32
      %cond3A_210 = arith.cmpi ne, %convert_element_type3A_208, %cond3A_209 : i32
      scf.if %cond3A_210 {
        %dma_wait3A_295 = arith.constant 1 : i32
        %dma_wait3A_296 = arith.constant 0 : i32
        %dma_wait3A_297 = arith.constant 0 : i32
        %dma_wait3A_298 = tpu.memref_slice %arg9[%dma_wait3A_295, %dma_wait3A_296, %dma_wait3A_297] : memref<4x128x128xf32, #tpu.memory_space<vmem>> -> memref<1x128x128xf32, #tpu.memory_space<vmem>>
        %dma_wait3A_299 = tpu.memref_squeeze %dma_wait3A_298 : memref<1x128x128xf32, #tpu.memory_space<vmem>> -> memref<128x128xf32, #tpu.memory_space<vmem>>
        %dma_wait3A_300 = arith.constant 0 : i32
        %dma_wait3A_301 = arith.constant 0 : i32
        %dma_wait3A_302 = tpu.memref_slice %arg5[%dma_wait3A_300, %dma_wait3A_301] : memref<81920x128xf32, #tpu.memory_space<hbm>> -> memref<128x128xf32, #tpu.memory_space<hbm>>
        %dma_wait3A_303 = arith.constant 0 : i32
        %dma_wait3A_304 = arith.constant 0 : i32
        %dma_wait3A_305 = tpu.memref_slice %arg5[%dma_wait3A_303, %dma_wait3A_304] : memref<81920x128xf32, #tpu.memory_space<hbm>> -> memref<128x128xf32, #tpu.memory_space<hbm>>
        %dma_wait3A_306 = arith.constant 0 : i32
        %dma_wait3A_307 = arith.constant 0 : i32
        %dma_wait3A_308 = tpu.memref_slice %arg9[%dma_wait3A_295, %dma_wait3A_306, %dma_wait3A_307] : memref<4x128x128xf32, #tpu.memory_space<vmem>> -> memref<1x128x128xf32, #tpu.memory_space<vmem>>
        %dma_wait3A_309 = tpu.memref_squeeze %dma_wait3A_308 : memref<1x128x128xf32, #tpu.memory_space<vmem>> -> memref<128x128xf32, #tpu.memory_space<vmem>>
        tpu.wait_dma2 semaphore(%arg15 : memref<!tpu.dma_semaphore, #tpu.memory_space<semaphore_mem>>) src(%dma_wait3A_309 : memref<128x128xf32, #tpu.memory_space<vmem>>) dst(%dma_wait3A_305 : memref<128x128xf32, #tpu.memory_space<hbm>>)
        %add3A_310 = arith.constant 4 : i32
        %add3A_311 = arith.addi %add3A_172, %add3A_310 : i32
        %dma_start3A_312 = arith.constant 0 : i32
        %dma_start3A_313 = arith.constant 1 : i32
        %dma_start3A_314 = arith.constant 0 : i32
        %dma_start3A_315 = arith.constant 0 : i32
        %dma_start3A_316 = tpu.memref_slice %arg9[%dma_start3A_313, %dma_start3A_314, %dma_start3A_315] : memref<4x128x128xf32, #tpu.memory_space<vmem>> -> memref<1x128x128xf32, #tpu.memory_space<vmem>>
        %dma_start3A_317 = tpu.memref_squeeze %dma_start3A_316 : memref<1x128x128xf32, #tpu.memory_space<vmem>> -> memref<128x128xf32, #tpu.memory_space<vmem>>
        %dma_start3A_318 = arith.constant 0 : i32
        %dma_start3A_319 = tpu.memref_slice %arg7[%add3A_311, %dma_start3A_312, %dma_start3A_318] : memref<20x1x128xi32, #tpu.memory_space<vmem>> -> memref<1x1x128xi32, #tpu.memory_space<vmem>>
        %dma_start3A_320 = tpu.memref_squeeze %dma_start3A_319 : memref<1x1x128xi32, #tpu.memory_space<vmem>> -> memref<128xi32, #tpu.memory_space<vmem>>
        %dma_start3A_321 = arith.constant 0 : i32
        %dma_start3A_322 = arith.constant 0 : i32
        %dma_start3A_323 = tpu.memref_slice %arg2[%dma_start3A_321, %dma_start3A_322] : memref<100000x128xf32, #tpu.memory_space<hbm>> -> memref<100000x128xf32, #tpu.memory_space<hbm>>
        tpu.enqueue_indirect_dma source(%dma_start3A_323 : memref<100000x128xf32, #tpu.memory_space<hbm>>) target(%dma_start3A_317 : memref<128x128xf32, #tpu.memory_space<vmem>>) offsets(%dma_start3A_320 : memref<128xi32, #tpu.memory_space<vmem>>) semaphore(%arg11 : memref<!tpu.dma_semaphore, #tpu.memory_space<semaphore_mem>>)
      } else {
      }
      %mul3A_211 = arith.constant 4 : i32
      %mul3A_212 = arith.muli %scan3A_126, %mul3A_211 : i32
      %add3A_213 = arith.constant 2 : i32
      %add3A_214 = arith.addi %mul3A_212, %add3A_213 : i32
      %dma_wait3A_215 = arith.constant 2 : i32
      %dma_wait3A_216 = arith.constant 0 : i32
      %dma_wait3A_217 = arith.constant 0 : i32
      %dma_wait3A_218 = tpu.memref_slice %arg9[%dma_wait3A_215, %dma_wait3A_216, %dma_wait3A_217] : memref<4x128x128xf32, #tpu.memory_space<vmem>> -> memref<1x128x128xf32, #tpu.memory_space<vmem>>
      %dma_wait3A_219 = tpu.memref_squeeze %dma_wait3A_218 : memref<1x128x128xf32, #tpu.memory_space<vmem>> -> memref<128x128xf32, #tpu.memory_space<vmem>>
      %dma_wait3A_220 = arith.constant 0 : i32
      %dma_wait3A_221 = arith.constant 0 : i32
      %dma_wait3A_222 = tpu.memref_slice %arg2[%dma_wait3A_220, %dma_wait3A_221] : memref<100000x128xf32, #tpu.memory_space<hbm>> -> memref<128x128xf32, #tpu.memory_space<hbm>>
      %dma_wait3A_223 = arith.constant 0 : i32
      %dma_wait3A_224 = arith.constant 0 : i32
      %dma_wait3A_225 = tpu.memref_slice %arg9[%dma_wait3A_215, %dma_wait3A_223, %dma_wait3A_224] : memref<4x128x128xf32, #tpu.memory_space<vmem>> -> memref<1x128x128xf32, #tpu.memory_space<vmem>>
      %dma_wait3A_226 = tpu.memref_squeeze %dma_wait3A_225 : memref<1x128x128xf32, #tpu.memory_space<vmem>> -> memref<128x128xf32, #tpu.memory_space<vmem>>
      %dma_wait3A_227 = arith.constant 0 : i32
      %dma_wait3A_228 = arith.constant 0 : i32
      %dma_wait3A_229 = tpu.memref_slice %arg2[%dma_wait3A_227, %dma_wait3A_228] : memref<100000x128xf32, #tpu.memory_space<hbm>> -> memref<128x128xf32, #tpu.memory_space<hbm>>
      tpu.wait_dma2 semaphore(%arg12 : memref<!tpu.dma_semaphore, #tpu.memory_space<semaphore_mem>>) src(%dma_wait3A_229 : memref<128x128xf32, #tpu.memory_space<hbm>>) dst(%dma_wait3A_226 : memref<128x128xf32, #tpu.memory_space<vmem>>)
      %mul3A_230 = arith.constant 128 : i32
      %mul3A_231 = arith.muli %add3A_214, %mul3A_230 : i32
      %add3A_232 = arith.addi %mul3A_6, %mul3A_231 : i32
      %dma_start3A_233 = arith.constant 2 : i32
      %dma_start3A_234 = arith.constant 0 : i32
      %dma_start3A_235 = arith.constant 0 : i32
      %dma_start3A_236 = tpu.memref_slice %arg9[%dma_start3A_233, %dma_start3A_234, %dma_start3A_235] : memref<4x128x128xf32, #tpu.memory_space<vmem>> -> memref<1x128x128xf32, #tpu.memory_space<vmem>>
      %dma_start3A_237 = tpu.memref_squeeze %dma_start3A_236 : memref<1x128x128xf32, #tpu.memory_space<vmem>> -> memref<128x128xf32, #tpu.memory_space<vmem>>
      %dma_start3A_238 = arith.constant 0 : i32
      %dma_start3A_239 = tpu.memref_slice %arg5[%add3A_232, %dma_start3A_238] : memref<81920x128xf32, #tpu.memory_space<hbm>> -> memref<128x128xf32, #tpu.memory_space<hbm>>
      %dma_start3A_240 = arith.constant 0 : i32
      %dma_start3A_241 = tpu.memref_slice %arg5[%add3A_232, %dma_start3A_240] : memref<81920x128xf32, #tpu.memory_space<hbm>> -> memref<128x128xf32, #tpu.memory_space<hbm>>
      %dma_start3A_242 = arith.constant 0 : i32
      %dma_start3A_243 = arith.constant 0 : i32
      %dma_start3A_244 = tpu.memref_slice %arg9[%dma_start3A_233, %dma_start3A_242, %dma_start3A_243] : memref<4x128x128xf32, #tpu.memory_space<vmem>> -> memref<1x128x128xf32, #tpu.memory_space<vmem>>
      %dma_start3A_245 = tpu.memref_squeeze %dma_start3A_244 : memref<1x128x128xf32, #tpu.memory_space<vmem>> -> memref<128x128xf32, #tpu.memory_space<vmem>>
      tpu.enqueue_dma source(%dma_start3A_245 : memref<128x128xf32, #tpu.memory_space<vmem>>) target(%dma_start3A_241 : memref<128x128xf32, #tpu.memory_space<hbm>>) target_semaphore(%arg16 : memref<!tpu.dma_semaphore, #tpu.memory_space<semaphore_mem>>)
      %add3A_246 = arith.constant 4 : i32
      %add3A_247 = arith.addi %add3A_214, %add3A_246 : i32
      %lt3A_248 = arith.constant 20 : i32
      %lt3A_249 = arith.cmpi slt, %add3A_247, %lt3A_248 : i32
      %convert_element_type3A_250 = arith.extui %lt3A_249 : i1 to i32
      %cond3A_251 = arith.constant 0 : i32
      %cond3A_252 = arith.cmpi ne, %convert_element_type3A_250, %cond3A_251 : i32
      scf.if %cond3A_252 {
        %dma_wait3A_295 = arith.constant 2 : i32
        %dma_wait3A_296 = arith.constant 0 : i32
        %dma_wait3A_297 = arith.constant 0 : i32
        %dma_wait3A_298 = tpu.memref_slice %arg9[%dma_wait3A_295, %dma_wait3A_296, %dma_wait3A_297] : memref<4x128x128xf32, #tpu.memory_space<vmem>> -> memref<1x128x128xf32, #tpu.memory_space<vmem>>
        %dma_wait3A_299 = tpu.memref_squeeze %dma_wait3A_298 : memref<1x128x128xf32, #tpu.memory_space<vmem>> -> memref<128x128xf32, #tpu.memory_space<vmem>>
        %dma_wait3A_300 = arith.constant 0 : i32
        %dma_wait3A_301 = arith.constant 0 : i32
        %dma_wait3A_302 = tpu.memref_slice %arg5[%dma_wait3A_300, %dma_wait3A_301] : memref<81920x128xf32, #tpu.memory_space<hbm>> -> memref<128x128xf32, #tpu.memory_space<hbm>>
        %dma_wait3A_303 = arith.constant 0 : i32
        %dma_wait3A_304 = arith.constant 0 : i32
        %dma_wait3A_305 = tpu.memref_slice %arg5[%dma_wait3A_303, %dma_wait3A_304] : memref<81920x128xf32, #tpu.memory_space<hbm>> -> memref<128x128xf32, #tpu.memory_space<hbm>>
        %dma_wait3A_306 = arith.constant 0 : i32
        %dma_wait3A_307 = arith.constant 0 : i32
        %dma_wait3A_308 = tpu.memref_slice %arg9[%dma_wait3A_295, %dma_wait3A_306, %dma_wait3A_307] : memref<4x128x128xf32, #tpu.memory_space<vmem>> -> memref<1x128x128xf32, #tpu.memory_space<vmem>>
        %dma_wait3A_309 = tpu.memref_squeeze %dma_wait3A_308 : memref<1x128x128xf32, #tpu.memory_space<vmem>> -> memref<128x128xf32, #tpu.memory_space<vmem>>
        tpu.wait_dma2 semaphore(%arg16 : memref<!tpu.dma_semaphore, #tpu.memory_space<semaphore_mem>>) src(%dma_wait3A_309 : memref<128x128xf32, #tpu.memory_space<vmem>>) dst(%dma_wait3A_305 : memref<128x128xf32, #tpu.memory_space<hbm>>)
        %add3A_310 = arith.constant 4 : i32
        %add3A_311 = arith.addi %add3A_214, %add3A_310 : i32
        %dma_start3A_312 = arith.constant 0 : i32
        %dma_start3A_313 = arith.constant 2 : i32
        %dma_start3A_314 = arith.constant 0 : i32
        %dma_start3A_315 = arith.constant 0 : i32
        %dma_start3A_316 = tpu.memref_slice %arg9[%dma_start3A_313, %dma_start3A_314, %dma_start3A_315] : memref<4x128x128xf32, #tpu.memory_space<vmem>> -> memref<1x128x128xf32, #tpu.memory_space<vmem>>
        %dma_start3A_317 = tpu.memref_squeeze %dma_start3A_316 : memref<1x128x128xf32, #tpu.memory_space<vmem>> -> memref<128x128xf32, #tpu.memory_space<vmem>>
        %dma_start3A_318 = arith.constant 0 : i32
        %dma_start3A_319 = tpu.memref_slice %arg7[%add3A_311, %dma_start3A_312, %dma_start3A_318] : memref<20x1x128xi32, #tpu.memory_space<vmem>> -> memref<1x1x128xi32, #tpu.memory_space<vmem>>
        %dma_start3A_320 = tpu.memref_squeeze %dma_start3A_319 : memref<1x1x128xi32, #tpu.memory_space<vmem>> -> memref<128xi32, #tpu.memory_space<vmem>>
        %dma_start3A_321 = arith.constant 0 : i32
        %dma_start3A_322 = arith.constant 0 : i32
        %dma_start3A_323 = tpu.memref_slice %arg2[%dma_start3A_321, %dma_start3A_322] : memref<100000x128xf32, #tpu.memory_space<hbm>> -> memref<100000x128xf32, #tpu.memory_space<hbm>>
        tpu.enqueue_indirect_dma source(%dma_start3A_323 : memref<100000x128xf32, #tpu.memory_space<hbm>>) target(%dma_start3A_317 : memref<128x128xf32, #tpu.memory_space<vmem>>) offsets(%dma_start3A_320 : memref<128xi32, #tpu.memory_space<vmem>>) semaphore(%arg12 : memref<!tpu.dma_semaphore, #tpu.memory_space<semaphore_mem>>)
      } else {
      }
      %mul3A_253 = arith.constant 4 : i32
      %mul3A_254 = arith.muli %scan3A_126, %mul3A_253 : i32
      %add3A_255 = arith.constant 3 : i32
      %add3A_256 = arith.addi %mul3A_254, %add3A_255 : i32
      %dma_wait3A_257 = arith.constant 3 : i32
      %dma_wait3A_258 = arith.constant 0 : i32
      %dma_wait3A_259 = arith.constant 0 : i32
      %dma_wait3A_260 = tpu.memref_slice %arg9[%dma_wait3A_257, %dma_wait3A_258, %dma_wait3A_259] : memref<4x128x128xf32, #tpu.memory_space<vmem>> -> memref<1x128x128xf32, #tpu.memory_space<vmem>>
      %dma_wait3A_261 = tpu.memref_squeeze %dma_wait3A_260 : memref<1x128x128xf32, #tpu.memory_space<vmem>> -> memref<128x128xf32, #tpu.memory_space<vmem>>
      %dma_wait3A_262 = arith.constant 0 : i32
      %dma_wait3A_263 = arith.constant 0 : i32
      %dma_wait3A_264 = tpu.memref_slice %arg2[%dma_wait3A_262, %dma_wait3A_263] : memref<100000x128xf32, #tpu.memory_space<hbm>> -> memref<128x128xf32, #tpu.memory_space<hbm>>
      %dma_wait3A_265 = arith.constant 0 : i32
      %dma_wait3A_266 = arith.constant 0 : i32
      %dma_wait3A_267 = tpu.memref_slice %arg9[%dma_wait3A_257, %dma_wait3A_265, %dma_wait3A_266] : memref<4x128x128xf32, #tpu.memory_space<vmem>> -> memref<1x128x128xf32, #tpu.memory_space<vmem>>
      %dma_wait3A_268 = tpu.memref_squeeze %dma_wait3A_267 : memref<1x128x128xf32, #tpu.memory_space<vmem>> -> memref<128x128xf32, #tpu.memory_space<vmem>>
      %dma_wait3A_269 = arith.constant 0 : i32
      %dma_wait3A_270 = arith.constant 0 : i32
      %dma_wait3A_271 = tpu.memref_slice %arg2[%dma_wait3A_269, %dma_wait3A_270] : memref<100000x128xf32, #tpu.memory_space<hbm>> -> memref<128x128xf32, #tpu.memory_space<hbm>>
      tpu.wait_dma2 semaphore(%arg13 : memref<!tpu.dma_semaphore, #tpu.memory_space<semaphore_mem>>) src(%dma_wait3A_271 : memref<128x128xf32, #tpu.memory_space<hbm>>) dst(%dma_wait3A_268 : memref<128x128xf32, #tpu.memory_space<vmem>>)
      %mul3A_272 = arith.constant 128 : i32
      %mul3A_273 = arith.muli %add3A_256, %mul3A_272 : i32
      %add3A_274 = arith.addi %mul3A_6, %mul3A_273 : i32
      %dma_start3A_275 = arith.constant 3 : i32
      %dma_start3A_276 = arith.constant 0 : i32
      %dma_start3A_277 = arith.constant 0 : i32
      %dma_start3A_278 = tpu.memref_slice %arg9[%dma_start3A_275, %dma_start3A_276, %dma_start3A_277] : memref<4x128x128xf32, #tpu.memory_space<vmem>> -> memref<1x128x128xf32, #tpu.memory_space<vmem>>
      %dma_start3A_279 = tpu.memref_squeeze %dma_start3A_278 : memref<1x128x128xf32, #tpu.memory_space<vmem>> -> memref<128x128xf32, #tpu.memory_space<vmem>>
      %dma_start3A_280 = arith.constant 0 : i32
      %dma_start3A_281 = tpu.memref_slice %arg5[%add3A_274, %dma_start3A_280] : memref<81920x128xf32, #tpu.memory_space<hbm>> -> memref<128x128xf32, #tpu.memory_space<hbm>>
      %dma_start3A_282 = arith.constant 0 : i32
      %dma_start3A_283 = tpu.memref_slice %arg5[%add3A_274, %dma_start3A_282] : memref<81920x128xf32, #tpu.memory_space<hbm>> -> memref<128x128xf32, #tpu.memory_space<hbm>>
      %dma_start3A_284 = arith.constant 0 : i32
      %dma_start3A_285 = arith.constant 0 : i32
      %dma_start3A_286 = tpu.memref_slice %arg9[%dma_start3A_275, %dma_start3A_284, %dma_start3A_285] : memref<4x128x128xf32, #tpu.memory_space<vmem>> -> memref<1x128x128xf32, #tpu.memory_space<vmem>>
      %dma_start3A_287 = tpu.memref_squeeze %dma_start3A_286 : memref<1x128x128xf32, #tpu.memory_space<vmem>> -> memref<128x128xf32, #tpu.memory_space<vmem>>
      tpu.enqueue_dma source(%dma_start3A_287 : memref<128x128xf32, #tpu.memory_space<vmem>>) target(%dma_start3A_283 : memref<128x128xf32, #tpu.memory_space<hbm>>) target_semaphore(%arg17 : memref<!tpu.dma_semaphore, #tpu.memory_space<semaphore_mem>>)
      %add3A_288 = arith.constant 4 : i32
      %add3A_289 = arith.addi %add3A_256, %add3A_288 : i32
      %lt3A_290 = arith.constant 20 : i32
      %lt3A_291 = arith.cmpi slt, %add3A_289, %lt3A_290 : i32
      %convert_element_type3A_292 = arith.extui %lt3A_291 : i1 to i32
      %cond3A_293 = arith.constant 0 : i32
      %cond3A_294 = arith.cmpi ne, %convert_element_type3A_292, %cond3A_293 : i32
      scf.if %cond3A_294 {
        %dma_wait3A_295 = arith.constant 3 : i32
        %dma_wait3A_296 = arith.constant 0 : i32
        %dma_wait3A_297 = arith.constant 0 : i32
        %dma_wait3A_298 = tpu.memref_slice %arg9[%dma_wait3A_295, %dma_wait3A_296, %dma_wait3A_297] : memref<4x128x128xf32, #tpu.memory_space<vmem>> -> memref<1x128x128xf32, #tpu.memory_space<vmem>>
        %dma_wait3A_299 = tpu.memref_squeeze %dma_wait3A_298 : memref<1x128x128xf32, #tpu.memory_space<vmem>> -> memref<128x128xf32, #tpu.memory_space<vmem>>
        %dma_wait3A_300 = arith.constant 0 : i32
        %dma_wait3A_301 = arith.constant 0 : i32
        %dma_wait3A_302 = tpu.memref_slice %arg5[%dma_wait3A_300, %dma_wait3A_301] : memref<81920x128xf32, #tpu.memory_space<hbm>> -> memref<128x128xf32, #tpu.memory_space<hbm>>
        %dma_wait3A_303 = arith.constant 0 : i32
        %dma_wait3A_304 = arith.constant 0 : i32
        %dma_wait3A_305 = tpu.memref_slice %arg5[%dma_wait3A_303, %dma_wait3A_304] : memref<81920x128xf32, #tpu.memory_space<hbm>> -> memref<128x128xf32, #tpu.memory_space<hbm>>
        %dma_wait3A_306 = arith.constant 0 : i32
        %dma_wait3A_307 = arith.constant 0 : i32
        %dma_wait3A_308 = tpu.memref_slice %arg9[%dma_wait3A_295, %dma_wait3A_306, %dma_wait3A_307] : memref<4x128x128xf32, #tpu.memory_space<vmem>> -> memref<1x128x128xf32, #tpu.memory_space<vmem>>
        %dma_wait3A_309 = tpu.memref_squeeze %dma_wait3A_308 : memref<1x128x128xf32, #tpu.memory_space<vmem>> -> memref<128x128xf32, #tpu.memory_space<vmem>>
        tpu.wait_dma2 semaphore(%arg17 : memref<!tpu.dma_semaphore, #tpu.memory_space<semaphore_mem>>) src(%dma_wait3A_309 : memref<128x128xf32, #tpu.memory_space<vmem>>) dst(%dma_wait3A_305 : memref<128x128xf32, #tpu.memory_space<hbm>>)
        %add3A_310 = arith.constant 4 : i32
        %add3A_311 = arith.addi %add3A_256, %add3A_310 : i32
        %dma_start3A_312 = arith.constant 0 : i32
        %dma_start3A_313 = arith.constant 3 : i32
        %dma_start3A_314 = arith.constant 0 : i32
        %dma_start3A_315 = arith.constant 0 : i32
        %dma_start3A_316 = tpu.memref_slice %arg9[%dma_start3A_313, %dma_start3A_314, %dma_start3A_315] : memref<4x128x128xf32, #tpu.memory_space<vmem>> -> memref<1x128x128xf32, #tpu.memory_space<vmem>>
        %dma_start3A_317 = tpu.memref_squeeze %dma_start3A_316 : memref<1x128x128xf32, #tpu.memory_space<vmem>> -> memref<128x128xf32, #tpu.memory_space<vmem>>
        %dma_start3A_318 = arith.constant 0 : i32
        %dma_start3A_319 = tpu.memref_slice %arg7[%add3A_311, %dma_start3A_312, %dma_start3A_318] : memref<20x1x128xi32, #tpu.memory_space<vmem>> -> memref<1x1x128xi32, #tpu.memory_space<vmem>>
        %dma_start3A_320 = tpu.memref_squeeze %dma_start3A_319 : memref<1x1x128xi32, #tpu.memory_space<vmem>> -> memref<128xi32, #tpu.memory_space<vmem>>
        %dma_start3A_321 = arith.constant 0 : i32
        %dma_start3A_322 = arith.constant 0 : i32
        %dma_start3A_323 = tpu.memref_slice %arg2[%dma_start3A_321, %dma_start3A_322] : memref<100000x128xf32, #tpu.memory_space<hbm>> -> memref<100000x128xf32, #tpu.memory_space<hbm>>
        tpu.enqueue_indirect_dma source(%dma_start3A_323 : memref<100000x128xf32, #tpu.memory_space<hbm>>) target(%dma_start3A_317 : memref<128x128xf32, #tpu.memory_space<vmem>>) offsets(%dma_start3A_320 : memref<128xi32, #tpu.memory_space<vmem>>) semaphore(%arg13 : memref<!tpu.dma_semaphore, #tpu.memory_space<semaphore_mem>>)
      } else {
      }
    }
    %scan3A_62 = arith.constant 5 : i32
    %dma_wait3A = arith.constant 0 : i32
    %dma_wait3A_63 = arith.constant 0 : i32
    %dma_wait3A_64 = arith.constant 0 : i32
    %dma_wait3A_65 = tpu.memref_slice %arg9[%dma_wait3A, %dma_wait3A_63, %dma_wait3A_64] : memref<4x128x128xf32, #tpu.memory_space<vmem>> -> memref<1x128x128xf32, #tpu.memory_space<vmem>>
    %dma_wait3A_66 = tpu.memref_squeeze %dma_wait3A_65 : memref<1x128x128xf32, #tpu.memory_space<vmem>> -> memref<128x128xf32, #tpu.memory_space<vmem>>
    %dma_wait3A_67 = arith.constant 0 : i32
    %dma_wait3A_68 = arith.constant 0 : i32
    %dma_wait3A_69 = tpu.memref_slice %arg5[%dma_wait3A_67, %dma_wait3A_68] : memref<81920x128xf32, #tpu.memory_space<hbm>> -> memref<128x128xf32, #tpu.memory_space<hbm>>
    %dma_wait3A_70 = arith.constant 0 : i32
    %dma_wait3A_71 = arith.constant 0 : i32
    %dma_wait3A_72 = tpu.memref_slice %arg5[%dma_wait3A_70, %dma_wait3A_71] : memref<81920x128xf32, #tpu.memory_space<hbm>> -> memref<128x128xf32, #tpu.memory_space<hbm>>
    %dma_wait3A_73 = arith.constant 0 : i32
    %dma_wait3A_74 = arith.constant 0 : i32
    %dma_wait3A_75 = tpu.memref_slice %arg9[%dma_wait3A, %dma_wait3A_73, %dma_wait3A_74] : memref<4x128x128xf32, #tpu.memory_space<vmem>> -> memref<1x128x128xf32, #tpu.memory_space<vmem>>
    %dma_wait3A_76 = tpu.memref_squeeze %dma_wait3A_75 : memref<1x128x128xf32, #tpu.memory_space<vmem>> -> memref<128x128xf32, #tpu.memory_space<vmem>>
    tpu.wait_dma2 semaphore(%arg14 : memref<!tpu.dma_semaphore, #tpu.memory_space<semaphore_mem>>) src(%dma_wait3A_76 : memref<128x128xf32, #tpu.memory_space<vmem>>) dst(%dma_wait3A_72 : memref<128x128xf32, #tpu.memory_space<hbm>>)
    %dma_wait3A_77 = arith.constant 1 : i32
    %dma_wait3A_78 = arith.constant 0 : i32
    %dma_wait3A_79 = arith.constant 0 : i32
    %dma_wait3A_80 = tpu.memref_slice %arg9[%dma_wait3A_77, %dma_wait3A_78, %dma_wait3A_79] : memref<4x128x128xf32, #tpu.memory_space<vmem>> -> memref<1x128x128xf32, #tpu.memory_space<vmem>>
    %dma_wait3A_81 = tpu.memref_squeeze %dma_wait3A_80 : memref<1x128x128xf32, #tpu.memory_space<vmem>> -> memref<128x128xf32, #tpu.memory_space<vmem>>
    %dma_wait3A_82 = arith.constant 0 : i32
    %dma_wait3A_83 = arith.constant 0 : i32
    %dma_wait3A_84 = tpu.memref_slice %arg5[%dma_wait3A_82, %dma_wait3A_83] : memref<81920x128xf32, #tpu.memory_space<hbm>> -> memref<128x128xf32, #tpu.memory_space<hbm>>
    %dma_wait3A_85 = arith.constant 0 : i32
    %dma_wait3A_86 = arith.constant 0 : i32
    %dma_wait3A_87 = tpu.memref_slice %arg5[%dma_wait3A_85, %dma_wait3A_86] : memref<81920x128xf32, #tpu.memory_space<hbm>> -> memref<128x128xf32, #tpu.memory_space<hbm>>
    %dma_wait3A_88 = arith.constant 0 : i32
    %dma_wait3A_89 = arith.constant 0 : i32
    %dma_wait3A_90 = tpu.memref_slice %arg9[%dma_wait3A_77, %dma_wait3A_88, %dma_wait3A_89] : memref<4x128x128xf32, #tpu.memory_space<vmem>> -> memref<1x128x128xf32, #tpu.memory_space<vmem>>
    %dma_wait3A_91 = tpu.memref_squeeze %dma_wait3A_90 : memref<1x128x128xf32, #tpu.memory_space<vmem>> -> memref<128x128xf32, #tpu.memory_space<vmem>>
    tpu.wait_dma2 semaphore(%arg15 : memref<!tpu.dma_semaphore, #tpu.memory_space<semaphore_mem>>) src(%dma_wait3A_91 : memref<128x128xf32, #tpu.memory_space<vmem>>) dst(%dma_wait3A_87 : memref<128x128xf32, #tpu.memory_space<hbm>>)
    %dma_wait3A_92 = arith.constant 2 : i32
    %dma_wait3A_93 = arith.constant 0 : i32
    %dma_wait3A_94 = arith.constant 0 : i32
    %dma_wait3A_95 = tpu.memref_slice %arg9[%dma_wait3A_92, %dma_wait3A_93, %dma_wait3A_94] : memref<4x128x128xf32, #tpu.memory_space<vmem>> -> memref<1x128x128xf32, #tpu.memory_space<vmem>>
    %dma_wait3A_96 = tpu.memref_squeeze %dma_wait3A_95 : memref<1x128x128xf32, #tpu.memory_space<vmem>> -> memref<128x128xf32, #tpu.memory_space<vmem>>
    %dma_wait3A_97 = arith.constant 0 : i32
    %dma_wait3A_98 = arith.constant 0 : i32
    %dma_wait3A_99 = tpu.memref_slice %arg5[%dma_wait3A_97, %dma_wait3A_98] : memref<81920x128xf32, #tpu.memory_space<hbm>> -> memref<128x128xf32, #tpu.memory_space<hbm>>
    %dma_wait3A_100 = arith.constant 0 : i32
    %dma_wait3A_101 = arith.constant 0 : i32
    %dma_wait3A_102 = tpu.memref_slice %arg5[%dma_wait3A_100, %dma_wait3A_101] : memref<81920x128xf32, #tpu.memory_space<hbm>> -> memref<128x128xf32, #tpu.memory_space<hbm>>
    %dma_wait3A_103 = arith.constant 0 : i32
    %dma_wait3A_104 = arith.constant 0 : i32
    %dma_wait3A_105 = tpu.memref_slice %arg9[%dma_wait3A_92, %dma_wait3A_103, %dma_wait3A_104] : memref<4x128x128xf32, #tpu.memory_space<vmem>> -> memref<1x128x128xf32, #tpu.memory_space<vmem>>
    %dma_wait3A_106 = tpu.memref_squeeze %dma_wait3A_105 : memref<1x128x128xf32, #tpu.memory_space<vmem>> -> memref<128x128xf32, #tpu.memory_space<vmem>>
    tpu.wait_dma2 semaphore(%arg16 : memref<!tpu.dma_semaphore, #tpu.memory_space<semaphore_mem>>) src(%dma_wait3A_106 : memref<128x128xf32, #tpu.memory_space<vmem>>) dst(%dma_wait3A_102 : memref<128x128xf32, #tpu.memory_space<hbm>>)
    %dma_wait3A_107 = arith.constant 3 : i32
    %dma_wait3A_108 = arith.constant 0 : i32
    %dma_wait3A_109 = arith.constant 0 : i32
    %dma_wait3A_110 = tpu.memref_slice %arg9[%dma_wait3A_107, %dma_wait3A_108, %dma_wait3A_109] : memref<4x128x128xf32, #tpu.memory_space<vmem>> -> memref<1x128x128xf32, #tpu.memory_space<vmem>>
    %dma_wait3A_111 = tpu.memref_squeeze %dma_wait3A_110 : memref<1x128x128xf32, #tpu.memory_space<vmem>> -> memref<128x128xf32, #tpu.memory_space<vmem>>
    %dma_wait3A_112 = arith.constant 0 : i32
    %dma_wait3A_113 = arith.constant 0 : i32
    %dma_wait3A_114 = tpu.memref_slice %arg5[%dma_wait3A_112, %dma_wait3A_113] : memref<81920x128xf32, #tpu.memory_space<hbm>> -> memref<128x128xf32, #tpu.memory_space<hbm>>
    %dma_wait3A_115 = arith.constant 0 : i32
    %dma_wait3A_116 = arith.constant 0 : i32
    %dma_wait3A_117 = tpu.memref_slice %arg5[%dma_wait3A_115, %dma_wait3A_116] : memref<81920x128xf32, #tpu.memory_space<hbm>> -> memref<128x128xf32, #tpu.memory_space<hbm>>
    %dma_wait3A_118 = arith.constant 0 : i32
    %dma_wait3A_119 = arith.constant 0 : i32
    %dma_wait3A_120 = tpu.memref_slice %arg9[%dma_wait3A_107, %dma_wait3A_118, %dma_wait3A_119] : memref<4x128x128xf32, #tpu.memory_space<vmem>> -> memref<1x128x128xf32, #tpu.memory_space<vmem>>
    %dma_wait3A_121 = tpu.memref_squeeze %dma_wait3A_120 : memref<1x128x128xf32, #tpu.memory_space<vmem>> -> memref<128x128xf32, #tpu.memory_space<vmem>>
    tpu.wait_dma2 semaphore(%arg17 : memref<!tpu.dma_semaphore, #tpu.memory_space<semaphore_mem>>) src(%dma_wait3A_121 : memref<128x128xf32, #tpu.memory_space<vmem>>) dst(%dma_wait3A_117 : memref<128x128xf32, #tpu.memory_space<hbm>>)
    %add3A_122 = arith.constant 0 : i32
    %add3A_123 = arith.addi %add3A, %add3A_122 : i32
    %lt3A = arith.constant 20 : i32
    %lt3A_124 = arith.cmpi slt, %add3A_123, %lt3A : i32
    %convert_element_type3A = arith.extui %lt3A_124 : i1 to i32
    %cond3A = arith.constant 0 : i32
    %cond3A_125 = arith.cmpi ne, %convert_element_type3A, %cond3A : i32
    scf.if %cond3A_125 {
      "tpu.region"() ({
        %run_scoped3A_154 = tpu.sem_alloc : memref<!tpu.dma_semaphore, #tpu.memory_space<semaphore_mem>>
        %dma_start3A_155 = arith.constant 0 : i32
        %dma_start3A_156 = arith.constant 0 : i32
        %dma_start3A_157 = tpu.memref_slice %arg4[%add3A_123, %dma_start3A_155, %dma_start3A_156] : memref<20x1x128xi32, #tpu.memory_space<hbm>> -> memref<1x1x128xi32, #tpu.memory_space<hbm>>
        %dma_start3A_158 = arith.constant 0 : i32
        %dma_start3A_159 = arith.constant 0 : i32
        %dma_start3A_160 = tpu.memref_slice %arg4[%add3A_123, %dma_start3A_158, %dma_start3A_159] : memref<20x1x128xi32, #tpu.memory_space<hbm>> -> memref<1x1x128xi32, #tpu.memory_space<hbm>>
        tpu.enqueue_dma source(%dma_start3A_160 : memref<1x1x128xi32, #tpu.memory_space<hbm>>) target(%arg8 : memref<1x1x128xi32, #tpu.memory_space<vmem>>) target_semaphore(%run_scoped3A_154 : memref<!tpu.dma_semaphore, #tpu.memory_space<semaphore_mem>>)
        %dma_wait3A_161 = arith.constant 0 : i32
        %dma_wait3A_162 = arith.constant 0 : i32
        %dma_wait3A_163 = tpu.memref_slice %arg4[%add3A_123, %dma_wait3A_161, %dma_wait3A_162] : memref<20x1x128xi32, #tpu.memory_space<hbm>> -> memref<1x1x128xi32, #tpu.memory_space<hbm>>
        %dma_wait3A_164 = arith.constant 0 : i32
        %dma_wait3A_165 = arith.constant 0 : i32
        %dma_wait3A_166 = tpu.memref_slice %arg4[%add3A_123, %dma_wait3A_164, %dma_wait3A_165] : memref<20x1x128xi32, #tpu.memory_space<hbm>> -> memref<1x1x128xi32, #tpu.memory_space<hbm>>
        tpu.wait_dma2 semaphore(%run_scoped3A_154 : memref<!tpu.dma_semaphore, #tpu.memory_space<semaphore_mem>>) src(%dma_wait3A_166 : memref<1x1x128xi32, #tpu.memory_space<hbm>>) dst(%arg8 : memref<1x1x128xi32, #tpu.memory_space<vmem>>)
        tpu.yield
      }) : () -> ()
      %dma_start3A_126 = arith.constant 0 : i32
      %dma_start3A_127 = arith.constant 0 : i32
      %dma_start3A_128 = arith.constant 0 : i32
      %dma_start3A_129 = arith.constant 0 : i32
      %dma_start3A_130 = arith.constant 0 : i32
      %dma_start3A_131 = tpu.memref_slice %arg9[%dma_start3A_128, %dma_start3A_129, %dma_start3A_130] : memref<4x128x128xf32, #tpu.memory_space<vmem>> -> memref<1x128x128xf32, #tpu.memory_space<vmem>>
      %dma_start3A_132 = tpu.memref_squeeze %dma_start3A_131 : memref<1x128x128xf32, #tpu.memory_space<vmem>> -> memref<128x128xf32, #tpu.memory_space<vmem>>
      %dma_start3A_133 = arith.constant 0 : i32
      %dma_start3A_134 = tpu.memref_slice %arg8[%dma_start3A_126, %dma_start3A_127, %dma_start3A_133] : memref<1x1x128xi32, #tpu.memory_space<vmem>> -> memref<1x1x128xi32, #tpu.memory_space<vmem>>
      %dma_start3A_135 = tpu.memref_squeeze %dma_start3A_134 : memref<1x1x128xi32, #tpu.memory_space<vmem>> -> memref<128xi32, #tpu.memory_space<vmem>>
      %dma_start3A_136 = arith.constant 0 : i32
      %dma_start3A_137 = arith.constant 0 : i32
      %dma_start3A_138 = tpu.memref_slice %arg2[%dma_start3A_136, %dma_start3A_137] : memref<100000x128xf32, #tpu.memory_space<hbm>> -> memref<100000x128xf32, #tpu.memory_space<hbm>>
      tpu.enqueue_indirect_dma source(%dma_start3A_138 : memref<100000x128xf32, #tpu.memory_space<hbm>>) target(%dma_start3A_132 : memref<128x128xf32, #tpu.memory_space<vmem>>) offsets(%dma_start3A_135 : memref<128xi32, #tpu.memory_space<vmem>>) semaphore(%arg10 : memref<!tpu.dma_semaphore, #tpu.memory_space<semaphore_mem>>)
      %dma_wait3A_139 = arith.constant 0 : i32
      %dma_wait3A_140 = arith.constant 0 : i32
      %dma_wait3A_141 = arith.constant 0 : i32
      %dma_wait3A_142 = arith.constant 0 : i32
      %dma_wait3A_143 = arith.constant 0 : i32
      %dma_wait3A_144 = tpu.memref_slice %arg9[%dma_wait3A_141, %dma_wait3A_142, %dma_wait3A_143] : memref<4x128x128xf32, #tpu.memory_space<vmem>> -> memref<1x128x128xf32, #tpu.memory_space<vmem>>
      %dma_wait3A_145 = tpu.memref_squeeze %dma_wait3A_144 : memref<1x128x128xf32, #tpu.memory_space<vmem>> -> memref<128x128xf32, #tpu.memory_space<vmem>>
      %dma_wait3A_146 = arith.constant 0 : i32
      %dma_wait3A_147 = tpu.memref_slice %arg8[%dma_wait3A_139, %dma_wait3A_140, %dma_wait3A_146] : memref<1x1x128xi32, #tpu.memory_space<vmem>> -> memref<1x1x128xi32, #tpu.memory_space<vmem>>
      %dma_wait3A_148 = tpu.memref_squeeze %dma_wait3A_147 : memref<1x1x128xi32, #tpu.memory_space<vmem>> -> memref<128xi32, #tpu.memory_space<vmem>>
      %dma_wait3A_149 = arith.constant 0 : i32
      %dma_wait3A_150 = arith.constant 0 : i32
      %dma_wait3A_151 = tpu.memref_slice %arg2[%dma_wait3A_149, %dma_wait3A_150] : memref<100000x128xf32, #tpu.memory_space<hbm>> -> memref<100000x128xf32, #tpu.memory_space<hbm>>
      tpu.wait_indirect_dma semaphore(%arg10 : memref<!tpu.dma_semaphore, #tpu.memory_space<semaphore_mem>>) src(%dma_wait3A_151 : memref<100000x128xf32, #tpu.memory_space<hbm>>) dst(%dma_wait3A_145 : memref<128x128xf32, #tpu.memory_space<vmem>>)
      %mul3A_152 = arith.constant 128 : i32
      %mul3A_153 = arith.muli %add3A_123, %mul3A_152 : i32
      %run_scoped3A = arith.constant 0 : i32
      "tpu.region"() ({
        %run_scoped3A_154 = tpu.sem_alloc : memref<!tpu.dma_semaphore, #tpu.memory_space<semaphore_mem>>
        %dma_start3A_155 = arith.constant 0 : i32
        %dma_start3A_156 = arith.constant 0 : i32
        %dma_start3A_157 = tpu.memref_slice %arg9[%run_scoped3A, %dma_start3A_155, %dma_start3A_156] : memref<4x128x128xf32, #tpu.memory_space<vmem>> -> memref<1x128x128xf32, #tpu.memory_space<vmem>>
        %dma_start3A_158 = tpu.memref_squeeze %dma_start3A_157 : memref<1x128x128xf32, #tpu.memory_space<vmem>> -> memref<128x128xf32, #tpu.memory_space<vmem>>
        %dma_start3A_159 = arith.constant 0 : i32
        %dma_start3A_160 = tpu.memref_slice %arg6[%mul3A_153, %dma_start3A_159] : memref<2560x128xf32, #tpu.memory_space<hbm>> -> memref<128x128xf32, #tpu.memory_space<hbm>>
        %dma_start3A_161 = arith.constant 0 : i32
        %dma_start3A_162 = tpu.memref_slice %arg6[%mul3A_153, %dma_start3A_161] : memref<2560x128xf32, #tpu.memory_space<hbm>> -> memref<128x128xf32, #tpu.memory_space<hbm>>
        %dma_start3A_163 = arith.constant 0 : i32
        %dma_start3A_164 = arith.constant 0 : i32
        %dma_start3A_165 = tpu.memref_slice %arg9[%run_scoped3A, %dma_start3A_163, %dma_start3A_164] : memref<4x128x128xf32, #tpu.memory_space<vmem>> -> memref<1x128x128xf32, #tpu.memory_space<vmem>>
        %dma_start3A_166 = tpu.memref_squeeze %dma_start3A_165 : memref<1x128x128xf32, #tpu.memory_space<vmem>> -> memref<128x128xf32, #tpu.memory_space<vmem>>
        tpu.enqueue_dma source(%dma_start3A_166 : memref<128x128xf32, #tpu.memory_space<vmem>>) target(%dma_start3A_162 : memref<128x128xf32, #tpu.memory_space<hbm>>) target_semaphore(%run_scoped3A_154 : memref<!tpu.dma_semaphore, #tpu.memory_space<semaphore_mem>>)
        %dma_wait3A_167 = arith.constant 0 : i32
        %dma_wait3A_168 = arith.constant 0 : i32
        %dma_wait3A_169 = tpu.memref_slice %arg9[%run_scoped3A, %dma_wait3A_167, %dma_wait3A_168] : memref<4x128x128xf32, #tpu.memory_space<vmem>> -> memref<1x128x128xf32, #tpu.memory_space<vmem>>
        %dma_wait3A_170 = tpu.memref_squeeze %dma_wait3A_169 : memref<1x128x128xf32, #tpu.memory_space<vmem>> -> memref<128x128xf32, #tpu.memory_space<vmem>>
        %dma_wait3A_171 = arith.constant 0 : i32
        %dma_wait3A_172 = tpu.memref_slice %arg6[%mul3A_153, %dma_wait3A_171] : memref<2560x128xf32, #tpu.memory_space<hbm>> -> memref<128x128xf32, #tpu.memory_space<hbm>>
        %dma_wait3A_173 = arith.constant 0 : i32
        %dma_wait3A_174 = tpu.memref_slice %arg6[%mul3A_153, %dma_wait3A_173] : memref<2560x128xf32, #tpu.memory_space<hbm>> -> memref<128x128xf32, #tpu.memory_space<hbm>>
        %dma_wait3A_175 = arith.constant 0 : i32
        %dma_wait3A_176 = arith.constant 0 : i32
        %dma_wait3A_177 = tpu.memref_slice %arg9[%run_scoped3A, %dma_wait3A_175, %dma_wait3A_176] : memref<4x128x128xf32, #tpu.memory_space<vmem>> -> memref<1x128x128xf32, #tpu.memory_space<vmem>>
        %dma_wait3A_178 = tpu.memref_squeeze %dma_wait3A_177 : memref<1x128x128xf32, #tpu.memory_space<vmem>> -> memref<128x128xf32, #tpu.memory_space<vmem>>
        tpu.wait_dma2 semaphore(%run_scoped3A_154 : memref<!tpu.dma_semaphore, #tpu.memory_space<semaphore_mem>>) src(%dma_wait3A_178 : memref<128x128xf32, #tpu.memory_space<vmem>>) dst(%dma_wait3A_174 : memref<128x128xf32, #tpu.memory_space<hbm>>)
        tpu.yield
      }) : () -> ()
    } else {
    }
    return
  }
}

#map = affine_map<(d0, d1) -> (0, 0)>
#map1 = affine_map<(d0, d1) -> (0, 0, 0)>
module attributes {stable_mosaic.version = 14 : i64} {
  func.func @gather_kernel(%arg0: i32, %arg1: i32, %arg2: memref<100000x128xf32, #tpu.memory_space<hbm>>, %arg3: memref<640x1x128xi32, #tpu.memory_space<hbm>>, %arg4: memref<20x1x128xi32, #tpu.memory_space<hbm>>, %arg5: memref<81920x128xf32, #tpu.memory_space<hbm>>, %arg6: memref<2560x128xf32, #tpu.memory_space<hbm>>, %arg7: memref<20x1x128xi32, #tpu.memory_space<vmem>>, %arg8: memref<1x1x128xi32, #tpu.memory_space<vmem>>, %arg9: memref<4x128x128xf32, #tpu.memory_space<vmem>>, %arg10: memref<!tpu.dma_semaphore, #tpu.memory_space<semaphore_mem>>, %arg11: memref<!tpu.dma_semaphore, #tpu.memory_space<semaphore_mem>>, %arg12: memref<!tpu.dma_semaphore, #tpu.memory_space<semaphore_mem>>, %arg13: memref<!tpu.dma_semaphore, #tpu.memory_space<semaphore_mem>>, %arg14: memref<!tpu.dma_semaphore, #tpu.memory_space<semaphore_mem>>, %arg15: memref<!tpu.dma_semaphore, #tpu.memory_space<semaphore_mem>>, %arg16: memref<!tpu.dma_semaphore, #tpu.memory_space<semaphore_mem>>, %arg17: memref<!tpu.dma_semaphore, #tpu.memory_space<semaphore_mem>>) attributes {dimension_semantics = [#tpu.dimension_semantics<core_parallel>, #tpu.dimension_semantics<subcore_parallel>], iteration_bounds = array<i64: 2, 16>, scalar_prefetch = 0 : i64, scratch_operands = 11 : i64, tpu.core_type = #tpu.core_type<sc_vector_subcore>, window_params = [{transform_indices = #map}, {transform_indices = #map1}, {transform_indices = #map1}, {transform_indices = #map}, {transform_indices = #map}]} {
    %mul3A = arith.constant 2 : i32
    %mul3A_0 = arith.muli %arg1, %mul3A : i32
    %add3A = arith.addi %mul3A_0, %arg0 : i32
    %mul3A_1 = arith.constant 20 : i32
    %mul3A_2 = arith.muli %add3A, %mul3A_1 : i32
    %mul3A_3 = arith.constant 20 : i32
    %mul3A_4 = arith.muli %add3A, %mul3A_3 : i32
    %mul3A_5 = arith.constant 128 : i32
    %mul3A_6 = arith.muli %mul3A_4, %mul3A_5 : i32
    "tpu.region"() ({
      %run_scoped3A = tpu.sem_alloc : memref<!tpu.dma_semaphore, #tpu.memory_space<semaphore_mem>>
      %dma_start3A_126 = arith.constant 0 : i32
      %dma_start3A_127 = arith.constant 0 : i32
      %dma_start3A_128 = tpu.memref_slice %arg3[%mul3A_2, %dma_start3A_126, %dma_start3A_127] : memref<640x1x128xi32, #tpu.memory_space<hbm>> -> memref<20x1x128xi32, #tpu.memory_space<hbm>>
      %dma_start3A_129 = arith.constant 0 : i32
      %dma_start3A_130 = arith.constant 0 : i32
      %dma_start3A_131 = tpu.memref_slice %arg3[%mul3A_2, %dma_start3A_129, %dma_start3A_130] : memref<640x1x128xi32, #tpu.memory_space<hbm>> -> memref<20x1x128xi32, #tpu.memory_space<hbm>>
      tpu.enqueue_dma source(%dma_start3A_131 : memref<20x1x128xi32, #tpu.memory_space<hbm>>) target(%arg7 : memref<20x1x128xi32, #tpu.memory_space<vmem>>) target_semaphore(%run_scoped3A : memref<!tpu.dma_semaphore, #tpu.memory_space<semaphore_mem>>)
      %dma_wait3A_132 = arith.constant 0 : i32
      %dma_wait3A_133 = arith.constant 0 : i32
      %dma_wait3A_134 = tpu.memref_slice %arg3[%mul3A_2, %dma_wait3A_132, %dma_wait3A_133] : memref<640x1x128xi32, #tpu.memory_space<hbm>> -> memref<20x1x128xi32, #tpu.memory_space<hbm>>
      %dma_wait3A_135 = arith.constant 0 : i32
      %dma_wait3A_136 = arith.constant 0 : i32
      %dma_wait3A_137 = tpu.memref_slice %arg3[%mul3A_2, %dma_wait3A_135, %dma_wait3A_136] : memref<640x1x128xi32, #tpu.memory_space<hbm>> -> memref<20x1x128xi32, #tpu.memory_space<hbm>>
      tpu.wait_dma2 semaphore(%run_scoped3A : memref<!tpu.dma_semaphore, #tpu.memory_space<semaphore_mem>>) src(%dma_wait3A_137 : memref<20x1x128xi32, #tpu.memory_space<hbm>>) dst(%arg7 : memref<20x1x128xi32, #tpu.memory_space<vmem>>)
      tpu.yield
    }) : () -> ()
    %dma_start3A = arith.constant 0 : i32
    %dma_start3A_7 = arith.constant 0 : i32
    %dma_start3A_8 = arith.constant 0 : i32
    %dma_start3A_9 = arith.constant 0 : i32
    %dma_start3A_10 = arith.constant 0 : i32
    %dma_start3A_11 = tpu.memref_slice %arg9[%dma_start3A_8, %dma_start3A_9, %dma_start3A_10] : memref<4x128x128xf32, #tpu.memory_space<vmem>> -> memref<1x128x128xf32, #tpu.memory_space<vmem>>
    %dma_start3A_12 = tpu.memref_squeeze %dma_start3A_11 : memref<1x128x128xf32, #tpu.memory_space<vmem>> -> memref<128x128xf32, #tpu.memory_space<vmem>>
    %dma_start3A_13 = arith.constant 0 : i32
    %dma_start3A_14 = tpu.memref_slice %arg7[%dma_start3A, %dma_start3A_7, %dma_start3A_13] : memref<20x1x128xi32, #tpu.memory_space<vmem>> -> memref<1x1x128xi32, #tpu.memory_space<vmem>>
    %dma_start3A_15 = tpu.memref_squeeze %dma_start3A_14 : memref<1x1x128xi32, #tpu.memory_space<vmem>> -> memref<128xi32, #tpu.memory_space<vmem>>
    %dma_start3A_16 = arith.constant 0 : i32
    %dma_start3A_17 = arith.constant 0 : i32
    %dma_start3A_18 = tpu.memref_slice %arg2[%dma_start3A_16, %dma_start3A_17] : memref<100000x128xf32, #tpu.memory_space<hbm>> -> memref<100000x128xf32, #tpu.memory_space<hbm>>
    tpu.enqueue_indirect_dma source(%dma_start3A_18 : memref<100000x128xf32, #tpu.memory_space<hbm>>) target(%dma_start3A_12 : memref<128x128xf32, #tpu.memory_space<vmem>>) offsets(%dma_start3A_15 : memref<128xi32, #tpu.memory_space<vmem>>) semaphore(%arg10 : memref<!tpu.dma_semaphore, #tpu.memory_space<semaphore_mem>>)
    %dma_start3A_19 = arith.constant 1 : i32
    %dma_start3A_20 = arith.constant 0 : i32
    %dma_start3A_21 = arith.constant 1 : i32
    %dma_start3A_22 = arith.constant 0 : i32
    %dma_start3A_23 = arith.constant 0 : i32
    %dma_start3A_24 = tpu.memref_slice %arg9[%dma_start3A_21, %dma_start3A_22, %dma_start3A_23] : memref<4x128x128xf32, #tpu.memory_space<vmem>> -> memref<1x128x128xf32, #tpu.memory_space<vmem>>
    %dma_start3A_25 = tpu.memref_squeeze %dma_start3A_24 : memref<1x128x128xf32, #tpu.memory_space<vmem>> -> memref<128x128xf32, #tpu.memory_space<vmem>>
    %dma_start3A_26 = arith.constant 0 : i32
    %dma_start3A_27 = tpu.memref_slice %arg7[%dma_start3A_19, %dma_start3A_20, %dma_start3A_26] : memref<20x1x128xi32, #tpu.memory_space<vmem>> -> memref<1x1x128xi32, #tpu.memory_space<vmem>>
    %dma_start3A_28 = tpu.memref_squeeze %dma_start3A_27 : memref<1x1x128xi32, #tpu.memory_space<vmem>> -> memref<128xi32, #tpu.memory_space<vmem>>
    %dma_start3A_29 = arith.constant 0 : i32
    %dma_start3A_30 = arith.constant 0 : i32
    %dma_start3A_31 = tpu.memref_slice %arg2[%dma_start3A_29, %dma_start3A_30] : memref<100000x128xf32, #tpu.memory_space<hbm>> -> memref<100000x128xf32, #tpu.memory_space<hbm>>
    tpu.enqueue_indirect_dma source(%dma_start3A_31 : memref<100000x128xf32, #tpu.memory_space<hbm>>) target(%dma_start3A_25 : memref<128x128xf32, #tpu.memory_space<vmem>>) offsets(%dma_start3A_28 : memref<128xi32, #tpu.memory_space<vmem>>) semaphore(%arg11 : memref<!tpu.dma_semaphore, #tpu.memory_space<semaphore_mem>>)
    %dma_start3A_32 = arith.constant 2 : i32
    %dma_start3A_33 = arith.constant 0 : i32
    %dma_start3A_34 = arith.constant 2 : i32
    %dma_start3A_35 = arith.constant 0 : i32
    %dma_start3A_36 = arith.constant 0 : i32
    %dma_start3A_37 = tpu.memref_slice %arg9[%dma_start3A_34, %dma_start3A_35, %dma_start3A_36] : memref<4x128x128xf32, #tpu.memory_space<vmem>> -> memref<1x128x128xf32, #tpu.memory_space<vmem>>
    %dma_start3A_38 = tpu.memref_squeeze %dma_start3A_37 : memref<1x128x128xf32, #tpu.memory_space<vmem>> -> memref<128x128xf32, #tpu.memory_space<vmem>>
    %dma_start3A_39 = arith.constant 0 : i32
    %dma_start3A_40 = tpu.memref_slice %arg7[%dma_start3A_32, %dma_start3A_33, %dma_start3A_39] : memref<20x1x128xi32, #tpu.memory_space<vmem>> -> memref<1x1x128xi32, #tpu.memory_space<vmem>>
    %dma_start3A_41 = tpu.memref_squeeze %dma_start3A_40 : memref<1x1x128xi32, #tpu.memory_space<vmem>> -> memref<128xi32, #tpu.memory_space<vmem>>
    %dma_start3A_42 = arith.constant 0 : i32
    %dma_start3A_43 = arith.constant 0 : i32
    %dma_start3A_44 = tpu.memref_slice %arg2[%dma_start3A_42, %dma_start3A_43] : memref<100000x128xf32, #tpu.memory_space<hbm>> -> memref<100000x128xf32, #tpu.memory_space<hbm>>
    tpu.enqueue_indirect_dma source(%dma_start3A_44 : memref<100000x128xf32, #tpu.memory_space<hbm>>) target(%dma_start3A_38 : memref<128x128xf32, #tpu.memory_space<vmem>>) offsets(%dma_start3A_41 : memref<128xi32, #tpu.memory_space<vmem>>) semaphore(%arg12 : memref<!tpu.dma_semaphore, #tpu.memory_space<semaphore_mem>>)
    %dma_start3A_45 = arith.constant 3 : i32
    %dma_start3A_46 = arith.constant 0 : i32
    %dma_start3A_47 = arith.constant 3 : i32
    %dma_start3A_48 = arith.constant 0 : i32
    %dma_start3A_49 = arith.constant 0 : i32
    %dma_start3A_50 = tpu.memref_slice %arg9[%dma_start3A_47, %dma_start3A_48, %dma_start3A_49] : memref<4x128x128xf32, #tpu.memory_space<vmem>> -> memref<1x128x128xf32, #tpu.memory_space<vmem>>
    %dma_start3A_51 = tpu.memref_squeeze %dma_start3A_50 : memref<1x128x128xf32, #tpu.memory_space<vmem>> -> memref<128x128xf32, #tpu.memory_space<vmem>>
    %dma_start3A_52 = arith.constant 0 : i32
    %dma_start3A_53 = tpu.memref_slice %arg7[%dma_start3A_45, %dma_start3A_46, %dma_start3A_52] : memref<20x1x128xi32, #tpu.memory_space<vmem>> -> memref<1x1x128xi32, #tpu.memory_space<vmem>>
    %dma_start3A_54 = tpu.memref_squeeze %dma_start3A_53 : memref<1x1x128xi32, #tpu.memory_space<vmem>> -> memref<128xi32, #tpu.memory_space<vmem>>
    %dma_start3A_55 = arith.constant 0 : i32
    %dma_start3A_56 = arith.constant 0 : i32
    %dma_start3A_57 = tpu.memref_slice %arg2[%dma_start3A_55, %dma_start3A_56] : memref<100000x128xf32, #tpu.memory_space<hbm>> -> memref<100000x128xf32, #tpu.memory_space<hbm>>
    tpu.enqueue_indirect_dma source(%dma_start3A_57 : memref<100000x128xf32, #tpu.memory_space<hbm>>) target(%dma_start3A_51 : memref<128x128xf32, #tpu.memory_space<vmem>>) offsets(%dma_start3A_54 : memref<128xi32, #tpu.memory_space<vmem>>) semaphore(%arg13 : memref<!tpu.dma_semaphore, #tpu.memory_space<semaphore_mem>>)
    %scan3A = arith.constant 0 : i32
    %scan3A_58 = arith.constant 0 : i32
    %scan3A_59 = arith.constant 5 : i32
    %scan3A_60 = arith.addi %scan3A_58, %scan3A_59 : i32
    %scan3A_61 = arith.constant 1 : i32
    scf.for %scan3A_126 = %scan3A_58 to %scan3A_60 step %scan3A_61  : i32 {
      %mul3A_127 = arith.constant 4 : i32
      %mul3A_128 = arith.muli %scan3A_126, %mul3A_127 : i32
      %add3A_129 = arith.constant 0 : i32
      %add3A_130 = arith.addi %mul3A_128, %add3A_129 : i32
      %dma_wait3A_131 = arith.constant 0 : i32
      %dma_wait3A_132 = arith.constant 0 : i32
      %dma_wait3A_133 = arith.constant 0 : i32
      %dma_wait3A_134 = tpu.memref_slice %arg9[%dma_wait3A_131, %dma_wait3A_132, %dma_wait3A_133] : memref<4x128x128xf32, #tpu.memory_space<vmem>> -> memref<1x128x128xf32, #tpu.memory_space<vmem>>
      %dma_wait3A_135 = tpu.memref_squeeze %dma_wait3A_134 : memref<1x128x128xf32, #tpu.memory_space<vmem>> -> memref<128x128xf32, #tpu.memory_space<vmem>>
      %dma_wait3A_136 = arith.constant 0 : i32
      %dma_wait3A_137 = arith.constant 0 : i32
      %dma_wait3A_138 = tpu.memref_slice %arg2[%dma_wait3A_136, %dma_wait3A_137] : memref<100000x128xf32, #tpu.memory_space<hbm>> -> memref<128x128xf32, #tpu.memory_space<hbm>>
      %dma_wait3A_139 = arith.constant 0 : i32
      %dma_wait3A_140 = arith.constant 0 : i32
      %dma_wait3A_141 = tpu.memref_slice %arg9[%dma_wait3A_131, %dma_wait3A_139, %dma_wait3A_140] : memref<4x128x128xf32, #tpu.memory_space<vmem>> -> memref<1x128x128xf32, #tpu.memory_space<vmem>>
      %dma_wait3A_142 = tpu.memref_squeeze %dma_wait3A_141 : memref<1x128x128xf32, #tpu.memory_space<vmem>> -> memref<128x128xf32, #tpu.memory_space<vmem>>
      %dma_wait3A_143 = arith.constant 0 : i32
      %dma_wait3A_144 = arith.constant 0 : i32
      %dma_wait3A_145 = tpu.memref_slice %arg2[%dma_wait3A_143, %dma_wait3A_144] : memref<100000x128xf32, #tpu.memory_space<hbm>> -> memref<128x128xf32, #tpu.memory_space<hbm>>
      tpu.wait_dma2 semaphore(%arg10 : memref<!tpu.dma_semaphore, #tpu.memory_space<semaphore_mem>>) src(%dma_wait3A_145 : memref<128x128xf32, #tpu.memory_space<hbm>>) dst(%dma_wait3A_142 : memref<128x128xf32, #tpu.memory_space<vmem>>)
      %mul3A_146 = arith.constant 128 : i32
      %mul3A_147 = arith.muli %add3A_130, %mul3A_146 : i32
      %add3A_148 = arith.addi %mul3A_6, %mul3A_147 : i32
      %dma_start3A_149 = arith.constant 0 : i32
      %dma_start3A_150 = arith.constant 0 : i32
      %dma_start3A_151 = arith.constant 0 : i32
      %dma_start3A_152 = tpu.memref_slice %arg9[%dma_start3A_149, %dma_start3A_150, %dma_start3A_151] : memref<4x128x128xf32, #tpu.memory_space<vmem>> -> memref<1x128x128xf32, #tpu.memory_space<vmem>>
      %dma_start3A_153 = tpu.memref_squeeze %dma_start3A_152 : memref<1x128x128xf32, #tpu.memory_space<vmem>> -> memref<128x128xf32, #tpu.memory_space<vmem>>
      %dma_start3A_154 = arith.constant 0 : i32
      %dma_start3A_155 = tpu.memref_slice %arg5[%add3A_148, %dma_start3A_154] : memref<81920x128xf32, #tpu.memory_space<hbm>> -> memref<128x128xf32, #tpu.memory_space<hbm>>
      %dma_start3A_156 = arith.constant 0 : i32
      %dma_start3A_157 = tpu.memref_slice %arg5[%add3A_148, %dma_start3A_156] : memref<81920x128xf32, #tpu.memory_space<hbm>> -> memref<128x128xf32, #tpu.memory_space<hbm>>
      %dma_start3A_158 = arith.constant 0 : i32
      %dma_start3A_159 = arith.constant 0 : i32
      %dma_start3A_160 = tpu.memref_slice %arg9[%dma_start3A_149, %dma_start3A_158, %dma_start3A_159] : memref<4x128x128xf32, #tpu.memory_space<vmem>> -> memref<1x128x128xf32, #tpu.memory_space<vmem>>
      %dma_start3A_161 = tpu.memref_squeeze %dma_start3A_160 : memref<1x128x128xf32, #tpu.memory_space<vmem>> -> memref<128x128xf32, #tpu.memory_space<vmem>>
      tpu.enqueue_dma source(%dma_start3A_161 : memref<128x128xf32, #tpu.memory_space<vmem>>) target(%dma_start3A_157 : memref<128x128xf32, #tpu.memory_space<hbm>>) target_semaphore(%arg14 : memref<!tpu.dma_semaphore, #tpu.memory_space<semaphore_mem>>)
      %add3A_162 = arith.constant 4 : i32
      %add3A_163 = arith.addi %add3A_130, %add3A_162 : i32
      %lt3A_164 = arith.constant 20 : i32
      %lt3A_165 = arith.cmpi slt, %add3A_163, %lt3A_164 : i32
      %convert_element_type3A_166 = arith.extui %lt3A_165 : i1 to i32
      %cond3A_167 = arith.constant 0 : i32
      %cond3A_168 = arith.cmpi ne, %convert_element_type3A_166, %cond3A_167 : i32
      scf.if %cond3A_168 {
        %dma_wait3A_295 = arith.constant 0 : i32
        %dma_wait3A_296 = arith.constant 0 : i32
        %dma_wait3A_297 = arith.constant 0 : i32
        %dma_wait3A_298 = tpu.memref_slice %arg9[%dma_wait3A_295, %dma_wait3A_296, %dma_wait3A_297] : memref<4x128x128xf32, #tpu.memory_space<vmem>> -> memref<1x128x128xf32, #tpu.memory_space<vmem>>
        %dma_wait3A_299 = tpu.memref_squeeze %dma_wait3A_298 : memref<1x128x128xf32, #tpu.memory_space<vmem>> -> memref<128x128xf32, #tpu.memory_space<vmem>>
        %dma_wait3A_300 = arith.constant 0 : i32
        %dma_wait3A_301 = arith.constant 0 : i32
        %dma_wait3A_302 = tpu.memref_slice %arg5[%dma_wait3A_300, %dma_wait3A_301] : memref<81920x128xf32, #tpu.memory_space<hbm>> -> memref<128x128xf32, #tpu.memory_space<hbm>>
        %dma_wait3A_303 = arith.constant 0 : i32
        %dma_wait3A_304 = arith.constant 0 : i32
        %dma_wait3A_305 = tpu.memref_slice %arg5[%dma_wait3A_303, %dma_wait3A_304] : memref<81920x128xf32, #tpu.memory_space<hbm>> -> memref<128x128xf32, #tpu.memory_space<hbm>>
        %dma_wait3A_306 = arith.constant 0 : i32
        %dma_wait3A_307 = arith.constant 0 : i32
        %dma_wait3A_308 = tpu.memref_slice %arg9[%dma_wait3A_295, %dma_wait3A_306, %dma_wait3A_307] : memref<4x128x128xf32, #tpu.memory_space<vmem>> -> memref<1x128x128xf32, #tpu.memory_space<vmem>>
        %dma_wait3A_309 = tpu.memref_squeeze %dma_wait3A_308 : memref<1x128x128xf32, #tpu.memory_space<vmem>> -> memref<128x128xf32, #tpu.memory_space<vmem>>
        tpu.wait_dma2 semaphore(%arg14 : memref<!tpu.dma_semaphore, #tpu.memory_space<semaphore_mem>>) src(%dma_wait3A_309 : memref<128x128xf32, #tpu.memory_space<vmem>>) dst(%dma_wait3A_305 : memref<128x128xf32, #tpu.memory_space<hbm>>)
        %add3A_310 = arith.constant 4 : i32
        %add3A_311 = arith.addi %add3A_130, %add3A_310 : i32
        %dma_start3A_312 = arith.constant 0 : i32
        %dma_start3A_313 = arith.constant 0 : i32
        %dma_start3A_314 = arith.constant 0 : i32
        %dma_start3A_315 = arith.constant 0 : i32
        %dma_start3A_316 = tpu.memref_slice %arg9[%dma_start3A_313, %dma_start3A_314, %dma_start3A_315] : memref<4x128x128xf32, #tpu.memory_space<vmem>> -> memref<1x128x128xf32, #tpu.memory_space<vmem>>
        %dma_start3A_317 = tpu.memref_squeeze %dma_start3A_316 : memref<1x128x128xf32, #tpu.memory_space<vmem>> -> memref<128x128xf32, #tpu.memory_space<vmem>>
        %dma_start3A_318 = arith.constant 0 : i32
        %dma_start3A_319 = tpu.memref_slice %arg7[%add3A_311, %dma_start3A_312, %dma_start3A_318] : memref<20x1x128xi32, #tpu.memory_space<vmem>> -> memref<1x1x128xi32, #tpu.memory_space<vmem>>
        %dma_start3A_320 = tpu.memref_squeeze %dma_start3A_319 : memref<1x1x128xi32, #tpu.memory_space<vmem>> -> memref<128xi32, #tpu.memory_space<vmem>>
        %dma_start3A_321 = arith.constant 0 : i32
        %dma_start3A_322 = arith.constant 0 : i32
        %dma_start3A_323 = tpu.memref_slice %arg2[%dma_start3A_321, %dma_start3A_322] : memref<100000x128xf32, #tpu.memory_space<hbm>> -> memref<100000x128xf32, #tpu.memory_space<hbm>>
        tpu.enqueue_indirect_dma source(%dma_start3A_323 : memref<100000x128xf32, #tpu.memory_space<hbm>>) target(%dma_start3A_317 : memref<128x128xf32, #tpu.memory_space<vmem>>) offsets(%dma_start3A_320 : memref<128xi32, #tpu.memory_space<vmem>>) semaphore(%arg10 : memref<!tpu.dma_semaphore, #tpu.memory_space<semaphore_mem>>)
      } else {
      }
      %mul3A_169 = arith.constant 4 : i32
      %mul3A_170 = arith.muli %scan3A_126, %mul3A_169 : i32
      %add3A_171 = arith.constant 1 : i32
      %add3A_172 = arith.addi %mul3A_170, %add3A_171 : i32
      %dma_wait3A_173 = arith.constant 1 : i32
      %dma_wait3A_174 = arith.constant 0 : i32
      %dma_wait3A_175 = arith.constant 0 : i32
      %dma_wait3A_176 = tpu.memref_slice %arg9[%dma_wait3A_173, %dma_wait3A_174, %dma_wait3A_175] : memref<4x128x128xf32, #tpu.memory_space<vmem>> -> memref<1x128x128xf32, #tpu.memory_space<vmem>>
      %dma_wait3A_177 = tpu.memref_squeeze %dma_wait3A_176 : memref<1x128x128xf32, #tpu.memory_space<vmem>> -> memref<128x128xf32, #tpu.memory_space<vmem>>
      %dma_wait3A_178 = arith.constant 0 : i32
      %dma_wait3A_179 = arith.constant 0 : i32
      %dma_wait3A_180 = tpu.memref_slice %arg2[%dma_wait3A_178, %dma_wait3A_179] : memref<100000x128xf32, #tpu.memory_space<hbm>> -> memref<128x128xf32, #tpu.memory_space<hbm>>
      %dma_wait3A_181 = arith.constant 0 : i32
      %dma_wait3A_182 = arith.constant 0 : i32
      %dma_wait3A_183 = tpu.memref_slice %arg9[%dma_wait3A_173, %dma_wait3A_181, %dma_wait3A_182] : memref<4x128x128xf32, #tpu.memory_space<vmem>> -> memref<1x128x128xf32, #tpu.memory_space<vmem>>
      %dma_wait3A_184 = tpu.memref_squeeze %dma_wait3A_183 : memref<1x128x128xf32, #tpu.memory_space<vmem>> -> memref<128x128xf32, #tpu.memory_space<vmem>>
      %dma_wait3A_185 = arith.constant 0 : i32
      %dma_wait3A_186 = arith.constant 0 : i32
      %dma_wait3A_187 = tpu.memref_slice %arg2[%dma_wait3A_185, %dma_wait3A_186] : memref<100000x128xf32, #tpu.memory_space<hbm>> -> memref<128x128xf32, #tpu.memory_space<hbm>>
      tpu.wait_dma2 semaphore(%arg11 : memref<!tpu.dma_semaphore, #tpu.memory_space<semaphore_mem>>) src(%dma_wait3A_187 : memref<128x128xf32, #tpu.memory_space<hbm>>) dst(%dma_wait3A_184 : memref<128x128xf32, #tpu.memory_space<vmem>>)
      %mul3A_188 = arith.constant 128 : i32
      %mul3A_189 = arith.muli %add3A_172, %mul3A_188 : i32
      %add3A_190 = arith.addi %mul3A_6, %mul3A_189 : i32
      %dma_start3A_191 = arith.constant 1 : i32
      %dma_start3A_192 = arith.constant 0 : i32
      %dma_start3A_193 = arith.constant 0 : i32
      %dma_start3A_194 = tpu.memref_slice %arg9[%dma_start3A_191, %dma_start3A_192, %dma_start3A_193] : memref<4x128x128xf32, #tpu.memory_space<vmem>> -> memref<1x128x128xf32, #tpu.memory_space<vmem>>
      %dma_start3A_195 = tpu.memref_squeeze %dma_start3A_194 : memref<1x128x128xf32, #tpu.memory_space<vmem>> -> memref<128x128xf32, #tpu.memory_space<vmem>>
      %dma_start3A_196 = arith.constant 0 : i32
      %dma_start3A_197 = tpu.memref_slice %arg5[%add3A_190, %dma_start3A_196] : memref<81920x128xf32, #tpu.memory_space<hbm>> -> memref<128x128xf32, #tpu.memory_space<hbm>>
      %dma_start3A_198 = arith.constant 0 : i32
      %dma_start3A_199 = tpu.memref_slice %arg5[%add3A_190, %dma_start3A_198] : memref<81920x128xf32, #tpu.memory_space<hbm>> -> memref<128x128xf32, #tpu.memory_space<hbm>>
      %dma_start3A_200 = arith.constant 0 : i32
      %dma_start3A_201 = arith.constant 0 : i32
      %dma_start3A_202 = tpu.memref_slice %arg9[%dma_start3A_191, %dma_start3A_200, %dma_start3A_201] : memref<4x128x128xf32, #tpu.memory_space<vmem>> -> memref<1x128x128xf32, #tpu.memory_space<vmem>>
      %dma_start3A_203 = tpu.memref_squeeze %dma_start3A_202 : memref<1x128x128xf32, #tpu.memory_space<vmem>> -> memref<128x128xf32, #tpu.memory_space<vmem>>
      tpu.enqueue_dma source(%dma_start3A_203 : memref<128x128xf32, #tpu.memory_space<vmem>>) target(%dma_start3A_199 : memref<128x128xf32, #tpu.memory_space<hbm>>) target_semaphore(%arg15 : memref<!tpu.dma_semaphore, #tpu.memory_space<semaphore_mem>>)
      %add3A_204 = arith.constant 4 : i32
      %add3A_205 = arith.addi %add3A_172, %add3A_204 : i32
      %lt3A_206 = arith.constant 20 : i32
      %lt3A_207 = arith.cmpi slt, %add3A_205, %lt3A_206 : i32
      %convert_element_type3A_208 = arith.extui %lt3A_207 : i1 to i32
      %cond3A_209 = arith.constant 0 : i32
      %cond3A_210 = arith.cmpi ne, %convert_element_type3A_208, %cond3A_209 : i32
      scf.if %cond3A_210 {
        %dma_wait3A_295 = arith.constant 1 : i32
        %dma_wait3A_296 = arith.constant 0 : i32
        %dma_wait3A_297 = arith.constant 0 : i32
        %dma_wait3A_298 = tpu.memref_slice %arg9[%dma_wait3A_295, %dma_wait3A_296, %dma_wait3A_297] : memref<4x128x128xf32, #tpu.memory_space<vmem>> -> memref<1x128x128xf32, #tpu.memory_space<vmem>>
        %dma_wait3A_299 = tpu.memref_squeeze %dma_wait3A_298 : memref<1x128x128xf32, #tpu.memory_space<vmem>> -> memref<128x128xf32, #tpu.memory_space<vmem>>
        %dma_wait3A_300 = arith.constant 0 : i32
        %dma_wait3A_301 = arith.constant 0 : i32
        %dma_wait3A_302 = tpu.memref_slice %arg5[%dma_wait3A_300, %dma_wait3A_301] : memref<81920x128xf32, #tpu.memory_space<hbm>> -> memref<128x128xf32, #tpu.memory_space<hbm>>
        %dma_wait3A_303 = arith.constant 0 : i32
        %dma_wait3A_304 = arith.constant 0 : i32
        %dma_wait3A_305 = tpu.memref_slice %arg5[%dma_wait3A_303, %dma_wait3A_304] : memref<81920x128xf32, #tpu.memory_space<hbm>> -> memref<128x128xf32, #tpu.memory_space<hbm>>
        %dma_wait3A_306 = arith.constant 0 : i32
        %dma_wait3A_307 = arith.constant 0 : i32
        %dma_wait3A_308 = tpu.memref_slice %arg9[%dma_wait3A_295, %dma_wait3A_306, %dma_wait3A_307] : memref<4x128x128xf32, #tpu.memory_space<vmem>> -> memref<1x128x128xf32, #tpu.memory_space<vmem>>
        %dma_wait3A_309 = tpu.memref_squeeze %dma_wait3A_308 : memref<1x128x128xf32, #tpu.memory_space<vmem>> -> memref<128x128xf32, #tpu.memory_space<vmem>>
        tpu.wait_dma2 semaphore(%arg15 : memref<!tpu.dma_semaphore, #tpu.memory_space<semaphore_mem>>) src(%dma_wait3A_309 : memref<128x128xf32, #tpu.memory_space<vmem>>) dst(%dma_wait3A_305 : memref<128x128xf32, #tpu.memory_space<hbm>>)
        %add3A_310 = arith.constant 4 : i32
        %add3A_311 = arith.addi %add3A_172, %add3A_310 : i32
        %dma_start3A_312 = arith.constant 0 : i32
        %dma_start3A_313 = arith.constant 1 : i32
        %dma_start3A_314 = arith.constant 0 : i32
        %dma_start3A_315 = arith.constant 0 : i32
        %dma_start3A_316 = tpu.memref_slice %arg9[%dma_start3A_313, %dma_start3A_314, %dma_start3A_315] : memref<4x128x128xf32, #tpu.memory_space<vmem>> -> memref<1x128x128xf32, #tpu.memory_space<vmem>>
        %dma_start3A_317 = tpu.memref_squeeze %dma_start3A_316 : memref<1x128x128xf32, #tpu.memory_space<vmem>> -> memref<128x128xf32, #tpu.memory_space<vmem>>
        %dma_start3A_318 = arith.constant 0 : i32
        %dma_start3A_319 = tpu.memref_slice %arg7[%add3A_311, %dma_start3A_312, %dma_start3A_318] : memref<20x1x128xi32, #tpu.memory_space<vmem>> -> memref<1x1x128xi32, #tpu.memory_space<vmem>>
        %dma_start3A_320 = tpu.memref_squeeze %dma_start3A_319 : memref<1x1x128xi32, #tpu.memory_space<vmem>> -> memref<128xi32, #tpu.memory_space<vmem>>
        %dma_start3A_321 = arith.constant 0 : i32
        %dma_start3A_322 = arith.constant 0 : i32
        %dma_start3A_323 = tpu.memref_slice %arg2[%dma_start3A_321, %dma_start3A_322] : memref<100000x128xf32, #tpu.memory_space<hbm>> -> memref<100000x128xf32, #tpu.memory_space<hbm>>
        tpu.enqueue_indirect_dma source(%dma_start3A_323 : memref<100000x128xf32, #tpu.memory_space<hbm>>) target(%dma_start3A_317 : memref<128x128xf32, #tpu.memory_space<vmem>>) offsets(%dma_start3A_320 : memref<128xi32, #tpu.memory_space<vmem>>) semaphore(%arg11 : memref<!tpu.dma_semaphore, #tpu.memory_space<semaphore_mem>>)
      } else {
      }
      %mul3A_211 = arith.constant 4 : i32
      %mul3A_212 = arith.muli %scan3A_126, %mul3A_211 : i32
      %add3A_213 = arith.constant 2 : i32
      %add3A_214 = arith.addi %mul3A_212, %add3A_213 : i32
      %dma_wait3A_215 = arith.constant 2 : i32
      %dma_wait3A_216 = arith.constant 0 : i32
      %dma_wait3A_217 = arith.constant 0 : i32
      %dma_wait3A_218 = tpu.memref_slice %arg9[%dma_wait3A_215, %dma_wait3A_216, %dma_wait3A_217] : memref<4x128x128xf32, #tpu.memory_space<vmem>> -> memref<1x128x128xf32, #tpu.memory_space<vmem>>
      %dma_wait3A_219 = tpu.memref_squeeze %dma_wait3A_218 : memref<1x128x128xf32, #tpu.memory_space<vmem>> -> memref<128x128xf32, #tpu.memory_space<vmem>>
      %dma_wait3A_220 = arith.constant 0 : i32
      %dma_wait3A_221 = arith.constant 0 : i32
      %dma_wait3A_222 = tpu.memref_slice %arg2[%dma_wait3A_220, %dma_wait3A_221] : memref<100000x128xf32, #tpu.memory_space<hbm>> -> memref<128x128xf32, #tpu.memory_space<hbm>>
      %dma_wait3A_223 = arith.constant 0 : i32
      %dma_wait3A_224 = arith.constant 0 : i32
      %dma_wait3A_225 = tpu.memref_slice %arg9[%dma_wait3A_215, %dma_wait3A_223, %dma_wait3A_224] : memref<4x128x128xf32, #tpu.memory_space<vmem>> -> memref<1x128x128xf32, #tpu.memory_space<vmem>>
      %dma_wait3A_226 = tpu.memref_squeeze %dma_wait3A_225 : memref<1x128x128xf32, #tpu.memory_space<vmem>> -> memref<128x128xf32, #tpu.memory_space<vmem>>
      %dma_wait3A_227 = arith.constant 0 : i32
      %dma_wait3A_228 = arith.constant 0 : i32
      %dma_wait3A_229 = tpu.memref_slice %arg2[%dma_wait3A_227, %dma_wait3A_228] : memref<100000x128xf32, #tpu.memory_space<hbm>> -> memref<128x128xf32, #tpu.memory_space<hbm>>
      tpu.wait_dma2 semaphore(%arg12 : memref<!tpu.dma_semaphore, #tpu.memory_space<semaphore_mem>>) src(%dma_wait3A_229 : memref<128x128xf32, #tpu.memory_space<hbm>>) dst(%dma_wait3A_226 : memref<128x128xf32, #tpu.memory_space<vmem>>)
      %mul3A_230 = arith.constant 128 : i32
      %mul3A_231 = arith.muli %add3A_214, %mul3A_230 : i32
      %add3A_232 = arith.addi %mul3A_6, %mul3A_231 : i32
      %dma_start3A_233 = arith.constant 2 : i32
      %dma_start3A_234 = arith.constant 0 : i32
      %dma_start3A_235 = arith.constant 0 : i32
      %dma_start3A_236 = tpu.memref_slice %arg9[%dma_start3A_233, %dma_start3A_234, %dma_start3A_235] : memref<4x128x128xf32, #tpu.memory_space<vmem>> -> memref<1x128x128xf32, #tpu.memory_space<vmem>>
      %dma_start3A_237 = tpu.memref_squeeze %dma_start3A_236 : memref<1x128x128xf32, #tpu.memory_space<vmem>> -> memref<128x128xf32, #tpu.memory_space<vmem>>
      %dma_start3A_238 = arith.constant 0 : i32
      %dma_start3A_239 = tpu.memref_slice %arg5[%add3A_232, %dma_start3A_238] : memref<81920x128xf32, #tpu.memory_space<hbm>> -> memref<128x128xf32, #tpu.memory_space<hbm>>
      %dma_start3A_240 = arith.constant 0 : i32
      %dma_start3A_241 = tpu.memref_slice %arg5[%add3A_232, %dma_start3A_240] : memref<81920x128xf32, #tpu.memory_space<hbm>> -> memref<128x128xf32, #tpu.memory_space<hbm>>
      %dma_start3A_242 = arith.constant 0 : i32
      %dma_start3A_243 = arith.constant 0 : i32
      %dma_start3A_244 = tpu.memref_slice %arg9[%dma_start3A_233, %dma_start3A_242, %dma_start3A_243] : memref<4x128x128xf32, #tpu.memory_space<vmem>> -> memref<1x128x128xf32, #tpu.memory_space<vmem>>
      %dma_start3A_245 = tpu.memref_squeeze %dma_start3A_244 : memref<1x128x128xf32, #tpu.memory_space<vmem>> -> memref<128x128xf32, #tpu.memory_space<vmem>>
      tpu.enqueue_dma source(%dma_start3A_245 : memref<128x128xf32, #tpu.memory_space<vmem>>) target(%dma_start3A_241 : memref<128x128xf32, #tpu.memory_space<hbm>>) target_semaphore(%arg16 : memref<!tpu.dma_semaphore, #tpu.memory_space<semaphore_mem>>)
      %add3A_246 = arith.constant 4 : i32
      %add3A_247 = arith.addi %add3A_214, %add3A_246 : i32
      %lt3A_248 = arith.constant 20 : i32
      %lt3A_249 = arith.cmpi slt, %add3A_247, %lt3A_248 : i32
      %convert_element_type3A_250 = arith.extui %lt3A_249 : i1 to i32
      %cond3A_251 = arith.constant 0 : i32
      %cond3A_252 = arith.cmpi ne, %convert_element_type3A_250, %cond3A_251 : i32
      scf.if %cond3A_252 {
        %dma_wait3A_295 = arith.constant 2 : i32
        %dma_wait3A_296 = arith.constant 0 : i32
        %dma_wait3A_297 = arith.constant 0 : i32
        %dma_wait3A_298 = tpu.memref_slice %arg9[%dma_wait3A_295, %dma_wait3A_296, %dma_wait3A_297] : memref<4x128x128xf32, #tpu.memory_space<vmem>> -> memref<1x128x128xf32, #tpu.memory_space<vmem>>
        %dma_wait3A_299 = tpu.memref_squeeze %dma_wait3A_298 : memref<1x128x128xf32, #tpu.memory_space<vmem>> -> memref<128x128xf32, #tpu.memory_space<vmem>>
        %dma_wait3A_300 = arith.constant 0 : i32
        %dma_wait3A_301 = arith.constant 0 : i32
        %dma_wait3A_302 = tpu.memref_slice %arg5[%dma_wait3A_300, %dma_wait3A_301] : memref<81920x128xf32, #tpu.memory_space<hbm>> -> memref<128x128xf32, #tpu.memory_space<hbm>>
        %dma_wait3A_303 = arith.constant 0 : i32
        %dma_wait3A_304 = arith.constant 0 : i32
        %dma_wait3A_305 = tpu.memref_slice %arg5[%dma_wait3A_303, %dma_wait3A_304] : memref<81920x128xf32, #tpu.memory_space<hbm>> -> memref<128x128xf32, #tpu.memory_space<hbm>>
        %dma_wait3A_306 = arith.constant 0 : i32
        %dma_wait3A_307 = arith.constant 0 : i32
        %dma_wait3A_308 = tpu.memref_slice %arg9[%dma_wait3A_295, %dma_wait3A_306, %dma_wait3A_307] : memref<4x128x128xf32, #tpu.memory_space<vmem>> -> memref<1x128x128xf32, #tpu.memory_space<vmem>>
        %dma_wait3A_309 = tpu.memref_squeeze %dma_wait3A_308 : memref<1x128x128xf32, #tpu.memory_space<vmem>> -> memref<128x128xf32, #tpu.memory_space<vmem>>
        tpu.wait_dma2 semaphore(%arg16 : memref<!tpu.dma_semaphore, #tpu.memory_space<semaphore_mem>>) src(%dma_wait3A_309 : memref<128x128xf32, #tpu.memory_space<vmem>>) dst(%dma_wait3A_305 : memref<128x128xf32, #tpu.memory_space<hbm>>)
        %add3A_310 = arith.constant 4 : i32
        %add3A_311 = arith.addi %add3A_214, %add3A_310 : i32
        %dma_start3A_312 = arith.constant 0 : i32
        %dma_start3A_313 = arith.constant 2 : i32
        %dma_start3A_314 = arith.constant 0 : i32
        %dma_start3A_315 = arith.constant 0 : i32
        %dma_start3A_316 = tpu.memref_slice %arg9[%dma_start3A_313, %dma_start3A_314, %dma_start3A_315] : memref<4x128x128xf32, #tpu.memory_space<vmem>> -> memref<1x128x128xf32, #tpu.memory_space<vmem>>
        %dma_start3A_317 = tpu.memref_squeeze %dma_start3A_316 : memref<1x128x128xf32, #tpu.memory_space<vmem>> -> memref<128x128xf32, #tpu.memory_space<vmem>>
        %dma_start3A_318 = arith.constant 0 : i32
        %dma_start3A_319 = tpu.memref_slice %arg7[%add3A_311, %dma_start3A_312, %dma_start3A_318] : memref<20x1x128xi32, #tpu.memory_space<vmem>> -> memref<1x1x128xi32, #tpu.memory_space<vmem>>
        %dma_start3A_320 = tpu.memref_squeeze %dma_start3A_319 : memref<1x1x128xi32, #tpu.memory_space<vmem>> -> memref<128xi32, #tpu.memory_space<vmem>>
        %dma_start3A_321 = arith.constant 0 : i32
        %dma_start3A_322 = arith.constant 0 : i32
        %dma_start3A_323 = tpu.memref_slice %arg2[%dma_start3A_321, %dma_start3A_322] : memref<100000x128xf32, #tpu.memory_space<hbm>> -> memref<100000x128xf32, #tpu.memory_space<hbm>>
        tpu.enqueue_indirect_dma source(%dma_start3A_323 : memref<100000x128xf32, #tpu.memory_space<hbm>>) target(%dma_start3A_317 : memref<128x128xf32, #tpu.memory_space<vmem>>) offsets(%dma_start3A_320 : memref<128xi32, #tpu.memory_space<vmem>>) semaphore(%arg12 : memref<!tpu.dma_semaphore, #tpu.memory_space<semaphore_mem>>)
      } else {
      }
      %mul3A_253 = arith.constant 4 : i32
      %mul3A_254 = arith.muli %scan3A_126, %mul3A_253 : i32
      %add3A_255 = arith.constant 3 : i32
      %add3A_256 = arith.addi %mul3A_254, %add3A_255 : i32
      %dma_wait3A_257 = arith.constant 3 : i32
      %dma_wait3A_258 = arith.constant 0 : i32
      %dma_wait3A_259 = arith.constant 0 : i32
      %dma_wait3A_260 = tpu.memref_slice %arg9[%dma_wait3A_257, %dma_wait3A_258, %dma_wait3A_259] : memref<4x128x128xf32, #tpu.memory_space<vmem>> -> memref<1x128x128xf32, #tpu.memory_space<vmem>>
      %dma_wait3A_261 = tpu.memref_squeeze %dma_wait3A_260 : memref<1x128x128xf32, #tpu.memory_space<vmem>> -> memref<128x128xf32, #tpu.memory_space<vmem>>
      %dma_wait3A_262 = arith.constant 0 : i32
      %dma_wait3A_263 = arith.constant 0 : i32
      %dma_wait3A_264 = tpu.memref_slice %arg2[%dma_wait3A_262, %dma_wait3A_263] : memref<100000x128xf32, #tpu.memory_space<hbm>> -> memref<128x128xf32, #tpu.memory_space<hbm>>
      %dma_wait3A_265 = arith.constant 0 : i32
      %dma_wait3A_266 = arith.constant 0 : i32
      %dma_wait3A_267 = tpu.memref_slice %arg9[%dma_wait3A_257, %dma_wait3A_265, %dma_wait3A_266] : memref<4x128x128xf32, #tpu.memory_space<vmem>> -> memref<1x128x128xf32, #tpu.memory_space<vmem>>
      %dma_wait3A_268 = tpu.memref_squeeze %dma_wait3A_267 : memref<1x128x128xf32, #tpu.memory_space<vmem>> -> memref<128x128xf32, #tpu.memory_space<vmem>>
      %dma_wait3A_269 = arith.constant 0 : i32
      %dma_wait3A_270 = arith.constant 0 : i32
      %dma_wait3A_271 = tpu.memref_slice %arg2[%dma_wait3A_269, %dma_wait3A_270] : memref<100000x128xf32, #tpu.memory_space<hbm>> -> memref<128x128xf32, #tpu.memory_space<hbm>>
      tpu.wait_dma2 semaphore(%arg13 : memref<!tpu.dma_semaphore, #tpu.memory_space<semaphore_mem>>) src(%dma_wait3A_271 : memref<128x128xf32, #tpu.memory_space<hbm>>) dst(%dma_wait3A_268 : memref<128x128xf32, #tpu.memory_space<vmem>>)
      %mul3A_272 = arith.constant 128 : i32
      %mul3A_273 = arith.muli %add3A_256, %mul3A_272 : i32
      %add3A_274 = arith.addi %mul3A_6, %mul3A_273 : i32
      %dma_start3A_275 = arith.constant 3 : i32
      %dma_start3A_276 = arith.constant 0 : i32
      %dma_start3A_277 = arith.constant 0 : i32
      %dma_start3A_278 = tpu.memref_slice %arg9[%dma_start3A_275, %dma_start3A_276, %dma_start3A_277] : memref<4x128x128xf32, #tpu.memory_space<vmem>> -> memref<1x128x128xf32, #tpu.memory_space<vmem>>
      %dma_start3A_279 = tpu.memref_squeeze %dma_start3A_278 : memref<1x128x128xf32, #tpu.memory_space<vmem>> -> memref<128x128xf32, #tpu.memory_space<vmem>>
      %dma_start3A_280 = arith.constant 0 : i32
      %dma_start3A_281 = tpu.memref_slice %arg5[%add3A_274, %dma_start3A_280] : memref<81920x128xf32, #tpu.memory_space<hbm>> -> memref<128x128xf32, #tpu.memory_space<hbm>>
      %dma_start3A_282 = arith.constant 0 : i32
      %dma_start3A_283 = tpu.memref_slice %arg5[%add3A_274, %dma_start3A_282] : memref<81920x128xf32, #tpu.memory_space<hbm>> -> memref<128x128xf32, #tpu.memory_space<hbm>>
      %dma_start3A_284 = arith.constant 0 : i32
      %dma_start3A_285 = arith.constant 0 : i32
      %dma_start3A_286 = tpu.memref_slice %arg9[%dma_start3A_275, %dma_start3A_284, %dma_start3A_285] : memref<4x128x128xf32, #tpu.memory_space<vmem>> -> memref<1x128x128xf32, #tpu.memory_space<vmem>>
      %dma_start3A_287 = tpu.memref_squeeze %dma_start3A_286 : memref<1x128x128xf32, #tpu.memory_space<vmem>> -> memref<128x128xf32, #tpu.memory_space<vmem>>
      tpu.enqueue_dma source(%dma_start3A_287 : memref<128x128xf32, #tpu.memory_space<vmem>>) target(%dma_start3A_283 : memref<128x128xf32, #tpu.memory_space<hbm>>) target_semaphore(%arg17 : memref<!tpu.dma_semaphore, #tpu.memory_space<semaphore_mem>>)
      %add3A_288 = arith.constant 4 : i32
      %add3A_289 = arith.addi %add3A_256, %add3A_288 : i32
      %lt3A_290 = arith.constant 20 : i32
      %lt3A_291 = arith.cmpi slt, %add3A_289, %lt3A_290 : i32
      %convert_element_type3A_292 = arith.extui %lt3A_291 : i1 to i32
      %cond3A_293 = arith.constant 0 : i32
      %cond3A_294 = arith.cmpi ne, %convert_element_type3A_292, %cond3A_293 : i32
      scf.if %cond3A_294 {
        %dma_wait3A_295 = arith.constant 3 : i32
        %dma_wait3A_296 = arith.constant 0 : i32
        %dma_wait3A_297 = arith.constant 0 : i32
        %dma_wait3A_298 = tpu.memref_slice %arg9[%dma_wait3A_295, %dma_wait3A_296, %dma_wait3A_297] : memref<4x128x128xf32, #tpu.memory_space<vmem>> -> memref<1x128x128xf32, #tpu.memory_space<vmem>>
        %dma_wait3A_299 = tpu.memref_squeeze %dma_wait3A_298 : memref<1x128x128xf32, #tpu.memory_space<vmem>> -> memref<128x128xf32, #tpu.memory_space<vmem>>
        %dma_wait3A_300 = arith.constant 0 : i32
        %dma_wait3A_301 = arith.constant 0 : i32
        %dma_wait3A_302 = tpu.memref_slice %arg5[%dma_wait3A_300, %dma_wait3A_301] : memref<81920x128xf32, #tpu.memory_space<hbm>> -> memref<128x128xf32, #tpu.memory_space<hbm>>
        %dma_wait3A_303 = arith.constant 0 : i32
        %dma_wait3A_304 = arith.constant 0 : i32
        %dma_wait3A_305 = tpu.memref_slice %arg5[%dma_wait3A_303, %dma_wait3A_304] : memref<81920x128xf32, #tpu.memory_space<hbm>> -> memref<128x128xf32, #tpu.memory_space<hbm>>
        %dma_wait3A_306 = arith.constant 0 : i32
        %dma_wait3A_307 = arith.constant 0 : i32
        %dma_wait3A_308 = tpu.memref_slice %arg9[%dma_wait3A_295, %dma_wait3A_306, %dma_wait3A_307] : memref<4x128x128xf32, #tpu.memory_space<vmem>> -> memref<1x128x128xf32, #tpu.memory_space<vmem>>
        %dma_wait3A_309 = tpu.memref_squeeze %dma_wait3A_308 : memref<1x128x128xf32, #tpu.memory_space<vmem>> -> memref<128x128xf32, #tpu.memory_space<vmem>>
        tpu.wait_dma2 semaphore(%arg17 : memref<!tpu.dma_semaphore, #tpu.memory_space<semaphore_mem>>) src(%dma_wait3A_309 : memref<128x128xf32, #tpu.memory_space<vmem>>) dst(%dma_wait3A_305 : memref<128x128xf32, #tpu.memory_space<hbm>>)
        %add3A_310 = arith.constant 4 : i32
        %add3A_311 = arith.addi %add3A_256, %add3A_310 : i32
        %dma_start3A_312 = arith.constant 0 : i32
        %dma_start3A_313 = arith.constant 3 : i32
        %dma_start3A_314 = arith.constant 0 : i32
        %dma_start3A_315 = arith.constant 0 : i32
        %dma_start3A_316 = tpu.memref_slice %arg9[%dma_start3A_313, %dma_start3A_314, %dma_start3A_315] : memref<4x128x128xf32, #tpu.memory_space<vmem>> -> memref<1x128x128xf32, #tpu.memory_space<vmem>>
        %dma_start3A_317 = tpu.memref_squeeze %dma_start3A_316 : memref<1x128x128xf32, #tpu.memory_space<vmem>> -> memref<128x128xf32, #tpu.memory_space<vmem>>
        %dma_start3A_318 = arith.constant 0 : i32
        %dma_start3A_319 = tpu.memref_slice %arg7[%add3A_311, %dma_start3A_312, %dma_start3A_318] : memref<20x1x128xi32, #tpu.memory_space<vmem>> -> memref<1x1x128xi32, #tpu.memory_space<vmem>>
        %dma_start3A_320 = tpu.memref_squeeze %dma_start3A_319 : memref<1x1x128xi32, #tpu.memory_space<vmem>> -> memref<128xi32, #tpu.memory_space<vmem>>
        %dma_start3A_321 = arith.constant 0 : i32
        %dma_start3A_322 = arith.constant 0 : i32
        %dma_start3A_323 = tpu.memref_slice %arg2[%dma_start3A_321, %dma_start3A_322] : memref<100000x128xf32, #tpu.memory_space<hbm>> -> memref<100000x128xf32, #tpu.memory_space<hbm>>
        tpu.enqueue_indirect_dma source(%dma_start3A_323 : memref<100000x128xf32, #tpu.memory_space<hbm>>) target(%dma_start3A_317 : memref<128x128xf32, #tpu.memory_space<vmem>>) offsets(%dma_start3A_320 : memref<128xi32, #tpu.memory_space<vmem>>) semaphore(%arg13 : memref<!tpu.dma_semaphore, #tpu.memory_space<semaphore_mem>>)
      } else {
      }
    }
    %scan3A_62 = arith.constant 5 : i32
    %dma_wait3A = arith.constant 0 : i32
    %dma_wait3A_63 = arith.constant 0 : i32
    %dma_wait3A_64 = arith.constant 0 : i32
    %dma_wait3A_65 = tpu.memref_slice %arg9[%dma_wait3A, %dma_wait3A_63, %dma_wait3A_64] : memref<4x128x128xf32, #tpu.memory_space<vmem>> -> memref<1x128x128xf32, #tpu.memory_space<vmem>>
    %dma_wait3A_66 = tpu.memref_squeeze %dma_wait3A_65 : memref<1x128x128xf32, #tpu.memory_space<vmem>> -> memref<128x128xf32, #tpu.memory_space<vmem>>
    %dma_wait3A_67 = arith.constant 0 : i32
    %dma_wait3A_68 = arith.constant 0 : i32
    %dma_wait3A_69 = tpu.memref_slice %arg5[%dma_wait3A_67, %dma_wait3A_68] : memref<81920x128xf32, #tpu.memory_space<hbm>> -> memref<128x128xf32, #tpu.memory_space<hbm>>
    %dma_wait3A_70 = arith.constant 0 : i32
    %dma_wait3A_71 = arith.constant 0 : i32
    %dma_wait3A_72 = tpu.memref_slice %arg5[%dma_wait3A_70, %dma_wait3A_71] : memref<81920x128xf32, #tpu.memory_space<hbm>> -> memref<128x128xf32, #tpu.memory_space<hbm>>
    %dma_wait3A_73 = arith.constant 0 : i32
    %dma_wait3A_74 = arith.constant 0 : i32
    %dma_wait3A_75 = tpu.memref_slice %arg9[%dma_wait3A, %dma_wait3A_73, %dma_wait3A_74] : memref<4x128x128xf32, #tpu.memory_space<vmem>> -> memref<1x128x128xf32, #tpu.memory_space<vmem>>
    %dma_wait3A_76 = tpu.memref_squeeze %dma_wait3A_75 : memref<1x128x128xf32, #tpu.memory_space<vmem>> -> memref<128x128xf32, #tpu.memory_space<vmem>>
    tpu.wait_dma2 semaphore(%arg14 : memref<!tpu.dma_semaphore, #tpu.memory_space<semaphore_mem>>) src(%dma_wait3A_76 : memref<128x128xf32, #tpu.memory_space<vmem>>) dst(%dma_wait3A_72 : memref<128x128xf32, #tpu.memory_space<hbm>>)
    %dma_wait3A_77 = arith.constant 1 : i32
    %dma_wait3A_78 = arith.constant 0 : i32
    %dma_wait3A_79 = arith.constant 0 : i32
    %dma_wait3A_80 = tpu.memref_slice %arg9[%dma_wait3A_77, %dma_wait3A_78, %dma_wait3A_79] : memref<4x128x128xf32, #tpu.memory_space<vmem>> -> memref<1x128x128xf32, #tpu.memory_space<vmem>>
    %dma_wait3A_81 = tpu.memref_squeeze %dma_wait3A_80 : memref<1x128x128xf32, #tpu.memory_space<vmem>> -> memref<128x128xf32, #tpu.memory_space<vmem>>
    %dma_wait3A_82 = arith.constant 0 : i32
    %dma_wait3A_83 = arith.constant 0 : i32
    %dma_wait3A_84 = tpu.memref_slice %arg5[%dma_wait3A_82, %dma_wait3A_83] : memref<81920x128xf32, #tpu.memory_space<hbm>> -> memref<128x128xf32, #tpu.memory_space<hbm>>
    %dma_wait3A_85 = arith.constant 0 : i32
    %dma_wait3A_86 = arith.constant 0 : i32
    %dma_wait3A_87 = tpu.memref_slice %arg5[%dma_wait3A_85, %dma_wait3A_86] : memref<81920x128xf32, #tpu.memory_space<hbm>> -> memref<128x128xf32, #tpu.memory_space<hbm>>
    %dma_wait3A_88 = arith.constant 0 : i32
    %dma_wait3A_89 = arith.constant 0 : i32
    %dma_wait3A_90 = tpu.memref_slice %arg9[%dma_wait3A_77, %dma_wait3A_88, %dma_wait3A_89] : memref<4x128x128xf32, #tpu.memory_space<vmem>> -> memref<1x128x128xf32, #tpu.memory_space<vmem>>
    %dma_wait3A_91 = tpu.memref_squeeze %dma_wait3A_90 : memref<1x128x128xf32, #tpu.memory_space<vmem>> -> memref<128x128xf32, #tpu.memory_space<vmem>>
    tpu.wait_dma2 semaphore(%arg15 : memref<!tpu.dma_semaphore, #tpu.memory_space<semaphore_mem>>) src(%dma_wait3A_91 : memref<128x128xf32, #tpu.memory_space<vmem>>) dst(%dma_wait3A_87 : memref<128x128xf32, #tpu.memory_space<hbm>>)
    %dma_wait3A_92 = arith.constant 2 : i32
    %dma_wait3A_93 = arith.constant 0 : i32
    %dma_wait3A_94 = arith.constant 0 : i32
    %dma_wait3A_95 = tpu.memref_slice %arg9[%dma_wait3A_92, %dma_wait3A_93, %dma_wait3A_94] : memref<4x128x128xf32, #tpu.memory_space<vmem>> -> memref<1x128x128xf32, #tpu.memory_space<vmem>>
    %dma_wait3A_96 = tpu.memref_squeeze %dma_wait3A_95 : memref<1x128x128xf32, #tpu.memory_space<vmem>> -> memref<128x128xf32, #tpu.memory_space<vmem>>
    %dma_wait3A_97 = arith.constant 0 : i32
    %dma_wait3A_98 = arith.constant 0 : i32
    %dma_wait3A_99 = tpu.memref_slice %arg5[%dma_wait3A_97, %dma_wait3A_98] : memref<81920x128xf32, #tpu.memory_space<hbm>> -> memref<128x128xf32, #tpu.memory_space<hbm>>
    %dma_wait3A_100 = arith.constant 0 : i32
    %dma_wait3A_101 = arith.constant 0 : i32
    %dma_wait3A_102 = tpu.memref_slice %arg5[%dma_wait3A_100, %dma_wait3A_101] : memref<81920x128xf32, #tpu.memory_space<hbm>> -> memref<128x128xf32, #tpu.memory_space<hbm>>
    %dma_wait3A_103 = arith.constant 0 : i32
    %dma_wait3A_104 = arith.constant 0 : i32
    %dma_wait3A_105 = tpu.memref_slice %arg9[%dma_wait3A_92, %dma_wait3A_103, %dma_wait3A_104] : memref<4x128x128xf32, #tpu.memory_space<vmem>> -> memref<1x128x128xf32, #tpu.memory_space<vmem>>
    %dma_wait3A_106 = tpu.memref_squeeze %dma_wait3A_105 : memref<1x128x128xf32, #tpu.memory_space<vmem>> -> memref<128x128xf32, #tpu.memory_space<vmem>>
    tpu.wait_dma2 semaphore(%arg16 : memref<!tpu.dma_semaphore, #tpu.memory_space<semaphore_mem>>) src(%dma_wait3A_106 : memref<128x128xf32, #tpu.memory_space<vmem>>) dst(%dma_wait3A_102 : memref<128x128xf32, #tpu.memory_space<hbm>>)
    %dma_wait3A_107 = arith.constant 3 : i32
    %dma_wait3A_108 = arith.constant 0 : i32
    %dma_wait3A_109 = arith.constant 0 : i32
    %dma_wait3A_110 = tpu.memref_slice %arg9[%dma_wait3A_107, %dma_wait3A_108, %dma_wait3A_109] : memref<4x128x128xf32, #tpu.memory_space<vmem>> -> memref<1x128x128xf32, #tpu.memory_space<vmem>>
    %dma_wait3A_111 = tpu.memref_squeeze %dma_wait3A_110 : memref<1x128x128xf32, #tpu.memory_space<vmem>> -> memref<128x128xf32, #tpu.memory_space<vmem>>
    %dma_wait3A_112 = arith.constant 0 : i32
    %dma_wait3A_113 = arith.constant 0 : i32
    %dma_wait3A_114 = tpu.memref_slice %arg5[%dma_wait3A_112, %dma_wait3A_113] : memref<81920x128xf32, #tpu.memory_space<hbm>> -> memref<128x128xf32, #tpu.memory_space<hbm>>
    %dma_wait3A_115 = arith.constant 0 : i32
    %dma_wait3A_116 = arith.constant 0 : i32
    %dma_wait3A_117 = tpu.memref_slice %arg5[%dma_wait3A_115, %dma_wait3A_116] : memref<81920x128xf32, #tpu.memory_space<hbm>> -> memref<128x128xf32, #tpu.memory_space<hbm>>
    %dma_wait3A_118 = arith.constant 0 : i32
    %dma_wait3A_119 = arith.constant 0 : i32
    %dma_wait3A_120 = tpu.memref_slice %arg9[%dma_wait3A_107, %dma_wait3A_118, %dma_wait3A_119] : memref<4x128x128xf32, #tpu.memory_space<vmem>> -> memref<1x128x128xf32, #tpu.memory_space<vmem>>
    %dma_wait3A_121 = tpu.memref_squeeze %dma_wait3A_120 : memref<1x128x128xf32, #tpu.memory_space<vmem>> -> memref<128x128xf32, #tpu.memory_space<vmem>>
    tpu.wait_dma2 semaphore(%arg17 : memref<!tpu.dma_semaphore, #tpu.memory_space<semaphore_mem>>) src(%dma_wait3A_121 : memref<128x128xf32, #tpu.memory_space<vmem>>) dst(%dma_wait3A_117 : memref<128x128xf32, #tpu.memory_space<hbm>>)
    %add3A_122 = arith.constant 0 : i32
    %add3A_123 = arith.addi %add3A, %add3A_122 : i32
    %lt3A = arith.constant 20 : i32
    %lt3A_124 = arith.cmpi slt, %add3A_123, %lt3A : i32
    %convert_element_type3A = arith.extui %lt3A_124 : i1 to i32
    %cond3A = arith.constant 0 : i32
    %cond3A_125 = arith.cmpi ne, %convert_element_type3A, %cond3A : i32
    scf.if %cond3A_125 {
      "tpu.region"() ({
        %run_scoped3A_154 = tpu.sem_alloc : memref<!tpu.dma_semaphore, #tpu.memory_space<semaphore_mem>>
        %dma_start3A_155 = arith.constant 0 : i32
        %dma_start3A_156 = arith.constant 0 : i32
        %dma_start3A_157 = tpu.memref_slice %arg4[%add3A_123, %dma_start3A_155, %dma_start3A_156] : memref<20x1x128xi32, #tpu.memory_space<hbm>> -> memref<1x1x128xi32, #tpu.memory_space<hbm>>
        %dma_start3A_158 = arith.constant 0 : i32
        %dma_start3A_159 = arith.constant 0 : i32
        %dma_start3A_160 = tpu.memref_slice %arg4[%add3A_123, %dma_start3A_158, %dma_start3A_159] : memref<20x1x128xi32, #tpu.memory_space<hbm>> -> memref<1x1x128xi32, #tpu.memory_space<hbm>>
        tpu.enqueue_dma source(%dma_start3A_160 : memref<1x1x128xi32, #tpu.memory_space<hbm>>) target(%arg8 : memref<1x1x128xi32, #tpu.memory_space<vmem>>) target_semaphore(%run_scoped3A_154 : memref<!tpu.dma_semaphore, #tpu.memory_space<semaphore_mem>>)
        %dma_wait3A_161 = arith.constant 0 : i32
        %dma_wait3A_162 = arith.constant 0 : i32
        %dma_wait3A_163 = tpu.memref_slice %arg4[%add3A_123, %dma_wait3A_161, %dma_wait3A_162] : memref<20x1x128xi32, #tpu.memory_space<hbm>> -> memref<1x1x128xi32, #tpu.memory_space<hbm>>
        %dma_wait3A_164 = arith.constant 0 : i32
        %dma_wait3A_165 = arith.constant 0 : i32
        %dma_wait3A_166 = tpu.memref_slice %arg4[%add3A_123, %dma_wait3A_164, %dma_wait3A_165] : memref<20x1x128xi32, #tpu.memory_space<hbm>> -> memref<1x1x128xi32, #tpu.memory_space<hbm>>
        tpu.wait_dma2 semaphore(%run_scoped3A_154 : memref<!tpu.dma_semaphore, #tpu.memory_space<semaphore_mem>>) src(%dma_wait3A_166 : memref<1x1x128xi32, #tpu.memory_space<hbm>>) dst(%arg8 : memref<1x1x128xi32, #tpu.memory_space<vmem>>)
        tpu.yield
      }) : () -> ()
      %dma_start3A_126 = arith.constant 0 : i32
      %dma_start3A_127 = arith.constant 0 : i32
      %dma_start3A_128 = arith.constant 0 : i32
      %dma_start3A_129 = arith.constant 0 : i32
      %dma_start3A_130 = arith.constant 0 : i32
      %dma_start3A_131 = tpu.memref_slice %arg9[%dma_start3A_128, %dma_start3A_129, %dma_start3A_130] : memref<4x128x128xf32, #tpu.memory_space<vmem>> -> memref<1x128x128xf32, #tpu.memory_space<vmem>>
      %dma_start3A_132 = tpu.memref_squeeze %dma_start3A_131 : memref<1x128x128xf32, #tpu.memory_space<vmem>> -> memref<128x128xf32, #tpu.memory_space<vmem>>
      %dma_start3A_133 = arith.constant 0 : i32
      %dma_start3A_134 = tpu.memref_slice %arg8[%dma_start3A_126, %dma_start3A_127, %dma_start3A_133] : memref<1x1x128xi32, #tpu.memory_space<vmem>> -> memref<1x1x128xi32, #tpu.memory_space<vmem>>
      %dma_start3A_135 = tpu.memref_squeeze %dma_start3A_134 : memref<1x1x128xi32, #tpu.memory_space<vmem>> -> memref<128xi32, #tpu.memory_space<vmem>>
      %dma_start3A_136 = arith.constant 0 : i32
      %dma_start3A_137 = arith.constant 0 : i32
      %dma_start3A_138 = tpu.memref_slice %arg2[%dma_start3A_136, %dma_start3A_137] : memref<100000x128xf32, #tpu.memory_space<hbm>> -> memref<100000x128xf32, #tpu.memory_space<hbm>>
      tpu.enqueue_indirect_dma source(%dma_start3A_138 : memref<100000x128xf32, #tpu.memory_space<hbm>>) target(%dma_start3A_132 : memref<128x128xf32, #tpu.memory_space<vmem>>) offsets(%dma_start3A_135 : memref<128xi32, #tpu.memory_space<vmem>>) semaphore(%arg10 : memref<!tpu.dma_semaphore, #tpu.memory_space<semaphore_mem>>)
      %dma_wait3A_139 = arith.constant 0 : i32
      %dma_wait3A_140 = arith.constant 0 : i32
      %dma_wait3A_141 = arith.constant 0 : i32
      %dma_wait3A_142 = arith.constant 0 : i32
      %dma_wait3A_143 = arith.constant 0 : i32
      %dma_wait3A_144 = tpu.memref_slice %arg9[%dma_wait3A_141, %dma_wait3A_142, %dma_wait3A_143] : memref<4x128x128xf32, #tpu.memory_space<vmem>> -> memref<1x128x128xf32, #tpu.memory_space<vmem>>
      %dma_wait3A_145 = tpu.memref_squeeze %dma_wait3A_144 : memref<1x128x128xf32, #tpu.memory_space<vmem>> -> memref<128x128xf32, #tpu.memory_space<vmem>>
      %dma_wait3A_146 = arith.constant 0 : i32
      %dma_wait3A_147 = tpu.memref_slice %arg8[%dma_wait3A_139, %dma_wait3A_140, %dma_wait3A_146] : memref<1x1x128xi32, #tpu.memory_space<vmem>> -> memref<1x1x128xi32, #tpu.memory_space<vmem>>
      %dma_wait3A_148 = tpu.memref_squeeze %dma_wait3A_147 : memref<1x1x128xi32, #tpu.memory_space<vmem>> -> memref<128xi32, #tpu.memory_space<vmem>>
      %dma_wait3A_149 = arith.constant 0 : i32
      %dma_wait3A_150 = arith.constant 0 : i32
      %dma_wait3A_151 = tpu.memref_slice %arg2[%dma_wait3A_149, %dma_wait3A_150] : memref<100000x128xf32, #tpu.memory_space<hbm>> -> memref<100000x128xf32, #tpu.memory_space<hbm>>
      tpu.wait_indirect_dma semaphore(%arg10 : memref<!tpu.dma_semaphore, #tpu.memory_space<semaphore_mem>>) src(%dma_wait3A_151 : memref<100000x128xf32, #tpu.memory_space<hbm>>) dst(%dma_wait3A_145 : memref<128x128xf32, #tpu.memory_space<vmem>>)
      %mul3A_152 = arith.constant 128 : i32
      %mul3A_153 = arith.muli %add3A_123, %mul3A_152 : i32
      %run_scoped3A = arith.constant 0 : i32
      "tpu.region"() ({
        %run_scoped3A_154 = tpu.sem_alloc : memref<!tpu.dma_semaphore, #tpu.memory_space<semaphore_mem>>
        %dma_start3A_155 = arith.constant 0 : i32
        %dma_start3A_156 = arith.constant 0 : i32
        %dma_start3A_157 = tpu.memref_slice %arg9[%run_scoped3A, %dma_start3A_155, %dma_start3A_156] : memref<4x128x128xf32, #tpu.memory_space<vmem>> -> memref<1x128x128xf32, #tpu.memory_space<vmem>>
        %dma_start3A_158 = tpu.memref_squeeze %dma_start3A_157 : memref<1x128x128xf32, #tpu.memory_space<vmem>> -> memref<128x128xf32, #tpu.memory_space<vmem>>
        %dma_start3A_159 = arith.constant 0 : i32
        %dma_start3A_160 = tpu.memref_slice %arg6[%mul3A_153, %dma_start3A_159] : memref<2560x128xf32, #tpu.memory_space<hbm>> -> memref<128x128xf32, #tpu.memory_space<hbm>>
        %dma_start3A_161 = arith.constant 0 : i32
        %dma_start3A_162 = tpu.memref_slice %arg6[%mul3A_153, %dma_start3A_161] : memref<2560x128xf32, #tpu.memory_space<hbm>> -> memref<128x128xf32, #tpu.memory_space<hbm>>
        %dma_start3A_163 = arith.constant 0 : i32
        %dma_start3A_164 = arith.constant 0 : i32
        %dma_start3A_165 = tpu.memref_slice %arg9[%run_scoped3A, %dma_start3A_163, %dma_start3A_164] : memref<4x128x128xf32, #tpu.memory_space<vmem>> -> memref<1x128x128xf32, #tpu.memory_space<vmem>>
        %dma_start3A_166 = tpu.memref_squeeze %dma_start3A_165 : memref<1x128x128xf32, #tpu.memory_space<vmem>> -> memref<128x128xf32, #tpu.memory_space<vmem>>
        tpu.enqueue_dma source(%dma_start3A_166 : memref<128x128xf32, #tpu.memory_space<vmem>>) target(%dma_start3A_162 : memref<128x128xf32, #tpu.memory_space<hbm>>) target_semaphore(%run_scoped3A_154 : memref<!tpu.dma_semaphore, #tpu.memory_space<semaphore_mem>>)
        %dma_wait3A_167 = arith.constant 0 : i32
        %dma_wait3A_168 = arith.constant 0 : i32
        %dma_wait3A_169 = tpu.memref_slice %arg9[%run_scoped3A, %dma_wait3A_167, %dma_wait3A_168] : memref<4x128x128xf32, #tpu.memory_space<vmem>> -> memref<1x128x128xf32, #tpu.memory_space<vmem>>
        %dma_wait3A_170 = tpu.memref_squeeze %dma_wait3A_169 : memref<1x128x128xf32, #tpu.memory_space<vmem>> -> memref<128x128xf32, #tpu.memory_space<vmem>>
        %dma_wait3A_171 = arith.constant 0 : i32
        %dma_wait3A_172 = tpu.memref_slice %arg6[%mul3A_153, %dma_wait3A_171] : memref<2560x128xf32, #tpu.memory_space<hbm>> -> memref<128x128xf32, #tpu.memory_space<hbm>>
        %dma_wait3A_173 = arith.constant 0 : i32
        %dma_wait3A_174 = tpu.memref_slice %arg6[%mul3A_153, %dma_wait3A_173] : memref<2560x128xf32, #tpu.memory_space<hbm>> -> memref<128x128xf32, #tpu.memory_space<hbm>>
        %dma_wait3A_175 = arith.constant 0 : i32
        %dma_wait3A_176 = arith.constant 0 : i32
        %dma_wait3A_177 = tpu.memref_slice %arg9[%run_scoped3A, %dma_wait3A_175, %dma_wait3A_176] : memref<4x128x128xf32, #tpu.memory_space<vmem>> -> memref<1x128x128xf32, #tpu.memory_space<vmem>>
        %dma_wait3A_178 = tpu.memref_squeeze %dma_wait3A_177 : memref<1x128x128xf32, #tpu.memory_space<vmem>> -> memref<128x128xf32, #tpu.memory_space<vmem>>
        tpu.wait_dma2 semaphore(%run_scoped3A_154 : memref<!tpu.dma_semaphore, #tpu.memory_space<semaphore_mem>>) src(%dma_wait3A_178 : memref<128x128xf32, #tpu.memory_space<vmem>>) dst(%dma_wait3A_174 : memref<128x128xf32, #tpu.memory_space<hbm>>)
        tpu.yield
      }) : () -> ()
    } else {
    }
    return
  }
}

#map = affine_map<(d0, d1) -> (0, 0)>
#map1 = affine_map<(d0, d1) -> (0, 0, 0)>
module attributes {stable_mosaic.version = 14 : i64} {
  func.func @gather_kernel(%arg0: i32, %arg1: i32, %arg2: memref<100000x128xf32, #tpu.memory_space<hbm>>, %arg3: memref<640x1x128xi32, #tpu.memory_space<hbm>>, %arg4: memref<20x1x128xi32, #tpu.memory_space<hbm>>, %arg5: memref<81920x128xf32, #tpu.memory_space<hbm>>, %arg6: memref<2560x128xf32, #tpu.memory_space<hbm>>, %arg7: memref<20x1x128xi32, #tpu.memory_space<vmem>>, %arg8: memref<1x1x128xi32, #tpu.memory_space<vmem>>, %arg9: memref<4x128x128xf32, #tpu.memory_space<vmem>>, %arg10: memref<!tpu.dma_semaphore, #tpu.memory_space<semaphore_mem>>, %arg11: memref<!tpu.dma_semaphore, #tpu.memory_space<semaphore_mem>>, %arg12: memref<!tpu.dma_semaphore, #tpu.memory_space<semaphore_mem>>, %arg13: memref<!tpu.dma_semaphore, #tpu.memory_space<semaphore_mem>>, %arg14: memref<!tpu.dma_semaphore, #tpu.memory_space<semaphore_mem>>, %arg15: memref<!tpu.dma_semaphore, #tpu.memory_space<semaphore_mem>>, %arg16: memref<!tpu.dma_semaphore, #tpu.memory_space<semaphore_mem>>, %arg17: memref<!tpu.dma_semaphore, #tpu.memory_space<semaphore_mem>>) attributes {dimension_semantics = [#tpu.dimension_semantics<core_parallel>, #tpu.dimension_semantics<subcore_parallel>], iteration_bounds = array<i64: 2, 16>, scalar_prefetch = 0 : i64, scratch_operands = 11 : i64, tpu.core_type = #tpu.core_type<sc_vector_subcore>, window_params = [{transform_indices = #map}, {transform_indices = #map1}, {transform_indices = #map1}, {transform_indices = #map}, {transform_indices = #map}]} {
    %mul3A = arith.constant 2 : i32
    %mul3A_0 = arith.muli %arg1, %mul3A : i32
    %add3A = arith.addi %mul3A_0, %arg0 : i32
    %mul3A_1 = arith.constant 20 : i32
    %mul3A_2 = arith.muli %add3A, %mul3A_1 : i32
    %mul3A_3 = arith.constant 20 : i32
    %mul3A_4 = arith.muli %add3A, %mul3A_3 : i32
    %mul3A_5 = arith.constant 128 : i32
    %mul3A_6 = arith.muli %mul3A_4, %mul3A_5 : i32
    "tpu.region"() ({
      %run_scoped3A = tpu.sem_alloc : memref<!tpu.dma_semaphore, #tpu.memory_space<semaphore_mem>>
      %dma_start3A_126 = arith.constant 0 : i32
      %dma_start3A_127 = arith.constant 0 : i32
      %dma_start3A_128 = tpu.memref_slice %arg3[%mul3A_2, %dma_start3A_126, %dma_start3A_127] : memref<640x1x128xi32, #tpu.memory_space<hbm>> -> memref<20x1x128xi32, #tpu.memory_space<hbm>>
      %dma_start3A_129 = arith.constant 0 : i32
      %dma_start3A_130 = arith.constant 0 : i32
      %dma_start3A_131 = tpu.memref_slice %arg3[%mul3A_2, %dma_start3A_129, %dma_start3A_130] : memref<640x1x128xi32, #tpu.memory_space<hbm>> -> memref<20x1x128xi32, #tpu.memory_space<hbm>>
      tpu.enqueue_dma source(%dma_start3A_131 : memref<20x1x128xi32, #tpu.memory_space<hbm>>) target(%arg7 : memref<20x1x128xi32, #tpu.memory_space<vmem>>) target_semaphore(%run_scoped3A : memref<!tpu.dma_semaphore, #tpu.memory_space<semaphore_mem>>)
      %dma_wait3A_132 = arith.constant 0 : i32
      %dma_wait3A_133 = arith.constant 0 : i32
      %dma_wait3A_134 = tpu.memref_slice %arg3[%mul3A_2, %dma_wait3A_132, %dma_wait3A_133] : memref<640x1x128xi32, #tpu.memory_space<hbm>> -> memref<20x1x128xi32, #tpu.memory_space<hbm>>
      %dma_wait3A_135 = arith.constant 0 : i32
      %dma_wait3A_136 = arith.constant 0 : i32
      %dma_wait3A_137 = tpu.memref_slice %arg3[%mul3A_2, %dma_wait3A_135, %dma_wait3A_136] : memref<640x1x128xi32, #tpu.memory_space<hbm>> -> memref<20x1x128xi32, #tpu.memory_space<hbm>>
      tpu.wait_dma2 semaphore(%run_scoped3A : memref<!tpu.dma_semaphore, #tpu.memory_space<semaphore_mem>>) src(%dma_wait3A_137 : memref<20x1x128xi32, #tpu.memory_space<hbm>>) dst(%arg7 : memref<20x1x128xi32, #tpu.memory_space<vmem>>)
      tpu.yield
    }) : () -> ()
    %dma_start3A = arith.constant 0 : i32
    %dma_start3A_7 = arith.constant 0 : i32
    %dma_start3A_8 = arith.constant 0 : i32
    %dma_start3A_9 = arith.constant 0 : i32
    %dma_start3A_10 = arith.constant 0 : i32
    %dma_start3A_11 = tpu.memref_slice %arg9[%dma_start3A_8, %dma_start3A_9, %dma_start3A_10] : memref<4x128x128xf32, #tpu.memory_space<vmem>> -> memref<1x128x128xf32, #tpu.memory_space<vmem>>
    %dma_start3A_12 = tpu.memref_squeeze %dma_start3A_11 : memref<1x128x128xf32, #tpu.memory_space<vmem>> -> memref<128x128xf32, #tpu.memory_space<vmem>>
    %dma_start3A_13 = arith.constant 0 : i32
    %dma_start3A_14 = tpu.memref_slice %arg7[%dma_start3A, %dma_start3A_7, %dma_start3A_13] : memref<20x1x128xi32, #tpu.memory_space<vmem>> -> memref<1x1x128xi32, #tpu.memory_space<vmem>>
    %dma_start3A_15 = tpu.memref_squeeze %dma_start3A_14 : memref<1x1x128xi32, #tpu.memory_space<vmem>> -> memref<128xi32, #tpu.memory_space<vmem>>
    %dma_start3A_16 = arith.constant 0 : i32
    %dma_start3A_17 = arith.constant 0 : i32
    %dma_start3A_18 = tpu.memref_slice %arg2[%dma_start3A_16, %dma_start3A_17] : memref<100000x128xf32, #tpu.memory_space<hbm>> -> memref<100000x128xf32, #tpu.memory_space<hbm>>
    tpu.enqueue_indirect_dma source(%dma_start3A_18 : memref<100000x128xf32, #tpu.memory_space<hbm>>) target(%dma_start3A_12 : memref<128x128xf32, #tpu.memory_space<vmem>>) offsets(%dma_start3A_15 : memref<128xi32, #tpu.memory_space<vmem>>) semaphore(%arg10 : memref<!tpu.dma_semaphore, #tpu.memory_space<semaphore_mem>>)
    %dma_start3A_19 = arith.constant 1 : i32
    %dma_start3A_20 = arith.constant 0 : i32
    %dma_start3A_21 = arith.constant 1 : i32
    %dma_start3A_22 = arith.constant 0 : i32
    %dma_start3A_23 = arith.constant 0 : i32
    %dma_start3A_24 = tpu.memref_slice %arg9[%dma_start3A_21, %dma_start3A_22, %dma_start3A_23] : memref<4x128x128xf32, #tpu.memory_space<vmem>> -> memref<1x128x128xf32, #tpu.memory_space<vmem>>
    %dma_start3A_25 = tpu.memref_squeeze %dma_start3A_24 : memref<1x128x128xf32, #tpu.memory_space<vmem>> -> memref<128x128xf32, #tpu.memory_space<vmem>>
    %dma_start3A_26 = arith.constant 0 : i32
    %dma_start3A_27 = tpu.memref_slice %arg7[%dma_start3A_19, %dma_start3A_20, %dma_start3A_26] : memref<20x1x128xi32, #tpu.memory_space<vmem>> -> memref<1x1x128xi32, #tpu.memory_space<vmem>>
    %dma_start3A_28 = tpu.memref_squeeze %dma_start3A_27 : memref<1x1x128xi32, #tpu.memory_space<vmem>> -> memref<128xi32, #tpu.memory_space<vmem>>
    %dma_start3A_29 = arith.constant 0 : i32
    %dma_start3A_30 = arith.constant 0 : i32
    %dma_start3A_31 = tpu.memref_slice %arg2[%dma_start3A_29, %dma_start3A_30] : memref<100000x128xf32, #tpu.memory_space<hbm>> -> memref<100000x128xf32, #tpu.memory_space<hbm>>
    tpu.enqueue_indirect_dma source(%dma_start3A_31 : memref<100000x128xf32, #tpu.memory_space<hbm>>) target(%dma_start3A_25 : memref<128x128xf32, #tpu.memory_space<vmem>>) offsets(%dma_start3A_28 : memref<128xi32, #tpu.memory_space<vmem>>) semaphore(%arg11 : memref<!tpu.dma_semaphore, #tpu.memory_space<semaphore_mem>>)
    %dma_start3A_32 = arith.constant 2 : i32
    %dma_start3A_33 = arith.constant 0 : i32
    %dma_start3A_34 = arith.constant 2 : i32
    %dma_start3A_35 = arith.constant 0 : i32
    %dma_start3A_36 = arith.constant 0 : i32
    %dma_start3A_37 = tpu.memref_slice %arg9[%dma_start3A_34, %dma_start3A_35, %dma_start3A_36] : memref<4x128x128xf32, #tpu.memory_space<vmem>> -> memref<1x128x128xf32, #tpu.memory_space<vmem>>
    %dma_start3A_38 = tpu.memref_squeeze %dma_start3A_37 : memref<1x128x128xf32, #tpu.memory_space<vmem>> -> memref<128x128xf32, #tpu.memory_space<vmem>>
    %dma_start3A_39 = arith.constant 0 : i32
    %dma_start3A_40 = tpu.memref_slice %arg7[%dma_start3A_32, %dma_start3A_33, %dma_start3A_39] : memref<20x1x128xi32, #tpu.memory_space<vmem>> -> memref<1x1x128xi32, #tpu.memory_space<vmem>>
    %dma_start3A_41 = tpu.memref_squeeze %dma_start3A_40 : memref<1x1x128xi32, #tpu.memory_space<vmem>> -> memref<128xi32, #tpu.memory_space<vmem>>
    %dma_start3A_42 = arith.constant 0 : i32
    %dma_start3A_43 = arith.constant 0 : i32
    %dma_start3A_44 = tpu.memref_slice %arg2[%dma_start3A_42, %dma_start3A_43] : memref<100000x128xf32, #tpu.memory_space<hbm>> -> memref<100000x128xf32, #tpu.memory_space<hbm>>
    tpu.enqueue_indirect_dma source(%dma_start3A_44 : memref<100000x128xf32, #tpu.memory_space<hbm>>) target(%dma_start3A_38 : memref<128x128xf32, #tpu.memory_space<vmem>>) offsets(%dma_start3A_41 : memref<128xi32, #tpu.memory_space<vmem>>) semaphore(%arg12 : memref<!tpu.dma_semaphore, #tpu.memory_space<semaphore_mem>>)
    %dma_start3A_45 = arith.constant 3 : i32
    %dma_start3A_46 = arith.constant 0 : i32
    %dma_start3A_47 = arith.constant 3 : i32
    %dma_start3A_48 = arith.constant 0 : i32
    %dma_start3A_49 = arith.constant 0 : i32
    %dma_start3A_50 = tpu.memref_slice %arg9[%dma_start3A_47, %dma_start3A_48, %dma_start3A_49] : memref<4x128x128xf32, #tpu.memory_space<vmem>> -> memref<1x128x128xf32, #tpu.memory_space<vmem>>
    %dma_start3A_51 = tpu.memref_squeeze %dma_start3A_50 : memref<1x128x128xf32, #tpu.memory_space<vmem>> -> memref<128x128xf32, #tpu.memory_space<vmem>>
    %dma_start3A_52 = arith.constant 0 : i32
    %dma_start3A_53 = tpu.memref_slice %arg7[%dma_start3A_45, %dma_start3A_46, %dma_start3A_52] : memref<20x1x128xi32, #tpu.memory_space<vmem>> -> memref<1x1x128xi32, #tpu.memory_space<vmem>>
    %dma_start3A_54 = tpu.memref_squeeze %dma_start3A_53 : memref<1x1x128xi32, #tpu.memory_space<vmem>> -> memref<128xi32, #tpu.memory_space<vmem>>
    %dma_start3A_55 = arith.constant 0 : i32
    %dma_start3A_56 = arith.constant 0 : i32
    %dma_start3A_57 = tpu.memref_slice %arg2[%dma_start3A_55, %dma_start3A_56] : memref<100000x128xf32, #tpu.memory_space<hbm>> -> memref<100000x128xf32, #tpu.memory_space<hbm>>
    tpu.enqueue_indirect_dma source(%dma_start3A_57 : memref<100000x128xf32, #tpu.memory_space<hbm>>) target(%dma_start3A_51 : memref<128x128xf32, #tpu.memory_space<vmem>>) offsets(%dma_start3A_54 : memref<128xi32, #tpu.memory_space<vmem>>) semaphore(%arg13 : memref<!tpu.dma_semaphore, #tpu.memory_space<semaphore_mem>>)
    %scan3A = arith.constant 0 : i32
    %scan3A_58 = arith.constant 0 : i32
    %scan3A_59 = arith.constant 5 : i32
    %scan3A_60 = arith.addi %scan3A_58, %scan3A_59 : i32
    %scan3A_61 = arith.constant 1 : i32
    scf.for %scan3A_126 = %scan3A_58 to %scan3A_60 step %scan3A_61  : i32 {
      %mul3A_127 = arith.constant 4 : i32
      %mul3A_128 = arith.muli %scan3A_126, %mul3A_127 : i32
      %add3A_129 = arith.constant 0 : i32
      %add3A_130 = arith.addi %mul3A_128, %add3A_129 : i32
      %dma_wait3A_131 = arith.constant 0 : i32
      %dma_wait3A_132 = arith.constant 0 : i32
      %dma_wait3A_133 = arith.constant 0 : i32
      %dma_wait3A_134 = tpu.memref_slice %arg9[%dma_wait3A_131, %dma_wait3A_132, %dma_wait3A_133] : memref<4x128x128xf32, #tpu.memory_space<vmem>> -> memref<1x128x128xf32, #tpu.memory_space<vmem>>
      %dma_wait3A_135 = tpu.memref_squeeze %dma_wait3A_134 : memref<1x128x128xf32, #tpu.memory_space<vmem>> -> memref<128x128xf32, #tpu.memory_space<vmem>>
      %dma_wait3A_136 = arith.constant 0 : i32
      %dma_wait3A_137 = arith.constant 0 : i32
      %dma_wait3A_138 = tpu.memref_slice %arg2[%dma_wait3A_136, %dma_wait3A_137] : memref<100000x128xf32, #tpu.memory_space<hbm>> -> memref<128x128xf32, #tpu.memory_space<hbm>>
      %dma_wait3A_139 = arith.constant 0 : i32
      %dma_wait3A_140 = arith.constant 0 : i32
      %dma_wait3A_141 = tpu.memref_slice %arg9[%dma_wait3A_131, %dma_wait3A_139, %dma_wait3A_140] : memref<4x128x128xf32, #tpu.memory_space<vmem>> -> memref<1x128x128xf32, #tpu.memory_space<vmem>>
      %dma_wait3A_142 = tpu.memref_squeeze %dma_wait3A_141 : memref<1x128x128xf32, #tpu.memory_space<vmem>> -> memref<128x128xf32, #tpu.memory_space<vmem>>
      %dma_wait3A_143 = arith.constant 0 : i32
      %dma_wait3A_144 = arith.constant 0 : i32
      %dma_wait3A_145 = tpu.memref_slice %arg2[%dma_wait3A_143, %dma_wait3A_144] : memref<100000x128xf32, #tpu.memory_space<hbm>> -> memref<128x128xf32, #tpu.memory_space<hbm>>
      tpu.wait_dma2 semaphore(%arg10 : memref<!tpu.dma_semaphore, #tpu.memory_space<semaphore_mem>>) src(%dma_wait3A_145 : memref<128x128xf32, #tpu.memory_space<hbm>>) dst(%dma_wait3A_142 : memref<128x128xf32, #tpu.memory_space<vmem>>)
      %mul3A_146 = arith.constant 128 : i32
      %mul3A_147 = arith.muli %add3A_130, %mul3A_146 : i32
      %add3A_148 = arith.addi %mul3A_6, %mul3A_147 : i32
      %dma_start3A_149 = arith.constant 0 : i32
      %dma_start3A_150 = arith.constant 0 : i32
      %dma_start3A_151 = arith.constant 0 : i32
      %dma_start3A_152 = tpu.memref_slice %arg9[%dma_start3A_149, %dma_start3A_150, %dma_start3A_151] : memref<4x128x128xf32, #tpu.memory_space<vmem>> -> memref<1x128x128xf32, #tpu.memory_space<vmem>>
      %dma_start3A_153 = tpu.memref_squeeze %dma_start3A_152 : memref<1x128x128xf32, #tpu.memory_space<vmem>> -> memref<128x128xf32, #tpu.memory_space<vmem>>
      %dma_start3A_154 = arith.constant 0 : i32
      %dma_start3A_155 = tpu.memref_slice %arg5[%add3A_148, %dma_start3A_154] : memref<81920x128xf32, #tpu.memory_space<hbm>> -> memref<128x128xf32, #tpu.memory_space<hbm>>
      %dma_start3A_156 = arith.constant 0 : i32
      %dma_start3A_157 = tpu.memref_slice %arg5[%add3A_148, %dma_start3A_156] : memref<81920x128xf32, #tpu.memory_space<hbm>> -> memref<128x128xf32, #tpu.memory_space<hbm>>
      %dma_start3A_158 = arith.constant 0 : i32
      %dma_start3A_159 = arith.constant 0 : i32
      %dma_start3A_160 = tpu.memref_slice %arg9[%dma_start3A_149, %dma_start3A_158, %dma_start3A_159] : memref<4x128x128xf32, #tpu.memory_space<vmem>> -> memref<1x128x128xf32, #tpu.memory_space<vmem>>
      %dma_start3A_161 = tpu.memref_squeeze %dma_start3A_160 : memref<1x128x128xf32, #tpu.memory_space<vmem>> -> memref<128x128xf32, #tpu.memory_space<vmem>>
      tpu.enqueue_dma source(%dma_start3A_161 : memref<128x128xf32, #tpu.memory_space<vmem>>) target(%dma_start3A_157 : memref<128x128xf32, #tpu.memory_space<hbm>>) target_semaphore(%arg14 : memref<!tpu.dma_semaphore, #tpu.memory_space<semaphore_mem>>)
      %add3A_162 = arith.constant 4 : i32
      %add3A_163 = arith.addi %add3A_130, %add3A_162 : i32
      %lt3A_164 = arith.constant 20 : i32
      %lt3A_165 = arith.cmpi slt, %add3A_163, %lt3A_164 : i32
      %convert_element_type3A_166 = arith.extui %lt3A_165 : i1 to i32
      %cond3A_167 = arith.constant 0 : i32
      %cond3A_168 = arith.cmpi ne, %convert_element_type3A_166, %cond3A_167 : i32
      scf.if %cond3A_168 {
        %dma_wait3A_295 = arith.constant 0 : i32
        %dma_wait3A_296 = arith.constant 0 : i32
        %dma_wait3A_297 = arith.constant 0 : i32
        %dma_wait3A_298 = tpu.memref_slice %arg9[%dma_wait3A_295, %dma_wait3A_296, %dma_wait3A_297] : memref<4x128x128xf32, #tpu.memory_space<vmem>> -> memref<1x128x128xf32, #tpu.memory_space<vmem>>
        %dma_wait3A_299 = tpu.memref_squeeze %dma_wait3A_298 : memref<1x128x128xf32, #tpu.memory_space<vmem>> -> memref<128x128xf32, #tpu.memory_space<vmem>>
        %dma_wait3A_300 = arith.constant 0 : i32
        %dma_wait3A_301 = arith.constant 0 : i32
        %dma_wait3A_302 = tpu.memref_slice %arg5[%dma_wait3A_300, %dma_wait3A_301] : memref<81920x128xf32, #tpu.memory_space<hbm>> -> memref<128x128xf32, #tpu.memory_space<hbm>>
        %dma_wait3A_303 = arith.constant 0 : i32
        %dma_wait3A_304 = arith.constant 0 : i32
        %dma_wait3A_305 = tpu.memref_slice %arg5[%dma_wait3A_303, %dma_wait3A_304] : memref<81920x128xf32, #tpu.memory_space<hbm>> -> memref<128x128xf32, #tpu.memory_space<hbm>>
        %dma_wait3A_306 = arith.constant 0 : i32
        %dma_wait3A_307 = arith.constant 0 : i32
        %dma_wait3A_308 = tpu.memref_slice %arg9[%dma_wait3A_295, %dma_wait3A_306, %dma_wait3A_307] : memref<4x128x128xf32, #tpu.memory_space<vmem>> -> memref<1x128x128xf32, #tpu.memory_space<vmem>>
        %dma_wait3A_309 = tpu.memref_squeeze %dma_wait3A_308 : memref<1x128x128xf32, #tpu.memory_space<vmem>> -> memref<128x128xf32, #tpu.memory_space<vmem>>
        tpu.wait_dma2 semaphore(%arg14 : memref<!tpu.dma_semaphore, #tpu.memory_space<semaphore_mem>>) src(%dma_wait3A_309 : memref<128x128xf32, #tpu.memory_space<vmem>>) dst(%dma_wait3A_305 : memref<128x128xf32, #tpu.memory_space<hbm>>)
        %add3A_310 = arith.constant 4 : i32
        %add3A_311 = arith.addi %add3A_130, %add3A_310 : i32
        %dma_start3A_312 = arith.constant 0 : i32
        %dma_start3A_313 = arith.constant 0 : i32
        %dma_start3A_314 = arith.constant 0 : i32
        %dma_start3A_315 = arith.constant 0 : i32
        %dma_start3A_316 = tpu.memref_slice %arg9[%dma_start3A_313, %dma_start3A_314, %dma_start3A_315] : memref<4x128x128xf32, #tpu.memory_space<vmem>> -> memref<1x128x128xf32, #tpu.memory_space<vmem>>
        %dma_start3A_317 = tpu.memref_squeeze %dma_start3A_316 : memref<1x128x128xf32, #tpu.memory_space<vmem>> -> memref<128x128xf32, #tpu.memory_space<vmem>>
        %dma_start3A_318 = arith.constant 0 : i32
        %dma_start3A_319 = tpu.memref_slice %arg7[%add3A_311, %dma_start3A_312, %dma_start3A_318] : memref<20x1x128xi32, #tpu.memory_space<vmem>> -> memref<1x1x128xi32, #tpu.memory_space<vmem>>
        %dma_start3A_320 = tpu.memref_squeeze %dma_start3A_319 : memref<1x1x128xi32, #tpu.memory_space<vmem>> -> memref<128xi32, #tpu.memory_space<vmem>>
        %dma_start3A_321 = arith.constant 0 : i32
        %dma_start3A_322 = arith.constant 0 : i32
        %dma_start3A_323 = tpu.memref_slice %arg2[%dma_start3A_321, %dma_start3A_322] : memref<100000x128xf32, #tpu.memory_space<hbm>> -> memref<100000x128xf32, #tpu.memory_space<hbm>>
        tpu.enqueue_indirect_dma source(%dma_start3A_323 : memref<100000x128xf32, #tpu.memory_space<hbm>>) target(%dma_start3A_317 : memref<128x128xf32, #tpu.memory_space<vmem>>) offsets(%dma_start3A_320 : memref<128xi32, #tpu.memory_space<vmem>>) semaphore(%arg10 : memref<!tpu.dma_semaphore, #tpu.memory_space<semaphore_mem>>)
      } else {
      }
      %mul3A_169 = arith.constant 4 : i32
      %mul3A_170 = arith.muli %scan3A_126, %mul3A_169 : i32
      %add3A_171 = arith.constant 1 : i32
      %add3A_172 = arith.addi %mul3A_170, %add3A_171 : i32
      %dma_wait3A_173 = arith.constant 1 : i32
      %dma_wait3A_174 = arith.constant 0 : i32
      %dma_wait3A_175 = arith.constant 0 : i32
      %dma_wait3A_176 = tpu.memref_slice %arg9[%dma_wait3A_173, %dma_wait3A_174, %dma_wait3A_175] : memref<4x128x128xf32, #tpu.memory_space<vmem>> -> memref<1x128x128xf32, #tpu.memory_space<vmem>>
      %dma_wait3A_177 = tpu.memref_squeeze %dma_wait3A_176 : memref<1x128x128xf32, #tpu.memory_space<vmem>> -> memref<128x128xf32, #tpu.memory_space<vmem>>
      %dma_wait3A_178 = arith.constant 0 : i32
      %dma_wait3A_179 = arith.constant 0 : i32
      %dma_wait3A_180 = tpu.memref_slice %arg2[%dma_wait3A_178, %dma_wait3A_179] : memref<100000x128xf32, #tpu.memory_space<hbm>> -> memref<128x128xf32, #tpu.memory_space<hbm>>
      %dma_wait3A_181 = arith.constant 0 : i32
      %dma_wait3A_182 = arith.constant 0 : i32
      %dma_wait3A_183 = tpu.memref_slice %arg9[%dma_wait3A_173, %dma_wait3A_181, %dma_wait3A_182] : memref<4x128x128xf32, #tpu.memory_space<vmem>> -> memref<1x128x128xf32, #tpu.memory_space<vmem>>
      %dma_wait3A_184 = tpu.memref_squeeze %dma_wait3A_183 : memref<1x128x128xf32, #tpu.memory_space<vmem>> -> memref<128x128xf32, #tpu.memory_space<vmem>>
      %dma_wait3A_185 = arith.constant 0 : i32
      %dma_wait3A_186 = arith.constant 0 : i32
      %dma_wait3A_187 = tpu.memref_slice %arg2[%dma_wait3A_185, %dma_wait3A_186] : memref<100000x128xf32, #tpu.memory_space<hbm>> -> memref<128x128xf32, #tpu.memory_space<hbm>>
      tpu.wait_dma2 semaphore(%arg11 : memref<!tpu.dma_semaphore, #tpu.memory_space<semaphore_mem>>) src(%dma_wait3A_187 : memref<128x128xf32, #tpu.memory_space<hbm>>) dst(%dma_wait3A_184 : memref<128x128xf32, #tpu.memory_space<vmem>>)
      %mul3A_188 = arith.constant 128 : i32
      %mul3A_189 = arith.muli %add3A_172, %mul3A_188 : i32
      %add3A_190 = arith.addi %mul3A_6, %mul3A_189 : i32
      %dma_start3A_191 = arith.constant 1 : i32
      %dma_start3A_192 = arith.constant 0 : i32
      %dma_start3A_193 = arith.constant 0 : i32
      %dma_start3A_194 = tpu.memref_slice %arg9[%dma_start3A_191, %dma_start3A_192, %dma_start3A_193] : memref<4x128x128xf32, #tpu.memory_space<vmem>> -> memref<1x128x128xf32, #tpu.memory_space<vmem>>
      %dma_start3A_195 = tpu.memref_squeeze %dma_start3A_194 : memref<1x128x128xf32, #tpu.memory_space<vmem>> -> memref<128x128xf32, #tpu.memory_space<vmem>>
      %dma_start3A_196 = arith.constant 0 : i32
      %dma_start3A_197 = tpu.memref_slice %arg5[%add3A_190, %dma_start3A_196] : memref<81920x128xf32, #tpu.memory_space<hbm>> -> memref<128x128xf32, #tpu.memory_space<hbm>>
      %dma_start3A_198 = arith.constant 0 : i32
      %dma_start3A_199 = tpu.memref_slice %arg5[%add3A_190, %dma_start3A_198] : memref<81920x128xf32, #tpu.memory_space<hbm>> -> memref<128x128xf32, #tpu.memory_space<hbm>>
      %dma_start3A_200 = arith.constant 0 : i32
      %dma_start3A_201 = arith.constant 0 : i32
      %dma_start3A_202 = tpu.memref_slice %arg9[%dma_start3A_191, %dma_start3A_200, %dma_start3A_201] : memref<4x128x128xf32, #tpu.memory_space<vmem>> -> memref<1x128x128xf32, #tpu.memory_space<vmem>>
      %dma_start3A_203 = tpu.memref_squeeze %dma_start3A_202 : memref<1x128x128xf32, #tpu.memory_space<vmem>> -> memref<128x128xf32, #tpu.memory_space<vmem>>
      tpu.enqueue_dma source(%dma_start3A_203 : memref<128x128xf32, #tpu.memory_space<vmem>>) target(%dma_start3A_199 : memref<128x128xf32, #tpu.memory_space<hbm>>) target_semaphore(%arg15 : memref<!tpu.dma_semaphore, #tpu.memory_space<semaphore_mem>>)
      %add3A_204 = arith.constant 4 : i32
      %add3A_205 = arith.addi %add3A_172, %add3A_204 : i32
      %lt3A_206 = arith.constant 20 : i32
      %lt3A_207 = arith.cmpi slt, %add3A_205, %lt3A_206 : i32
      %convert_element_type3A_208 = arith.extui %lt3A_207 : i1 to i32
      %cond3A_209 = arith.constant 0 : i32
      %cond3A_210 = arith.cmpi ne, %convert_element_type3A_208, %cond3A_209 : i32
      scf.if %cond3A_210 {
        %dma_wait3A_295 = arith.constant 1 : i32
        %dma_wait3A_296 = arith.constant 0 : i32
        %dma_wait3A_297 = arith.constant 0 : i32
        %dma_wait3A_298 = tpu.memref_slice %arg9[%dma_wait3A_295, %dma_wait3A_296, %dma_wait3A_297] : memref<4x128x128xf32, #tpu.memory_space<vmem>> -> memref<1x128x128xf32, #tpu.memory_space<vmem>>
        %dma_wait3A_299 = tpu.memref_squeeze %dma_wait3A_298 : memref<1x128x128xf32, #tpu.memory_space<vmem>> -> memref<128x128xf32, #tpu.memory_space<vmem>>
        %dma_wait3A_300 = arith.constant 0 : i32
        %dma_wait3A_301 = arith.constant 0 : i32
        %dma_wait3A_302 = tpu.memref_slice %arg5[%dma_wait3A_300, %dma_wait3A_301] : memref<81920x128xf32, #tpu.memory_space<hbm>> -> memref<128x128xf32, #tpu.memory_space<hbm>>
        %dma_wait3A_303 = arith.constant 0 : i32
        %dma_wait3A_304 = arith.constant 0 : i32
        %dma_wait3A_305 = tpu.memref_slice %arg5[%dma_wait3A_303, %dma_wait3A_304] : memref<81920x128xf32, #tpu.memory_space<hbm>> -> memref<128x128xf32, #tpu.memory_space<hbm>>
        %dma_wait3A_306 = arith.constant 0 : i32
        %dma_wait3A_307 = arith.constant 0 : i32
        %dma_wait3A_308 = tpu.memref_slice %arg9[%dma_wait3A_295, %dma_wait3A_306, %dma_wait3A_307] : memref<4x128x128xf32, #tpu.memory_space<vmem>> -> memref<1x128x128xf32, #tpu.memory_space<vmem>>
        %dma_wait3A_309 = tpu.memref_squeeze %dma_wait3A_308 : memref<1x128x128xf32, #tpu.memory_space<vmem>> -> memref<128x128xf32, #tpu.memory_space<vmem>>
        tpu.wait_dma2 semaphore(%arg15 : memref<!tpu.dma_semaphore, #tpu.memory_space<semaphore_mem>>) src(%dma_wait3A_309 : memref<128x128xf32, #tpu.memory_space<vmem>>) dst(%dma_wait3A_305 : memref<128x128xf32, #tpu.memory_space<hbm>>)
        %add3A_310 = arith.constant 4 : i32
        %add3A_311 = arith.addi %add3A_172, %add3A_310 : i32
        %dma_start3A_312 = arith.constant 0 : i32
        %dma_start3A_313 = arith.constant 1 : i32
        %dma_start3A_314 = arith.constant 0 : i32
        %dma_start3A_315 = arith.constant 0 : i32
        %dma_start3A_316 = tpu.memref_slice %arg9[%dma_start3A_313, %dma_start3A_314, %dma_start3A_315] : memref<4x128x128xf32, #tpu.memory_space<vmem>> -> memref<1x128x128xf32, #tpu.memory_space<vmem>>
        %dma_start3A_317 = tpu.memref_squeeze %dma_start3A_316 : memref<1x128x128xf32, #tpu.memory_space<vmem>> -> memref<128x128xf32, #tpu.memory_space<vmem>>
        %dma_start3A_318 = arith.constant 0 : i32
        %dma_start3A_319 = tpu.memref_slice %arg7[%add3A_311, %dma_start3A_312, %dma_start3A_318] : memref<20x1x128xi32, #tpu.memory_space<vmem>> -> memref<1x1x128xi32, #tpu.memory_space<vmem>>
        %dma_start3A_320 = tpu.memref_squeeze %dma_start3A_319 : memref<1x1x128xi32, #tpu.memory_space<vmem>> -> memref<128xi32, #tpu.memory_space<vmem>>
        %dma_start3A_321 = arith.constant 0 : i32
        %dma_start3A_322 = arith.constant 0 : i32
        %dma_start3A_323 = tpu.memref_slice %arg2[%dma_start3A_321, %dma_start3A_322] : memref<100000x128xf32, #tpu.memory_space<hbm>> -> memref<100000x128xf32, #tpu.memory_space<hbm>>
        tpu.enqueue_indirect_dma source(%dma_start3A_323 : memref<100000x128xf32, #tpu.memory_space<hbm>>) target(%dma_start3A_317 : memref<128x128xf32, #tpu.memory_space<vmem>>) offsets(%dma_start3A_320 : memref<128xi32, #tpu.memory_space<vmem>>) semaphore(%arg11 : memref<!tpu.dma_semaphore, #tpu.memory_space<semaphore_mem>>)
      } else {
      }
      %mul3A_211 = arith.constant 4 : i32
      %mul3A_212 = arith.muli %scan3A_126, %mul3A_211 : i32
      %add3A_213 = arith.constant 2 : i32
      %add3A_214 = arith.addi %mul3A_212, %add3A_213 : i32
      %dma_wait3A_215 = arith.constant 2 : i32
      %dma_wait3A_216 = arith.constant 0 : i32
      %dma_wait3A_217 = arith.constant 0 : i32
      %dma_wait3A_218 = tpu.memref_slice %arg9[%dma_wait3A_215, %dma_wait3A_216, %dma_wait3A_217] : memref<4x128x128xf32, #tpu.memory_space<vmem>> -> memref<1x128x128xf32, #tpu.memory_space<vmem>>
      %dma_wait3A_219 = tpu.memref_squeeze %dma_wait3A_218 : memref<1x128x128xf32, #tpu.memory_space<vmem>> -> memref<128x128xf32, #tpu.memory_space<vmem>>
      %dma_wait3A_220 = arith.constant 0 : i32
      %dma_wait3A_221 = arith.constant 0 : i32
      %dma_wait3A_222 = tpu.memref_slice %arg2[%dma_wait3A_220, %dma_wait3A_221] : memref<100000x128xf32, #tpu.memory_space<hbm>> -> memref<128x128xf32, #tpu.memory_space<hbm>>
      %dma_wait3A_223 = arith.constant 0 : i32
      %dma_wait3A_224 = arith.constant 0 : i32
      %dma_wait3A_225 = tpu.memref_slice %arg9[%dma_wait3A_215, %dma_wait3A_223, %dma_wait3A_224] : memref<4x128x128xf32, #tpu.memory_space<vmem>> -> memref<1x128x128xf32, #tpu.memory_space<vmem>>
      %dma_wait3A_226 = tpu.memref_squeeze %dma_wait3A_225 : memref<1x128x128xf32, #tpu.memory_space<vmem>> -> memref<128x128xf32, #tpu.memory_space<vmem>>
      %dma_wait3A_227 = arith.constant 0 : i32
      %dma_wait3A_228 = arith.constant 0 : i32
      %dma_wait3A_229 = tpu.memref_slice %arg2[%dma_wait3A_227, %dma_wait3A_228] : memref<100000x128xf32, #tpu.memory_space<hbm>> -> memref<128x128xf32, #tpu.memory_space<hbm>>
      tpu.wait_dma2 semaphore(%arg12 : memref<!tpu.dma_semaphore, #tpu.memory_space<semaphore_mem>>) src(%dma_wait3A_229 : memref<128x128xf32, #tpu.memory_space<hbm>>) dst(%dma_wait3A_226 : memref<128x128xf32, #tpu.memory_space<vmem>>)
      %mul3A_230 = arith.constant 128 : i32
      %mul3A_231 = arith.muli %add3A_214, %mul3A_230 : i32
      %add3A_232 = arith.addi %mul3A_6, %mul3A_231 : i32
      %dma_start3A_233 = arith.constant 2 : i32
      %dma_start3A_234 = arith.constant 0 : i32
      %dma_start3A_235 = arith.constant 0 : i32
      %dma_start3A_236 = tpu.memref_slice %arg9[%dma_start3A_233, %dma_start3A_234, %dma_start3A_235] : memref<4x128x128xf32, #tpu.memory_space<vmem>> -> memref<1x128x128xf32, #tpu.memory_space<vmem>>
      %dma_start3A_237 = tpu.memref_squeeze %dma_start3A_236 : memref<1x128x128xf32, #tpu.memory_space<vmem>> -> memref<128x128xf32, #tpu.memory_space<vmem>>
      %dma_start3A_238 = arith.constant 0 : i32
      %dma_start3A_239 = tpu.memref_slice %arg5[%add3A_232, %dma_start3A_238] : memref<81920x128xf32, #tpu.memory_space<hbm>> -> memref<128x128xf32, #tpu.memory_space<hbm>>
      %dma_start3A_240 = arith.constant 0 : i32
      %dma_start3A_241 = tpu.memref_slice %arg5[%add3A_232, %dma_start3A_240] : memref<81920x128xf32, #tpu.memory_space<hbm>> -> memref<128x128xf32, #tpu.memory_space<hbm>>
      %dma_start3A_242 = arith.constant 0 : i32
      %dma_start3A_243 = arith.constant 0 : i32
      %dma_start3A_244 = tpu.memref_slice %arg9[%dma_start3A_233, %dma_start3A_242, %dma_start3A_243] : memref<4x128x128xf32, #tpu.memory_space<vmem>> -> memref<1x128x128xf32, #tpu.memory_space<vmem>>
      %dma_start3A_245 = tpu.memref_squeeze %dma_start3A_244 : memref<1x128x128xf32, #tpu.memory_space<vmem>> -> memref<128x128xf32, #tpu.memory_space<vmem>>
      tpu.enqueue_dma source(%dma_start3A_245 : memref<128x128xf32, #tpu.memory_space<vmem>>) target(%dma_start3A_241 : memref<128x128xf32, #tpu.memory_space<hbm>>) target_semaphore(%arg16 : memref<!tpu.dma_semaphore, #tpu.memory_space<semaphore_mem>>)
      %add3A_246 = arith.constant 4 : i32
      %add3A_247 = arith.addi %add3A_214, %add3A_246 : i32
      %lt3A_248 = arith.constant 20 : i32
      %lt3A_249 = arith.cmpi slt, %add3A_247, %lt3A_248 : i32
      %convert_element_type3A_250 = arith.extui %lt3A_249 : i1 to i32
      %cond3A_251 = arith.constant 0 : i32
      %cond3A_252 = arith.cmpi ne, %convert_element_type3A_250, %cond3A_251 : i32
      scf.if %cond3A_252 {
        %dma_wait3A_295 = arith.constant 2 : i32
        %dma_wait3A_296 = arith.constant 0 : i32
        %dma_wait3A_297 = arith.constant 0 : i32
        %dma_wait3A_298 = tpu.memref_slice %arg9[%dma_wait3A_295, %dma_wait3A_296, %dma_wait3A_297] : memref<4x128x128xf32, #tpu.memory_space<vmem>> -> memref<1x128x128xf32, #tpu.memory_space<vmem>>
        %dma_wait3A_299 = tpu.memref_squeeze %dma_wait3A_298 : memref<1x128x128xf32, #tpu.memory_space<vmem>> -> memref<128x128xf32, #tpu.memory_space<vmem>>
        %dma_wait3A_300 = arith.constant 0 : i32
        %dma_wait3A_301 = arith.constant 0 : i32
        %dma_wait3A_302 = tpu.memref_slice %arg5[%dma_wait3A_300, %dma_wait3A_301] : memref<81920x128xf32, #tpu.memory_space<hbm>> -> memref<128x128xf32, #tpu.memory_space<hbm>>
        %dma_wait3A_303 = arith.constant 0 : i32
        %dma_wait3A_304 = arith.constant 0 : i32
        %dma_wait3A_305 = tpu.memref_slice %arg5[%dma_wait3A_303, %dma_wait3A_304] : memref<81920x128xf32, #tpu.memory_space<hbm>> -> memref<128x128xf32, #tpu.memory_space<hbm>>
        %dma_wait3A_306 = arith.constant 0 : i32
        %dma_wait3A_307 = arith.constant 0 : i32
        %dma_wait3A_308 = tpu.memref_slice %arg9[%dma_wait3A_295, %dma_wait3A_306, %dma_wait3A_307] : memref<4x128x128xf32, #tpu.memory_space<vmem>> -> memref<1x128x128xf32, #tpu.memory_space<vmem>>
        %dma_wait3A_309 = tpu.memref_squeeze %dma_wait3A_308 : memref<1x128x128xf32, #tpu.memory_space<vmem>> -> memref<128x128xf32, #tpu.memory_space<vmem>>
        tpu.wait_dma2 semaphore(%arg16 : memref<!tpu.dma_semaphore, #tpu.memory_space<semaphore_mem>>) src(%dma_wait3A_309 : memref<128x128xf32, #tpu.memory_space<vmem>>) dst(%dma_wait3A_305 : memref<128x128xf32, #tpu.memory_space<hbm>>)
        %add3A_310 = arith.constant 4 : i32
        %add3A_311 = arith.addi %add3A_214, %add3A_310 : i32
        %dma_start3A_312 = arith.constant 0 : i32
        %dma_start3A_313 = arith.constant 2 : i32
        %dma_start3A_314 = arith.constant 0 : i32
        %dma_start3A_315 = arith.constant 0 : i32
        %dma_start3A_316 = tpu.memref_slice %arg9[%dma_start3A_313, %dma_start3A_314, %dma_start3A_315] : memref<4x128x128xf32, #tpu.memory_space<vmem>> -> memref<1x128x128xf32, #tpu.memory_space<vmem>>
        %dma_start3A_317 = tpu.memref_squeeze %dma_start3A_316 : memref<1x128x128xf32, #tpu.memory_space<vmem>> -> memref<128x128xf32, #tpu.memory_space<vmem>>
        %dma_start3A_318 = arith.constant 0 : i32
        %dma_start3A_319 = tpu.memref_slice %arg7[%add3A_311, %dma_start3A_312, %dma_start3A_318] : memref<20x1x128xi32, #tpu.memory_space<vmem>> -> memref<1x1x128xi32, #tpu.memory_space<vmem>>
        %dma_start3A_320 = tpu.memref_squeeze %dma_start3A_319 : memref<1x1x128xi32, #tpu.memory_space<vmem>> -> memref<128xi32, #tpu.memory_space<vmem>>
        %dma_start3A_321 = arith.constant 0 : i32
        %dma_start3A_322 = arith.constant 0 : i32
        %dma_start3A_323 = tpu.memref_slice %arg2[%dma_start3A_321, %dma_start3A_322] : memref<100000x128xf32, #tpu.memory_space<hbm>> -> memref<100000x128xf32, #tpu.memory_space<hbm>>
        tpu.enqueue_indirect_dma source(%dma_start3A_323 : memref<100000x128xf32, #tpu.memory_space<hbm>>) target(%dma_start3A_317 : memref<128x128xf32, #tpu.memory_space<vmem>>) offsets(%dma_start3A_320 : memref<128xi32, #tpu.memory_space<vmem>>) semaphore(%arg12 : memref<!tpu.dma_semaphore, #tpu.memory_space<semaphore_mem>>)
      } else {
      }
      %mul3A_253 = arith.constant 4 : i32
      %mul3A_254 = arith.muli %scan3A_126, %mul3A_253 : i32
      %add3A_255 = arith.constant 3 : i32
      %add3A_256 = arith.addi %mul3A_254, %add3A_255 : i32
      %dma_wait3A_257 = arith.constant 3 : i32
      %dma_wait3A_258 = arith.constant 0 : i32
      %dma_wait3A_259 = arith.constant 0 : i32
      %dma_wait3A_260 = tpu.memref_slice %arg9[%dma_wait3A_257, %dma_wait3A_258, %dma_wait3A_259] : memref<4x128x128xf32, #tpu.memory_space<vmem>> -> memref<1x128x128xf32, #tpu.memory_space<vmem>>
      %dma_wait3A_261 = tpu.memref_squeeze %dma_wait3A_260 : memref<1x128x128xf32, #tpu.memory_space<vmem>> -> memref<128x128xf32, #tpu.memory_space<vmem>>
      %dma_wait3A_262 = arith.constant 0 : i32
      %dma_wait3A_263 = arith.constant 0 : i32
      %dma_wait3A_264 = tpu.memref_slice %arg2[%dma_wait3A_262, %dma_wait3A_263] : memref<100000x128xf32, #tpu.memory_space<hbm>> -> memref<128x128xf32, #tpu.memory_space<hbm>>
      %dma_wait3A_265 = arith.constant 0 : i32
      %dma_wait3A_266 = arith.constant 0 : i32
      %dma_wait3A_267 = tpu.memref_slice %arg9[%dma_wait3A_257, %dma_wait3A_265, %dma_wait3A_266] : memref<4x128x128xf32, #tpu.memory_space<vmem>> -> memref<1x128x128xf32, #tpu.memory_space<vmem>>
      %dma_wait3A_268 = tpu.memref_squeeze %dma_wait3A_267 : memref<1x128x128xf32, #tpu.memory_space<vmem>> -> memref<128x128xf32, #tpu.memory_space<vmem>>
      %dma_wait3A_269 = arith.constant 0 : i32
      %dma_wait3A_270 = arith.constant 0 : i32
      %dma_wait3A_271 = tpu.memref_slice %arg2[%dma_wait3A_269, %dma_wait3A_270] : memref<100000x128xf32, #tpu.memory_space<hbm>> -> memref<128x128xf32, #tpu.memory_space<hbm>>
      tpu.wait_dma2 semaphore(%arg13 : memref<!tpu.dma_semaphore, #tpu.memory_space<semaphore_mem>>) src(%dma_wait3A_271 : memref<128x128xf32, #tpu.memory_space<hbm>>) dst(%dma_wait3A_268 : memref<128x128xf32, #tpu.memory_space<vmem>>)
      %mul3A_272 = arith.constant 128 : i32
      %mul3A_273 = arith.muli %add3A_256, %mul3A_272 : i32
      %add3A_274 = arith.addi %mul3A_6, %mul3A_273 : i32
      %dma_start3A_275 = arith.constant 3 : i32
      %dma_start3A_276 = arith.constant 0 : i32
      %dma_start3A_277 = arith.constant 0 : i32
      %dma_start3A_278 = tpu.memref_slice %arg9[%dma_start3A_275, %dma_start3A_276, %dma_start3A_277] : memref<4x128x128xf32, #tpu.memory_space<vmem>> -> memref<1x128x128xf32, #tpu.memory_space<vmem>>
      %dma_start3A_279 = tpu.memref_squeeze %dma_start3A_278 : memref<1x128x128xf32, #tpu.memory_space<vmem>> -> memref<128x128xf32, #tpu.memory_space<vmem>>
      %dma_start3A_280 = arith.constant 0 : i32
      %dma_start3A_281 = tpu.memref_slice %arg5[%add3A_274, %dma_start3A_280] : memref<81920x128xf32, #tpu.memory_space<hbm>> -> memref<128x128xf32, #tpu.memory_space<hbm>>
      %dma_start3A_282 = arith.constant 0 : i32
      %dma_start3A_283 = tpu.memref_slice %arg5[%add3A_274, %dma_start3A_282] : memref<81920x128xf32, #tpu.memory_space<hbm>> -> memref<128x128xf32, #tpu.memory_space<hbm>>
      %dma_start3A_284 = arith.constant 0 : i32
      %dma_start3A_285 = arith.constant 0 : i32
      %dma_start3A_286 = tpu.memref_slice %arg9[%dma_start3A_275, %dma_start3A_284, %dma_start3A_285] : memref<4x128x128xf32, #tpu.memory_space<vmem>> -> memref<1x128x128xf32, #tpu.memory_space<vmem>>
      %dma_start3A_287 = tpu.memref_squeeze %dma_start3A_286 : memref<1x128x128xf32, #tpu.memory_space<vmem>> -> memref<128x128xf32, #tpu.memory_space<vmem>>
      tpu.enqueue_dma source(%dma_start3A_287 : memref<128x128xf32, #tpu.memory_space<vmem>>) target(%dma_start3A_283 : memref<128x128xf32, #tpu.memory_space<hbm>>) target_semaphore(%arg17 : memref<!tpu.dma_semaphore, #tpu.memory_space<semaphore_mem>>)
      %add3A_288 = arith.constant 4 : i32
      %add3A_289 = arith.addi %add3A_256, %add3A_288 : i32
      %lt3A_290 = arith.constant 20 : i32
      %lt3A_291 = arith.cmpi slt, %add3A_289, %lt3A_290 : i32
      %convert_element_type3A_292 = arith.extui %lt3A_291 : i1 to i32
      %cond3A_293 = arith.constant 0 : i32
      %cond3A_294 = arith.cmpi ne, %convert_element_type3A_292, %cond3A_293 : i32
      scf.if %cond3A_294 {
        %dma_wait3A_295 = arith.constant 3 : i32
        %dma_wait3A_296 = arith.constant 0 : i32
        %dma_wait3A_297 = arith.constant 0 : i32
        %dma_wait3A_298 = tpu.memref_slice %arg9[%dma_wait3A_295, %dma_wait3A_296, %dma_wait3A_297] : memref<4x128x128xf32, #tpu.memory_space<vmem>> -> memref<1x128x128xf32, #tpu.memory_space<vmem>>
        %dma_wait3A_299 = tpu.memref_squeeze %dma_wait3A_298 : memref<1x128x128xf32, #tpu.memory_space<vmem>> -> memref<128x128xf32, #tpu.memory_space<vmem>>
        %dma_wait3A_300 = arith.constant 0 : i32
        %dma_wait3A_301 = arith.constant 0 : i32
        %dma_wait3A_302 = tpu.memref_slice %arg5[%dma_wait3A_300, %dma_wait3A_301] : memref<81920x128xf32, #tpu.memory_space<hbm>> -> memref<128x128xf32, #tpu.memory_space<hbm>>
        %dma_wait3A_303 = arith.constant 0 : i32
        %dma_wait3A_304 = arith.constant 0 : i32
        %dma_wait3A_305 = tpu.memref_slice %arg5[%dma_wait3A_303, %dma_wait3A_304] : memref<81920x128xf32, #tpu.memory_space<hbm>> -> memref<128x128xf32, #tpu.memory_space<hbm>>
        %dma_wait3A_306 = arith.constant 0 : i32
        %dma_wait3A_307 = arith.constant 0 : i32
        %dma_wait3A_308 = tpu.memref_slice %arg9[%dma_wait3A_295, %dma_wait3A_306, %dma_wait3A_307] : memref<4x128x128xf32, #tpu.memory_space<vmem>> -> memref<1x128x128xf32, #tpu.memory_space<vmem>>
        %dma_wait3A_309 = tpu.memref_squeeze %dma_wait3A_308 : memref<1x128x128xf32, #tpu.memory_space<vmem>> -> memref<128x128xf32, #tpu.memory_space<vmem>>
        tpu.wait_dma2 semaphore(%arg17 : memref<!tpu.dma_semaphore, #tpu.memory_space<semaphore_mem>>) src(%dma_wait3A_309 : memref<128x128xf32, #tpu.memory_space<vmem>>) dst(%dma_wait3A_305 : memref<128x128xf32, #tpu.memory_space<hbm>>)
        %add3A_310 = arith.constant 4 : i32
        %add3A_311 = arith.addi %add3A_256, %add3A_310 : i32
        %dma_start3A_312 = arith.constant 0 : i32
        %dma_start3A_313 = arith.constant 3 : i32
        %dma_start3A_314 = arith.constant 0 : i32
        %dma_start3A_315 = arith.constant 0 : i32
        %dma_start3A_316 = tpu.memref_slice %arg9[%dma_start3A_313, %dma_start3A_314, %dma_start3A_315] : memref<4x128x128xf32, #tpu.memory_space<vmem>> -> memref<1x128x128xf32, #tpu.memory_space<vmem>>
        %dma_start3A_317 = tpu.memref_squeeze %dma_start3A_316 : memref<1x128x128xf32, #tpu.memory_space<vmem>> -> memref<128x128xf32, #tpu.memory_space<vmem>>
        %dma_start3A_318 = arith.constant 0 : i32
        %dma_start3A_319 = tpu.memref_slice %arg7[%add3A_311, %dma_start3A_312, %dma_start3A_318] : memref<20x1x128xi32, #tpu.memory_space<vmem>> -> memref<1x1x128xi32, #tpu.memory_space<vmem>>
        %dma_start3A_320 = tpu.memref_squeeze %dma_start3A_319 : memref<1x1x128xi32, #tpu.memory_space<vmem>> -> memref<128xi32, #tpu.memory_space<vmem>>
        %dma_start3A_321 = arith.constant 0 : i32
        %dma_start3A_322 = arith.constant 0 : i32
        %dma_start3A_323 = tpu.memref_slice %arg2[%dma_start3A_321, %dma_start3A_322] : memref<100000x128xf32, #tpu.memory_space<hbm>> -> memref<100000x128xf32, #tpu.memory_space<hbm>>
        tpu.enqueue_indirect_dma source(%dma_start3A_323 : memref<100000x128xf32, #tpu.memory_space<hbm>>) target(%dma_start3A_317 : memref<128x128xf32, #tpu.memory_space<vmem>>) offsets(%dma_start3A_320 : memref<128xi32, #tpu.memory_space<vmem>>) semaphore(%arg13 : memref<!tpu.dma_semaphore, #tpu.memory_space<semaphore_mem>>)
      } else {
      }
    }
    %scan3A_62 = arith.constant 5 : i32
    %dma_wait3A = arith.constant 0 : i32
    %dma_wait3A_63 = arith.constant 0 : i32
    %dma_wait3A_64 = arith.constant 0 : i32
    %dma_wait3A_65 = tpu.memref_slice %arg9[%dma_wait3A, %dma_wait3A_63, %dma_wait3A_64] : memref<4x128x128xf32, #tpu.memory_space<vmem>> -> memref<1x128x128xf32, #tpu.memory_space<vmem>>
    %dma_wait3A_66 = tpu.memref_squeeze %dma_wait3A_65 : memref<1x128x128xf32, #tpu.memory_space<vmem>> -> memref<128x128xf32, #tpu.memory_space<vmem>>
    %dma_wait3A_67 = arith.constant 0 : i32
    %dma_wait3A_68 = arith.constant 0 : i32
    %dma_wait3A_69 = tpu.memref_slice %arg5[%dma_wait3A_67, %dma_wait3A_68] : memref<81920x128xf32, #tpu.memory_space<hbm>> -> memref<128x128xf32, #tpu.memory_space<hbm>>
    %dma_wait3A_70 = arith.constant 0 : i32
    %dma_wait3A_71 = arith.constant 0 : i32
    %dma_wait3A_72 = tpu.memref_slice %arg5[%dma_wait3A_70, %dma_wait3A_71] : memref<81920x128xf32, #tpu.memory_space<hbm>> -> memref<128x128xf32, #tpu.memory_space<hbm>>
    %dma_wait3A_73 = arith.constant 0 : i32
    %dma_wait3A_74 = arith.constant 0 : i32
    %dma_wait3A_75 = tpu.memref_slice %arg9[%dma_wait3A, %dma_wait3A_73, %dma_wait3A_74] : memref<4x128x128xf32, #tpu.memory_space<vmem>> -> memref<1x128x128xf32, #tpu.memory_space<vmem>>
    %dma_wait3A_76 = tpu.memref_squeeze %dma_wait3A_75 : memref<1x128x128xf32, #tpu.memory_space<vmem>> -> memref<128x128xf32, #tpu.memory_space<vmem>>
    tpu.wait_dma2 semaphore(%arg14 : memref<!tpu.dma_semaphore, #tpu.memory_space<semaphore_mem>>) src(%dma_wait3A_76 : memref<128x128xf32, #tpu.memory_space<vmem>>) dst(%dma_wait3A_72 : memref<128x128xf32, #tpu.memory_space<hbm>>)
    %dma_wait3A_77 = arith.constant 1 : i32
    %dma_wait3A_78 = arith.constant 0 : i32
    %dma_wait3A_79 = arith.constant 0 : i32
    %dma_wait3A_80 = tpu.memref_slice %arg9[%dma_wait3A_77, %dma_wait3A_78, %dma_wait3A_79] : memref<4x128x128xf32, #tpu.memory_space<vmem>> -> memref<1x128x128xf32, #tpu.memory_space<vmem>>
    %dma_wait3A_81 = tpu.memref_squeeze %dma_wait3A_80 : memref<1x128x128xf32, #tpu.memory_space<vmem>> -> memref<128x128xf32, #tpu.memory_space<vmem>>
    %dma_wait3A_82 = arith.constant 0 : i32
    %dma_wait3A_83 = arith.constant 0 : i32
    %dma_wait3A_84 = tpu.memref_slice %arg5[%dma_wait3A_82, %dma_wait3A_83] : memref<81920x128xf32, #tpu.memory_space<hbm>> -> memref<128x128xf32, #tpu.memory_space<hbm>>
    %dma_wait3A_85 = arith.constant 0 : i32
    %dma_wait3A_86 = arith.constant 0 : i32
    %dma_wait3A_87 = tpu.memref_slice %arg5[%dma_wait3A_85, %dma_wait3A_86] : memref<81920x128xf32, #tpu.memory_space<hbm>> -> memref<128x128xf32, #tpu.memory_space<hbm>>
    %dma_wait3A_88 = arith.constant 0 : i32
    %dma_wait3A_89 = arith.constant 0 : i32
    %dma_wait3A_90 = tpu.memref_slice %arg9[%dma_wait3A_77, %dma_wait3A_88, %dma_wait3A_89] : memref<4x128x128xf32, #tpu.memory_space<vmem>> -> memref<1x128x128xf32, #tpu.memory_space<vmem>>
    %dma_wait3A_91 = tpu.memref_squeeze %dma_wait3A_90 : memref<1x128x128xf32, #tpu.memory_space<vmem>> -> memref<128x128xf32, #tpu.memory_space<vmem>>
    tpu.wait_dma2 semaphore(%arg15 : memref<!tpu.dma_semaphore, #tpu.memory_space<semaphore_mem>>) src(%dma_wait3A_91 : memref<128x128xf32, #tpu.memory_space<vmem>>) dst(%dma_wait3A_87 : memref<128x128xf32, #tpu.memory_space<hbm>>)
    %dma_wait3A_92 = arith.constant 2 : i32
    %dma_wait3A_93 = arith.constant 0 : i32
    %dma_wait3A_94 = arith.constant 0 : i32
    %dma_wait3A_95 = tpu.memref_slice %arg9[%dma_wait3A_92, %dma_wait3A_93, %dma_wait3A_94] : memref<4x128x128xf32, #tpu.memory_space<vmem>> -> memref<1x128x128xf32, #tpu.memory_space<vmem>>
    %dma_wait3A_96 = tpu.memref_squeeze %dma_wait3A_95 : memref<1x128x128xf32, #tpu.memory_space<vmem>> -> memref<128x128xf32, #tpu.memory_space<vmem>>
    %dma_wait3A_97 = arith.constant 0 : i32
    %dma_wait3A_98 = arith.constant 0 : i32
    %dma_wait3A_99 = tpu.memref_slice %arg5[%dma_wait3A_97, %dma_wait3A_98] : memref<81920x128xf32, #tpu.memory_space<hbm>> -> memref<128x128xf32, #tpu.memory_space<hbm>>
    %dma_wait3A_100 = arith.constant 0 : i32
    %dma_wait3A_101 = arith.constant 0 : i32
    %dma_wait3A_102 = tpu.memref_slice %arg5[%dma_wait3A_100, %dma_wait3A_101] : memref<81920x128xf32, #tpu.memory_space<hbm>> -> memref<128x128xf32, #tpu.memory_space<hbm>>
    %dma_wait3A_103 = arith.constant 0 : i32
    %dma_wait3A_104 = arith.constant 0 : i32
    %dma_wait3A_105 = tpu.memref_slice %arg9[%dma_wait3A_92, %dma_wait3A_103, %dma_wait3A_104] : memref<4x128x128xf32, #tpu.memory_space<vmem>> -> memref<1x128x128xf32, #tpu.memory_space<vmem>>
    %dma_wait3A_106 = tpu.memref_squeeze %dma_wait3A_105 : memref<1x128x128xf32, #tpu.memory_space<vmem>> -> memref<128x128xf32, #tpu.memory_space<vmem>>
    tpu.wait_dma2 semaphore(%arg16 : memref<!tpu.dma_semaphore, #tpu.memory_space<semaphore_mem>>) src(%dma_wait3A_106 : memref<128x128xf32, #tpu.memory_space<vmem>>) dst(%dma_wait3A_102 : memref<128x128xf32, #tpu.memory_space<hbm>>)
    %dma_wait3A_107 = arith.constant 3 : i32
    %dma_wait3A_108 = arith.constant 0 : i32
    %dma_wait3A_109 = arith.constant 0 : i32
    %dma_wait3A_110 = tpu.memref_slice %arg9[%dma_wait3A_107, %dma_wait3A_108, %dma_wait3A_109] : memref<4x128x128xf32, #tpu.memory_space<vmem>> -> memref<1x128x128xf32, #tpu.memory_space<vmem>>
    %dma_wait3A_111 = tpu.memref_squeeze %dma_wait3A_110 : memref<1x128x128xf32, #tpu.memory_space<vmem>> -> memref<128x128xf32, #tpu.memory_space<vmem>>
    %dma_wait3A_112 = arith.constant 0 : i32
    %dma_wait3A_113 = arith.constant 0 : i32
    %dma_wait3A_114 = tpu.memref_slice %arg5[%dma_wait3A_112, %dma_wait3A_113] : memref<81920x128xf32, #tpu.memory_space<hbm>> -> memref<128x128xf32, #tpu.memory_space<hbm>>
    %dma_wait3A_115 = arith.constant 0 : i32
    %dma_wait3A_116 = arith.constant 0 : i32
    %dma_wait3A_117 = tpu.memref_slice %arg5[%dma_wait3A_115, %dma_wait3A_116] : memref<81920x128xf32, #tpu.memory_space<hbm>> -> memref<128x128xf32, #tpu.memory_space<hbm>>
    %dma_wait3A_118 = arith.constant 0 : i32
    %dma_wait3A_119 = arith.constant 0 : i32
    %dma_wait3A_120 = tpu.memref_slice %arg9[%dma_wait3A_107, %dma_wait3A_118, %dma_wait3A_119] : memref<4x128x128xf32, #tpu.memory_space<vmem>> -> memref<1x128x128xf32, #tpu.memory_space<vmem>>
    %dma_wait3A_121 = tpu.memref_squeeze %dma_wait3A_120 : memref<1x128x128xf32, #tpu.memory_space<vmem>> -> memref<128x128xf32, #tpu.memory_space<vmem>>
    tpu.wait_dma2 semaphore(%arg17 : memref<!tpu.dma_semaphore, #tpu.memory_space<semaphore_mem>>) src(%dma_wait3A_121 : memref<128x128xf32, #tpu.memory_space<vmem>>) dst(%dma_wait3A_117 : memref<128x128xf32, #tpu.memory_space<hbm>>)
    %add3A_122 = arith.constant 0 : i32
    %add3A_123 = arith.addi %add3A, %add3A_122 : i32
    %lt3A = arith.constant 20 : i32
    %lt3A_124 = arith.cmpi slt, %add3A_123, %lt3A : i32
    %convert_element_type3A = arith.extui %lt3A_124 : i1 to i32
    %cond3A = arith.constant 0 : i32
    %cond3A_125 = arith.cmpi ne, %convert_element_type3A, %cond3A : i32
    scf.if %cond3A_125 {
      "tpu.region"() ({
        %run_scoped3A_154 = tpu.sem_alloc : memref<!tpu.dma_semaphore, #tpu.memory_space<semaphore_mem>>
        %dma_start3A_155 = arith.constant 0 : i32
        %dma_start3A_156 = arith.constant 0 : i32
        %dma_start3A_157 = tpu.memref_slice %arg4[%add3A_123, %dma_start3A_155, %dma_start3A_156] : memref<20x1x128xi32, #tpu.memory_space<hbm>> -> memref<1x1x128xi32, #tpu.memory_space<hbm>>
        %dma_start3A_158 = arith.constant 0 : i32
        %dma_start3A_159 = arith.constant 0 : i32
        %dma_start3A_160 = tpu.memref_slice %arg4[%add3A_123, %dma_start3A_158, %dma_start3A_159] : memref<20x1x128xi32, #tpu.memory_space<hbm>> -> memref<1x1x128xi32, #tpu.memory_space<hbm>>
        tpu.enqueue_dma source(%dma_start3A_160 : memref<1x1x128xi32, #tpu.memory_space<hbm>>) target(%arg8 : memref<1x1x128xi32, #tpu.memory_space<vmem>>) target_semaphore(%run_scoped3A_154 : memref<!tpu.dma_semaphore, #tpu.memory_space<semaphore_mem>>)
        %dma_wait3A_161 = arith.constant 0 : i32
        %dma_wait3A_162 = arith.constant 0 : i32
        %dma_wait3A_163 = tpu.memref_slice %arg4[%add3A_123, %dma_wait3A_161, %dma_wait3A_162] : memref<20x1x128xi32, #tpu.memory_space<hbm>> -> memref<1x1x128xi32, #tpu.memory_space<hbm>>
        %dma_wait3A_164 = arith.constant 0 : i32
        %dma_wait3A_165 = arith.constant 0 : i32
        %dma_wait3A_166 = tpu.memref_slice %arg4[%add3A_123, %dma_wait3A_164, %dma_wait3A_165] : memref<20x1x128xi32, #tpu.memory_space<hbm>> -> memref<1x1x128xi32, #tpu.memory_space<hbm>>
        tpu.wait_dma2 semaphore(%run_scoped3A_154 : memref<!tpu.dma_semaphore, #tpu.memory_space<semaphore_mem>>) src(%dma_wait3A_166 : memref<1x1x128xi32, #tpu.memory_space<hbm>>) dst(%arg8 : memref<1x1x128xi32, #tpu.memory_space<vmem>>)
        tpu.yield
      }) : () -> ()
      %dma_start3A_126 = arith.constant 0 : i32
      %dma_start3A_127 = arith.constant 0 : i32
      %dma_start3A_128 = arith.constant 0 : i32
      %dma_start3A_129 = arith.constant 0 : i32
      %dma_start3A_130 = arith.constant 0 : i32
      %dma_start3A_131 = tpu.memref_slice %arg9[%dma_start3A_128, %dma_start3A_129, %dma_start3A_130] : memref<4x128x128xf32, #tpu.memory_space<vmem>> -> memref<1x128x128xf32, #tpu.memory_space<vmem>>
      %dma_start3A_132 = tpu.memref_squeeze %dma_start3A_131 : memref<1x128x128xf32, #tpu.memory_space<vmem>> -> memref<128x128xf32, #tpu.memory_space<vmem>>
      %dma_start3A_133 = arith.constant 0 : i32
      %dma_start3A_134 = tpu.memref_slice %arg8[%dma_start3A_126, %dma_start3A_127, %dma_start3A_133] : memref<1x1x128xi32, #tpu.memory_space<vmem>> -> memref<1x1x128xi32, #tpu.memory_space<vmem>>
      %dma_start3A_135 = tpu.memref_squeeze %dma_start3A_134 : memref<1x1x128xi32, #tpu.memory_space<vmem>> -> memref<128xi32, #tpu.memory_space<vmem>>
      %dma_start3A_136 = arith.constant 0 : i32
      %dma_start3A_137 = arith.constant 0 : i32
      %dma_start3A_138 = tpu.memref_slice %arg2[%dma_start3A_136, %dma_start3A_137] : memref<100000x128xf32, #tpu.memory_space<hbm>> -> memref<100000x128xf32, #tpu.memory_space<hbm>>
      tpu.enqueue_indirect_dma source(%dma_start3A_138 : memref<100000x128xf32, #tpu.memory_space<hbm>>) target(%dma_start3A_132 : memref<128x128xf32, #tpu.memory_space<vmem>>) offsets(%dma_start3A_135 : memref<128xi32, #tpu.memory_space<vmem>>) semaphore(%arg10 : memref<!tpu.dma_semaphore, #tpu.memory_space<semaphore_mem>>)
      %dma_wait3A_139 = arith.constant 0 : i32
      %dma_wait3A_140 = arith.constant 0 : i32
      %dma_wait3A_141 = arith.constant 0 : i32
      %dma_wait3A_142 = arith.constant 0 : i32
      %dma_wait3A_143 = arith.constant 0 : i32
      %dma_wait3A_144 = tpu.memref_slice %arg9[%dma_wait3A_141, %dma_wait3A_142, %dma_wait3A_143] : memref<4x128x128xf32, #tpu.memory_space<vmem>> -> memref<1x128x128xf32, #tpu.memory_space<vmem>>
      %dma_wait3A_145 = tpu.memref_squeeze %dma_wait3A_144 : memref<1x128x128xf32, #tpu.memory_space<vmem>> -> memref<128x128xf32, #tpu.memory_space<vmem>>
      %dma_wait3A_146 = arith.constant 0 : i32
      %dma_wait3A_147 = tpu.memref_slice %arg8[%dma_wait3A_139, %dma_wait3A_140, %dma_wait3A_146] : memref<1x1x128xi32, #tpu.memory_space<vmem>> -> memref<1x1x128xi32, #tpu.memory_space<vmem>>
      %dma_wait3A_148 = tpu.memref_squeeze %dma_wait3A_147 : memref<1x1x128xi32, #tpu.memory_space<vmem>> -> memref<128xi32, #tpu.memory_space<vmem>>
      %dma_wait3A_149 = arith.constant 0 : i32
      %dma_wait3A_150 = arith.constant 0 : i32
      %dma_wait3A_151 = tpu.memref_slice %arg2[%dma_wait3A_149, %dma_wait3A_150] : memref<100000x128xf32, #tpu.memory_space<hbm>> -> memref<100000x128xf32, #tpu.memory_space<hbm>>
      tpu.wait_indirect_dma semaphore(%arg10 : memref<!tpu.dma_semaphore, #tpu.memory_space<semaphore_mem>>) src(%dma_wait3A_151 : memref<100000x128xf32, #tpu.memory_space<hbm>>) dst(%dma_wait3A_145 : memref<128x128xf32, #tpu.memory_space<vmem>>)
      %mul3A_152 = arith.constant 128 : i32
      %mul3A_153 = arith.muli %add3A_123, %mul3A_152 : i32
      %run_scoped3A = arith.constant 0 : i32
      "tpu.region"() ({
        %run_scoped3A_154 = tpu.sem_alloc : memref<!tpu.dma_semaphore, #tpu.memory_space<semaphore_mem>>
        %dma_start3A_155 = arith.constant 0 : i32
        %dma_start3A_156 = arith.constant 0 : i32
        %dma_start3A_157 = tpu.memref_slice %arg9[%run_scoped3A, %dma_start3A_155, %dma_start3A_156] : memref<4x128x128xf32, #tpu.memory_space<vmem>> -> memref<1x128x128xf32, #tpu.memory_space<vmem>>
        %dma_start3A_158 = tpu.memref_squeeze %dma_start3A_157 : memref<1x128x128xf32, #tpu.memory_space<vmem>> -> memref<128x128xf32, #tpu.memory_space<vmem>>
        %dma_start3A_159 = arith.constant 0 : i32
        %dma_start3A_160 = tpu.memref_slice %arg6[%mul3A_153, %dma_start3A_159] : memref<2560x128xf32, #tpu.memory_space<hbm>> -> memref<128x128xf32, #tpu.memory_space<hbm>>
        %dma_start3A_161 = arith.constant 0 : i32
        %dma_start3A_162 = tpu.memref_slice %arg6[%mul3A_153, %dma_start3A_161] : memref<2560x128xf32, #tpu.memory_space<hbm>> -> memref<128x128xf32, #tpu.memory_space<hbm>>
        %dma_start3A_163 = arith.constant 0 : i32
        %dma_start3A_164 = arith.constant 0 : i32
        %dma_start3A_165 = tpu.memref_slice %arg9[%run_scoped3A, %dma_start3A_163, %dma_start3A_164] : memref<4x128x128xf32, #tpu.memory_space<vmem>> -> memref<1x128x128xf32, #tpu.memory_space<vmem>>
        %dma_start3A_166 = tpu.memref_squeeze %dma_start3A_165 : memref<1x128x128xf32, #tpu.memory_space<vmem>> -> memref<128x128xf32, #tpu.memory_space<vmem>>
        tpu.enqueue_dma source(%dma_start3A_166 : memref<128x128xf32, #tpu.memory_space<vmem>>) target(%dma_start3A_162 : memref<128x128xf32, #tpu.memory_space<hbm>>) target_semaphore(%run_scoped3A_154 : memref<!tpu.dma_semaphore, #tpu.memory_space<semaphore_mem>>)
        %dma_wait3A_167 = arith.constant 0 : i32
        %dma_wait3A_168 = arith.constant 0 : i32
        %dma_wait3A_169 = tpu.memref_slice %arg9[%run_scoped3A, %dma_wait3A_167, %dma_wait3A_168] : memref<4x128x128xf32, #tpu.memory_space<vmem>> -> memref<1x128x128xf32, #tpu.memory_space<vmem>>
        %dma_wait3A_170 = tpu.memref_squeeze %dma_wait3A_169 : memref<1x128x128xf32, #tpu.memory_space<vmem>> -> memref<128x128xf32, #tpu.memory_space<vmem>>
        %dma_wait3A_171 = arith.constant 0 : i32
        %dma_wait3A_172 = tpu.memref_slice %arg6[%mul3A_153, %dma_wait3A_171] : memref<2560x128xf32, #tpu.memory_space<hbm>> -> memref<128x128xf32, #tpu.memory_space<hbm>>
        %dma_wait3A_173 = arith.constant 0 : i32
        %dma_wait3A_174 = tpu.memref_slice %arg6[%mul3A_153, %dma_wait3A_173] : memref<2560x128xf32, #tpu.memory_space<hbm>> -> memref<128x128xf32, #tpu.memory_space<hbm>>
        %dma_wait3A_175 = arith.constant 0 : i32
        %dma_wait3A_176 = arith.constant 0 : i32
        %dma_wait3A_177 = tpu.memref_slice %arg9[%run_scoped3A, %dma_wait3A_175, %dma_wait3A_176] : memref<4x128x128xf32, #tpu.memory_space<vmem>> -> memref<1x128x128xf32, #tpu.memory_space<vmem>>
        %dma_wait3A_178 = tpu.memref_squeeze %dma_wait3A_177 : memref<1x128x128xf32, #tpu.memory_space<vmem>> -> memref<128x128xf32, #tpu.memory_space<vmem>>
        tpu.wait_dma2 semaphore(%run_scoped3A_154 : memref<!tpu.dma_semaphore, #tpu.memory_space<semaphore_mem>>) src(%dma_wait3A_178 : memref<128x128xf32, #tpu.memory_space<vmem>>) dst(%dma_wait3A_174 : memref<128x128xf32, #tpu.memory_space<hbm>>)
        tpu.yield
      }) : () -> ()
    } else {
    }
    return
  }
}

#map = affine_map<(d0, d1) -> (0, 0)>
#map1 = affine_map<(d0, d1) -> (0, 0, 0)>
module attributes {stable_mosaic.version = 14 : i64} {
  func.func @gather_kernel(%arg0: i32, %arg1: i32, %arg2: memref<100000x128xf32, #tpu.memory_space<hbm>>, %arg3: memref<640x1x128xi32, #tpu.memory_space<hbm>>, %arg4: memref<20x1x128xi32, #tpu.memory_space<hbm>>, %arg5: memref<81920x128xf32, #tpu.memory_space<hbm>>, %arg6: memref<2560x128xf32, #tpu.memory_space<hbm>>, %arg7: memref<20x1x128xi32, #tpu.memory_space<vmem>>, %arg8: memref<1x1x128xi32, #tpu.memory_space<vmem>>, %arg9: memref<4x128x128xf32, #tpu.memory_space<vmem>>, %arg10: memref<!tpu.dma_semaphore, #tpu.memory_space<semaphore_mem>>, %arg11: memref<!tpu.dma_semaphore, #tpu.memory_space<semaphore_mem>>, %arg12: memref<!tpu.dma_semaphore, #tpu.memory_space<semaphore_mem>>, %arg13: memref<!tpu.dma_semaphore, #tpu.memory_space<semaphore_mem>>, %arg14: memref<!tpu.dma_semaphore, #tpu.memory_space<semaphore_mem>>, %arg15: memref<!tpu.dma_semaphore, #tpu.memory_space<semaphore_mem>>, %arg16: memref<!tpu.dma_semaphore, #tpu.memory_space<semaphore_mem>>, %arg17: memref<!tpu.dma_semaphore, #tpu.memory_space<semaphore_mem>>) attributes {dimension_semantics = [#tpu.dimension_semantics<core_parallel>, #tpu.dimension_semantics<subcore_parallel>], iteration_bounds = array<i64: 2, 16>, scalar_prefetch = 0 : i64, scratch_operands = 11 : i64, tpu.core_type = #tpu.core_type<sc_vector_subcore>, window_params = [{transform_indices = #map}, {transform_indices = #map1}, {transform_indices = #map1}, {transform_indices = #map}, {transform_indices = #map}]} {
    %mul3A = arith.constant 2 : i32
    %mul3A_0 = arith.muli %arg1, %mul3A : i32
    %add3A = arith.addi %mul3A_0, %arg0 : i32
    %mul3A_1 = arith.constant 20 : i32
    %mul3A_2 = arith.muli %add3A, %mul3A_1 : i32
    %mul3A_3 = arith.constant 20 : i32
    %mul3A_4 = arith.muli %add3A, %mul3A_3 : i32
    %mul3A_5 = arith.constant 128 : i32
    %mul3A_6 = arith.muli %mul3A_4, %mul3A_5 : i32
    "tpu.region"() ({
      %run_scoped3A = tpu.sem_alloc : memref<!tpu.dma_semaphore, #tpu.memory_space<semaphore_mem>>
      %dma_start3A_126 = arith.constant 0 : i32
      %dma_start3A_127 = arith.constant 0 : i32
      %dma_start3A_128 = tpu.memref_slice %arg3[%mul3A_2, %dma_start3A_126, %dma_start3A_127] : memref<640x1x128xi32, #tpu.memory_space<hbm>> -> memref<20x1x128xi32, #tpu.memory_space<hbm>>
      %dma_start3A_129 = arith.constant 0 : i32
      %dma_start3A_130 = arith.constant 0 : i32
      %dma_start3A_131 = tpu.memref_slice %arg3[%mul3A_2, %dma_start3A_129, %dma_start3A_130] : memref<640x1x128xi32, #tpu.memory_space<hbm>> -> memref<20x1x128xi32, #tpu.memory_space<hbm>>
      tpu.enqueue_dma source(%dma_start3A_131 : memref<20x1x128xi32, #tpu.memory_space<hbm>>) target(%arg7 : memref<20x1x128xi32, #tpu.memory_space<vmem>>) target_semaphore(%run_scoped3A : memref<!tpu.dma_semaphore, #tpu.memory_space<semaphore_mem>>)
      %dma_wait3A_132 = arith.constant 0 : i32
      %dma_wait3A_133 = arith.constant 0 : i32
      %dma_wait3A_134 = tpu.memref_slice %arg3[%mul3A_2, %dma_wait3A_132, %dma_wait3A_133] : memref<640x1x128xi32, #tpu.memory_space<hbm>> -> memref<20x1x128xi32, #tpu.memory_space<hbm>>
      %dma_wait3A_135 = arith.constant 0 : i32
      %dma_wait3A_136 = arith.constant 0 : i32
      %dma_wait3A_137 = tpu.memref_slice %arg3[%mul3A_2, %dma_wait3A_135, %dma_wait3A_136] : memref<640x1x128xi32, #tpu.memory_space<hbm>> -> memref<20x1x128xi32, #tpu.memory_space<hbm>>
      tpu.wait_dma2 semaphore(%run_scoped3A : memref<!tpu.dma_semaphore, #tpu.memory_space<semaphore_mem>>) src(%dma_wait3A_137 : memref<20x1x128xi32, #tpu.memory_space<hbm>>) dst(%arg7 : memref<20x1x128xi32, #tpu.memory_space<vmem>>)
      tpu.yield
    }) : () -> ()
    %dma_start3A = arith.constant 0 : i32
    %dma_start3A_7 = arith.constant 0 : i32
    %dma_start3A_8 = arith.constant 0 : i32
    %dma_start3A_9 = arith.constant 0 : i32
    %dma_start3A_10 = arith.constant 0 : i32
    %dma_start3A_11 = tpu.memref_slice %arg9[%dma_start3A_8, %dma_start3A_9, %dma_start3A_10] : memref<4x128x128xf32, #tpu.memory_space<vmem>> -> memref<1x128x128xf32, #tpu.memory_space<vmem>>
    %dma_start3A_12 = tpu.memref_squeeze %dma_start3A_11 : memref<1x128x128xf32, #tpu.memory_space<vmem>> -> memref<128x128xf32, #tpu.memory_space<vmem>>
    %dma_start3A_13 = arith.constant 0 : i32
    %dma_start3A_14 = tpu.memref_slice %arg7[%dma_start3A, %dma_start3A_7, %dma_start3A_13] : memref<20x1x128xi32, #tpu.memory_space<vmem>> -> memref<1x1x128xi32, #tpu.memory_space<vmem>>
    %dma_start3A_15 = tpu.memref_squeeze %dma_start3A_14 : memref<1x1x128xi32, #tpu.memory_space<vmem>> -> memref<128xi32, #tpu.memory_space<vmem>>
    %dma_start3A_16 = arith.constant 0 : i32
    %dma_start3A_17 = arith.constant 0 : i32
    %dma_start3A_18 = tpu.memref_slice %arg2[%dma_start3A_16, %dma_start3A_17] : memref<100000x128xf32, #tpu.memory_space<hbm>> -> memref<100000x128xf32, #tpu.memory_space<hbm>>
    tpu.enqueue_indirect_dma source(%dma_start3A_18 : memref<100000x128xf32, #tpu.memory_space<hbm>>) target(%dma_start3A_12 : memref<128x128xf32, #tpu.memory_space<vmem>>) offsets(%dma_start3A_15 : memref<128xi32, #tpu.memory_space<vmem>>) semaphore(%arg10 : memref<!tpu.dma_semaphore, #tpu.memory_space<semaphore_mem>>)
    %dma_start3A_19 = arith.constant 1 : i32
    %dma_start3A_20 = arith.constant 0 : i32
    %dma_start3A_21 = arith.constant 1 : i32
    %dma_start3A_22 = arith.constant 0 : i32
    %dma_start3A_23 = arith.constant 0 : i32
    %dma_start3A_24 = tpu.memref_slice %arg9[%dma_start3A_21, %dma_start3A_22, %dma_start3A_23] : memref<4x128x128xf32, #tpu.memory_space<vmem>> -> memref<1x128x128xf32, #tpu.memory_space<vmem>>
    %dma_start3A_25 = tpu.memref_squeeze %dma_start3A_24 : memref<1x128x128xf32, #tpu.memory_space<vmem>> -> memref<128x128xf32, #tpu.memory_space<vmem>>
    %dma_start3A_26 = arith.constant 0 : i32
    %dma_start3A_27 = tpu.memref_slice %arg7[%dma_start3A_19, %dma_start3A_20, %dma_start3A_26] : memref<20x1x128xi32, #tpu.memory_space<vmem>> -> memref<1x1x128xi32, #tpu.memory_space<vmem>>
    %dma_start3A_28 = tpu.memref_squeeze %dma_start3A_27 : memref<1x1x128xi32, #tpu.memory_space<vmem>> -> memref<128xi32, #tpu.memory_space<vmem>>
    %dma_start3A_29 = arith.constant 0 : i32
    %dma_start3A_30 = arith.constant 0 : i32
    %dma_start3A_31 = tpu.memref_slice %arg2[%dma_start3A_29, %dma_start3A_30] : memref<100000x128xf32, #tpu.memory_space<hbm>> -> memref<100000x128xf32, #tpu.memory_space<hbm>>
    tpu.enqueue_indirect_dma source(%dma_start3A_31 : memref<100000x128xf32, #tpu.memory_space<hbm>>) target(%dma_start3A_25 : memref<128x128xf32, #tpu.memory_space<vmem>>) offsets(%dma_start3A_28 : memref<128xi32, #tpu.memory_space<vmem>>) semaphore(%arg11 : memref<!tpu.dma_semaphore, #tpu.memory_space<semaphore_mem>>)
    %dma_start3A_32 = arith.constant 2 : i32
    %dma_start3A_33 = arith.constant 0 : i32
    %dma_start3A_34 = arith.constant 2 : i32
    %dma_start3A_35 = arith.constant 0 : i32
    %dma_start3A_36 = arith.constant 0 : i32
    %dma_start3A_37 = tpu.memref_slice %arg9[%dma_start3A_34, %dma_start3A_35, %dma_start3A_36] : memref<4x128x128xf32, #tpu.memory_space<vmem>> -> memref<1x128x128xf32, #tpu.memory_space<vmem>>
    %dma_start3A_38 = tpu.memref_squeeze %dma_start3A_37 : memref<1x128x128xf32, #tpu.memory_space<vmem>> -> memref<128x128xf32, #tpu.memory_space<vmem>>
    %dma_start3A_39 = arith.constant 0 : i32
    %dma_start3A_40 = tpu.memref_slice %arg7[%dma_start3A_32, %dma_start3A_33, %dma_start3A_39] : memref<20x1x128xi32, #tpu.memory_space<vmem>> -> memref<1x1x128xi32, #tpu.memory_space<vmem>>
    %dma_start3A_41 = tpu.memref_squeeze %dma_start3A_40 : memref<1x1x128xi32, #tpu.memory_space<vmem>> -> memref<128xi32, #tpu.memory_space<vmem>>
    %dma_start3A_42 = arith.constant 0 : i32
    %dma_start3A_43 = arith.constant 0 : i32
    %dma_start3A_44 = tpu.memref_slice %arg2[%dma_start3A_42, %dma_start3A_43] : memref<100000x128xf32, #tpu.memory_space<hbm>> -> memref<100000x128xf32, #tpu.memory_space<hbm>>
    tpu.enqueue_indirect_dma source(%dma_start3A_44 : memref<100000x128xf32, #tpu.memory_space<hbm>>) target(%dma_start3A_38 : memref<128x128xf32, #tpu.memory_space<vmem>>) offsets(%dma_start3A_41 : memref<128xi32, #tpu.memory_space<vmem>>) semaphore(%arg12 : memref<!tpu.dma_semaphore, #tpu.memory_space<semaphore_mem>>)
    %dma_start3A_45 = arith.constant 3 : i32
    %dma_start3A_46 = arith.constant 0 : i32
    %dma_start3A_47 = arith.constant 3 : i32
    %dma_start3A_48 = arith.constant 0 : i32
    %dma_start3A_49 = arith.constant 0 : i32
    %dma_start3A_50 = tpu.memref_slice %arg9[%dma_start3A_47, %dma_start3A_48, %dma_start3A_49] : memref<4x128x128xf32, #tpu.memory_space<vmem>> -> memref<1x128x128xf32, #tpu.memory_space<vmem>>
    %dma_start3A_51 = tpu.memref_squeeze %dma_start3A_50 : memref<1x128x128xf32, #tpu.memory_space<vmem>> -> memref<128x128xf32, #tpu.memory_space<vmem>>
    %dma_start3A_52 = arith.constant 0 : i32
    %dma_start3A_53 = tpu.memref_slice %arg7[%dma_start3A_45, %dma_start3A_46, %dma_start3A_52] : memref<20x1x128xi32, #tpu.memory_space<vmem>> -> memref<1x1x128xi32, #tpu.memory_space<vmem>>
    %dma_start3A_54 = tpu.memref_squeeze %dma_start3A_53 : memref<1x1x128xi32, #tpu.memory_space<vmem>> -> memref<128xi32, #tpu.memory_space<vmem>>
    %dma_start3A_55 = arith.constant 0 : i32
    %dma_start3A_56 = arith.constant 0 : i32
    %dma_start3A_57 = tpu.memref_slice %arg2[%dma_start3A_55, %dma_start3A_56] : memref<100000x128xf32, #tpu.memory_space<hbm>> -> memref<100000x128xf32, #tpu.memory_space<hbm>>
    tpu.enqueue_indirect_dma source(%dma_start3A_57 : memref<100000x128xf32, #tpu.memory_space<hbm>>) target(%dma_start3A_51 : memref<128x128xf32, #tpu.memory_space<vmem>>) offsets(%dma_start3A_54 : memref<128xi32, #tpu.memory_space<vmem>>) semaphore(%arg13 : memref<!tpu.dma_semaphore, #tpu.memory_space<semaphore_mem>>)
    %scan3A = arith.constant 0 : i32
    %scan3A_58 = arith.constant 0 : i32
    %scan3A_59 = arith.constant 5 : i32
    %scan3A_60 = arith.addi %scan3A_58, %scan3A_59 : i32
    %scan3A_61 = arith.constant 1 : i32
    scf.for %scan3A_126 = %scan3A_58 to %scan3A_60 step %scan3A_61  : i32 {
      %mul3A_127 = arith.constant 4 : i32
      %mul3A_128 = arith.muli %scan3A_126, %mul3A_127 : i32
      %add3A_129 = arith.constant 0 : i32
      %add3A_130 = arith.addi %mul3A_128, %add3A_129 : i32
      %dma_wait3A_131 = arith.constant 0 : i32
      %dma_wait3A_132 = arith.constant 0 : i32
      %dma_wait3A_133 = arith.constant 0 : i32
      %dma_wait3A_134 = tpu.memref_slice %arg9[%dma_wait3A_131, %dma_wait3A_132, %dma_wait3A_133] : memref<4x128x128xf32, #tpu.memory_space<vmem>> -> memref<1x128x128xf32, #tpu.memory_space<vmem>>
      %dma_wait3A_135 = tpu.memref_squeeze %dma_wait3A_134 : memref<1x128x128xf32, #tpu.memory_space<vmem>> -> memref<128x128xf32, #tpu.memory_space<vmem>>
      %dma_wait3A_136 = arith.constant 0 : i32
      %dma_wait3A_137 = arith.constant 0 : i32
      %dma_wait3A_138 = tpu.memref_slice %arg2[%dma_wait3A_136, %dma_wait3A_137] : memref<100000x128xf32, #tpu.memory_space<hbm>> -> memref<128x128xf32, #tpu.memory_space<hbm>>
      %dma_wait3A_139 = arith.constant 0 : i32
      %dma_wait3A_140 = arith.constant 0 : i32
      %dma_wait3A_141 = tpu.memref_slice %arg9[%dma_wait3A_131, %dma_wait3A_139, %dma_wait3A_140] : memref<4x128x128xf32, #tpu.memory_space<vmem>> -> memref<1x128x128xf32, #tpu.memory_space<vmem>>
      %dma_wait3A_142 = tpu.memref_squeeze %dma_wait3A_141 : memref<1x128x128xf32, #tpu.memory_space<vmem>> -> memref<128x128xf32, #tpu.memory_space<vmem>>
      %dma_wait3A_143 = arith.constant 0 : i32
      %dma_wait3A_144 = arith.constant 0 : i32
      %dma_wait3A_145 = tpu.memref_slice %arg2[%dma_wait3A_143, %dma_wait3A_144] : memref<100000x128xf32, #tpu.memory_space<hbm>> -> memref<128x128xf32, #tpu.memory_space<hbm>>
      tpu.wait_dma2 semaphore(%arg10 : memref<!tpu.dma_semaphore, #tpu.memory_space<semaphore_mem>>) src(%dma_wait3A_145 : memref<128x128xf32, #tpu.memory_space<hbm>>) dst(%dma_wait3A_142 : memref<128x128xf32, #tpu.memory_space<vmem>>)
      %mul3A_146 = arith.constant 128 : i32
      %mul3A_147 = arith.muli %add3A_130, %mul3A_146 : i32
      %add3A_148 = arith.addi %mul3A_6, %mul3A_147 : i32
      %dma_start3A_149 = arith.constant 0 : i32
      %dma_start3A_150 = arith.constant 0 : i32
      %dma_start3A_151 = arith.constant 0 : i32
      %dma_start3A_152 = tpu.memref_slice %arg9[%dma_start3A_149, %dma_start3A_150, %dma_start3A_151] : memref<4x128x128xf32, #tpu.memory_space<vmem>> -> memref<1x128x128xf32, #tpu.memory_space<vmem>>
      %dma_start3A_153 = tpu.memref_squeeze %dma_start3A_152 : memref<1x128x128xf32, #tpu.memory_space<vmem>> -> memref<128x128xf32, #tpu.memory_space<vmem>>
      %dma_start3A_154 = arith.constant 0 : i32
      %dma_start3A_155 = tpu.memref_slice %arg5[%add3A_148, %dma_start3A_154] : memref<81920x128xf32, #tpu.memory_space<hbm>> -> memref<128x128xf32, #tpu.memory_space<hbm>>
      %dma_start3A_156 = arith.constant 0 : i32
      %dma_start3A_157 = tpu.memref_slice %arg5[%add3A_148, %dma_start3A_156] : memref<81920x128xf32, #tpu.memory_space<hbm>> -> memref<128x128xf32, #tpu.memory_space<hbm>>
      %dma_start3A_158 = arith.constant 0 : i32
      %dma_start3A_159 = arith.constant 0 : i32
      %dma_start3A_160 = tpu.memref_slice %arg9[%dma_start3A_149, %dma_start3A_158, %dma_start3A_159] : memref<4x128x128xf32, #tpu.memory_space<vmem>> -> memref<1x128x128xf32, #tpu.memory_space<vmem>>
      %dma_start3A_161 = tpu.memref_squeeze %dma_start3A_160 : memref<1x128x128xf32, #tpu.memory_space<vmem>> -> memref<128x128xf32, #tpu.memory_space<vmem>>
      tpu.enqueue_dma source(%dma_start3A_161 : memref<128x128xf32, #tpu.memory_space<vmem>>) target(%dma_start3A_157 : memref<128x128xf32, #tpu.memory_space<hbm>>) target_semaphore(%arg14 : memref<!tpu.dma_semaphore, #tpu.memory_space<semaphore_mem>>)
      %add3A_162 = arith.constant 4 : i32
      %add3A_163 = arith.addi %add3A_130, %add3A_162 : i32
      %lt3A_164 = arith.constant 20 : i32
      %lt3A_165 = arith.cmpi slt, %add3A_163, %lt3A_164 : i32
      %convert_element_type3A_166 = arith.extui %lt3A_165 : i1 to i32
      %cond3A_167 = arith.constant 0 : i32
      %cond3A_168 = arith.cmpi ne, %convert_element_type3A_166, %cond3A_167 : i32
      scf.if %cond3A_168 {
        %dma_wait3A_295 = arith.constant 0 : i32
        %dma_wait3A_296 = arith.constant 0 : i32
        %dma_wait3A_297 = arith.constant 0 : i32
        %dma_wait3A_298 = tpu.memref_slice %arg9[%dma_wait3A_295, %dma_wait3A_296, %dma_wait3A_297] : memref<4x128x128xf32, #tpu.memory_space<vmem>> -> memref<1x128x128xf32, #tpu.memory_space<vmem>>
        %dma_wait3A_299 = tpu.memref_squeeze %dma_wait3A_298 : memref<1x128x128xf32, #tpu.memory_space<vmem>> -> memref<128x128xf32, #tpu.memory_space<vmem>>
        %dma_wait3A_300 = arith.constant 0 : i32
        %dma_wait3A_301 = arith.constant 0 : i32
        %dma_wait3A_302 = tpu.memref_slice %arg5[%dma_wait3A_300, %dma_wait3A_301] : memref<81920x128xf32, #tpu.memory_space<hbm>> -> memref<128x128xf32, #tpu.memory_space<hbm>>
        %dma_wait3A_303 = arith.constant 0 : i32
        %dma_wait3A_304 = arith.constant 0 : i32
        %dma_wait3A_305 = tpu.memref_slice %arg5[%dma_wait3A_303, %dma_wait3A_304] : memref<81920x128xf32, #tpu.memory_space<hbm>> -> memref<128x128xf32, #tpu.memory_space<hbm>>
        %dma_wait3A_306 = arith.constant 0 : i32
        %dma_wait3A_307 = arith.constant 0 : i32
        %dma_wait3A_308 = tpu.memref_slice %arg9[%dma_wait3A_295, %dma_wait3A_306, %dma_wait3A_307] : memref<4x128x128xf32, #tpu.memory_space<vmem>> -> memref<1x128x128xf32, #tpu.memory_space<vmem>>
        %dma_wait3A_309 = tpu.memref_squeeze %dma_wait3A_308 : memref<1x128x128xf32, #tpu.memory_space<vmem>> -> memref<128x128xf32, #tpu.memory_space<vmem>>
        tpu.wait_dma2 semaphore(%arg14 : memref<!tpu.dma_semaphore, #tpu.memory_space<semaphore_mem>>) src(%dma_wait3A_309 : memref<128x128xf32, #tpu.memory_space<vmem>>) dst(%dma_wait3A_305 : memref<128x128xf32, #tpu.memory_space<hbm>>)
        %add3A_310 = arith.constant 4 : i32
        %add3A_311 = arith.addi %add3A_130, %add3A_310 : i32
        %dma_start3A_312 = arith.constant 0 : i32
        %dma_start3A_313 = arith.constant 0 : i32
        %dma_start3A_314 = arith.constant 0 : i32
        %dma_start3A_315 = arith.constant 0 : i32
        %dma_start3A_316 = tpu.memref_slice %arg9[%dma_start3A_313, %dma_start3A_314, %dma_start3A_315] : memref<4x128x128xf32, #tpu.memory_space<vmem>> -> memref<1x128x128xf32, #tpu.memory_space<vmem>>
        %dma_start3A_317 = tpu.memref_squeeze %dma_start3A_316 : memref<1x128x128xf32, #tpu.memory_space<vmem>> -> memref<128x128xf32, #tpu.memory_space<vmem>>
        %dma_start3A_318 = arith.constant 0 : i32
        %dma_start3A_319 = tpu.memref_slice %arg7[%add3A_311, %dma_start3A_312, %dma_start3A_318] : memref<20x1x128xi32, #tpu.memory_space<vmem>> -> memref<1x1x128xi32, #tpu.memory_space<vmem>>
        %dma_start3A_320 = tpu.memref_squeeze %dma_start3A_319 : memref<1x1x128xi32, #tpu.memory_space<vmem>> -> memref<128xi32, #tpu.memory_space<vmem>>
        %dma_start3A_321 = arith.constant 0 : i32
        %dma_start3A_322 = arith.constant 0 : i32
        %dma_start3A_323 = tpu.memref_slice %arg2[%dma_start3A_321, %dma_start3A_322] : memref<100000x128xf32, #tpu.memory_space<hbm>> -> memref<100000x128xf32, #tpu.memory_space<hbm>>
        tpu.enqueue_indirect_dma source(%dma_start3A_323 : memref<100000x128xf32, #tpu.memory_space<hbm>>) target(%dma_start3A_317 : memref<128x128xf32, #tpu.memory_space<vmem>>) offsets(%dma_start3A_320 : memref<128xi32, #tpu.memory_space<vmem>>) semaphore(%arg10 : memref<!tpu.dma_semaphore, #tpu.memory_space<semaphore_mem>>)
      } else {
      }
      %mul3A_169 = arith.constant 4 : i32
      %mul3A_170 = arith.muli %scan3A_126, %mul3A_169 : i32
      %add3A_171 = arith.constant 1 : i32
      %add3A_172 = arith.addi %mul3A_170, %add3A_171 : i32
      %dma_wait3A_173 = arith.constant 1 : i32
      %dma_wait3A_174 = arith.constant 0 : i32
      %dma_wait3A_175 = arith.constant 0 : i32
      %dma_wait3A_176 = tpu.memref_slice %arg9[%dma_wait3A_173, %dma_wait3A_174, %dma_wait3A_175] : memref<4x128x128xf32, #tpu.memory_space<vmem>> -> memref<1x128x128xf32, #tpu.memory_space<vmem>>
      %dma_wait3A_177 = tpu.memref_squeeze %dma_wait3A_176 : memref<1x128x128xf32, #tpu.memory_space<vmem>> -> memref<128x128xf32, #tpu.memory_space<vmem>>
      %dma_wait3A_178 = arith.constant 0 : i32
      %dma_wait3A_179 = arith.constant 0 : i32
      %dma_wait3A_180 = tpu.memref_slice %arg2[%dma_wait3A_178, %dma_wait3A_179] : memref<100000x128xf32, #tpu.memory_space<hbm>> -> memref<128x128xf32, #tpu.memory_space<hbm>>
      %dma_wait3A_181 = arith.constant 0 : i32
      %dma_wait3A_182 = arith.constant 0 : i32
      %dma_wait3A_183 = tpu.memref_slice %arg9[%dma_wait3A_173, %dma_wait3A_181, %dma_wait3A_182] : memref<4x128x128xf32, #tpu.memory_space<vmem>> -> memref<1x128x128xf32, #tpu.memory_space<vmem>>
      %dma_wait3A_184 = tpu.memref_squeeze %dma_wait3A_183 : memref<1x128x128xf32, #tpu.memory_space<vmem>> -> memref<128x128xf32, #tpu.memory_space<vmem>>
      %dma_wait3A_185 = arith.constant 0 : i32
      %dma_wait3A_186 = arith.constant 0 : i32
      %dma_wait3A_187 = tpu.memref_slice %arg2[%dma_wait3A_185, %dma_wait3A_186] : memref<100000x128xf32, #tpu.memory_space<hbm>> -> memref<128x128xf32, #tpu.memory_space<hbm>>
      tpu.wait_dma2 semaphore(%arg11 : memref<!tpu.dma_semaphore, #tpu.memory_space<semaphore_mem>>) src(%dma_wait3A_187 : memref<128x128xf32, #tpu.memory_space<hbm>>) dst(%dma_wait3A_184 : memref<128x128xf32, #tpu.memory_space<vmem>>)
      %mul3A_188 = arith.constant 128 : i32
      %mul3A_189 = arith.muli %add3A_172, %mul3A_188 : i32
      %add3A_190 = arith.addi %mul3A_6, %mul3A_189 : i32
      %dma_start3A_191 = arith.constant 1 : i32
      %dma_start3A_192 = arith.constant 0 : i32
      %dma_start3A_193 = arith.constant 0 : i32
      %dma_start3A_194 = tpu.memref_slice %arg9[%dma_start3A_191, %dma_start3A_192, %dma_start3A_193] : memref<4x128x128xf32, #tpu.memory_space<vmem>> -> memref<1x128x128xf32, #tpu.memory_space<vmem>>
      %dma_start3A_195 = tpu.memref_squeeze %dma_start3A_194 : memref<1x128x128xf32, #tpu.memory_space<vmem>> -> memref<128x128xf32, #tpu.memory_space<vmem>>
      %dma_start3A_196 = arith.constant 0 : i32
      %dma_start3A_197 = tpu.memref_slice %arg5[%add3A_190, %dma_start3A_196] : memref<81920x128xf32, #tpu.memory_space<hbm>> -> memref<128x128xf32, #tpu.memory_space<hbm>>
      %dma_start3A_198 = arith.constant 0 : i32
      %dma_start3A_199 = tpu.memref_slice %arg5[%add3A_190, %dma_start3A_198] : memref<81920x128xf32, #tpu.memory_space<hbm>> -> memref<128x128xf32, #tpu.memory_space<hbm>>
      %dma_start3A_200 = arith.constant 0 : i32
      %dma_start3A_201 = arith.constant 0 : i32
      %dma_start3A_202 = tpu.memref_slice %arg9[%dma_start3A_191, %dma_start3A_200, %dma_start3A_201] : memref<4x128x128xf32, #tpu.memory_space<vmem>> -> memref<1x128x128xf32, #tpu.memory_space<vmem>>
      %dma_start3A_203 = tpu.memref_squeeze %dma_start3A_202 : memref<1x128x128xf32, #tpu.memory_space<vmem>> -> memref<128x128xf32, #tpu.memory_space<vmem>>
      tpu.enqueue_dma source(%dma_start3A_203 : memref<128x128xf32, #tpu.memory_space<vmem>>) target(%dma_start3A_199 : memref<128x128xf32, #tpu.memory_space<hbm>>) target_semaphore(%arg15 : memref<!tpu.dma_semaphore, #tpu.memory_space<semaphore_mem>>)
      %add3A_204 = arith.constant 4 : i32
      %add3A_205 = arith.addi %add3A_172, %add3A_204 : i32
      %lt3A_206 = arith.constant 20 : i32
      %lt3A_207 = arith.cmpi slt, %add3A_205, %lt3A_206 : i32
      %convert_element_type3A_208 = arith.extui %lt3A_207 : i1 to i32
      %cond3A_209 = arith.constant 0 : i32
      %cond3A_210 = arith.cmpi ne, %convert_element_type3A_208, %cond3A_209 : i32
      scf.if %cond3A_210 {
        %dma_wait3A_295 = arith.constant 1 : i32
        %dma_wait3A_296 = arith.constant 0 : i32
        %dma_wait3A_297 = arith.constant 0 : i32
        %dma_wait3A_298 = tpu.memref_slice %arg9[%dma_wait3A_295, %dma_wait3A_296, %dma_wait3A_297] : memref<4x128x128xf32, #tpu.memory_space<vmem>> -> memref<1x128x128xf32, #tpu.memory_space<vmem>>
        %dma_wait3A_299 = tpu.memref_squeeze %dma_wait3A_298 : memref<1x128x128xf32, #tpu.memory_space<vmem>> -> memref<128x128xf32, #tpu.memory_space<vmem>>
        %dma_wait3A_300 = arith.constant 0 : i32
        %dma_wait3A_301 = arith.constant 0 : i32
        %dma_wait3A_302 = tpu.memref_slice %arg5[%dma_wait3A_300, %dma_wait3A_301] : memref<81920x128xf32, #tpu.memory_space<hbm>> -> memref<128x128xf32, #tpu.memory_space<hbm>>
        %dma_wait3A_303 = arith.constant 0 : i32
        %dma_wait3A_304 = arith.constant 0 : i32
        %dma_wait3A_305 = tpu.memref_slice %arg5[%dma_wait3A_303, %dma_wait3A_304] : memref<81920x128xf32, #tpu.memory_space<hbm>> -> memref<128x128xf32, #tpu.memory_space<hbm>>
        %dma_wait3A_306 = arith.constant 0 : i32
        %dma_wait3A_307 = arith.constant 0 : i32
        %dma_wait3A_308 = tpu.memref_slice %arg9[%dma_wait3A_295, %dma_wait3A_306, %dma_wait3A_307] : memref<4x128x128xf32, #tpu.memory_space<vmem>> -> memref<1x128x128xf32, #tpu.memory_space<vmem>>
        %dma_wait3A_309 = tpu.memref_squeeze %dma_wait3A_308 : memref<1x128x128xf32, #tpu.memory_space<vmem>> -> memref<128x128xf32, #tpu.memory_space<vmem>>
        tpu.wait_dma2 semaphore(%arg15 : memref<!tpu.dma_semaphore, #tpu.memory_space<semaphore_mem>>) src(%dma_wait3A_309 : memref<128x128xf32, #tpu.memory_space<vmem>>) dst(%dma_wait3A_305 : memref<128x128xf32, #tpu.memory_space<hbm>>)
        %add3A_310 = arith.constant 4 : i32
        %add3A_311 = arith.addi %add3A_172, %add3A_310 : i32
        %dma_start3A_312 = arith.constant 0 : i32
        %dma_start3A_313 = arith.constant 1 : i32
        %dma_start3A_314 = arith.constant 0 : i32
        %dma_start3A_315 = arith.constant 0 : i32
        %dma_start3A_316 = tpu.memref_slice %arg9[%dma_start3A_313, %dma_start3A_314, %dma_start3A_315] : memref<4x128x128xf32, #tpu.memory_space<vmem>> -> memref<1x128x128xf32, #tpu.memory_space<vmem>>
        %dma_start3A_317 = tpu.memref_squeeze %dma_start3A_316 : memref<1x128x128xf32, #tpu.memory_space<vmem>> -> memref<128x128xf32, #tpu.memory_space<vmem>>
        %dma_start3A_318 = arith.constant 0 : i32
        %dma_start3A_319 = tpu.memref_slice %arg7[%add3A_311, %dma_start3A_312, %dma_start3A_318] : memref<20x1x128xi32, #tpu.memory_space<vmem>> -> memref<1x1x128xi32, #tpu.memory_space<vmem>>
        %dma_start3A_320 = tpu.memref_squeeze %dma_start3A_319 : memref<1x1x128xi32, #tpu.memory_space<vmem>> -> memref<128xi32, #tpu.memory_space<vmem>>
        %dma_start3A_321 = arith.constant 0 : i32
        %dma_start3A_322 = arith.constant 0 : i32
        %dma_start3A_323 = tpu.memref_slice %arg2[%dma_start3A_321, %dma_start3A_322] : memref<100000x128xf32, #tpu.memory_space<hbm>> -> memref<100000x128xf32, #tpu.memory_space<hbm>>
        tpu.enqueue_indirect_dma source(%dma_start3A_323 : memref<100000x128xf32, #tpu.memory_space<hbm>>) target(%dma_start3A_317 : memref<128x128xf32, #tpu.memory_space<vmem>>) offsets(%dma_start3A_320 : memref<128xi32, #tpu.memory_space<vmem>>) semaphore(%arg11 : memref<!tpu.dma_semaphore, #tpu.memory_space<semaphore_mem>>)
      } else {
      }
      %mul3A_211 = arith.constant 4 : i32
      %mul3A_212 = arith.muli %scan3A_126, %mul3A_211 : i32
      %add3A_213 = arith.constant 2 : i32
      %add3A_214 = arith.addi %mul3A_212, %add3A_213 : i32
      %dma_wait3A_215 = arith.constant 2 : i32
      %dma_wait3A_216 = arith.constant 0 : i32
      %dma_wait3A_217 = arith.constant 0 : i32
      %dma_wait3A_218 = tpu.memref_slice %arg9[%dma_wait3A_215, %dma_wait3A_216, %dma_wait3A_217] : memref<4x128x128xf32, #tpu.memory_space<vmem>> -> memref<1x128x128xf32, #tpu.memory_space<vmem>>
      %dma_wait3A_219 = tpu.memref_squeeze %dma_wait3A_218 : memref<1x128x128xf32, #tpu.memory_space<vmem>> -> memref<128x128xf32, #tpu.memory_space<vmem>>
      %dma_wait3A_220 = arith.constant 0 : i32
      %dma_wait3A_221 = arith.constant 0 : i32
      %dma_wait3A_222 = tpu.memref_slice %arg2[%dma_wait3A_220, %dma_wait3A_221] : memref<100000x128xf32, #tpu.memory_space<hbm>> -> memref<128x128xf32, #tpu.memory_space<hbm>>
      %dma_wait3A_223 = arith.constant 0 : i32
      %dma_wait3A_224 = arith.constant 0 : i32
      %dma_wait3A_225 = tpu.memref_slice %arg9[%dma_wait3A_215, %dma_wait3A_223, %dma_wait3A_224] : memref<4x128x128xf32, #tpu.memory_space<vmem>> -> memref<1x128x128xf32, #tpu.memory_space<vmem>>
      %dma_wait3A_226 = tpu.memref_squeeze %dma_wait3A_225 : memref<1x128x128xf32, #tpu.memory_space<vmem>> -> memref<128x128xf32, #tpu.memory_space<vmem>>
      %dma_wait3A_227 = arith.constant 0 : i32
      %dma_wait3A_228 = arith.constant 0 : i32
      %dma_wait3A_229 = tpu.memref_slice %arg2[%dma_wait3A_227, %dma_wait3A_228] : memref<100000x128xf32, #tpu.memory_space<hbm>> -> memref<128x128xf32, #tpu.memory_space<hbm>>
      tpu.wait_dma2 semaphore(%arg12 : memref<!tpu.dma_semaphore, #tpu.memory_space<semaphore_mem>>) src(%dma_wait3A_229 : memref<128x128xf32, #tpu.memory_space<hbm>>) dst(%dma_wait3A_226 : memref<128x128xf32, #tpu.memory_space<vmem>>)
      %mul3A_230 = arith.constant 128 : i32
      %mul3A_231 = arith.muli %add3A_214, %mul3A_230 : i32
      %add3A_232 = arith.addi %mul3A_6, %mul3A_231 : i32
      %dma_start3A_233 = arith.constant 2 : i32
      %dma_start3A_234 = arith.constant 0 : i32
      %dma_start3A_235 = arith.constant 0 : i32
      %dma_start3A_236 = tpu.memref_slice %arg9[%dma_start3A_233, %dma_start3A_234, %dma_start3A_235] : memref<4x128x128xf32, #tpu.memory_space<vmem>> -> memref<1x128x128xf32, #tpu.memory_space<vmem>>
      %dma_start3A_237 = tpu.memref_squeeze %dma_start3A_236 : memref<1x128x128xf32, #tpu.memory_space<vmem>> -> memref<128x128xf32, #tpu.memory_space<vmem>>
      %dma_start3A_238 = arith.constant 0 : i32
      %dma_start3A_239 = tpu.memref_slice %arg5[%add3A_232, %dma_start3A_238] : memref<81920x128xf32, #tpu.memory_space<hbm>> -> memref<128x128xf32, #tpu.memory_space<hbm>>
      %dma_start3A_240 = arith.constant 0 : i32
      %dma_start3A_241 = tpu.memref_slice %arg5[%add3A_232, %dma_start3A_240] : memref<81920x128xf32, #tpu.memory_space<hbm>> -> memref<128x128xf32, #tpu.memory_space<hbm>>
      %dma_start3A_242 = arith.constant 0 : i32
      %dma_start3A_243 = arith.constant 0 : i32
      %dma_start3A_244 = tpu.memref_slice %arg9[%dma_start3A_233, %dma_start3A_242, %dma_start3A_243] : memref<4x128x128xf32, #tpu.memory_space<vmem>> -> memref<1x128x128xf32, #tpu.memory_space<vmem>>
      %dma_start3A_245 = tpu.memref_squeeze %dma_start3A_244 : memref<1x128x128xf32, #tpu.memory_space<vmem>> -> memref<128x128xf32, #tpu.memory_space<vmem>>
      tpu.enqueue_dma source(%dma_start3A_245 : memref<128x128xf32, #tpu.memory_space<vmem>>) target(%dma_start3A_241 : memref<128x128xf32, #tpu.memory_space<hbm>>) target_semaphore(%arg16 : memref<!tpu.dma_semaphore, #tpu.memory_space<semaphore_mem>>)
      %add3A_246 = arith.constant 4 : i32
      %add3A_247 = arith.addi %add3A_214, %add3A_246 : i32
      %lt3A_248 = arith.constant 20 : i32
      %lt3A_249 = arith.cmpi slt, %add3A_247, %lt3A_248 : i32
      %convert_element_type3A_250 = arith.extui %lt3A_249 : i1 to i32
      %cond3A_251 = arith.constant 0 : i32
      %cond3A_252 = arith.cmpi ne, %convert_element_type3A_250, %cond3A_251 : i32
      scf.if %cond3A_252 {
        %dma_wait3A_295 = arith.constant 2 : i32
        %dma_wait3A_296 = arith.constant 0 : i32
        %dma_wait3A_297 = arith.constant 0 : i32
        %dma_wait3A_298 = tpu.memref_slice %arg9[%dma_wait3A_295, %dma_wait3A_296, %dma_wait3A_297] : memref<4x128x128xf32, #tpu.memory_space<vmem>> -> memref<1x128x128xf32, #tpu.memory_space<vmem>>
        %dma_wait3A_299 = tpu.memref_squeeze %dma_wait3A_298 : memref<1x128x128xf32, #tpu.memory_space<vmem>> -> memref<128x128xf32, #tpu.memory_space<vmem>>
        %dma_wait3A_300 = arith.constant 0 : i32
        %dma_wait3A_301 = arith.constant 0 : i32
        %dma_wait3A_302 = tpu.memref_slice %arg5[%dma_wait3A_300, %dma_wait3A_301] : memref<81920x128xf32, #tpu.memory_space<hbm>> -> memref<128x128xf32, #tpu.memory_space<hbm>>
        %dma_wait3A_303 = arith.constant 0 : i32
        %dma_wait3A_304 = arith.constant 0 : i32
        %dma_wait3A_305 = tpu.memref_slice %arg5[%dma_wait3A_303, %dma_wait3A_304] : memref<81920x128xf32, #tpu.memory_space<hbm>> -> memref<128x128xf32, #tpu.memory_space<hbm>>
        %dma_wait3A_306 = arith.constant 0 : i32
        %dma_wait3A_307 = arith.constant 0 : i32
        %dma_wait3A_308 = tpu.memref_slice %arg9[%dma_wait3A_295, %dma_wait3A_306, %dma_wait3A_307] : memref<4x128x128xf32, #tpu.memory_space<vmem>> -> memref<1x128x128xf32, #tpu.memory_space<vmem>>
        %dma_wait3A_309 = tpu.memref_squeeze %dma_wait3A_308 : memref<1x128x128xf32, #tpu.memory_space<vmem>> -> memref<128x128xf32, #tpu.memory_space<vmem>>
        tpu.wait_dma2 semaphore(%arg16 : memref<!tpu.dma_semaphore, #tpu.memory_space<semaphore_mem>>) src(%dma_wait3A_309 : memref<128x128xf32, #tpu.memory_space<vmem>>) dst(%dma_wait3A_305 : memref<128x128xf32, #tpu.memory_space<hbm>>)
        %add3A_310 = arith.constant 4 : i32
        %add3A_311 = arith.addi %add3A_214, %add3A_310 : i32
        %dma_start3A_312 = arith.constant 0 : i32
        %dma_start3A_313 = arith.constant 2 : i32
        %dma_start3A_314 = arith.constant 0 : i32
        %dma_start3A_315 = arith.constant 0 : i32
        %dma_start3A_316 = tpu.memref_slice %arg9[%dma_start3A_313, %dma_start3A_314, %dma_start3A_315] : memref<4x128x128xf32, #tpu.memory_space<vmem>> -> memref<1x128x128xf32, #tpu.memory_space<vmem>>
        %dma_start3A_317 = tpu.memref_squeeze %dma_start3A_316 : memref<1x128x128xf32, #tpu.memory_space<vmem>> -> memref<128x128xf32, #tpu.memory_space<vmem>>
        %dma_start3A_318 = arith.constant 0 : i32
        %dma_start3A_319 = tpu.memref_slice %arg7[%add3A_311, %dma_start3A_312, %dma_start3A_318] : memref<20x1x128xi32, #tpu.memory_space<vmem>> -> memref<1x1x128xi32, #tpu.memory_space<vmem>>
        %dma_start3A_320 = tpu.memref_squeeze %dma_start3A_319 : memref<1x1x128xi32, #tpu.memory_space<vmem>> -> memref<128xi32, #tpu.memory_space<vmem>>
        %dma_start3A_321 = arith.constant 0 : i32
        %dma_start3A_322 = arith.constant 0 : i32
        %dma_start3A_323 = tpu.memref_slice %arg2[%dma_start3A_321, %dma_start3A_322] : memref<100000x128xf32, #tpu.memory_space<hbm>> -> memref<100000x128xf32, #tpu.memory_space<hbm>>
        tpu.enqueue_indirect_dma source(%dma_start3A_323 : memref<100000x128xf32, #tpu.memory_space<hbm>>) target(%dma_start3A_317 : memref<128x128xf32, #tpu.memory_space<vmem>>) offsets(%dma_start3A_320 : memref<128xi32, #tpu.memory_space<vmem>>) semaphore(%arg12 : memref<!tpu.dma_semaphore, #tpu.memory_space<semaphore_mem>>)
      } else {
      }
      %mul3A_253 = arith.constant 4 : i32
      %mul3A_254 = arith.muli %scan3A_126, %mul3A_253 : i32
      %add3A_255 = arith.constant 3 : i32
      %add3A_256 = arith.addi %mul3A_254, %add3A_255 : i32
      %dma_wait3A_257 = arith.constant 3 : i32
      %dma_wait3A_258 = arith.constant 0 : i32
      %dma_wait3A_259 = arith.constant 0 : i32
      %dma_wait3A_260 = tpu.memref_slice %arg9[%dma_wait3A_257, %dma_wait3A_258, %dma_wait3A_259] : memref<4x128x128xf32, #tpu.memory_space<vmem>> -> memref<1x128x128xf32, #tpu.memory_space<vmem>>
      %dma_wait3A_261 = tpu.memref_squeeze %dma_wait3A_260 : memref<1x128x128xf32, #tpu.memory_space<vmem>> -> memref<128x128xf32, #tpu.memory_space<vmem>>
      %dma_wait3A_262 = arith.constant 0 : i32
      %dma_wait3A_263 = arith.constant 0 : i32
      %dma_wait3A_264 = tpu.memref_slice %arg2[%dma_wait3A_262, %dma_wait3A_263] : memref<100000x128xf32, #tpu.memory_space<hbm>> -> memref<128x128xf32, #tpu.memory_space<hbm>>
      %dma_wait3A_265 = arith.constant 0 : i32
      %dma_wait3A_266 = arith.constant 0 : i32
      %dma_wait3A_267 = tpu.memref_slice %arg9[%dma_wait3A_257, %dma_wait3A_265, %dma_wait3A_266] : memref<4x128x128xf32, #tpu.memory_space<vmem>> -> memref<1x128x128xf32, #tpu.memory_space<vmem>>
      %dma_wait3A_268 = tpu.memref_squeeze %dma_wait3A_267 : memref<1x128x128xf32, #tpu.memory_space<vmem>> -> memref<128x128xf32, #tpu.memory_space<vmem>>
      %dma_wait3A_269 = arith.constant 0 : i32
      %dma_wait3A_270 = arith.constant 0 : i32
      %dma_wait3A_271 = tpu.memref_slice %arg2[%dma_wait3A_269, %dma_wait3A_270] : memref<100000x128xf32, #tpu.memory_space<hbm>> -> memref<128x128xf32, #tpu.memory_space<hbm>>
      tpu.wait_dma2 semaphore(%arg13 : memref<!tpu.dma_semaphore, #tpu.memory_space<semaphore_mem>>) src(%dma_wait3A_271 : memref<128x128xf32, #tpu.memory_space<hbm>>) dst(%dma_wait3A_268 : memref<128x128xf32, #tpu.memory_space<vmem>>)
      %mul3A_272 = arith.constant 128 : i32
      %mul3A_273 = arith.muli %add3A_256, %mul3A_272 : i32
      %add3A_274 = arith.addi %mul3A_6, %mul3A_273 : i32
      %dma_start3A_275 = arith.constant 3 : i32
      %dma_start3A_276 = arith.constant 0 : i32
      %dma_start3A_277 = arith.constant 0 : i32
      %dma_start3A_278 = tpu.memref_slice %arg9[%dma_start3A_275, %dma_start3A_276, %dma_start3A_277] : memref<4x128x128xf32, #tpu.memory_space<vmem>> -> memref<1x128x128xf32, #tpu.memory_space<vmem>>
      %dma_start3A_279 = tpu.memref_squeeze %dma_start3A_278 : memref<1x128x128xf32, #tpu.memory_space<vmem>> -> memref<128x128xf32, #tpu.memory_space<vmem>>
      %dma_start3A_280 = arith.constant 0 : i32
      %dma_start3A_281 = tpu.memref_slice %arg5[%add3A_274, %dma_start3A_280] : memref<81920x128xf32, #tpu.memory_space<hbm>> -> memref<128x128xf32, #tpu.memory_space<hbm>>
      %dma_start3A_282 = arith.constant 0 : i32
      %dma_start3A_283 = tpu.memref_slice %arg5[%add3A_274, %dma_start3A_282] : memref<81920x128xf32, #tpu.memory_space<hbm>> -> memref<128x128xf32, #tpu.memory_space<hbm>>
      %dma_start3A_284 = arith.constant 0 : i32
      %dma_start3A_285 = arith.constant 0 : i32
      %dma_start3A_286 = tpu.memref_slice %arg9[%dma_start3A_275, %dma_start3A_284, %dma_start3A_285] : memref<4x128x128xf32, #tpu.memory_space<vmem>> -> memref<1x128x128xf32, #tpu.memory_space<vmem>>
      %dma_start3A_287 = tpu.memref_squeeze %dma_start3A_286 : memref<1x128x128xf32, #tpu.memory_space<vmem>> -> memref<128x128xf32, #tpu.memory_space<vmem>>
      tpu.enqueue_dma source(%dma_start3A_287 : memref<128x128xf32, #tpu.memory_space<vmem>>) target(%dma_start3A_283 : memref<128x128xf32, #tpu.memory_space<hbm>>) target_semaphore(%arg17 : memref<!tpu.dma_semaphore, #tpu.memory_space<semaphore_mem>>)
      %add3A_288 = arith.constant 4 : i32
      %add3A_289 = arith.addi %add3A_256, %add3A_288 : i32
      %lt3A_290 = arith.constant 20 : i32
      %lt3A_291 = arith.cmpi slt, %add3A_289, %lt3A_290 : i32
      %convert_element_type3A_292 = arith.extui %lt3A_291 : i1 to i32
      %cond3A_293 = arith.constant 0 : i32
      %cond3A_294 = arith.cmpi ne, %convert_element_type3A_292, %cond3A_293 : i32
      scf.if %cond3A_294 {
        %dma_wait3A_295 = arith.constant 3 : i32
        %dma_wait3A_296 = arith.constant 0 : i32
        %dma_wait3A_297 = arith.constant 0 : i32
        %dma_wait3A_298 = tpu.memref_slice %arg9[%dma_wait3A_295, %dma_wait3A_296, %dma_wait3A_297] : memref<4x128x128xf32, #tpu.memory_space<vmem>> -> memref<1x128x128xf32, #tpu.memory_space<vmem>>
        %dma_wait3A_299 = tpu.memref_squeeze %dma_wait3A_298 : memref<1x128x128xf32, #tpu.memory_space<vmem>> -> memref<128x128xf32, #tpu.memory_space<vmem>>
        %dma_wait3A_300 = arith.constant 0 : i32
        %dma_wait3A_301 = arith.constant 0 : i32
        %dma_wait3A_302 = tpu.memref_slice %arg5[%dma_wait3A_300, %dma_wait3A_301] : memref<81920x128xf32, #tpu.memory_space<hbm>> -> memref<128x128xf32, #tpu.memory_space<hbm>>
        %dma_wait3A_303 = arith.constant 0 : i32
        %dma_wait3A_304 = arith.constant 0 : i32
        %dma_wait3A_305 = tpu.memref_slice %arg5[%dma_wait3A_303, %dma_wait3A_304] : memref<81920x128xf32, #tpu.memory_space<hbm>> -> memref<128x128xf32, #tpu.memory_space<hbm>>
        %dma_wait3A_306 = arith.constant 0 : i32
        %dma_wait3A_307 = arith.constant 0 : i32
        %dma_wait3A_308 = tpu.memref_slice %arg9[%dma_wait3A_295, %dma_wait3A_306, %dma_wait3A_307] : memref<4x128x128xf32, #tpu.memory_space<vmem>> -> memref<1x128x128xf32, #tpu.memory_space<vmem>>
        %dma_wait3A_309 = tpu.memref_squeeze %dma_wait3A_308 : memref<1x128x128xf32, #tpu.memory_space<vmem>> -> memref<128x128xf32, #tpu.memory_space<vmem>>
        tpu.wait_dma2 semaphore(%arg17 : memref<!tpu.dma_semaphore, #tpu.memory_space<semaphore_mem>>) src(%dma_wait3A_309 : memref<128x128xf32, #tpu.memory_space<vmem>>) dst(%dma_wait3A_305 : memref<128x128xf32, #tpu.memory_space<hbm>>)
        %add3A_310 = arith.constant 4 : i32
        %add3A_311 = arith.addi %add3A_256, %add3A_310 : i32
        %dma_start3A_312 = arith.constant 0 : i32
        %dma_start3A_313 = arith.constant 3 : i32
        %dma_start3A_314 = arith.constant 0 : i32
        %dma_start3A_315 = arith.constant 0 : i32
        %dma_start3A_316 = tpu.memref_slice %arg9[%dma_start3A_313, %dma_start3A_314, %dma_start3A_315] : memref<4x128x128xf32, #tpu.memory_space<vmem>> -> memref<1x128x128xf32, #tpu.memory_space<vmem>>
        %dma_start3A_317 = tpu.memref_squeeze %dma_start3A_316 : memref<1x128x128xf32, #tpu.memory_space<vmem>> -> memref<128x128xf32, #tpu.memory_space<vmem>>
        %dma_start3A_318 = arith.constant 0 : i32
        %dma_start3A_319 = tpu.memref_slice %arg7[%add3A_311, %dma_start3A_312, %dma_start3A_318] : memref<20x1x128xi32, #tpu.memory_space<vmem>> -> memref<1x1x128xi32, #tpu.memory_space<vmem>>
        %dma_start3A_320 = tpu.memref_squeeze %dma_start3A_319 : memref<1x1x128xi32, #tpu.memory_space<vmem>> -> memref<128xi32, #tpu.memory_space<vmem>>
        %dma_start3A_321 = arith.constant 0 : i32
        %dma_start3A_322 = arith.constant 0 : i32
        %dma_start3A_323 = tpu.memref_slice %arg2[%dma_start3A_321, %dma_start3A_322] : memref<100000x128xf32, #tpu.memory_space<hbm>> -> memref<100000x128xf32, #tpu.memory_space<hbm>>
        tpu.enqueue_indirect_dma source(%dma_start3A_323 : memref<100000x128xf32, #tpu.memory_space<hbm>>) target(%dma_start3A_317 : memref<128x128xf32, #tpu.memory_space<vmem>>) offsets(%dma_start3A_320 : memref<128xi32, #tpu.memory_space<vmem>>) semaphore(%arg13 : memref<!tpu.dma_semaphore, #tpu.memory_space<semaphore_mem>>)
      } else {
      }
    }
    %scan3A_62 = arith.constant 5 : i32
    %dma_wait3A = arith.constant 0 : i32
    %dma_wait3A_63 = arith.constant 0 : i32
    %dma_wait3A_64 = arith.constant 0 : i32
    %dma_wait3A_65 = tpu.memref_slice %arg9[%dma_wait3A, %dma_wait3A_63, %dma_wait3A_64] : memref<4x128x128xf32, #tpu.memory_space<vmem>> -> memref<1x128x128xf32, #tpu.memory_space<vmem>>
    %dma_wait3A_66 = tpu.memref_squeeze %dma_wait3A_65 : memref<1x128x128xf32, #tpu.memory_space<vmem>> -> memref<128x128xf32, #tpu.memory_space<vmem>>
    %dma_wait3A_67 = arith.constant 0 : i32
    %dma_wait3A_68 = arith.constant 0 : i32
    %dma_wait3A_69 = tpu.memref_slice %arg5[%dma_wait3A_67, %dma_wait3A_68] : memref<81920x128xf32, #tpu.memory_space<hbm>> -> memref<128x128xf32, #tpu.memory_space<hbm>>
    %dma_wait3A_70 = arith.constant 0 : i32
    %dma_wait3A_71 = arith.constant 0 : i32
    %dma_wait3A_72 = tpu.memref_slice %arg5[%dma_wait3A_70, %dma_wait3A_71] : memref<81920x128xf32, #tpu.memory_space<hbm>> -> memref<128x128xf32, #tpu.memory_space<hbm>>
    %dma_wait3A_73 = arith.constant 0 : i32
    %dma_wait3A_74 = arith.constant 0 : i32
    %dma_wait3A_75 = tpu.memref_slice %arg9[%dma_wait3A, %dma_wait3A_73, %dma_wait3A_74] : memref<4x128x128xf32, #tpu.memory_space<vmem>> -> memref<1x128x128xf32, #tpu.memory_space<vmem>>
    %dma_wait3A_76 = tpu.memref_squeeze %dma_wait3A_75 : memref<1x128x128xf32, #tpu.memory_space<vmem>> -> memref<128x128xf32, #tpu.memory_space<vmem>>
    tpu.wait_dma2 semaphore(%arg14 : memref<!tpu.dma_semaphore, #tpu.memory_space<semaphore_mem>>) src(%dma_wait3A_76 : memref<128x128xf32, #tpu.memory_space<vmem>>) dst(%dma_wait3A_72 : memref<128x128xf32, #tpu.memory_space<hbm>>)
    %dma_wait3A_77 = arith.constant 1 : i32
    %dma_wait3A_78 = arith.constant 0 : i32
    %dma_wait3A_79 = arith.constant 0 : i32
    %dma_wait3A_80 = tpu.memref_slice %arg9[%dma_wait3A_77, %dma_wait3A_78, %dma_wait3A_79] : memref<4x128x128xf32, #tpu.memory_space<vmem>> -> memref<1x128x128xf32, #tpu.memory_space<vmem>>
    %dma_wait3A_81 = tpu.memref_squeeze %dma_wait3A_80 : memref<1x128x128xf32, #tpu.memory_space<vmem>> -> memref<128x128xf32, #tpu.memory_space<vmem>>
    %dma_wait3A_82 = arith.constant 0 : i32
    %dma_wait3A_83 = arith.constant 0 : i32
    %dma_wait3A_84 = tpu.memref_slice %arg5[%dma_wait3A_82, %dma_wait3A_83] : memref<81920x128xf32, #tpu.memory_space<hbm>> -> memref<128x128xf32, #tpu.memory_space<hbm>>
    %dma_wait3A_85 = arith.constant 0 : i32
    %dma_wait3A_86 = arith.constant 0 : i32
    %dma_wait3A_87 = tpu.memref_slice %arg5[%dma_wait3A_85, %dma_wait3A_86] : memref<81920x128xf32, #tpu.memory_space<hbm>> -> memref<128x128xf32, #tpu.memory_space<hbm>>
    %dma_wait3A_88 = arith.constant 0 : i32
    %dma_wait3A_89 = arith.constant 0 : i32
    %dma_wait3A_90 = tpu.memref_slice %arg9[%dma_wait3A_77, %dma_wait3A_88, %dma_wait3A_89] : memref<4x128x128xf32, #tpu.memory_space<vmem>> -> memref<1x128x128xf32, #tpu.memory_space<vmem>>
    %dma_wait3A_91 = tpu.memref_squeeze %dma_wait3A_90 : memref<1x128x128xf32, #tpu.memory_space<vmem>> -> memref<128x128xf32, #tpu.memory_space<vmem>>
    tpu.wait_dma2 semaphore(%arg15 : memref<!tpu.dma_semaphore, #tpu.memory_space<semaphore_mem>>) src(%dma_wait3A_91 : memref<128x128xf32, #tpu.memory_space<vmem>>) dst(%dma_wait3A_87 : memref<128x128xf32, #tpu.memory_space<hbm>>)
    %dma_wait3A_92 = arith.constant 2 : i32
    %dma_wait3A_93 = arith.constant 0 : i32
    %dma_wait3A_94 = arith.constant 0 : i32
    %dma_wait3A_95 = tpu.memref_slice %arg9[%dma_wait3A_92, %dma_wait3A_93, %dma_wait3A_94] : memref<4x128x128xf32, #tpu.memory_space<vmem>> -> memref<1x128x128xf32, #tpu.memory_space<vmem>>
    %dma_wait3A_96 = tpu.memref_squeeze %dma_wait3A_95 : memref<1x128x128xf32, #tpu.memory_space<vmem>> -> memref<128x128xf32, #tpu.memory_space<vmem>>
    %dma_wait3A_97 = arith.constant 0 : i32
    %dma_wait3A_98 = arith.constant 0 : i32
    %dma_wait3A_99 = tpu.memref_slice %arg5[%dma_wait3A_97, %dma_wait3A_98] : memref<81920x128xf32, #tpu.memory_space<hbm>> -> memref<128x128xf32, #tpu.memory_space<hbm>>
    %dma_wait3A_100 = arith.constant 0 : i32
    %dma_wait3A_101 = arith.constant 0 : i32
    %dma_wait3A_102 = tpu.memref_slice %arg5[%dma_wait3A_100, %dma_wait3A_101] : memref<81920x128xf32, #tpu.memory_space<hbm>> -> memref<128x128xf32, #tpu.memory_space<hbm>>
    %dma_wait3A_103 = arith.constant 0 : i32
    %dma_wait3A_104 = arith.constant 0 : i32
    %dma_wait3A_105 = tpu.memref_slice %arg9[%dma_wait3A_92, %dma_wait3A_103, %dma_wait3A_104] : memref<4x128x128xf32, #tpu.memory_space<vmem>> -> memref<1x128x128xf32, #tpu.memory_space<vmem>>
    %dma_wait3A_106 = tpu.memref_squeeze %dma_wait3A_105 : memref<1x128x128xf32, #tpu.memory_space<vmem>> -> memref<128x128xf32, #tpu.memory_space<vmem>>
    tpu.wait_dma2 semaphore(%arg16 : memref<!tpu.dma_semaphore, #tpu.memory_space<semaphore_mem>>) src(%dma_wait3A_106 : memref<128x128xf32, #tpu.memory_space<vmem>>) dst(%dma_wait3A_102 : memref<128x128xf32, #tpu.memory_space<hbm>>)
    %dma_wait3A_107 = arith.constant 3 : i32
    %dma_wait3A_108 = arith.constant 0 : i32
    %dma_wait3A_109 = arith.constant 0 : i32
    %dma_wait3A_110 = tpu.memref_slice %arg9[%dma_wait3A_107, %dma_wait3A_108, %dma_wait3A_109] : memref<4x128x128xf32, #tpu.memory_space<vmem>> -> memref<1x128x128xf32, #tpu.memory_space<vmem>>
    %dma_wait3A_111 = tpu.memref_squeeze %dma_wait3A_110 : memref<1x128x128xf32, #tpu.memory_space<vmem>> -> memref<128x128xf32, #tpu.memory_space<vmem>>
    %dma_wait3A_112 = arith.constant 0 : i32
    %dma_wait3A_113 = arith.constant 0 : i32
    %dma_wait3A_114 = tpu.memref_slice %arg5[%dma_wait3A_112, %dma_wait3A_113] : memref<81920x128xf32, #tpu.memory_space<hbm>> -> memref<128x128xf32, #tpu.memory_space<hbm>>
    %dma_wait3A_115 = arith.constant 0 : i32
    %dma_wait3A_116 = arith.constant 0 : i32
    %dma_wait3A_117 = tpu.memref_slice %arg5[%dma_wait3A_115, %dma_wait3A_116] : memref<81920x128xf32, #tpu.memory_space<hbm>> -> memref<128x128xf32, #tpu.memory_space<hbm>>
    %dma_wait3A_118 = arith.constant 0 : i32
    %dma_wait3A_119 = arith.constant 0 : i32
    %dma_wait3A_120 = tpu.memref_slice %arg9[%dma_wait3A_107, %dma_wait3A_118, %dma_wait3A_119] : memref<4x128x128xf32, #tpu.memory_space<vmem>> -> memref<1x128x128xf32, #tpu.memory_space<vmem>>
    %dma_wait3A_121 = tpu.memref_squeeze %dma_wait3A_120 : memref<1x128x128xf32, #tpu.memory_space<vmem>> -> memref<128x128xf32, #tpu.memory_space<vmem>>
    tpu.wait_dma2 semaphore(%arg17 : memref<!tpu.dma_semaphore, #tpu.memory_space<semaphore_mem>>) src(%dma_wait3A_121 : memref<128x128xf32, #tpu.memory_space<vmem>>) dst(%dma_wait3A_117 : memref<128x128xf32, #tpu.memory_space<hbm>>)
    %add3A_122 = arith.constant 0 : i32
    %add3A_123 = arith.addi %add3A, %add3A_122 : i32
    %lt3A = arith.constant 20 : i32
    %lt3A_124 = arith.cmpi slt, %add3A_123, %lt3A : i32
    %convert_element_type3A = arith.extui %lt3A_124 : i1 to i32
    %cond3A = arith.constant 0 : i32
    %cond3A_125 = arith.cmpi ne, %convert_element_type3A, %cond3A : i32
    scf.if %cond3A_125 {
      "tpu.region"() ({
        %run_scoped3A_154 = tpu.sem_alloc : memref<!tpu.dma_semaphore, #tpu.memory_space<semaphore_mem>>
        %dma_start3A_155 = arith.constant 0 : i32
        %dma_start3A_156 = arith.constant 0 : i32
        %dma_start3A_157 = tpu.memref_slice %arg4[%add3A_123, %dma_start3A_155, %dma_start3A_156] : memref<20x1x128xi32, #tpu.memory_space<hbm>> -> memref<1x1x128xi32, #tpu.memory_space<hbm>>
        %dma_start3A_158 = arith.constant 0 : i32
        %dma_start3A_159 = arith.constant 0 : i32
        %dma_start3A_160 = tpu.memref_slice %arg4[%add3A_123, %dma_start3A_158, %dma_start3A_159] : memref<20x1x128xi32, #tpu.memory_space<hbm>> -> memref<1x1x128xi32, #tpu.memory_space<hbm>>
        tpu.enqueue_dma source(%dma_start3A_160 : memref<1x1x128xi32, #tpu.memory_space<hbm>>) target(%arg8 : memref<1x1x128xi32, #tpu.memory_space<vmem>>) target_semaphore(%run_scoped3A_154 : memref<!tpu.dma_semaphore, #tpu.memory_space<semaphore_mem>>)
        %dma_wait3A_161 = arith.constant 0 : i32
        %dma_wait3A_162 = arith.constant 0 : i32
        %dma_wait3A_163 = tpu.memref_slice %arg4[%add3A_123, %dma_wait3A_161, %dma_wait3A_162] : memref<20x1x128xi32, #tpu.memory_space<hbm>> -> memref<1x1x128xi32, #tpu.memory_space<hbm>>
        %dma_wait3A_164 = arith.constant 0 : i32
        %dma_wait3A_165 = arith.constant 0 : i32
        %dma_wait3A_166 = tpu.memref_slice %arg4[%add3A_123, %dma_wait3A_164, %dma_wait3A_165] : memref<20x1x128xi32, #tpu.memory_space<hbm>> -> memref<1x1x128xi32, #tpu.memory_space<hbm>>
        tpu.wait_dma2 semaphore(%run_scoped3A_154 : memref<!tpu.dma_semaphore, #tpu.memory_space<semaphore_mem>>) src(%dma_wait3A_166 : memref<1x1x128xi32, #tpu.memory_space<hbm>>) dst(%arg8 : memref<1x1x128xi32, #tpu.memory_space<vmem>>)
        tpu.yield
      }) : () -> ()
      %dma_start3A_126 = arith.constant 0 : i32
      %dma_start3A_127 = arith.constant 0 : i32
      %dma_start3A_128 = arith.constant 0 : i32
      %dma_start3A_129 = arith.constant 0 : i32
      %dma_start3A_130 = arith.constant 0 : i32
      %dma_start3A_131 = tpu.memref_slice %arg9[%dma_start3A_128, %dma_start3A_129, %dma_start3A_130] : memref<4x128x128xf32, #tpu.memory_space<vmem>> -> memref<1x128x128xf32, #tpu.memory_space<vmem>>
      %dma_start3A_132 = tpu.memref_squeeze %dma_start3A_131 : memref<1x128x128xf32, #tpu.memory_space<vmem>> -> memref<128x128xf32, #tpu.memory_space<vmem>>
      %dma_start3A_133 = arith.constant 0 : i32
      %dma_start3A_134 = tpu.memref_slice %arg8[%dma_start3A_126, %dma_start3A_127, %dma_start3A_133] : memref<1x1x128xi32, #tpu.memory_space<vmem>> -> memref<1x1x128xi32, #tpu.memory_space<vmem>>
      %dma_start3A_135 = tpu.memref_squeeze %dma_start3A_134 : memref<1x1x128xi32, #tpu.memory_space<vmem>> -> memref<128xi32, #tpu.memory_space<vmem>>
      %dma_start3A_136 = arith.constant 0 : i32
      %dma_start3A_137 = arith.constant 0 : i32
      %dma_start3A_138 = tpu.memref_slice %arg2[%dma_start3A_136, %dma_start3A_137] : memref<100000x128xf32, #tpu.memory_space<hbm>> -> memref<100000x128xf32, #tpu.memory_space<hbm>>
      tpu.enqueue_indirect_dma source(%dma_start3A_138 : memref<100000x128xf32, #tpu.memory_space<hbm>>) target(%dma_start3A_132 : memref<128x128xf32, #tpu.memory_space<vmem>>) offsets(%dma_start3A_135 : memref<128xi32, #tpu.memory_space<vmem>>) semaphore(%arg10 : memref<!tpu.dma_semaphore, #tpu.memory_space<semaphore_mem>>)
      %dma_wait3A_139 = arith.constant 0 : i32
      %dma_wait3A_140 = arith.constant 0 : i32
      %dma_wait3A_141 = arith.constant 0 : i32
      %dma_wait3A_142 = arith.constant 0 : i32
      %dma_wait3A_143 = arith.constant 0 : i32
      %dma_wait3A_144 = tpu.memref_slice %arg9[%dma_wait3A_141, %dma_wait3A_142, %dma_wait3A_143] : memref<4x128x128xf32, #tpu.memory_space<vmem>> -> memref<1x128x128xf32, #tpu.memory_space<vmem>>
      %dma_wait3A_145 = tpu.memref_squeeze %dma_wait3A_144 : memref<1x128x128xf32, #tpu.memory_space<vmem>> -> memref<128x128xf32, #tpu.memory_space<vmem>>
      %dma_wait3A_146 = arith.constant 0 : i32
      %dma_wait3A_147 = tpu.memref_slice %arg8[%dma_wait3A_139, %dma_wait3A_140, %dma_wait3A_146] : memref<1x1x128xi32, #tpu.memory_space<vmem>> -> memref<1x1x128xi32, #tpu.memory_space<vmem>>
      %dma_wait3A_148 = tpu.memref_squeeze %dma_wait3A_147 : memref<1x1x128xi32, #tpu.memory_space<vmem>> -> memref<128xi32, #tpu.memory_space<vmem>>
      %dma_wait3A_149 = arith.constant 0 : i32
      %dma_wait3A_150 = arith.constant 0 : i32
      %dma_wait3A_151 = tpu.memref_slice %arg2[%dma_wait3A_149, %dma_wait3A_150] : memref<100000x128xf32, #tpu.memory_space<hbm>> -> memref<100000x128xf32, #tpu.memory_space<hbm>>
      tpu.wait_indirect_dma semaphore(%arg10 : memref<!tpu.dma_semaphore, #tpu.memory_space<semaphore_mem>>) src(%dma_wait3A_151 : memref<100000x128xf32, #tpu.memory_space<hbm>>) dst(%dma_wait3A_145 : memref<128x128xf32, #tpu.memory_space<vmem>>)
      %mul3A_152 = arith.constant 128 : i32
      %mul3A_153 = arith.muli %add3A_123, %mul3A_152 : i32
      %run_scoped3A = arith.constant 0 : i32
      "tpu.region"() ({
        %run_scoped3A_154 = tpu.sem_alloc : memref<!tpu.dma_semaphore, #tpu.memory_space<semaphore_mem>>
        %dma_start3A_155 = arith.constant 0 : i32
        %dma_start3A_156 = arith.constant 0 : i32
        %dma_start3A_157 = tpu.memref_slice %arg9[%run_scoped3A, %dma_start3A_155, %dma_start3A_156] : memref<4x128x128xf32, #tpu.memory_space<vmem>> -> memref<1x128x128xf32, #tpu.memory_space<vmem>>
        %dma_start3A_158 = tpu.memref_squeeze %dma_start3A_157 : memref<1x128x128xf32, #tpu.memory_space<vmem>> -> memref<128x128xf32, #tpu.memory_space<vmem>>
        %dma_start3A_159 = arith.constant 0 : i32
        %dma_start3A_160 = tpu.memref_slice %arg6[%mul3A_153, %dma_start3A_159] : memref<2560x128xf32, #tpu.memory_space<hbm>> -> memref<128x128xf32, #tpu.memory_space<hbm>>
        %dma_start3A_161 = arith.constant 0 : i32
        %dma_start3A_162 = tpu.memref_slice %arg6[%mul3A_153, %dma_start3A_161] : memref<2560x128xf32, #tpu.memory_space<hbm>> -> memref<128x128xf32, #tpu.memory_space<hbm>>
        %dma_start3A_163 = arith.constant 0 : i32
        %dma_start3A_164 = arith.constant 0 : i32
        %dma_start3A_165 = tpu.memref_slice %arg9[%run_scoped3A, %dma_start3A_163, %dma_start3A_164] : memref<4x128x128xf32, #tpu.memory_space<vmem>> -> memref<1x128x128xf32, #tpu.memory_space<vmem>>
        %dma_start3A_166 = tpu.memref_squeeze %dma_start3A_165 : memref<1x128x128xf32, #tpu.memory_space<vmem>> -> memref<128x128xf32, #tpu.memory_space<vmem>>
        tpu.enqueue_dma source(%dma_start3A_166 : memref<128x128xf32, #tpu.memory_space<vmem>>) target(%dma_start3A_162 : memref<128x128xf32, #tpu.memory_space<hbm>>) target_semaphore(%run_scoped3A_154 : memref<!tpu.dma_semaphore, #tpu.memory_space<semaphore_mem>>)
        %dma_wait3A_167 = arith.constant 0 : i32
        %dma_wait3A_168 = arith.constant 0 : i32
        %dma_wait3A_169 = tpu.memref_slice %arg9[%run_scoped3A, %dma_wait3A_167, %dma_wait3A_168] : memref<4x128x128xf32, #tpu.memory_space<vmem>> -> memref<1x128x128xf32, #tpu.memory_space<vmem>>
        %dma_wait3A_170 = tpu.memref_squeeze %dma_wait3A_169 : memref<1x128x128xf32, #tpu.memory_space<vmem>> -> memref<128x128xf32, #tpu.memory_space<vmem>>
        %dma_wait3A_171 = arith.constant 0 : i32
        %dma_wait3A_172 = tpu.memref_slice %arg6[%mul3A_153, %dma_wait3A_171] : memref<2560x128xf32, #tpu.memory_space<hbm>> -> memref<128x128xf32, #tpu.memory_space<hbm>>
        %dma_wait3A_173 = arith.constant 0 : i32
        %dma_wait3A_174 = tpu.memref_slice %arg6[%mul3A_153, %dma_wait3A_173] : memref<2560x128xf32, #tpu.memory_space<hbm>> -> memref<128x128xf32, #tpu.memory_space<hbm>>
        %dma_wait3A_175 = arith.constant 0 : i32
        %dma_wait3A_176 = arith.constant 0 : i32
        %dma_wait3A_177 = tpu.memref_slice %arg9[%run_scoped3A, %dma_wait3A_175, %dma_wait3A_176] : memref<4x128x128xf32, #tpu.memory_space<vmem>> -> memref<1x128x128xf32, #tpu.memory_space<vmem>>
        %dma_wait3A_178 = tpu.memref_squeeze %dma_wait3A_177 : memref<1x128x128xf32, #tpu.memory_space<vmem>> -> memref<128x128xf32, #tpu.memory_space<vmem>>
        tpu.wait_dma2 semaphore(%run_scoped3A_154 : memref<!tpu.dma_semaphore, #tpu.memory_space<semaphore_mem>>) src(%dma_wait3A_178 : memref<128x128xf32, #tpu.memory_space<vmem>>) dst(%dma_wait3A_174 : memref<128x128xf32, #tpu.memory_space<hbm>>)
        tpu.yield
      }) : () -> ()
    } else {
    }
    return
  }
}

module attributes {stable_mosaic.version = 14 : i64} {
  func.func @_tc_body(%arg0: i32, %arg1: memref<32x80x128xf32, #tpu.memory_space<vmem>>, %arg2: memref<80x128xf32, #tpu.memory_space<vmem>>, %arg3: memref<128x128xf32, #tpu.memory_space<vmem>>, %arg4: memref<128x128xf32, #tpu.memory_space<vmem>>, %arg5: memref<1x128xf32, #tpu.memory_space<vmem>>, %arg6: memref<128x128xf32, #tpu.memory_space<vmem>>, %arg7: memref<1x128xf32, #tpu.memory_space<vmem>>, %arg8: memref<1x128xf32, #tpu.memory_space<vmem>>, %arg9: memref<80x128xf32, #tpu.memory_space<vmem>>) attributes {dimension_semantics = [#tpu.dimension_semantics<arbitrary>], iteration_bounds = array<i64: 32>, scalar_prefetch = 0 : i64, scratch_operands = 0 : i64, tpu.core_type = #tpu.core_type<tc>, window_params = [{transform_indices = @transform_0, window_bounds = array<i64: 32, 80, 128>}, {transform_indices = @transform_1, window_bounds = array<i64: 80, 128>}, {pipeline_mode = #tpu.pipeline_mode<synchronous>, transform_indices = @transform_2, window_bounds = array<i64: 128, 128>}, {pipeline_mode = #tpu.pipeline_mode<synchronous>, transform_indices = @transform_3, window_bounds = array<i64: 128, 128>}, {pipeline_mode = #tpu.pipeline_mode<synchronous>, transform_indices = @transform_4, window_bounds = array<i64: 1, 128>}, {pipeline_mode = #tpu.pipeline_mode<synchronous>, transform_indices = @transform_5, window_bounds = array<i64: 128, 128>}, {pipeline_mode = #tpu.pipeline_mode<synchronous>, transform_indices = @transform_6, window_bounds = array<i64: 1, 128>}, {pipeline_mode = #tpu.pipeline_mode<synchronous>, transform_indices = @transform_7, window_bounds = array<i64: 1, 128>}, {transform_indices = @transform_8, window_bounds = array<i64: 80, 128>}]} {
    %get3A = arith.constant 0 : index
    %get3A_0 = arith.constant 0 : index
    %get3A_1 = vector.load %arg2[%get3A, %get3A_0] : memref<80x128xf32, #tpu.memory_space<vmem>>, vector<80x128xf32>
    %get3A_2 = arith.constant 0 : index
    %get3A_3 = arith.constant 0 : index
    %get3A_4 = vector.load %arg4[%get3A_2, %get3A_3] : memref<128x128xf32, #tpu.memory_space<vmem>>, vector<128x128xf32>
    %dot_general3A = arith.constant dense<0.000000e+00> : vector<80x128xf32>
    %dot_general3A_5 = tpu.matmul %get3A_1, %get3A_4, %dot_general3A {dimension_numbers = #tpu.dot_dimension_numbers<[1], [0], [0], [1], [0, 0, 1, 1], [], []>, transpose_lhs_hint = false} : vector<80x128xf32>, vector<128x128xf32>, vector<80x128xf32> -> vector<80x128xf32>
    %get3A_6 = arith.constant 0 : index
    %get3A_7 = arith.constant 0 : index
    %get3A_8 = vector.load %arg5[%get3A_6, %get3A_7] : memref<1x128xf32, #tpu.memory_space<vmem>>, vector<1x128xf32>
    %add3A = vector.broadcast %get3A_8 : vector<1x128xf32> to vector<80x128xf32>
    %add3A_9 = arith.addf %dot_general3A_5, %add3A : vector<80x128xf32>
    %get3A_10 = arith.constant 0 : index
    %get3A_11 = arith.constant 0 : index
    %get3A_12 = arith.constant 0 : index
    %get3A_13 = vector.load %arg1[%get3A_10, %get3A_11, %get3A_12] : memref<32x80x128xf32, #tpu.memory_space<vmem>>, vector<32x80x128xf32>
    %reshape3A = vector.shape_cast %get3A_13 : vector<32x80x128xf32> to vector<2560x128xf32>
    %get3A_14 = arith.constant 0 : index
    %get3A_15 = arith.constant 0 : index
    %get3A_16 = vector.load %arg3[%get3A_14, %get3A_15] : memref<128x128xf32, #tpu.memory_space<vmem>>, vector<128x128xf32>
    %dot_general3A_17 = arith.constant dense<0.000000e+00> : vector<2560x128xf32>
    %dot_general3A_18 = tpu.matmul %reshape3A, %get3A_16, %dot_general3A_17 {dimension_numbers = #tpu.dot_dimension_numbers<[1], [0], [0], [1], [0, 0, 1, 1], [], []>, transpose_lhs_hint = false} : vector<2560x128xf32>, vector<128x128xf32>, vector<2560x128xf32> -> vector<2560x128xf32>
    %broadcast_in_dim3A = vector.shape_cast %add3A_9 : vector<80x128xf32> to vector<1x80x128xf32>
    %broadcast_in_dim3A_19 = vector.shape_cast %broadcast_in_dim3A : vector<1x80x128xf32> to vector<1x80x128xf32>
    %broadcast_in_dim3A_20 = vector.broadcast %broadcast_in_dim3A_19 : vector<1x80x128xf32> to vector<32x80x128xf32>
    %reshape3A_21 = vector.shape_cast %broadcast_in_dim3A_20 : vector<32x80x128xf32> to vector<2560x128xf32>
    %add3A_22 = arith.addf %dot_general3A_18, %reshape3A_21 : vector<2560x128xf32>
    %max3A = arith.constant 0.000000e+00 : f32
    %max3A_23 = vector.broadcast %max3A : f32 to vector<2560x128xf32>
    %max3A_24 = arith.maximumf %add3A_22, %max3A_23 : vector<2560x128xf32>
    %get3A_25 = arith.constant 0 : index
    %get3A_26 = arith.constant 0 : index
    %get3A_27 = vector.load %arg6[%get3A_25, %get3A_26] : memref<128x128xf32, #tpu.memory_space<vmem>>, vector<128x128xf32>
    %dot_general3A_28 = arith.constant dense<0.000000e+00> : vector<2560x128xf32>
    %dot_general3A_29 = tpu.matmul %max3A_24, %get3A_27, %dot_general3A_28 {dimension_numbers = #tpu.dot_dimension_numbers<[1], [0], [0], [1], [0, 0, 1, 1], [], []>, transpose_lhs_hint = false} : vector<2560x128xf32>, vector<128x128xf32>, vector<2560x128xf32> -> vector<2560x128xf32>
    %get3A_30 = arith.constant 0 : index
    %get3A_31 = arith.constant 0 : index
    %get3A_32 = vector.load %arg7[%get3A_30, %get3A_31] : memref<1x128xf32, #tpu.memory_space<vmem>>, vector<1x128xf32>
    %add3A_33 = vector.broadcast %get3A_32 : vector<1x128xf32> to vector<2560x128xf32>
    %add3A_34 = arith.addf %dot_general3A_29, %add3A_33 : vector<2560x128xf32>
    %max3A_35 = arith.constant 0.000000e+00 : f32
    %max3A_36 = vector.broadcast %max3A_35 : f32 to vector<2560x128xf32>
    %max3A_37 = arith.maximumf %add3A_34, %max3A_36 : vector<2560x128xf32>
    %reshape3A_38 = vector.shape_cast %max3A_37 : vector<2560x128xf32> to vector<32x80x128xf32>
    %get3A_39 = arith.constant 0 : index
    %get3A_40 = arith.constant 0 : index
    %get3A_41 = vector.load %arg8[%get3A_39, %get3A_40] : memref<1x128xf32, #tpu.memory_space<vmem>>, vector<1x128xf32>
    %slice3A = vector.extract_strided_slice %reshape3A_38 {offsets = [0, 0, 0], sizes = [1, 80, 128], strides = [1, 1, 1]} : vector<32x80x128xf32> to vector<1x80x128xf32>
    %squeeze3A = vector.shape_cast %slice3A : vector<1x80x128xf32> to vector<80x128xf32>
    %mul3A = vector.broadcast %get3A_41 : vector<1x128xf32> to vector<80x128xf32>
    %mul3A_42 = arith.mulf %squeeze3A, %mul3A : vector<80x128xf32>
    %reduce_sum3A = arith.constant dense<0.000000e+00> : vector<80xf32>
    %reduce_sum3A_43 = vector.multi_reduction <add>, %mul3A_42, %reduce_sum3A [1] : vector<80x128xf32> to vector<80xf32>
    %broadcast_in_dim3A_44 = vector.shape_cast %reduce_sum3A_43 : vector<80xf32> to vector<80x1xf32>
    %slice3A_45 = vector.extract_strided_slice %reshape3A_38 {offsets = [1, 0, 0], sizes = [1, 80, 128], strides = [1, 1, 1]} : vector<32x80x128xf32> to vector<1x80x128xf32>
    %squeeze3A_46 = vector.shape_cast %slice3A_45 : vector<1x80x128xf32> to vector<80x128xf32>
    %mul3A_47 = vector.broadcast %get3A_41 : vector<1x128xf32> to vector<80x128xf32>
    %mul3A_48 = arith.mulf %squeeze3A_46, %mul3A_47 : vector<80x128xf32>
    %reduce_sum3A_49 = arith.constant dense<0.000000e+00> : vector<80xf32>
    %reduce_sum3A_50 = vector.multi_reduction <add>, %mul3A_48, %reduce_sum3A_49 [1] : vector<80x128xf32> to vector<80xf32>
    %broadcast_in_dim3A_51 = vector.shape_cast %reduce_sum3A_50 : vector<80xf32> to vector<80x1xf32>
    %slice3A_52 = vector.extract_strided_slice %reshape3A_38 {offsets = [2, 0, 0], sizes = [1, 80, 128], strides = [1, 1, 1]} : vector<32x80x128xf32> to vector<1x80x128xf32>
    %squeeze3A_53 = vector.shape_cast %slice3A_52 : vector<1x80x128xf32> to vector<80x128xf32>
    %mul3A_54 = vector.broadcast %get3A_41 : vector<1x128xf32> to vector<80x128xf32>
    %mul3A_55 = arith.mulf %squeeze3A_53, %mul3A_54 : vector<80x128xf32>
    %reduce_sum3A_56 = arith.constant dense<0.000000e+00> : vector<80xf32>
    %reduce_sum3A_57 = vector.multi_reduction <add>, %mul3A_55, %reduce_sum3A_56 [1] : vector<80x128xf32> to vector<80xf32>
    %broadcast_in_dim3A_58 = vector.shape_cast %reduce_sum3A_57 : vector<80xf32> to vector<80x1xf32>
    %slice3A_59 = vector.extract_strided_slice %reshape3A_38 {offsets = [3, 0, 0], sizes = [1, 80, 128], strides = [1, 1, 1]} : vector<32x80x128xf32> to vector<1x80x128xf32>
    %squeeze3A_60 = vector.shape_cast %slice3A_59 : vector<1x80x128xf32> to vector<80x128xf32>
    %mul3A_61 = vector.broadcast %get3A_41 : vector<1x128xf32> to vector<80x128xf32>
    %mul3A_62 = arith.mulf %squeeze3A_60, %mul3A_61 : vector<80x128xf32>
    %reduce_sum3A_63 = arith.constant dense<0.000000e+00> : vector<80xf32>
    %reduce_sum3A_64 = vector.multi_reduction <add>, %mul3A_62, %reduce_sum3A_63 [1] : vector<80x128xf32> to vector<80xf32>
    %broadcast_in_dim3A_65 = vector.shape_cast %reduce_sum3A_64 : vector<80xf32> to vector<80x1xf32>
    %slice3A_66 = vector.extract_strided_slice %reshape3A_38 {offsets = [4, 0, 0], sizes = [1, 80, 128], strides = [1, 1, 1]} : vector<32x80x128xf32> to vector<1x80x128xf32>
    %squeeze3A_67 = vector.shape_cast %slice3A_66 : vector<1x80x128xf32> to vector<80x128xf32>
    %mul3A_68 = vector.broadcast %get3A_41 : vector<1x128xf32> to vector<80x128xf32>
    %mul3A_69 = arith.mulf %squeeze3A_67, %mul3A_68 : vector<80x128xf32>
    %reduce_sum3A_70 = arith.constant dense<0.000000e+00> : vector<80xf32>
    %reduce_sum3A_71 = vector.multi_reduction <add>, %mul3A_69, %reduce_sum3A_70 [1] : vector<80x128xf32> to vector<80xf32>
    %broadcast_in_dim3A_72 = vector.shape_cast %reduce_sum3A_71 : vector<80xf32> to vector<80x1xf32>
    %slice3A_73 = vector.extract_strided_slice %reshape3A_38 {offsets = [5, 0, 0], sizes = [1, 80, 128], strides = [1, 1, 1]} : vector<32x80x128xf32> to vector<1x80x128xf32>
    %squeeze3A_74 = vector.shape_cast %slice3A_73 : vector<1x80x128xf32> to vector<80x128xf32>
    %mul3A_75 = vector.broadcast %get3A_41 : vector<1x128xf32> to vector<80x128xf32>
    %mul3A_76 = arith.mulf %squeeze3A_74, %mul3A_75 : vector<80x128xf32>
    %reduce_sum3A_77 = arith.constant dense<0.000000e+00> : vector<80xf32>
    %reduce_sum3A_78 = vector.multi_reduction <add>, %mul3A_76, %reduce_sum3A_77 [1] : vector<80x128xf32> to vector<80xf32>
    %broadcast_in_dim3A_79 = vector.shape_cast %reduce_sum3A_78 : vector<80xf32> to vector<80x1xf32>
    %slice3A_80 = vector.extract_strided_slice %reshape3A_38 {offsets = [6, 0, 0], sizes = [1, 80, 128], strides = [1, 1, 1]} : vector<32x80x128xf32> to vector<1x80x128xf32>
    %squeeze3A_81 = vector.shape_cast %slice3A_80 : vector<1x80x128xf32> to vector<80x128xf32>
    %mul3A_82 = vector.broadcast %get3A_41 : vector<1x128xf32> to vector<80x128xf32>
    %mul3A_83 = arith.mulf %squeeze3A_81, %mul3A_82 : vector<80x128xf32>
    %reduce_sum3A_84 = arith.constant dense<0.000000e+00> : vector<80xf32>
    %reduce_sum3A_85 = vector.multi_reduction <add>, %mul3A_83, %reduce_sum3A_84 [1] : vector<80x128xf32> to vector<80xf32>
    %broadcast_in_dim3A_86 = vector.shape_cast %reduce_sum3A_85 : vector<80xf32> to vector<80x1xf32>
    %slice3A_87 = vector.extract_strided_slice %reshape3A_38 {offsets = [7, 0, 0], sizes = [1, 80, 128], strides = [1, 1, 1]} : vector<32x80x128xf32> to vector<1x80x128xf32>
    %squeeze3A_88 = vector.shape_cast %slice3A_87 : vector<1x80x128xf32> to vector<80x128xf32>
    %mul3A_89 = vector.broadcast %get3A_41 : vector<1x128xf32> to vector<80x128xf32>
    %mul3A_90 = arith.mulf %squeeze3A_88, %mul3A_89 : vector<80x128xf32>
    %reduce_sum3A_91 = arith.constant dense<0.000000e+00> : vector<80xf32>
    %reduce_sum3A_92 = vector.multi_reduction <add>, %mul3A_90, %reduce_sum3A_91 [1] : vector<80x128xf32> to vector<80xf32>
    %broadcast_in_dim3A_93 = vector.shape_cast %reduce_sum3A_92 : vector<80xf32> to vector<80x1xf32>
    %slice3A_94 = vector.extract_strided_slice %reshape3A_38 {offsets = [8, 0, 0], sizes = [1, 80, 128], strides = [1, 1, 1]} : vector<32x80x128xf32> to vector<1x80x128xf32>
    %squeeze3A_95 = vector.shape_cast %slice3A_94 : vector<1x80x128xf32> to vector<80x128xf32>
    %mul3A_96 = vector.broadcast %get3A_41 : vector<1x128xf32> to vector<80x128xf32>
    %mul3A_97 = arith.mulf %squeeze3A_95, %mul3A_96 : vector<80x128xf32>
    %reduce_sum3A_98 = arith.constant dense<0.000000e+00> : vector<80xf32>
    %reduce_sum3A_99 = vector.multi_reduction <add>, %mul3A_97, %reduce_sum3A_98 [1] : vector<80x128xf32> to vector<80xf32>
    %broadcast_in_dim3A_100 = vector.shape_cast %reduce_sum3A_99 : vector<80xf32> to vector<80x1xf32>
    %slice3A_101 = vector.extract_strided_slice %reshape3A_38 {offsets = [9, 0, 0], sizes = [1, 80, 128], strides = [1, 1, 1]} : vector<32x80x128xf32> to vector<1x80x128xf32>
    %squeeze3A_102 = vector.shape_cast %slice3A_101 : vector<1x80x128xf32> to vector<80x128xf32>
    %mul3A_103 = vector.broadcast %get3A_41 : vector<1x128xf32> to vector<80x128xf32>
    %mul3A_104 = arith.mulf %squeeze3A_102, %mul3A_103 : vector<80x128xf32>
    %reduce_sum3A_105 = arith.constant dense<0.000000e+00> : vector<80xf32>
    %reduce_sum3A_106 = vector.multi_reduction <add>, %mul3A_104, %reduce_sum3A_105 [1] : vector<80x128xf32> to vector<80xf32>
    %broadcast_in_dim3A_107 = vector.shape_cast %reduce_sum3A_106 : vector<80xf32> to vector<80x1xf32>
    %slice3A_108 = vector.extract_strided_slice %reshape3A_38 {offsets = [10, 0, 0], sizes = [1, 80, 128], strides = [1, 1, 1]} : vector<32x80x128xf32> to vector<1x80x128xf32>
    %squeeze3A_109 = vector.shape_cast %slice3A_108 : vector<1x80x128xf32> to vector<80x128xf32>
    %mul3A_110 = vector.broadcast %get3A_41 : vector<1x128xf32> to vector<80x128xf32>
    %mul3A_111 = arith.mulf %squeeze3A_109, %mul3A_110 : vector<80x128xf32>
    %reduce_sum3A_112 = arith.constant dense<0.000000e+00> : vector<80xf32>
    %reduce_sum3A_113 = vector.multi_reduction <add>, %mul3A_111, %reduce_sum3A_112 [1] : vector<80x128xf32> to vector<80xf32>
    %broadcast_in_dim3A_114 = vector.shape_cast %reduce_sum3A_113 : vector<80xf32> to vector<80x1xf32>
    %slice3A_115 = vector.extract_strided_slice %reshape3A_38 {offsets = [11, 0, 0], sizes = [1, 80, 128], strides = [1, 1, 1]} : vector<32x80x128xf32> to vector<1x80x128xf32>
    %squeeze3A_116 = vector.shape_cast %slice3A_115 : vector<1x80x128xf32> to vector<80x128xf32>
    %mul3A_117 = vector.broadcast %get3A_41 : vector<1x128xf32> to vector<80x128xf32>
    %mul3A_118 = arith.mulf %squeeze3A_116, %mul3A_117 : vector<80x128xf32>
    %reduce_sum3A_119 = arith.constant dense<0.000000e+00> : vector<80xf32>
    %reduce_sum3A_120 = vector.multi_reduction <add>, %mul3A_118, %reduce_sum3A_119 [1] : vector<80x128xf32> to vector<80xf32>
    %broadcast_in_dim3A_121 = vector.shape_cast %reduce_sum3A_120 : vector<80xf32> to vector<80x1xf32>
    %slice3A_122 = vector.extract_strided_slice %reshape3A_38 {offsets = [12, 0, 0], sizes = [1, 80, 128], strides = [1, 1, 1]} : vector<32x80x128xf32> to vector<1x80x128xf32>
    %squeeze3A_123 = vector.shape_cast %slice3A_122 : vector<1x80x128xf32> to vector<80x128xf32>
    %mul3A_124 = vector.broadcast %get3A_41 : vector<1x128xf32> to vector<80x128xf32>
    %mul3A_125 = arith.mulf %squeeze3A_123, %mul3A_124 : vector<80x128xf32>
    %reduce_sum3A_126 = arith.constant dense<0.000000e+00> : vector<80xf32>
    %reduce_sum3A_127 = vector.multi_reduction <add>, %mul3A_125, %reduce_sum3A_126 [1] : vector<80x128xf32> to vector<80xf32>
    %broadcast_in_dim3A_128 = vector.shape_cast %reduce_sum3A_127 : vector<80xf32> to vector<80x1xf32>
    %slice3A_129 = vector.extract_strided_slice %reshape3A_38 {offsets = [13, 0, 0], sizes = [1, 80, 128], strides = [1, 1, 1]} : vector<32x80x128xf32> to vector<1x80x128xf32>
    %squeeze3A_130 = vector.shape_cast %slice3A_129 : vector<1x80x128xf32> to vector<80x128xf32>
    %mul3A_131 = vector.broadcast %get3A_41 : vector<1x128xf32> to vector<80x128xf32>
    %mul3A_132 = arith.mulf %squeeze3A_130, %mul3A_131 : vector<80x128xf32>
    %reduce_sum3A_133 = arith.constant dense<0.000000e+00> : vector<80xf32>
    %reduce_sum3A_134 = vector.multi_reduction <add>, %mul3A_132, %reduce_sum3A_133 [1] : vector<80x128xf32> to vector<80xf32>
    %broadcast_in_dim3A_135 = vector.shape_cast %reduce_sum3A_134 : vector<80xf32> to vector<80x1xf32>
    %slice3A_136 = vector.extract_strided_slice %reshape3A_38 {offsets = [14, 0, 0], sizes = [1, 80, 128], strides = [1, 1, 1]} : vector<32x80x128xf32> to vector<1x80x128xf32>
    %squeeze3A_137 = vector.shape_cast %slice3A_136 : vector<1x80x128xf32> to vector<80x128xf32>
    %mul3A_138 = vector.broadcast %get3A_41 : vector<1x128xf32> to vector<80x128xf32>
    %mul3A_139 = arith.mulf %squeeze3A_137, %mul3A_138 : vector<80x128xf32>
    %reduce_sum3A_140 = arith.constant dense<0.000000e+00> : vector<80xf32>
    %reduce_sum3A_141 = vector.multi_reduction <add>, %mul3A_139, %reduce_sum3A_140 [1] : vector<80x128xf32> to vector<80xf32>
    %broadcast_in_dim3A_142 = vector.shape_cast %reduce_sum3A_141 : vector<80xf32> to vector<80x1xf32>
    %slice3A_143 = vector.extract_strided_slice %reshape3A_38 {offsets = [15, 0, 0], sizes = [1, 80, 128], strides = [1, 1, 1]} : vector<32x80x128xf32> to vector<1x80x128xf32>
    %squeeze3A_144 = vector.shape_cast %slice3A_143 : vector<1x80x128xf32> to vector<80x128xf32>
    %mul3A_145 = vector.broadcast %get3A_41 : vector<1x128xf32> to vector<80x128xf32>
    %mul3A_146 = arith.mulf %squeeze3A_144, %mul3A_145 : vector<80x128xf32>
    %reduce_sum3A_147 = arith.constant dense<0.000000e+00> : vector<80xf32>
    %reduce_sum3A_148 = vector.multi_reduction <add>, %mul3A_146, %reduce_sum3A_147 [1] : vector<80x128xf32> to vector<80xf32>
    %broadcast_in_dim3A_149 = vector.shape_cast %reduce_sum3A_148 : vector<80xf32> to vector<80x1xf32>
    %slice3A_150 = vector.extract_strided_slice %reshape3A_38 {offsets = [16, 0, 0], sizes = [1, 80, 128], strides = [1, 1, 1]} : vector<32x80x128xf32> to vector<1x80x128xf32>
    %squeeze3A_151 = vector.shape_cast %slice3A_150 : vector<1x80x128xf32> to vector<80x128xf32>
    %mul3A_152 = vector.broadcast %get3A_41 : vector<1x128xf32> to vector<80x128xf32>
    %mul3A_153 = arith.mulf %squeeze3A_151, %mul3A_152 : vector<80x128xf32>
    %reduce_sum3A_154 = arith.constant dense<0.000000e+00> : vector<80xf32>
    %reduce_sum3A_155 = vector.multi_reduction <add>, %mul3A_153, %reduce_sum3A_154 [1] : vector<80x128xf32> to vector<80xf32>
    %broadcast_in_dim3A_156 = vector.shape_cast %reduce_sum3A_155 : vector<80xf32> to vector<80x1xf32>
    %slice3A_157 = vector.extract_strided_slice %reshape3A_38 {offsets = [17, 0, 0], sizes = [1, 80, 128], strides = [1, 1, 1]} : vector<32x80x128xf32> to vector<1x80x128xf32>
    %squeeze3A_158 = vector.shape_cast %slice3A_157 : vector<1x80x128xf32> to vector<80x128xf32>
    %mul3A_159 = vector.broadcast %get3A_41 : vector<1x128xf32> to vector<80x128xf32>
    %mul3A_160 = arith.mulf %squeeze3A_158, %mul3A_159 : vector<80x128xf32>
    %reduce_sum3A_161 = arith.constant dense<0.000000e+00> : vector<80xf32>
    %reduce_sum3A_162 = vector.multi_reduction <add>, %mul3A_160, %reduce_sum3A_161 [1] : vector<80x128xf32> to vector<80xf32>
    %broadcast_in_dim3A_163 = vector.shape_cast %reduce_sum3A_162 : vector<80xf32> to vector<80x1xf32>
    %slice3A_164 = vector.extract_strided_slice %reshape3A_38 {offsets = [18, 0, 0], sizes = [1, 80, 128], strides = [1, 1, 1]} : vector<32x80x128xf32> to vector<1x80x128xf32>
    %squeeze3A_165 = vector.shape_cast %slice3A_164 : vector<1x80x128xf32> to vector<80x128xf32>
    %mul3A_166 = vector.broadcast %get3A_41 : vector<1x128xf32> to vector<80x128xf32>
    %mul3A_167 = arith.mulf %squeeze3A_165, %mul3A_166 : vector<80x128xf32>
    %reduce_sum3A_168 = arith.constant dense<0.000000e+00> : vector<80xf32>
    %reduce_sum3A_169 = vector.multi_reduction <add>, %mul3A_167, %reduce_sum3A_168 [1] : vector<80x128xf32> to vector<80xf32>
    %broadcast_in_dim3A_170 = vector.shape_cast %reduce_sum3A_169 : vector<80xf32> to vector<80x1xf32>
    %slice3A_171 = vector.extract_strided_slice %reshape3A_38 {offsets = [19, 0, 0], sizes = [1, 80, 128], strides = [1, 1, 1]} : vector<32x80x128xf32> to vector<1x80x128xf32>
    %squeeze3A_172 = vector.shape_cast %slice3A_171 : vector<1x80x128xf32> to vector<80x128xf32>
    %mul3A_173 = vector.broadcast %get3A_41 : vector<1x128xf32> to vector<80x128xf32>
    %mul3A_174 = arith.mulf %squeeze3A_172, %mul3A_173 : vector<80x128xf32>
    %reduce_sum3A_175 = arith.constant dense<0.000000e+00> : vector<80xf32>
    %reduce_sum3A_176 = vector.multi_reduction <add>, %mul3A_174, %reduce_sum3A_175 [1] : vector<80x128xf32> to vector<80xf32>
    %broadcast_in_dim3A_177 = vector.shape_cast %reduce_sum3A_176 : vector<80xf32> to vector<80x1xf32>
    %slice3A_178 = vector.extract_strided_slice %reshape3A_38 {offsets = [20, 0, 0], sizes = [1, 80, 128], strides = [1, 1, 1]} : vector<32x80x128xf32> to vector<1x80x128xf32>
    %squeeze3A_179 = vector.shape_cast %slice3A_178 : vector<1x80x128xf32> to vector<80x128xf32>
    %mul3A_180 = vector.broadcast %get3A_41 : vector<1x128xf32> to vector<80x128xf32>
    %mul3A_181 = arith.mulf %squeeze3A_179, %mul3A_180 : vector<80x128xf32>
    %reduce_sum3A_182 = arith.constant dense<0.000000e+00> : vector<80xf32>
    %reduce_sum3A_183 = vector.multi_reduction <add>, %mul3A_181, %reduce_sum3A_182 [1] : vector<80x128xf32> to vector<80xf32>
    %broadcast_in_dim3A_184 = vector.shape_cast %reduce_sum3A_183 : vector<80xf32> to vector<80x1xf32>
    %slice3A_185 = vector.extract_strided_slice %reshape3A_38 {offsets = [21, 0, 0], sizes = [1, 80, 128], strides = [1, 1, 1]} : vector<32x80x128xf32> to vector<1x80x128xf32>
    %squeeze3A_186 = vector.shape_cast %slice3A_185 : vector<1x80x128xf32> to vector<80x128xf32>
    %mul3A_187 = vector.broadcast %get3A_41 : vector<1x128xf32> to vector<80x128xf32>
    %mul3A_188 = arith.mulf %squeeze3A_186, %mul3A_187 : vector<80x128xf32>
    %reduce_sum3A_189 = arith.constant dense<0.000000e+00> : vector<80xf32>
    %reduce_sum3A_190 = vector.multi_reduction <add>, %mul3A_188, %reduce_sum3A_189 [1] : vector<80x128xf32> to vector<80xf32>
    %broadcast_in_dim3A_191 = vector.shape_cast %reduce_sum3A_190 : vector<80xf32> to vector<80x1xf32>
    %slice3A_192 = vector.extract_strided_slice %reshape3A_38 {offsets = [22, 0, 0], sizes = [1, 80, 128], strides = [1, 1, 1]} : vector<32x80x128xf32> to vector<1x80x128xf32>
    %squeeze3A_193 = vector.shape_cast %slice3A_192 : vector<1x80x128xf32> to vector<80x128xf32>
    %mul3A_194 = vector.broadcast %get3A_41 : vector<1x128xf32> to vector<80x128xf32>
    %mul3A_195 = arith.mulf %squeeze3A_193, %mul3A_194 : vector<80x128xf32>
    %reduce_sum3A_196 = arith.constant dense<0.000000e+00> : vector<80xf32>
    %reduce_sum3A_197 = vector.multi_reduction <add>, %mul3A_195, %reduce_sum3A_196 [1] : vector<80x128xf32> to vector<80xf32>
    %broadcast_in_dim3A_198 = vector.shape_cast %reduce_sum3A_197 : vector<80xf32> to vector<80x1xf32>
    %slice3A_199 = vector.extract_strided_slice %reshape3A_38 {offsets = [23, 0, 0], sizes = [1, 80, 128], strides = [1, 1, 1]} : vector<32x80x128xf32> to vector<1x80x128xf32>
    %squeeze3A_200 = vector.shape_cast %slice3A_199 : vector<1x80x128xf32> to vector<80x128xf32>
    %mul3A_201 = vector.broadcast %get3A_41 : vector<1x128xf32> to vector<80x128xf32>
    %mul3A_202 = arith.mulf %squeeze3A_200, %mul3A_201 : vector<80x128xf32>
    %reduce_sum3A_203 = arith.constant dense<0.000000e+00> : vector<80xf32>
    %reduce_sum3A_204 = vector.multi_reduction <add>, %mul3A_202, %reduce_sum3A_203 [1] : vector<80x128xf32> to vector<80xf32>
    %broadcast_in_dim3A_205 = vector.shape_cast %reduce_sum3A_204 : vector<80xf32> to vector<80x1xf32>
    %slice3A_206 = vector.extract_strided_slice %reshape3A_38 {offsets = [24, 0, 0], sizes = [1, 80, 128], strides = [1, 1, 1]} : vector<32x80x128xf32> to vector<1x80x128xf32>
    %squeeze3A_207 = vector.shape_cast %slice3A_206 : vector<1x80x128xf32> to vector<80x128xf32>
    %mul3A_208 = vector.broadcast %get3A_41 : vector<1x128xf32> to vector<80x128xf32>
    %mul3A_209 = arith.mulf %squeeze3A_207, %mul3A_208 : vector<80x128xf32>
    %reduce_sum3A_210 = arith.constant dense<0.000000e+00> : vector<80xf32>
    %reduce_sum3A_211 = vector.multi_reduction <add>, %mul3A_209, %reduce_sum3A_210 [1] : vector<80x128xf32> to vector<80xf32>
    %broadcast_in_dim3A_212 = vector.shape_cast %reduce_sum3A_211 : vector<80xf32> to vector<80x1xf32>
    %slice3A_213 = vector.extract_strided_slice %reshape3A_38 {offsets = [25, 0, 0], sizes = [1, 80, 128], strides = [1, 1, 1]} : vector<32x80x128xf32> to vector<1x80x128xf32>
    %squeeze3A_214 = vector.shape_cast %slice3A_213 : vector<1x80x128xf32> to vector<80x128xf32>
    %mul3A_215 = vector.broadcast %get3A_41 : vector<1x128xf32> to vector<80x128xf32>
    %mul3A_216 = arith.mulf %squeeze3A_214, %mul3A_215 : vector<80x128xf32>
    %reduce_sum3A_217 = arith.constant dense<0.000000e+00> : vector<80xf32>
    %reduce_sum3A_218 = vector.multi_reduction <add>, %mul3A_216, %reduce_sum3A_217 [1] : vector<80x128xf32> to vector<80xf32>
    %broadcast_in_dim3A_219 = vector.shape_cast %reduce_sum3A_218 : vector<80xf32> to vector<80x1xf32>
    %slice3A_220 = vector.extract_strided_slice %reshape3A_38 {offsets = [26, 0, 0], sizes = [1, 80, 128], strides = [1, 1, 1]} : vector<32x80x128xf32> to vector<1x80x128xf32>
    %squeeze3A_221 = vector.shape_cast %slice3A_220 : vector<1x80x128xf32> to vector<80x128xf32>
    %mul3A_222 = vector.broadcast %get3A_41 : vector<1x128xf32> to vector<80x128xf32>
    %mul3A_223 = arith.mulf %squeeze3A_221, %mul3A_222 : vector<80x128xf32>
    %reduce_sum3A_224 = arith.constant dense<0.000000e+00> : vector<80xf32>
    %reduce_sum3A_225 = vector.multi_reduction <add>, %mul3A_223, %reduce_sum3A_224 [1] : vector<80x128xf32> to vector<80xf32>
    %broadcast_in_dim3A_226 = vector.shape_cast %reduce_sum3A_225 : vector<80xf32> to vector<80x1xf32>
    %slice3A_227 = vector.extract_strided_slice %reshape3A_38 {offsets = [27, 0, 0], sizes = [1, 80, 128], strides = [1, 1, 1]} : vector<32x80x128xf32> to vector<1x80x128xf32>
    %squeeze3A_228 = vector.shape_cast %slice3A_227 : vector<1x80x128xf32> to vector<80x128xf32>
    %mul3A_229 = vector.broadcast %get3A_41 : vector<1x128xf32> to vector<80x128xf32>
    %mul3A_230 = arith.mulf %squeeze3A_228, %mul3A_229 : vector<80x128xf32>
    %reduce_sum3A_231 = arith.constant dense<0.000000e+00> : vector<80xf32>
    %reduce_sum3A_232 = vector.multi_reduction <add>, %mul3A_230, %reduce_sum3A_231 [1] : vector<80x128xf32> to vector<80xf32>
    %broadcast_in_dim3A_233 = vector.shape_cast %reduce_sum3A_232 : vector<80xf32> to vector<80x1xf32>
    %slice3A_234 = vector.extract_strided_slice %reshape3A_38 {offsets = [28, 0, 0], sizes = [1, 80, 128], strides = [1, 1, 1]} : vector<32x80x128xf32> to vector<1x80x128xf32>
    %squeeze3A_235 = vector.shape_cast %slice3A_234 : vector<1x80x128xf32> to vector<80x128xf32>
    %mul3A_236 = vector.broadcast %get3A_41 : vector<1x128xf32> to vector<80x128xf32>
    %mul3A_237 = arith.mulf %squeeze3A_235, %mul3A_236 : vector<80x128xf32>
    %reduce_sum3A_238 = arith.constant dense<0.000000e+00> : vector<80xf32>
    %reduce_sum3A_239 = vector.multi_reduction <add>, %mul3A_237, %reduce_sum3A_238 [1] : vector<80x128xf32> to vector<80xf32>
    %broadcast_in_dim3A_240 = vector.shape_cast %reduce_sum3A_239 : vector<80xf32> to vector<80x1xf32>
    %slice3A_241 = vector.extract_strided_slice %reshape3A_38 {offsets = [29, 0, 0], sizes = [1, 80, 128], strides = [1, 1, 1]} : vector<32x80x128xf32> to vector<1x80x128xf32>
    %squeeze3A_242 = vector.shape_cast %slice3A_241 : vector<1x80x128xf32> to vector<80x128xf32>
    %mul3A_243 = vector.broadcast %get3A_41 : vector<1x128xf32> to vector<80x128xf32>
    %mul3A_244 = arith.mulf %squeeze3A_242, %mul3A_243 : vector<80x128xf32>
    %reduce_sum3A_245 = arith.constant dense<0.000000e+00> : vector<80xf32>
    %reduce_sum3A_246 = vector.multi_reduction <add>, %mul3A_244, %reduce_sum3A_245 [1] : vector<80x128xf32> to vector<80xf32>
    %broadcast_in_dim3A_247 = vector.shape_cast %reduce_sum3A_246 : vector<80xf32> to vector<80x1xf32>
    %slice3A_248 = vector.extract_strided_slice %reshape3A_38 {offsets = [30, 0, 0], sizes = [1, 80, 128], strides = [1, 1, 1]} : vector<32x80x128xf32> to vector<1x80x128xf32>
    %squeeze3A_249 = vector.shape_cast %slice3A_248 : vector<1x80x128xf32> to vector<80x128xf32>
    %mul3A_250 = vector.broadcast %get3A_41 : vector<1x128xf32> to vector<80x128xf32>
    %mul3A_251 = arith.mulf %squeeze3A_249, %mul3A_250 : vector<80x128xf32>
    %reduce_sum3A_252 = arith.constant dense<0.000000e+00> : vector<80xf32>
    %reduce_sum3A_253 = vector.multi_reduction <add>, %mul3A_251, %reduce_sum3A_252 [1] : vector<80x128xf32> to vector<80xf32>
    %broadcast_in_dim3A_254 = vector.shape_cast %reduce_sum3A_253 : vector<80xf32> to vector<80x1xf32>
    %slice3A_255 = vector.extract_strided_slice %reshape3A_38 {offsets = [31, 0, 0], sizes = [1, 80, 128], strides = [1, 1, 1]} : vector<32x80x128xf32> to vector<1x80x128xf32>
    %squeeze3A_256 = vector.shape_cast %slice3A_255 : vector<1x80x128xf32> to vector<80x128xf32>
    %mul3A_257 = vector.broadcast %get3A_41 : vector<1x128xf32> to vector<80x128xf32>
    %mul3A_258 = arith.mulf %squeeze3A_256, %mul3A_257 : vector<80x128xf32>
    %reduce_sum3A_259 = arith.constant dense<0.000000e+00> : vector<80xf32>
    %reduce_sum3A_260 = vector.multi_reduction <add>, %mul3A_258, %reduce_sum3A_259 [1] : vector<80x128xf32> to vector<80xf32>
    %broadcast_in_dim3A_261 = vector.shape_cast %reduce_sum3A_260 : vector<80xf32> to vector<80x1xf32>
    %max3A_262 = arith.maximumf %broadcast_in_dim3A_44, %broadcast_in_dim3A_51 : vector<80x1xf32>
    %max3A_263 = arith.maximumf %max3A_262, %broadcast_in_dim3A_58 : vector<80x1xf32>
    %max3A_264 = arith.maximumf %max3A_263, %broadcast_in_dim3A_65 : vector<80x1xf32>
    %max3A_265 = arith.maximumf %max3A_264, %broadcast_in_dim3A_72 : vector<80x1xf32>
    %max3A_266 = arith.maximumf %max3A_265, %broadcast_in_dim3A_79 : vector<80x1xf32>
    %max3A_267 = arith.maximumf %max3A_266, %broadcast_in_dim3A_86 : vector<80x1xf32>
    %max3A_268 = arith.maximumf %max3A_267, %broadcast_in_dim3A_93 : vector<80x1xf32>
    %max3A_269 = arith.maximumf %max3A_268, %broadcast_in_dim3A_100 : vector<80x1xf32>
    %max3A_270 = arith.maximumf %max3A_269, %broadcast_in_dim3A_107 : vector<80x1xf32>
    %max3A_271 = arith.maximumf %max3A_270, %broadcast_in_dim3A_114 : vector<80x1xf32>
    %max3A_272 = arith.maximumf %max3A_271, %broadcast_in_dim3A_121 : vector<80x1xf32>
    %max3A_273 = arith.maximumf %max3A_272, %broadcast_in_dim3A_128 : vector<80x1xf32>
    %max3A_274 = arith.maximumf %max3A_273, %broadcast_in_dim3A_135 : vector<80x1xf32>
    %max3A_275 = arith.maximumf %max3A_274, %broadcast_in_dim3A_142 : vector<80x1xf32>
    %max3A_276 = arith.maximumf %max3A_275, %broadcast_in_dim3A_149 : vector<80x1xf32>
    %max3A_277 = arith.maximumf %max3A_276, %broadcast_in_dim3A_156 : vector<80x1xf32>
    %max3A_278 = arith.maximumf %max3A_277, %broadcast_in_dim3A_163 : vector<80x1xf32>
    %max3A_279 = arith.maximumf %max3A_278, %broadcast_in_dim3A_170 : vector<80x1xf32>
    %max3A_280 = arith.maximumf %max3A_279, %broadcast_in_dim3A_177 : vector<80x1xf32>
    %max3A_281 = arith.maximumf %max3A_280, %broadcast_in_dim3A_184 : vector<80x1xf32>
    %max3A_282 = arith.maximumf %max3A_281, %broadcast_in_dim3A_191 : vector<80x1xf32>
    %max3A_283 = arith.maximumf %max3A_282, %broadcast_in_dim3A_198 : vector<80x1xf32>
    %max3A_284 = arith.maximumf %max3A_283, %broadcast_in_dim3A_205 : vector<80x1xf32>
    %max3A_285 = arith.maximumf %max3A_284, %broadcast_in_dim3A_212 : vector<80x1xf32>
    %max3A_286 = arith.maximumf %max3A_285, %broadcast_in_dim3A_219 : vector<80x1xf32>
    %max3A_287 = arith.maximumf %max3A_286, %broadcast_in_dim3A_226 : vector<80x1xf32>
    %max3A_288 = arith.maximumf %max3A_287, %broadcast_in_dim3A_233 : vector<80x1xf32>
    %max3A_289 = arith.maximumf %max3A_288, %broadcast_in_dim3A_240 : vector<80x1xf32>
    %max3A_290 = arith.maximumf %max3A_289, %broadcast_in_dim3A_247 : vector<80x1xf32>
    %max3A_291 = arith.maximumf %max3A_290, %broadcast_in_dim3A_254 : vector<80x1xf32>
    %max3A_292 = arith.maximumf %max3A_291, %broadcast_in_dim3A_261 : vector<80x1xf32>
    %sub3A = arith.subf %broadcast_in_dim3A_44, %max3A_292 : vector<80x1xf32>
    %exp3A = math.exp %sub3A : vector<80x1xf32>
    %sub3A_293 = arith.subf %broadcast_in_dim3A_51, %max3A_292 : vector<80x1xf32>
    %exp3A_294 = math.exp %sub3A_293 : vector<80x1xf32>
    %sub3A_295 = arith.subf %broadcast_in_dim3A_58, %max3A_292 : vector<80x1xf32>
    %exp3A_296 = math.exp %sub3A_295 : vector<80x1xf32>
    %sub3A_297 = arith.subf %broadcast_in_dim3A_65, %max3A_292 : vector<80x1xf32>
    %exp3A_298 = math.exp %sub3A_297 : vector<80x1xf32>
    %sub3A_299 = arith.subf %broadcast_in_dim3A_72, %max3A_292 : vector<80x1xf32>
    %exp3A_300 = math.exp %sub3A_299 : vector<80x1xf32>
    %sub3A_301 = arith.subf %broadcast_in_dim3A_79, %max3A_292 : vector<80x1xf32>
    %exp3A_302 = math.exp %sub3A_301 : vector<80x1xf32>
    %sub3A_303 = arith.subf %broadcast_in_dim3A_86, %max3A_292 : vector<80x1xf32>
    %exp3A_304 = math.exp %sub3A_303 : vector<80x1xf32>
    %sub3A_305 = arith.subf %broadcast_in_dim3A_93, %max3A_292 : vector<80x1xf32>
    %exp3A_306 = math.exp %sub3A_305 : vector<80x1xf32>
    %sub3A_307 = arith.subf %broadcast_in_dim3A_100, %max3A_292 : vector<80x1xf32>
    %exp3A_308 = math.exp %sub3A_307 : vector<80x1xf32>
    %sub3A_309 = arith.subf %broadcast_in_dim3A_107, %max3A_292 : vector<80x1xf32>
    %exp3A_310 = math.exp %sub3A_309 : vector<80x1xf32>
    %sub3A_311 = arith.subf %broadcast_in_dim3A_114, %max3A_292 : vector<80x1xf32>
    %exp3A_312 = math.exp %sub3A_311 : vector<80x1xf32>
    %sub3A_313 = arith.subf %broadcast_in_dim3A_121, %max3A_292 : vector<80x1xf32>
    %exp3A_314 = math.exp %sub3A_313 : vector<80x1xf32>
    %sub3A_315 = arith.subf %broadcast_in_dim3A_128, %max3A_292 : vector<80x1xf32>
    %exp3A_316 = math.exp %sub3A_315 : vector<80x1xf32>
    %sub3A_317 = arith.subf %broadcast_in_dim3A_135, %max3A_292 : vector<80x1xf32>
    %exp3A_318 = math.exp %sub3A_317 : vector<80x1xf32>
    %sub3A_319 = arith.subf %broadcast_in_dim3A_142, %max3A_292 : vector<80x1xf32>
    %exp3A_320 = math.exp %sub3A_319 : vector<80x1xf32>
    %sub3A_321 = arith.subf %broadcast_in_dim3A_149, %max3A_292 : vector<80x1xf32>
    %exp3A_322 = math.exp %sub3A_321 : vector<80x1xf32>
    %sub3A_323 = arith.subf %broadcast_in_dim3A_156, %max3A_292 : vector<80x1xf32>
    %exp3A_324 = math.exp %sub3A_323 : vector<80x1xf32>
    %sub3A_325 = arith.subf %broadcast_in_dim3A_163, %max3A_292 : vector<80x1xf32>
    %exp3A_326 = math.exp %sub3A_325 : vector<80x1xf32>
    %sub3A_327 = arith.subf %broadcast_in_dim3A_170, %max3A_292 : vector<80x1xf32>
    %exp3A_328 = math.exp %sub3A_327 : vector<80x1xf32>
    %sub3A_329 = arith.subf %broadcast_in_dim3A_177, %max3A_292 : vector<80x1xf32>
    %exp3A_330 = math.exp %sub3A_329 : vector<80x1xf32>
    %sub3A_331 = arith.subf %broadcast_in_dim3A_184, %max3A_292 : vector<80x1xf32>
    %exp3A_332 = math.exp %sub3A_331 : vector<80x1xf32>
    %sub3A_333 = arith.subf %broadcast_in_dim3A_191, %max3A_292 : vector<80x1xf32>
    %exp3A_334 = math.exp %sub3A_333 : vector<80x1xf32>
    %sub3A_335 = arith.subf %broadcast_in_dim3A_198, %max3A_292 : vector<80x1xf32>
    %exp3A_336 = math.exp %sub3A_335 : vector<80x1xf32>
    %sub3A_337 = arith.subf %broadcast_in_dim3A_205, %max3A_292 : vector<80x1xf32>
    %exp3A_338 = math.exp %sub3A_337 : vector<80x1xf32>
    %sub3A_339 = arith.subf %broadcast_in_dim3A_212, %max3A_292 : vector<80x1xf32>
    %exp3A_340 = math.exp %sub3A_339 : vector<80x1xf32>
    %sub3A_341 = arith.subf %broadcast_in_dim3A_219, %max3A_292 : vector<80x1xf32>
    %exp3A_342 = math.exp %sub3A_341 : vector<80x1xf32>
    %sub3A_343 = arith.subf %broadcast_in_dim3A_226, %max3A_292 : vector<80x1xf32>
    %exp3A_344 = math.exp %sub3A_343 : vector<80x1xf32>
    %sub3A_345 = arith.subf %broadcast_in_dim3A_233, %max3A_292 : vector<80x1xf32>
    %exp3A_346 = math.exp %sub3A_345 : vector<80x1xf32>
    %sub3A_347 = arith.subf %broadcast_in_dim3A_240, %max3A_292 : vector<80x1xf32>
    %exp3A_348 = math.exp %sub3A_347 : vector<80x1xf32>
    %sub3A_349 = arith.subf %broadcast_in_dim3A_247, %max3A_292 : vector<80x1xf32>
    %exp3A_350 = math.exp %sub3A_349 : vector<80x1xf32>
    %sub3A_351 = arith.subf %broadcast_in_dim3A_254, %max3A_292 : vector<80x1xf32>
    %exp3A_352 = math.exp %sub3A_351 : vector<80x1xf32>
    %sub3A_353 = arith.subf %broadcast_in_dim3A_261, %max3A_292 : vector<80x1xf32>
    %exp3A_354 = math.exp %sub3A_353 : vector<80x1xf32>
    %add3A_355 = arith.addf %exp3A, %exp3A_294 : vector<80x1xf32>
    %add3A_356 = arith.addf %add3A_355, %exp3A_296 : vector<80x1xf32>
    %add3A_357 = arith.addf %add3A_356, %exp3A_298 : vector<80x1xf32>
    %add3A_358 = arith.addf %add3A_357, %exp3A_300 : vector<80x1xf32>
    %add3A_359 = arith.addf %add3A_358, %exp3A_302 : vector<80x1xf32>
    %add3A_360 = arith.addf %add3A_359, %exp3A_304 : vector<80x1xf32>
    %add3A_361 = arith.addf %add3A_360, %exp3A_306 : vector<80x1xf32>
    %add3A_362 = arith.addf %add3A_361, %exp3A_308 : vector<80x1xf32>
    %add3A_363 = arith.addf %add3A_362, %exp3A_310 : vector<80x1xf32>
    %add3A_364 = arith.addf %add3A_363, %exp3A_312 : vector<80x1xf32>
    %add3A_365 = arith.addf %add3A_364, %exp3A_314 : vector<80x1xf32>
    %add3A_366 = arith.addf %add3A_365, %exp3A_316 : vector<80x1xf32>
    %add3A_367 = arith.addf %add3A_366, %exp3A_318 : vector<80x1xf32>
    %add3A_368 = arith.addf %add3A_367, %exp3A_320 : vector<80x1xf32>
    %add3A_369 = arith.addf %add3A_368, %exp3A_322 : vector<80x1xf32>
    %add3A_370 = arith.addf %add3A_369, %exp3A_324 : vector<80x1xf32>
    %add3A_371 = arith.addf %add3A_370, %exp3A_326 : vector<80x1xf32>
    %add3A_372 = arith.addf %add3A_371, %exp3A_328 : vector<80x1xf32>
    %add3A_373 = arith.addf %add3A_372, %exp3A_330 : vector<80x1xf32>
    %add3A_374 = arith.addf %add3A_373, %exp3A_332 : vector<80x1xf32>
    %add3A_375 = arith.addf %add3A_374, %exp3A_334 : vector<80x1xf32>
    %add3A_376 = arith.addf %add3A_375, %exp3A_336 : vector<80x1xf32>
    %add3A_377 = arith.addf %add3A_376, %exp3A_338 : vector<80x1xf32>
    %add3A_378 = arith.addf %add3A_377, %exp3A_340 : vector<80x1xf32>
    %add3A_379 = arith.addf %add3A_378, %exp3A_342 : vector<80x1xf32>
    %add3A_380 = arith.addf %add3A_379, %exp3A_344 : vector<80x1xf32>
    %add3A_381 = arith.addf %add3A_380, %exp3A_346 : vector<80x1xf32>
    %add3A_382 = arith.addf %add3A_381, %exp3A_348 : vector<80x1xf32>
    %add3A_383 = arith.addf %add3A_382, %exp3A_350 : vector<80x1xf32>
    %add3A_384 = arith.addf %add3A_383, %exp3A_352 : vector<80x1xf32>
    %add3A_385 = arith.addf %add3A_384, %exp3A_354 : vector<80x1xf32>
    %slice3A_386 = vector.extract_strided_slice %get3A_13 {offsets = [0, 0, 0], sizes = [1, 80, 128], strides = [1, 1, 1]} : vector<32x80x128xf32> to vector<1x80x128xf32>
    %squeeze3A_387 = vector.shape_cast %slice3A_386 : vector<1x80x128xf32> to vector<80x128xf32>
    %mul3A_388 = vector.broadcast %exp3A : vector<80x1xf32> to vector<80x128xf32>
    %mul3A_389 = arith.mulf %mul3A_388, %squeeze3A_387 : vector<80x128xf32>
    %slice3A_390 = vector.extract_strided_slice %get3A_13 {offsets = [1, 0, 0], sizes = [1, 80, 128], strides = [1, 1, 1]} : vector<32x80x128xf32> to vector<1x80x128xf32>
    %squeeze3A_391 = vector.shape_cast %slice3A_390 : vector<1x80x128xf32> to vector<80x128xf32>
    %mul3A_392 = vector.broadcast %exp3A_294 : vector<80x1xf32> to vector<80x128xf32>
    %mul3A_393 = arith.mulf %mul3A_392, %squeeze3A_391 : vector<80x128xf32>
    %add3A_394 = arith.addf %mul3A_389, %mul3A_393 : vector<80x128xf32>
    %slice3A_395 = vector.extract_strided_slice %get3A_13 {offsets = [2, 0, 0], sizes = [1, 80, 128], strides = [1, 1, 1]} : vector<32x80x128xf32> to vector<1x80x128xf32>
    %squeeze3A_396 = vector.shape_cast %slice3A_395 : vector<1x80x128xf32> to vector<80x128xf32>
    %mul3A_397 = vector.broadcast %exp3A_296 : vector<80x1xf32> to vector<80x128xf32>
    %mul3A_398 = arith.mulf %mul3A_397, %squeeze3A_396 : vector<80x128xf32>
    %add3A_399 = arith.addf %add3A_394, %mul3A_398 : vector<80x128xf32>
    %slice3A_400 = vector.extract_strided_slice %get3A_13 {offsets = [3, 0, 0], sizes = [1, 80, 128], strides = [1, 1, 1]} : vector<32x80x128xf32> to vector<1x80x128xf32>
    %squeeze3A_401 = vector.shape_cast %slice3A_400 : vector<1x80x128xf32> to vector<80x128xf32>
    %mul3A_402 = vector.broadcast %exp3A_298 : vector<80x1xf32> to vector<80x128xf32>
    %mul3A_403 = arith.mulf %mul3A_402, %squeeze3A_401 : vector<80x128xf32>
    %add3A_404 = arith.addf %add3A_399, %mul3A_403 : vector<80x128xf32>
    %slice3A_405 = vector.extract_strided_slice %get3A_13 {offsets = [4, 0, 0], sizes = [1, 80, 128], strides = [1, 1, 1]} : vector<32x80x128xf32> to vector<1x80x128xf32>
    %squeeze3A_406 = vector.shape_cast %slice3A_405 : vector<1x80x128xf32> to vector<80x128xf32>
    %mul3A_407 = vector.broadcast %exp3A_300 : vector<80x1xf32> to vector<80x128xf32>
    %mul3A_408 = arith.mulf %mul3A_407, %squeeze3A_406 : vector<80x128xf32>
    %add3A_409 = arith.addf %add3A_404, %mul3A_408 : vector<80x128xf32>
    %slice3A_410 = vector.extract_strided_slice %get3A_13 {offsets = [5, 0, 0], sizes = [1, 80, 128], strides = [1, 1, 1]} : vector<32x80x128xf32> to vector<1x80x128xf32>
    %squeeze3A_411 = vector.shape_cast %slice3A_410 : vector<1x80x128xf32> to vector<80x128xf32>
    %mul3A_412 = vector.broadcast %exp3A_302 : vector<80x1xf32> to vector<80x128xf32>
    %mul3A_413 = arith.mulf %mul3A_412, %squeeze3A_411 : vector<80x128xf32>
    %add3A_414 = arith.addf %add3A_409, %mul3A_413 : vector<80x128xf32>
    %slice3A_415 = vector.extract_strided_slice %get3A_13 {offsets = [6, 0, 0], sizes = [1, 80, 128], strides = [1, 1, 1]} : vector<32x80x128xf32> to vector<1x80x128xf32>
    %squeeze3A_416 = vector.shape_cast %slice3A_415 : vector<1x80x128xf32> to vector<80x128xf32>
    %mul3A_417 = vector.broadcast %exp3A_304 : vector<80x1xf32> to vector<80x128xf32>
    %mul3A_418 = arith.mulf %mul3A_417, %squeeze3A_416 : vector<80x128xf32>
    %add3A_419 = arith.addf %add3A_414, %mul3A_418 : vector<80x128xf32>
    %slice3A_420 = vector.extract_strided_slice %get3A_13 {offsets = [7, 0, 0], sizes = [1, 80, 128], strides = [1, 1, 1]} : vector<32x80x128xf32> to vector<1x80x128xf32>
    %squeeze3A_421 = vector.shape_cast %slice3A_420 : vector<1x80x128xf32> to vector<80x128xf32>
    %mul3A_422 = vector.broadcast %exp3A_306 : vector<80x1xf32> to vector<80x128xf32>
    %mul3A_423 = arith.mulf %mul3A_422, %squeeze3A_421 : vector<80x128xf32>
    %add3A_424 = arith.addf %add3A_419, %mul3A_423 : vector<80x128xf32>
    %slice3A_425 = vector.extract_strided_slice %get3A_13 {offsets = [8, 0, 0], sizes = [1, 80, 128], strides = [1, 1, 1]} : vector<32x80x128xf32> to vector<1x80x128xf32>
    %squeeze3A_426 = vector.shape_cast %slice3A_425 : vector<1x80x128xf32> to vector<80x128xf32>
    %mul3A_427 = vector.broadcast %exp3A_308 : vector<80x1xf32> to vector<80x128xf32>
    %mul3A_428 = arith.mulf %mul3A_427, %squeeze3A_426 : vector<80x128xf32>
    %add3A_429 = arith.addf %add3A_424, %mul3A_428 : vector<80x128xf32>
    %slice3A_430 = vector.extract_strided_slice %get3A_13 {offsets = [9, 0, 0], sizes = [1, 80, 128], strides = [1, 1, 1]} : vector<32x80x128xf32> to vector<1x80x128xf32>
    %squeeze3A_431 = vector.shape_cast %slice3A_430 : vector<1x80x128xf32> to vector<80x128xf32>
    %mul3A_432 = vector.broadcast %exp3A_310 : vector<80x1xf32> to vector<80x128xf32>
    %mul3A_433 = arith.mulf %mul3A_432, %squeeze3A_431 : vector<80x128xf32>
    %add3A_434 = arith.addf %add3A_429, %mul3A_433 : vector<80x128xf32>
    %slice3A_435 = vector.extract_strided_slice %get3A_13 {offsets = [10, 0, 0], sizes = [1, 80, 128], strides = [1, 1, 1]} : vector<32x80x128xf32> to vector<1x80x128xf32>
    %squeeze3A_436 = vector.shape_cast %slice3A_435 : vector<1x80x128xf32> to vector<80x128xf32>
    %mul3A_437 = vector.broadcast %exp3A_312 : vector<80x1xf32> to vector<80x128xf32>
    %mul3A_438 = arith.mulf %mul3A_437, %squeeze3A_436 : vector<80x128xf32>
    %add3A_439 = arith.addf %add3A_434, %mul3A_438 : vector<80x128xf32>
    %slice3A_440 = vector.extract_strided_slice %get3A_13 {offsets = [11, 0, 0], sizes = [1, 80, 128], strides = [1, 1, 1]} : vector<32x80x128xf32> to vector<1x80x128xf32>
    %squeeze3A_441 = vector.shape_cast %slice3A_440 : vector<1x80x128xf32> to vector<80x128xf32>
    %mul3A_442 = vector.broadcast %exp3A_314 : vector<80x1xf32> to vector<80x128xf32>
    %mul3A_443 = arith.mulf %mul3A_442, %squeeze3A_441 : vector<80x128xf32>
    %add3A_444 = arith.addf %add3A_439, %mul3A_443 : vector<80x128xf32>
    %slice3A_445 = vector.extract_strided_slice %get3A_13 {offsets = [12, 0, 0], sizes = [1, 80, 128], strides = [1, 1, 1]} : vector<32x80x128xf32> to vector<1x80x128xf32>
    %squeeze3A_446 = vector.shape_cast %slice3A_445 : vector<1x80x128xf32> to vector<80x128xf32>
    %mul3A_447 = vector.broadcast %exp3A_316 : vector<80x1xf32> to vector<80x128xf32>
    %mul3A_448 = arith.mulf %mul3A_447, %squeeze3A_446 : vector<80x128xf32>
    %add3A_449 = arith.addf %add3A_444, %mul3A_448 : vector<80x128xf32>
    %slice3A_450 = vector.extract_strided_slice %get3A_13 {offsets = [13, 0, 0], sizes = [1, 80, 128], strides = [1, 1, 1]} : vector<32x80x128xf32> to vector<1x80x128xf32>
    %squeeze3A_451 = vector.shape_cast %slice3A_450 : vector<1x80x128xf32> to vector<80x128xf32>
    %mul3A_452 = vector.broadcast %exp3A_318 : vector<80x1xf32> to vector<80x128xf32>
    %mul3A_453 = arith.mulf %mul3A_452, %squeeze3A_451 : vector<80x128xf32>
    %add3A_454 = arith.addf %add3A_449, %mul3A_453 : vector<80x128xf32>
    %slice3A_455 = vector.extract_strided_slice %get3A_13 {offsets = [14, 0, 0], sizes = [1, 80, 128], strides = [1, 1, 1]} : vector<32x80x128xf32> to vector<1x80x128xf32>
    %squeeze3A_456 = vector.shape_cast %slice3A_455 : vector<1x80x128xf32> to vector<80x128xf32>
    %mul3A_457 = vector.broadcast %exp3A_320 : vector<80x1xf32> to vector<80x128xf32>
    %mul3A_458 = arith.mulf %mul3A_457, %squeeze3A_456 : vector<80x128xf32>
    %add3A_459 = arith.addf %add3A_454, %mul3A_458 : vector<80x128xf32>
    %slice3A_460 = vector.extract_strided_slice %get3A_13 {offsets = [15, 0, 0], sizes = [1, 80, 128], strides = [1, 1, 1]} : vector<32x80x128xf32> to vector<1x80x128xf32>
    %squeeze3A_461 = vector.shape_cast %slice3A_460 : vector<1x80x128xf32> to vector<80x128xf32>
    %mul3A_462 = vector.broadcast %exp3A_322 : vector<80x1xf32> to vector<80x128xf32>
    %mul3A_463 = arith.mulf %mul3A_462, %squeeze3A_461 : vector<80x128xf32>
    %add3A_464 = arith.addf %add3A_459, %mul3A_463 : vector<80x128xf32>
    %slice3A_465 = vector.extract_strided_slice %get3A_13 {offsets = [16, 0, 0], sizes = [1, 80, 128], strides = [1, 1, 1]} : vector<32x80x128xf32> to vector<1x80x128xf32>
    %squeeze3A_466 = vector.shape_cast %slice3A_465 : vector<1x80x128xf32> to vector<80x128xf32>
    %mul3A_467 = vector.broadcast %exp3A_324 : vector<80x1xf32> to vector<80x128xf32>
    %mul3A_468 = arith.mulf %mul3A_467, %squeeze3A_466 : vector<80x128xf32>
    %add3A_469 = arith.addf %add3A_464, %mul3A_468 : vector<80x128xf32>
    %slice3A_470 = vector.extract_strided_slice %get3A_13 {offsets = [17, 0, 0], sizes = [1, 80, 128], strides = [1, 1, 1]} : vector<32x80x128xf32> to vector<1x80x128xf32>
    %squeeze3A_471 = vector.shape_cast %slice3A_470 : vector<1x80x128xf32> to vector<80x128xf32>
    %mul3A_472 = vector.broadcast %exp3A_326 : vector<80x1xf32> to vector<80x128xf32>
    %mul3A_473 = arith.mulf %mul3A_472, %squeeze3A_471 : vector<80x128xf32>
    %add3A_474 = arith.addf %add3A_469, %mul3A_473 : vector<80x128xf32>
    %slice3A_475 = vector.extract_strided_slice %get3A_13 {offsets = [18, 0, 0], sizes = [1, 80, 128], strides = [1, 1, 1]} : vector<32x80x128xf32> to vector<1x80x128xf32>
    %squeeze3A_476 = vector.shape_cast %slice3A_475 : vector<1x80x128xf32> to vector<80x128xf32>
    %mul3A_477 = vector.broadcast %exp3A_328 : vector<80x1xf32> to vector<80x128xf32>
    %mul3A_478 = arith.mulf %mul3A_477, %squeeze3A_476 : vector<80x128xf32>
    %add3A_479 = arith.addf %add3A_474, %mul3A_478 : vector<80x128xf32>
    %slice3A_480 = vector.extract_strided_slice %get3A_13 {offsets = [19, 0, 0], sizes = [1, 80, 128], strides = [1, 1, 1]} : vector<32x80x128xf32> to vector<1x80x128xf32>
    %squeeze3A_481 = vector.shape_cast %slice3A_480 : vector<1x80x128xf32> to vector<80x128xf32>
    %mul3A_482 = vector.broadcast %exp3A_330 : vector<80x1xf32> to vector<80x128xf32>
    %mul3A_483 = arith.mulf %mul3A_482, %squeeze3A_481 : vector<80x128xf32>
    %add3A_484 = arith.addf %add3A_479, %mul3A_483 : vector<80x128xf32>
    %slice3A_485 = vector.extract_strided_slice %get3A_13 {offsets = [20, 0, 0], sizes = [1, 80, 128], strides = [1, 1, 1]} : vector<32x80x128xf32> to vector<1x80x128xf32>
    %squeeze3A_486 = vector.shape_cast %slice3A_485 : vector<1x80x128xf32> to vector<80x128xf32>
    %mul3A_487 = vector.broadcast %exp3A_332 : vector<80x1xf32> to vector<80x128xf32>
    %mul3A_488 = arith.mulf %mul3A_487, %squeeze3A_486 : vector<80x128xf32>
    %add3A_489 = arith.addf %add3A_484, %mul3A_488 : vector<80x128xf32>
    %slice3A_490 = vector.extract_strided_slice %get3A_13 {offsets = [21, 0, 0], sizes = [1, 80, 128], strides = [1, 1, 1]} : vector<32x80x128xf32> to vector<1x80x128xf32>
    %squeeze3A_491 = vector.shape_cast %slice3A_490 : vector<1x80x128xf32> to vector<80x128xf32>
    %mul3A_492 = vector.broadcast %exp3A_334 : vector<80x1xf32> to vector<80x128xf32>
    %mul3A_493 = arith.mulf %mul3A_492, %squeeze3A_491 : vector<80x128xf32>
    %add3A_494 = arith.addf %add3A_489, %mul3A_493 : vector<80x128xf32>
    %slice3A_495 = vector.extract_strided_slice %get3A_13 {offsets = [22, 0, 0], sizes = [1, 80, 128], strides = [1, 1, 1]} : vector<32x80x128xf32> to vector<1x80x128xf32>
    %squeeze3A_496 = vector.shape_cast %slice3A_495 : vector<1x80x128xf32> to vector<80x128xf32>
    %mul3A_497 = vector.broadcast %exp3A_336 : vector<80x1xf32> to vector<80x128xf32>
    %mul3A_498 = arith.mulf %mul3A_497, %squeeze3A_496 : vector<80x128xf32>
    %add3A_499 = arith.addf %add3A_494, %mul3A_498 : vector<80x128xf32>
    %slice3A_500 = vector.extract_strided_slice %get3A_13 {offsets = [23, 0, 0], sizes = [1, 80, 128], strides = [1, 1, 1]} : vector<32x80x128xf32> to vector<1x80x128xf32>
    %squeeze3A_501 = vector.shape_cast %slice3A_500 : vector<1x80x128xf32> to vector<80x128xf32>
    %mul3A_502 = vector.broadcast %exp3A_338 : vector<80x1xf32> to vector<80x128xf32>
    %mul3A_503 = arith.mulf %mul3A_502, %squeeze3A_501 : vector<80x128xf32>
    %add3A_504 = arith.addf %add3A_499, %mul3A_503 : vector<80x128xf32>
    %slice3A_505 = vector.extract_strided_slice %get3A_13 {offsets = [24, 0, 0], sizes = [1, 80, 128], strides = [1, 1, 1]} : vector<32x80x128xf32> to vector<1x80x128xf32>
    %squeeze3A_506 = vector.shape_cast %slice3A_505 : vector<1x80x128xf32> to vector<80x128xf32>
    %mul3A_507 = vector.broadcast %exp3A_340 : vector<80x1xf32> to vector<80x128xf32>
    %mul3A_508 = arith.mulf %mul3A_507, %squeeze3A_506 : vector<80x128xf32>
    %add3A_509 = arith.addf %add3A_504, %mul3A_508 : vector<80x128xf32>
    %slice3A_510 = vector.extract_strided_slice %get3A_13 {offsets = [25, 0, 0], sizes = [1, 80, 128], strides = [1, 1, 1]} : vector<32x80x128xf32> to vector<1x80x128xf32>
    %squeeze3A_511 = vector.shape_cast %slice3A_510 : vector<1x80x128xf32> to vector<80x128xf32>
    %mul3A_512 = vector.broadcast %exp3A_342 : vector<80x1xf32> to vector<80x128xf32>
    %mul3A_513 = arith.mulf %mul3A_512, %squeeze3A_511 : vector<80x128xf32>
    %add3A_514 = arith.addf %add3A_509, %mul3A_513 : vector<80x128xf32>
    %slice3A_515 = vector.extract_strided_slice %get3A_13 {offsets = [26, 0, 0], sizes = [1, 80, 128], strides = [1, 1, 1]} : vector<32x80x128xf32> to vector<1x80x128xf32>
    %squeeze3A_516 = vector.shape_cast %slice3A_515 : vector<1x80x128xf32> to vector<80x128xf32>
    %mul3A_517 = vector.broadcast %exp3A_344 : vector<80x1xf32> to vector<80x128xf32>
    %mul3A_518 = arith.mulf %mul3A_517, %squeeze3A_516 : vector<80x128xf32>
    %add3A_519 = arith.addf %add3A_514, %mul3A_518 : vector<80x128xf32>
    %slice3A_520 = vector.extract_strided_slice %get3A_13 {offsets = [27, 0, 0], sizes = [1, 80, 128], strides = [1, 1, 1]} : vector<32x80x128xf32> to vector<1x80x128xf32>
    %squeeze3A_521 = vector.shape_cast %slice3A_520 : vector<1x80x128xf32> to vector<80x128xf32>
    %mul3A_522 = vector.broadcast %exp3A_346 : vector<80x1xf32> to vector<80x128xf32>
    %mul3A_523 = arith.mulf %mul3A_522, %squeeze3A_521 : vector<80x128xf32>
    %add3A_524 = arith.addf %add3A_519, %mul3A_523 : vector<80x128xf32>
    %slice3A_525 = vector.extract_strided_slice %get3A_13 {offsets = [28, 0, 0], sizes = [1, 80, 128], strides = [1, 1, 1]} : vector<32x80x128xf32> to vector<1x80x128xf32>
    %squeeze3A_526 = vector.shape_cast %slice3A_525 : vector<1x80x128xf32> to vector<80x128xf32>
    %mul3A_527 = vector.broadcast %exp3A_348 : vector<80x1xf32> to vector<80x128xf32>
    %mul3A_528 = arith.mulf %mul3A_527, %squeeze3A_526 : vector<80x128xf32>
    %add3A_529 = arith.addf %add3A_524, %mul3A_528 : vector<80x128xf32>
    %slice3A_530 = vector.extract_strided_slice %get3A_13 {offsets = [29, 0, 0], sizes = [1, 80, 128], strides = [1, 1, 1]} : vector<32x80x128xf32> to vector<1x80x128xf32>
    %squeeze3A_531 = vector.shape_cast %slice3A_530 : vector<1x80x128xf32> to vector<80x128xf32>
    %mul3A_532 = vector.broadcast %exp3A_350 : vector<80x1xf32> to vector<80x128xf32>
    %mul3A_533 = arith.mulf %mul3A_532, %squeeze3A_531 : vector<80x128xf32>
    %add3A_534 = arith.addf %add3A_529, %mul3A_533 : vector<80x128xf32>
    %slice3A_535 = vector.extract_strided_slice %get3A_13 {offsets = [30, 0, 0], sizes = [1, 80, 128], strides = [1, 1, 1]} : vector<32x80x128xf32> to vector<1x80x128xf32>
    %squeeze3A_536 = vector.shape_cast %slice3A_535 : vector<1x80x128xf32> to vector<80x128xf32>
    %mul3A_537 = vector.broadcast %exp3A_352 : vector<80x1xf32> to vector<80x128xf32>
    %mul3A_538 = arith.mulf %mul3A_537, %squeeze3A_536 : vector<80x128xf32>
    %add3A_539 = arith.addf %add3A_534, %mul3A_538 : vector<80x128xf32>
    %slice3A_540 = vector.extract_strided_slice %get3A_13 {offsets = [31, 0, 0], sizes = [1, 80, 128], strides = [1, 1, 1]} : vector<32x80x128xf32> to vector<1x80x128xf32>
    %squeeze3A_541 = vector.shape_cast %slice3A_540 : vector<1x80x128xf32> to vector<80x128xf32>
    %mul3A_542 = vector.broadcast %exp3A_354 : vector<80x1xf32> to vector<80x128xf32>
    %mul3A_543 = arith.mulf %mul3A_542, %squeeze3A_541 : vector<80x128xf32>
    %add3A_544 = arith.addf %add3A_539, %mul3A_543 : vector<80x128xf32>
    %div3A = vector.broadcast %add3A_385 : vector<80x1xf32> to vector<80x128xf32>
    %div3A_545 = arith.divf %add3A_544, %div3A : vector<80x128xf32>
    %swap3A = arith.constant 0 : index
    %swap3A_546 = arith.constant 0 : index
    %swap3A_547 = vector.load %arg9[%swap3A, %swap3A_546] : memref<80x128xf32, #tpu.memory_space<vmem>>, vector<80x128xf32>
    tpu.vector_store %arg9[%swap3A, %swap3A_546], %div3A_545 {strides = array<i32>} : memref<80x128xf32, #tpu.memory_space<vmem>>, vector<80x128xf32>,
    return
  }
  func.func @transform_0(%arg0: i32) -> (i32, i32, i32) {
    %c0_i32 = arith.constant 0 : i32
    %c0_i32_0 = arith.constant 0 : i32
    %c0_i32_1 = arith.constant 0 : i32
    return %c0_i32, %arg0, %c0_i32_0 : i32, i32, i32
  }
  func.func @transform_1(%arg0: i32) -> (i32, i32) {
    %c0_i32 = arith.constant 0 : i32
    %c0_i32_0 = arith.constant 0 : i32
    return %arg0, %c0_i32 : i32, i32
  }
  func.func @transform_2(%arg0: i32) -> (i32, i32) {
    %c0_i32 = arith.constant 0 : i32
    %c0_i32_0 = arith.constant 0 : i32
    %c0_i32_1 = arith.constant 0 : i32
    return %c0_i32, %c0_i32_0 : i32, i32
  }
  func.func @transform_3(%arg0: i32) -> (i32, i32) {
    %c0_i32 = arith.constant 0 : i32
    %c0_i32_0 = arith.constant 0 : i32
    %c0_i32_1 = arith.constant 0 : i32
    return %c0_i32, %c0_i32_0 : i32, i32
  }
  func.func @transform_4(%arg0: i32) -> (i32, i32) {
    %c0_i32 = arith.constant 0 : i32
    %c0_i32_0 = arith.constant 0 : i32
    %c0_i32_1 = arith.constant 0 : i32
    return %c0_i32, %c0_i32_0 : i32, i32
  }
  func.func @transform_5(%arg0: i32) -> (i32, i32) {
    %c0_i32 = arith.constant 0 : i32
    %c0_i32_0 = arith.constant 0 : i32
    %c0_i32_1 = arith.constant 0 : i32
    return %c0_i32, %c0_i32_0 : i32, i32
  }
  func.func @transform_6(%arg0: i32) -> (i32, i32) {
    %c0_i32 = arith.constant 0 : i32
    %c0_i32_0 = arith.constant 0 : i32
    %c0_i32_1 = arith.constant 0 : i32
    return %c0_i32, %c0_i32_0 : i32, i32
  }
  func.func @transform_7(%arg0: i32) -> (i32, i32) {
    %c0_i32 = arith.constant 0 : i32
    %c0_i32_0 = arith.constant 0 : i32
    %c0_i32_1 = arith.constant 0 : i32
    return %c0_i32, %c0_i32_0 : i32, i32
  }
  func.func @transform_8(%arg0: i32) -> (i32, i32) {
    %c0_i32 = arith.constant 0 : i32
    %c0_i32_0 = arith.constant 0 : i32
    return %arg0, %c0_i32 : i32, i32
  }
}

</mosaic_0001>

<sc_bundles>
// kernel: kernel.10.cloned.1.call-start
scs
__scs_entry_jumppad:
0x0: {  	(pc) =	sbr.rel $0x88, $3  }
0x1: {  	(tag) =	ssettag $0x0;
	lr =	simm.s32 $0x1  }
0x2: {  	[smem:$0x3F99] =	sst lr;
	_ =	strace $0xD0000000  }
0x3: {  	_ = 	snop  }
0x4: {  	_ = 	snop  }
0x5: {  	_ = 	snop  }
0x6: {  	_ = 	snop  }
0x7: {  	_ = 	snop  }
__scs_overlays_trampoline_lowered:
0x8: {  	[smem:$0x3FA8] =	sst s0  }
0x9: {  	[smem:$0x3FA9] =	sst s1  }
0xa: {  	[smem:$0x3FAA] =	sst s2  }
0xb: {  	[smem:$0x3FAB] =	sst s3  }
0xc: {  	[smem:$0x3FAC] =	sst s4  }
0xd: {  	[smem:$0x3FAD] =	sst s5  }
0xe: {  	[smem:$0x3FAE] =	sst s6  }
0xf: {  	[smem:$0x3FAF] =	sst s7  }
0x10: {  	[smem:$0x3FB0] =	sst s8  }
0x11: {  	[smem:$0x3FB1] =	sst s9;
	s0 =	simm.s32 @!p0 $0x0  }
0x12: {  	s1 =	sld [smem:$0x3F97];
	s0 =	simm.s32 @p0 $0x1  }
0x13: {  	[smem:$0x3FB2] =	sst s0;
	s0 =	simm.s32 @!p1 $0x0  }
0x14: {  	s2 =	sld [smem:$0x3F96];
	s0 =	simm.s32 @p1 $0x1  }
0x15: {  	[smem:$0x3FB3] =	sst s0;
	s0 =	simm.s32 @!p2 $0x0  }
0x16: {  	s3 =	sld [smem:$0x3FDB];
	s0 =	simm.s32 @p2 $0x1  }
0x17: {  	s4 =	simm.s32 $0x1BF5;
	[smem:$0x3FB5] =	sst s0  }
0x18: {  	s0 =	sld [smem:$0x3F98];
	_ =	swait.ge [sflag:s4], $0x0  }
0x19: {  	s7 =	sld [smem:$0x3F99]  }
0x1a: {  	s8 =	sadd.s32 $0xFFFFE003, lr  }
0x1b: {  	s9 =	sadd.s32 $0xFFFFFEF7, lr;
	s5 =	simm.s32 $0xFFFFFFFF;
	p2 =	slt.u32 s8, $0xFFFFF086  }
0x1c: {  	p1 =	slt.u32 s9, $0xF7A;
	s5 =	simm.s32 @!p2 $0x0  }
0x1d: {  	s5 =	simm.s32 @p1 $0x1;
	p0 =	seq.s32 s7, s2  }
0x1e: {  	s7 =	smul.u32 @!p0 $0xF7A, s2;
	p2 =	seq.s32 @!p0 s5, $0x0  }
0x1f: {  	s9 =	smul.u32 $0xF7A, s1;
	s8 =	simm.s32 @!p0 $0x1BF5;
	p2 =	por !p2, p0  }
0x20: {  	[sflag:s8] =	ssyncset.s32 @!p0 $0xFFFFF086;
	s6 =	sadd.s32 @!p0 s3, s7;
	s7 =	simm.s32 @!p0 $0x108  }
0x21: {  	s3 =	sadd.s32 s3, s9;
	s6 =	sadd.s32 @!p0 $0x88, s6;
	s7 =	simm.s32 @p2 $0x1082  }
0x22: {  	[simem:s7], [sflag:s8] =	dma.local @!p0 [hbm:s6], $0xF7A  }
0x23: {  	s9 =	sor.u32 $0xD0000000, s2;
	s6 =	simm.s32 $0x108;
	_ =	swait.ge @!p0 [sflag:s8], $0x0  }
0x24: {  	s3 =	sadd.s32 $0x88, s3;
	s6 =	simm.s32 @!p1 $0x1082;
	[sflag:s4] =	ssyncset.s32 $0xFFFFF086  }
0x25: {  	[simem:s6], [sflag:s4] =	dma.local [hbm:s3], $0xF7A  }
0x26: {  	[smem:$0x3F99] =	sst s1;
	(tag) =	ssettag s2;
	_ =	strace s9  }
0x27: {  	s1 =	sld [smem:$0x3FA9]  }
0x28: {  	s2 =	sld [smem:$0x3FAA]  }
0x29: {  	s4 =	sld [smem:$0x3FAC]  }
0x2a: {  	p0 =	seq.s32 s5, $0x0;
	s5 =	sld [smem:$0x3FAD]  }
0x2b: {  	s6 =	sld [smem:$0x3FAE]  }
0x2c: {  	s7 =	sld [smem:$0x3FAF]  }
0x2d: {  	s3 =	simm.s32 $0x108;
	s8 =	sld [smem:$0x3FB0]  }
0x2e: {  	s3 =	simm.s32 @!p0 $0x1082;
	s9 =	sld [smem:$0x3FB1]  }
0x2f: {  	lr =	sadd.s32 s0, s3;
	s0 =	sld [smem:$0x3FA8]  }
0x30: {  	s3 =	sld [smem:$0x3FAB]  }
0x31: {  	[smem:$0x3FB4] =	sst s10  }
0x32: {  	s10 =	sld [smem:$0x3FB2];
	_ =	sdelay $0x3  }
0x33: {  	p0 =	seq.s32 s10, $0x1;
	s10 =	sld [smem:$0x3FB4];
	_ =	sdelay $0x3  }
0x34: {  	[smem:$0x3FB4] =	sst s10  }
0x35: {  	s10 =	sld [smem:$0x3FB3];
	_ =	sdelay $0x3  }
0x36: {  	p1 =	seq.s32 s10, $0x1;
	s10 =	sld [smem:$0x3FB4];
	_ =	sdelay $0x3  }
0x37: {  	[smem:$0x3FB4] =	sst s10  }
0x38: {  	s10 =	sld [smem:$0x3FB5]  }
0x39: {  	_ = 	snop;
	(pc) =	sbr.ind lr, $3  }
0x3a: {  	_ = 	snop  }
0x3b: {  	_ = 	snop  }
0x3c: {  	p2 =	seq.s32 s10, $0x1;
	s10 =	sld [smem:$0x3FB4]  }
0x3d: {  	_ =	shalt  }
0x3e: {  	_ =	shalt  }
0x3f: {  	_ =	shalt  }
0x40: {  	_ =	shalt  }
0x41: {  	_ =	shalt  }
0x42: {  	_ =	shalt  }
0x43: {  	_ =	shalt  }
0x44: {  	_ =	shalt  }
0x45: {  	_ =	shalt  }
0x46: {  	_ =	shalt  }
0x47: {  	_ =	shalt  }
0x48: {  	_ =	shalt  }
0x49: {  	_ =	shalt  }
0x4a: {  	_ =	shalt  }
0x4b: {  	_ =	shalt  }
0x4c: {  	_ =	shalt  }
0x4d: {  	_ =	shalt  }
0x4e: {  	_ =	shalt  }
0x4f: {  	_ =	shalt  }
0x50: {  	_ =	shalt  }
0x51: {  	_ =	shalt  }
0x52: {  	_ =	shalt  }
0x53: {  	_ =	shalt  }
0x54: {  	_ =	shalt  }
0x55: {  	_ =	shalt  }
0x56: {  	_ =	shalt  }
0x57: {  	_ =	shalt  }
0x58: {  	_ =	shalt  }
0x59: {  	_ =	shalt  }
0x5a: {  	_ =	shalt  }
0x5b: {  	_ =	shalt  }
0x5c: {  	_ =	shalt  }
0x5d: {  	_ =	shalt  }
0x5e: {  	_ =	shalt  }
0x5f: {  	_ =	shalt  }
0x60: {  	_ =	shalt  }
0x61: {  	_ =	shalt  }
0x62: {  	_ =	shalt  }
0x63: {  	_ =	shalt  }
0x64: {  	_ =	shalt  }
0x65: {  	_ =	shalt  }
0x66: {  	_ =	shalt  }
0x67: {  	_ =	shalt  }
0x68: {  	_ =	shalt  }
0x69: {  	_ =	shalt  }
0x6a: {  	_ =	shalt  }
0x6b: {  	_ =	shalt  }
0x6c: {  	_ =	shalt  }
0x6d: {  	_ =	shalt  }
0x6e: {  	_ =	shalt  }
0x6f: {  	_ =	shalt  }
0x70: {  	_ =	shalt  }
0x71: {  	_ =	shalt  }
0x72: {  	_ =	shalt  }
0x73: {  	_ =	shalt  }
0x74: {  	_ =	shalt  }
0x75: {  	_ =	shalt  }
0x76: {  	_ =	shalt  }
0x77: {  	_ =	shalt  }
0x78: {  	_ =	shalt  }
0x79: {  	_ =	shalt  }
0x7a: {  	_ =	shalt  }
0x7b: {  	_ =	shalt  }
0x7c: {  	_ =	shalt  }
0x7d: {  	_ =	shalt  }
0x7e: {  	_ =	shalt  }
0x7f: {  	_ =	shalt  }
0x80: {  	_ =	shalt  }
0x81: {  	_ =	shalt  }
0x82: {  	_ =	shalt  }
0x83: {  	_ =	shalt  }
0x84: {  	_ =	shalt  }
0x85: {  	_ =	shalt  }
0x86: {  	_ =	shalt  }
0x87: {  	_ =	shalt  }
.Lfunc_end0:
.L_simem_size_0:
called_computation_lowered:
.L_overlay_start_0:
0x88: {  	s2 =	sld [smem:$0x3FD9]  }
0x89: {  	s3 =	sld [smem:$0x3FFE];
	_ =	sdelay $0x1  }
0x8a: {  	s1 =	srdreg.scid  }
0x8b: {  	s0 =	sand.u32 $0x1, s1  }
0x8c: {  	s17 =	sshll.u32 s0, $0xA;
	s2 =	sadd.s32 s3, s2  }
0x8d: {  	s2 =	sadd.s32 s2, s17  }
0x8e: {  	[smem:$0x3FC0] =	sst s2  }
0x8f: {  	_ = 	snop  }
0x90: {  	s2 =	sld [smem:$0x3FC7];
	(tm) =	ssettm $0x1  }
0x91: {  	s18 =	sld [smem:$0x3FFB];
	_ =	sdelay $0x3  }
0x92: {  	_ =	strace s18  }
0x93: {  	s3 =	sld [smem:$0x3FFC];
	_ =	sdelay $0x3  }
0x94: {  	_ =	strace s3  }
0x95: {  	s3 =	sld [smem:$0x3FFD];
	_ =	sdelay $0x3  }
0x96: {  	_ =	strace s3  }
0x97: {  	_ =	strace $0x8FFFFFFF  }
0x98: {  	s19 =	sld [smem:$0x3FDB];
	_ =	sdelay $0x1  }
0x99: {  	s4 =	simm.s32 $_scs_section_size  }
0x9a: {  	s5 =	simm.s32 $_size__tile_overlayer_lowered;
	s6 =	simm.s32 $_tile_overlayer_lowered  }
0x9b: {  	s22 =	simm.s32 $0x1BFF;
	s21 =	sshll.u32 s6, $0x1;
	s3 =	sadd.s32 s4, s19  }
0x9c: {  	s7 =	simm.s32 $0x0;
	s20 =	sshll.u32 s5, $0x1;
	s5 =	sadd.s32 s21, s3  }
0x9d: {  	[timem:s7], [sflag:s22] =	dma.local [hbm:s5], s20  }
0x9e: {  	_ =	swait.ge [sflag:s22], s20  }
0x9f: {  	s4 =	ssub.s32 $0x0, s20;
	[sflag:s22] =	ssyncset.done $0x0  }
0xa0: {  	[sflag:s22] =	ssyncadd.s32 s4;
	_ =	sdelay $0x1  }
0xa1: {  	s23 =	simm.s32 $0x1B8B  }
0xa2: {  	_ =	swait.ge [sflag:s23], $0x1  }
0xa3: {  	[sflag:s23] =	ssyncset.done $0x0  }
0xa4: {  	s25 =	simm.s32 $0x1B8E;
	s24 =	sld [smem:$0x3FFE];
	[sflag:s23] =	ssyncadd.s32 $0xFFFFFFFF  }
0xa5: {  	s26 =	simm.s32 $execute0_lowered;
	[smem:$0x3FD2] =	sst s25  }
0xa6: {  	s5 =	sshll.u32 s26, $0x1;
	_ =	strace $0x80000046;
	[dreg:$0x1] =	wrdreg $0xFFFFFFFF  }
0xa7: {  	s28 =	simm.s32 $_size_execute0_lowered;
	s3 =	sadd.s32 s3, s5;
	[dreg:$0x0] =	wrdreg $0x0  }
0xa8: {  	s5 =	sshll.u32 s28, $0x1;
	[dreg:$0x2] =	wrdreg s3  }
0xa9: {  	[dreg:$0x3] =	wrdreg s5  }
0xaa: {  	[dreg:$0x4] =	wrdreg $0xC0  }
0xab: {  	_ =	task [dreg:s7], $0x5FFFF  }
0xac: {  	[dreg:$0x1] =	wrdreg $0xFFFFFFFF  }
0xad: {  	[dreg:$0x0] =	wrdreg $0x60  }
0xae: {  	[dreg:$0x2] =	wrdreg s2  }
0xaf: {  	[dreg:$0x3] =	wrdreg s24  }
0xb0: {  	[dreg:$0x4] =	wrdreg $0x9  }
0xb1: {  	_ =	task.clear_ibuf [dreg:s7], $0x5FFFF;
	_ =	strace $0x90000046  }
0xb2: {  	s29 =	simm.s32 $0x9;
	_ =	strace $0x80000048  }
0xb3: {  	_ =	swait.ge [sflag:s29], $0x1  }
0xb4: {  	[sflag:s29] =	ssyncadd.s32 $0xFFFFFFFF  }
0xb5: {  	_ =	strace $0x90000048  }
0xb6: {  	_ =	sfence  }
0xb7: {  	s30 =	sld [smem:$0x0];
	_ =	sdelay $0x2  }
0xb8: {  	s31 =	sshll.u32 s1, $0xD;
	s1 =	sshrl.u32 s1, $0x2  }
0xb9: {  	s3 =	sand.u32 $0x4000, s31;
	s1 =	sadd.s32 s1, s30  }
0xba: {  	s0 =	sor.u32 s3, s0;
	s1 =	sshll.u32 s1, $0x11  }
0xbb: {  	s0 =	sor.u32 s1, s0  }
0xbc: {  	s0 =	sadd.s32 $0x8F2B, s0  }
0xbd: {  	[sflag:s0] =	ssyncadd.remote.s32 $0x1  }
0xbe: {  	_ =	sfence.sel $0xFFFF  }
0xbf: {  	[dreg:$0x0] =	wrdreg $0xFFFFFFFF;
	(pc) =	sbr.abs _section_cstart, $3  }
0xc0: {  	[dreg:$0x1] =	wrdreg $0xFFFFFFFF  }
0xc1: {  	_ =	task.clear_ibuf [dreg:s7], $0x2FFFF;
	_ =	strace $0x9FFFFFFF  }
0xc2: {  	(tm) =	ssettm $0x7FFFFFFF  }
0xc3: {  	_ =	shalt  }
tec
execute0_lowered:
.L_overlay_start_1:
0x0: {  	(tag) =	ssettag $0x1  }
0x1: {  	s1 =	srdreg.scid;
	s2 =	rddreg [dreg:$0x0]  }
0x2: {  	s0 =	stileid.u32;
	s4 =	rddreg [dreg:$0x1];
	s3 =	simm.s32 $0x0  }
0x3: {  	s14 =	simm.s32 $0x4A80;
	s16 =	simm.s32 $0x8A80;
	s17 =	simm.s32 $0x180  }
0x4: {  	s18 =	simm.s32 $0xCA80;
	s19 =	simm.s32 $0x1;
	s20 =	simm.s32 $0x2  }
0x5: {  	s21 =	simm.s32 $0x4;
	s22 =	simm.s32 $0x5;
	s23 =	simm.s32 $0x6  }
0x6: {  	s24 =	simm.s32 $0x7;
	s8 =	sand.u32 $0x1, s1;
	s12 =	smul.u32 $0xA0000, s0  }
0x7: {  	s25 =	sshll.u32 s0, $0x1;
	[smem:$0x7FF] =	sst s3;
	s30 =	smul.u32 $0x14000, s0  }
0x8: {  	s10 =	sadd.s32 $0x10400, s4;
	p0 =	sgt.u32 s0, $0x9;
	s13 =	smul.u32 $0x50000, s8  }
0x9: {  	s7 =	sor.u32 s8, s25;
	_ =	strace $0x80000047;
	s31 =	smul.u32 $0xA000, s8  }
0xa: {  	s11 =	ssub.s32 $0x2, s8;
	s25 =	simm.s32 $0x8;
	s5 =	smul.u32 $0x140, s7  }
0xb: {  	s6 =	sshll.u32 s7, $0x4;
	s9 =	sshll.u32 s7, $0xB;
	s26 =	sshrl.u32 s11, $0x1  }
0xc: {  	s28 =	smul.u32 $0xA000, s7;
	s6 =	sadd.s32 s6, s4;
	s9 =	sadd.s32 s9, s4  }
0xd: {  	s11 =	ssub.s32 s11, s26;
	s29 =	sadd.s32 s13, s12;
	s12 =	simm.s32 $0x80  }
.Ltmp0:
0xe: {  	s13 =	simm.s32 $0xA80;
	s5 =	sadd.s32 s5, s4;
	(pc) =	sbr.rel .LBB2_1-.Ltmp0, $4  }
0xf: {  	s7 =	smax.u32 s11, $0x1;
	s11 =	sshrl.u32 s29, $0x3;
	s4 =	sadd.s32 $0x3C00, s5  }
0x10: {  	s5 =	sadd.s32 $0x3A00, s6;
	s6 =	sadd.s32 $0x6400, s9;
	s9 =	sadd.s32 s10, s28  }
0x11: {  	s8 =	sadd.s32 $0x9000, s9;
	s9 =	sadd.s32 s11, s10;
	s10 =	sadd.s32 s30, s10  }
0x12: {  	s26 =	simm.s32 $0x0;
	s11 =	simm.s32 $0x9;
	s10 =	sadd.s32 s31, s10  }
.LBB2_4:
0x13: {  	_ =	swait.ge [sflag:s22], $0x4000  }
0x14: {  	[sflag:s22] =	ssyncset.done $0x0  }
0x15: {  	[sflag:s22] =	ssyncadd.s32 $0xFFFFC000  }
0x16: {  	_ =	swait.ge [sflag:s23], $0x4000  }
0x17: {  	[sflag:s23] =	ssyncset.done $0x0  }
0x18: {  	[sflag:s23] =	ssyncadd.s32 $0xFFFFC000  }
0x19: {  	_ =	swait.ge [sflag:s24], $0x4000  }
0x1a: {  	[sflag:s24] =	ssyncset.done $0x0  }
0x1b: {  	[sflag:s24] =	ssyncadd.s32 $0xFFFFC000  }
0x1c: {  	_ =	swait.ge [sflag:s25], $0x4000  }
0x1d: {  	s0 =	simm.s32 @!p0 $0x0;
	[sflag:s25] =	ssyncset.done $0x0  }
0x1e: {  	s1 =	simm.s32 @!p0 $0xA00;
	s15 =	simm.s32 @!p0 $0x9;
	[sflag:s25] =	ssyncadd.s32 $0xFFFFC000  }
0x1f: {  	[tilespmem:s1], [sflag:$0x9] =	stream.linear.gather @!p0 [hbm4b:s5+s0], $0x80, $0x38;
	[tilespmem:$0x10A80] =	vst v63  }
0x20: {  	_ =	swait.ge @!p0 [sflag:s15], $0x80  }
0x21: {  	[sflag:s15] =	ssyncset.done @!p0 $0x0  }
0x22: {  	s28 =	simm.s32 @!p0 $0x80;
	s29 =	simm.s32 @!p0 $0xA80;
	[sflag:s15] =	ssyncadd.s32 @!p0 $0xFFFFFF80  }
0x23: {  	[tilespmem:s29], [sflag:$0x1] =	stream.indirect.gather @!p0 [hbm4b:s2+s28], $0x80, s1, s28, $0xb8;
	[tilespmem:$0x10A80] =	vst v63  }
0x24: {  	s1 =	simm.s32 @!p0 $0x1  }
0x25: {  	s26 =	sadd.s32 $0x1, s26;
	_ =	swait.ge @!p0 [sflag:s1], $0x4000  }
0x26: {  	p1 =	sne.s32 s26, s7;
	[sflag:s1] =	ssyncset.done @!p0 $0x0  }
.Ltmp1:
0x27: {  	[sflag:s1] =	ssyncadd.s32 @!p0 $0xFFFFC000;
	(pc) =	sbr.rel @!p1 .LBB2_5-.Ltmp1, $4  }
0x28: {  	[hbm4b:s6+s0] =	stream.linear.scatter @!p0 [tilespmem:s29], [sflag:$0x9], $0x4000, $0x38;
	[tilespmem:$0x10A80] =	vst v63  }
0x29: {  	_ =	swait.ge @!p0 [sflag:s15], $0x4000  }
0x2a: {  	[sflag:s15] =	ssyncset.done @!p0 $0x0  }
0x2b: {  	[sflag:s15] =	ssyncadd.s32 @!p0 $0xFFFFC000  }
.LBB2_1:
0x2c: {  	[tilespmem:s3], [sflag:$0x9] =	stream.linear.gather [hbm4b:s4+s3], $0xA00, $0x38;
	[tilespmem:$0x10A80] =	vst v63  }
0x2d: {  	_ =	swait.ge [sflag:s11], $0xA00  }
0x2e: {  	[sflag:s11] =	ssyncset.done $0x0  }
0x2f: {  	[sflag:s11] =	ssyncadd.s32 $0xFFFFF600  }
0x30: {  	[tilespmem:s13], [sflag:$0x1] =	stream.indirect.gather [hbm4b:s2+s12], $0x80, s3, s12, $0xb8;
	[tilespmem:$0x10A80] =	vst v63  }
0x31: {  	_ = 	snop  }
0x32: {  	[tilespmem:s14], [sflag:$0x2] =	stream.indirect.gather [hbm4b:s2+s12], $0x80, s12, s12, $0xb8;
	[tilespmem:$0x10A80] =	vst v63  }
0x33: {  	s0 =	simm.s32 $0x100  }
0x34: {  	[tilespmem:s16], [sflag:$0x3] =	stream.indirect.gather [hbm4b:s2+s12], $0x80, s0, s12, $0xb8;
	[tilespmem:$0x10A80] =	vst v63  }
0x35: {  	s28 =	simm.s32 $0x200;
	s29 =	simm.s32 $0x0  }
0x36: {  	[tilespmem:s18], [sflag:$0x4] =	stream.indirect.gather [hbm4b:s2+s12], $0x80, s17, s12, $0xb8;
	[tilespmem:$0x10A80] =	vst v63  }
.LBB2_2:
0x37: {  	_ =	swait.ge [sflag:s19], $0x4000  }
0x38: {  	[sflag:s19] =	ssyncset.done $0x0  }
0x39: {  	s30 =	sadd.s32 s29, s9;
	p1 =	seq.s32 s29, $0x8000;
	[sflag:s19] =	ssyncadd.s32 $0xFFFFC000  }
0x3a: {  	[hbm4b:s30+s3] =	stream.linear.scatter [tilespmem:s13], [sflag:$0x5], $0x4000, $0x38;
	[tilespmem:$0x10A80] =	vst v63  }
0x3b: {  	s30 =	simm.s32 @!p1 $0x5  }
0x3c: {  	_ =	swait.ge @!p1 [sflag:s30], $0x4000  }
0x3d: {  	[sflag:s30] =	ssyncset.done @!p1 $0x0  }
0x3e: {  	s31 =	simm.s32 @!p1 $0xA80;
	[sflag:s30] =	ssyncadd.s32 @!p1 $0xFFFFC000;
	s30 =	simm.s32 @!p1 $0x80  }
0x3f: {  	[tilespmem:s31], [sflag:$0x1] =	stream.indirect.gather @!p1 [hbm4b:s2+s30], $0x80, s28, s30, $0xb8;
	[tilespmem:$0x10A80] =	vst v63  }
0x40: {  	_ =	swait.ge [sflag:s20], $0x4000  }
0x41: {  	s31 =	sadd.s32 s29, s10;
	[sflag:s20] =	ssyncset.done $0x0  }
0x42: {  	s1 =	sadd.s32 $0x800, s31;
	[sflag:s20] =	ssyncadd.s32 $0xFFFFC000  }
0x43: {  	[hbm4b:s1+s3] =	stream.linear.scatter [tilespmem:s14], [sflag:$0x6], $0x4000, $0x38;
	[tilespmem:$0x10A80] =	vst v63  }
0x44: {  	s1 =	simm.s32 @p1 $0x3  }
0x45: {  	_ =	swait.ge @p1 [sflag:s1], $0x4000  }
0x46: {  	[sflag:s1] =	ssyncset.done @p1 $0x0  }
0x47: {  	s0 =	simm.s32 @p1 $0x8A80;
	[sflag:s1] =	ssyncadd.s32 @p1 $0xFFFFC000;
	s1 =	simm.s32 @p1 $0x0  }
0x48: {  	[hbm4b:s8+s1] =	stream.linear.scatter @p1 [tilespmem:s0], [sflag:$0x7], $0x4000, $0x38;
	[tilespmem:$0x10A80] =	vst v63  }
0x49: {  	s0 =	simm.s32 @!p1 $0x6  }
0x4a: {  	_ =	swait.ge @!p1 [sflag:s0], $0x4000  }
0x4b: {  	[sflag:s0] =	ssyncset.done @!p1 $0x0  }
0x4c: {  	s1 =	simm.s32 @!p1 $0x4A80;
	[sflag:s0] =	ssyncadd.s32 @!p1 $0xFFFFC000;
	s0 =	sadd.s32 @!p1 $0x80, s28  }
0x4d: {  	[tilespmem:s1], [sflag:$0x2] =	stream.indirect.gather @!p1 [hbm4b:s2+s30], $0x80, s0, s30, $0xb8;
	[tilespmem:$0x10A80] =	vst v63  }
0x4e: {  	s0 =	simm.s32 @!p1 $0x3  }
0x4f: {  	_ =	swait.ge @!p1 [sflag:s0], $0x4000  }
0x50: {  	[sflag:s0] =	ssyncset.done @!p1 $0x0  }
0x51: {  	[sflag:s0] =	ssyncadd.s32 @!p1 $0xFFFFC000;
	s0 =	sadd.s32 @!p1 s29, s10  }
0x52: {  	s15 =	simm.s32 @!p1 $0x8A80;
	s1 =	simm.s32 @!p1 $0x0;
	s0 =	sadd.s32 @!p1 $0x1000, s0  }
0x53: {  	[hbm4b:s0+s1] =	stream.linear.scatter @!p1 [tilespmem:s15], [sflag:$0x7], $0x4000, $0x38;
	[tilespmem:$0x10A80] =	vst v63  }
0x54: {  	s0 =	simm.s32 @!p1 $0x7  }
0x55: {  	_ =	swait.ge @!p1 [sflag:s0], $0x4000  }
0x56: {  	[sflag:s0] =	ssyncset.done @!p1 $0x0  }
0x57: {  	[sflag:s0] =	ssyncadd.s32 @!p1 $0xFFFFC000;
	s0 =	sadd.s32 @!p1 $0x100, s28  }
0x58: {  	[tilespmem:s15], [sflag:$0x3] =	stream.indirect.gather @!p1 [hbm4b:s2+s30], $0x80, s0, s30, $0xb8;
	[tilespmem:$0x10A80] =	vst v63  }
.Ltmp2:
0x59: {  	_ = 	snop;
	(pc) =	sbr.rel @p1 .LBB2_4-.Ltmp2, $4  }
0x5a: {  	_ =	swait.ge [sflag:s21], $0x4000  }
0x5b: {  	[sflag:s21] =	ssyncset.done $0x0  }
0x5c: {  	s31 =	sadd.s32 $0x1800, s31;
	[sflag:s21] =	ssyncadd.s32 $0xFFFFC000  }
0x5d: {  	[hbm4b:s31+s3] =	stream.linear.scatter [tilespmem:s18], [sflag:$0x8], $0x4000, $0x38;
	[tilespmem:$0x10A80] =	vst v63  }
.Ltmp3:
0x5e: {  	(pc) =	sbr.rel .LBB2_2-.Ltmp3, $4  }
0x5f: {  	_ =	swait.ge [sflag:s25], $0x4000  }
0x60: {  	s0 =	sadd.s32 $0x180, s28;
	[sflag:s25] =	ssyncset.done $0x0  }
0x61: {  	s29 =	sadd.s32 $0x2000, s29;
	s28 =	sadd.s32 $0x200, s28;
	[sflag:s25] =	ssyncadd.s32 $0xFFFFC000  }
0x62: {  	[tilespmem:s18], [sflag:$0x4] =	stream.indirect.gather [hbm4b:s2+s12], $0x80, s0, s12, $0xb8;
	[tilespmem:$0x10A80] =	vst v63  }
.LBB2_5:
0x63: {  	_ =	sfence.sel $0x180000  }
0x64: {  	[bflag:$0x0] =	sbarrier.arrive $0xFFFF  }
0x65: {  	_ =	strace $0x90000047  }
0x66: {  	s0 =	stileid.u32;
	[bflag:$0x2] =	sbarrier.arrive $0xFFFF  }
0x67: {  	p0 =	sne.s32 s0, $0x0;
	s0 =	rddreg [dreg:$0x2]  }
0x68: {  	s0 =	sadd.s32 @!p0 $0x100000, s0  }
0x69: {  	[sflag:s0] =	ssyncadd.tile.s32 @!p0 $0x1;
	_ =	shalt  }
.Lfunc_end2:
_tile_overlayer_lowered:
.L_overlay_start_2:
0x6a: {  	(tag) =	ssettag $0x2  }
0x6b: {  	s0 =	rddreg [dreg:$0x0];
	s2 =	stileid.u32  }
0x6c: {  	s1 =	rddreg [dreg:$0x1];
	p0 =	sne.s32 s2, $0x0  }
0x6d: {  	s3 =	rddreg [dreg:$0x2];
	[bflag:$0x3] =	sbarrier.arrive $0xFFFF;
	s2 =	simm.s32 @!p0 $0x1C09  }
0x6e: {  	[timem:s3], [sflag:s2] =	dma.local @!p0 [hbm:s0], s1  }
0x6f: {  	s0 =	simm.s32 @!p0 $0x9  }
0x70: {  	_ =	swait.ge @!p0 [sflag:s0], s1  }
0x71: {  	s1 =	ssub.s32 @!p0 $0x0, s1;
	[sflag:s0] =	ssyncset.done @!p0 $0x0  }
0x72: {  	[sflag:s0] =	ssyncadd.s32 @!p0 s1  }
0x73: {  	[bflag:$0x3] =	sbarrier.arrive $0xFFFF  }
0x74: {  	_ =	shalt  }

// kernel: kernel.13.cloned.1.call-start
scs
__scs_entry_jumppad:
0x0: {  	(pc) =	sbr.rel $0x88, $3  }
0x1: {  	(tag) =	ssettag $0x0;
	lr =	simm.s32 $0x1  }
0x2: {  	[smem:$0x3F99] =	sst lr;
	_ =	strace $0xD0000000  }
0x3: {  	_ = 	snop  }
0x4: {  	_ = 	snop  }
0x5: {  	_ = 	snop  }
0x6: {  	_ = 	snop  }
0x7: {  	_ = 	snop  }
__scs_overlays_trampoline_lowered:
0x8: {  	[smem:$0x3FA8] =	sst s0  }
0x9: {  	[smem:$0x3FA9] =	sst s1  }
0xa: {  	[smem:$0x3FAA] =	sst s2  }
0xb: {  	[smem:$0x3FAB] =	sst s3  }
0xc: {  	[smem:$0x3FAC] =	sst s4  }
0xd: {  	[smem:$0x3FAD] =	sst s5  }
0xe: {  	[smem:$0x3FAE] =	sst s6  }
0xf: {  	[smem:$0x3FAF] =	sst s7  }
0x10: {  	[smem:$0x3FB0] =	sst s8  }
0x11: {  	[smem:$0x3FB1] =	sst s9;
	s0 =	simm.s32 @!p0 $0x0  }
0x12: {  	s1 =	sld [smem:$0x3F97];
	s0 =	simm.s32 @p0 $0x1  }
0x13: {  	[smem:$0x3FB2] =	sst s0;
	s0 =	simm.s32 @!p1 $0x0  }
0x14: {  	s2 =	sld [smem:$0x3F96];
	s0 =	simm.s32 @p1 $0x1  }
0x15: {  	[smem:$0x3FB3] =	sst s0;
	s0 =	simm.s32 @!p2 $0x0  }
0x16: {  	s3 =	sld [smem:$0x3FDB];
	s0 =	simm.s32 @p2 $0x1  }
0x17: {  	s4 =	simm.s32 $0x1BF5;
	[smem:$0x3FB5] =	sst s0  }
0x18: {  	s0 =	sld [smem:$0x3F98];
	_ =	swait.ge [sflag:s4], $0x0  }
0x19: {  	s7 =	sld [smem:$0x3F99]  }
0x1a: {  	s8 =	sadd.s32 $0xFFFFE003, lr  }
0x1b: {  	s9 =	sadd.s32 $0xFFFFFEF7, lr;
	s5 =	simm.s32 $0xFFFFFFFF;
	p2 =	slt.u32 s8, $0xFFFFF086  }
0x1c: {  	p1 =	slt.u32 s9, $0xF7A;
	s5 =	simm.s32 @!p2 $0x0  }
0x1d: {  	s5 =	simm.s32 @p1 $0x1;
	p0 =	seq.s32 s7, s2  }
0x1e: {  	s7 =	smul.u32 @!p0 $0xF7A, s2;
	p2 =	seq.s32 @!p0 s5, $0x0  }
0x1f: {  	s9 =	smul.u32 $0xF7A, s1;
	s8 =	simm.s32 @!p0 $0x1BF5;
	p2 =	por !p2, p0  }
0x20: {  	[sflag:s8] =	ssyncset.s32 @!p0 $0xFFFFF086;
	s6 =	sadd.s32 @!p0 s3, s7;
	s7 =	simm.s32 @!p0 $0x108  }
0x21: {  	s3 =	sadd.s32 s3, s9;
	s6 =	sadd.s32 @!p0 $0x88, s6;
	s7 =	simm.s32 @p2 $0x1082  }
0x22: {  	[simem:s7], [sflag:s8] =	dma.local @!p0 [hbm:s6], $0xF7A  }
0x23: {  	s9 =	sor.u32 $0xD0000000, s2;
	s6 =	simm.s32 $0x108;
	_ =	swait.ge @!p0 [sflag:s8], $0x0  }
0x24: {  	s3 =	sadd.s32 $0x88, s3;
	s6 =	simm.s32 @!p1 $0x1082;
	[sflag:s4] =	ssyncset.s32 $0xFFFFF086  }
0x25: {  	[simem:s6], [sflag:s4] =	dma.local [hbm:s3], $0xF7A  }
0x26: {  	[smem:$0x3F99] =	sst s1;
	(tag) =	ssettag s2;
	_ =	strace s9  }
0x27: {  	s1 =	sld [smem:$0x3FA9]  }
0x28: {  	s2 =	sld [smem:$0x3FAA]  }
0x29: {  	s4 =	sld [smem:$0x3FAC]  }
0x2a: {  	p0 =	seq.s32 s5, $0x0;
	s5 =	sld [smem:$0x3FAD]  }
0x2b: {  	s6 =	sld [smem:$0x3FAE]  }
0x2c: {  	s7 =	sld [smem:$0x3FAF]  }
0x2d: {  	s3 =	simm.s32 $0x108;
	s8 =	sld [smem:$0x3FB0]  }
0x2e: {  	s3 =	simm.s32 @!p0 $0x1082;
	s9 =	sld [smem:$0x3FB1]  }
0x2f: {  	lr =	sadd.s32 s0, s3;
	s0 =	sld [smem:$0x3FA8]  }
0x30: {  	s3 =	sld [smem:$0x3FAB]  }
0x31: {  	[smem:$0x3FB4] =	sst s10  }
0x32: {  	s10 =	sld [smem:$0x3FB2];
	_ =	sdelay $0x3  }
0x33: {  	p0 =	seq.s32 s10, $0x1;
	s10 =	sld [smem:$0x3FB4];
	_ =	sdelay $0x3  }
0x34: {  	[smem:$0x3FB4] =	sst s10  }
0x35: {  	s10 =	sld [smem:$0x3FB3];
	_ =	sdelay $0x3  }
0x36: {  	p1 =	seq.s32 s10, $0x1;
	s10 =	sld [smem:$0x3FB4];
	_ =	sdelay $0x3  }
0x37: {  	[smem:$0x3FB4] =	sst s10  }
0x38: {  	s10 =	sld [smem:$0x3FB5]  }
0x39: {  	_ = 	snop;
	(pc) =	sbr.ind lr, $3  }
0x3a: {  	_ = 	snop  }
0x3b: {  	_ = 	snop  }
0x3c: {  	p2 =	seq.s32 s10, $0x1;
	s10 =	sld [smem:$0x3FB4]  }
0x3d: {  	_ =	shalt  }
0x3e: {  	_ =	shalt  }
0x3f: {  	_ =	shalt  }
0x40: {  	_ =	shalt  }
0x41: {  	_ =	shalt  }
0x42: {  	_ =	shalt  }
0x43: {  	_ =	shalt  }
0x44: {  	_ =	shalt  }
0x45: {  	_ =	shalt  }
0x46: {  	_ =	shalt  }
0x47: {  	_ =	shalt  }
0x48: {  	_ =	shalt  }
0x49: {  	_ =	shalt  }
0x4a: {  	_ =	shalt  }
0x4b: {  	_ =	shalt  }
0x4c: {  	_ =	shalt  }
0x4d: {  	_ =	shalt  }
0x4e: {  	_ =	shalt  }
0x4f: {  	_ =	shalt  }
0x50: {  	_ =	shalt  }
0x51: {  	_ =	shalt  }
0x52: {  	_ =	shalt  }
0x53: {  	_ =	shalt  }
0x54: {  	_ =	shalt  }
0x55: {  	_ =	shalt  }
0x56: {  	_ =	shalt  }
0x57: {  	_ =	shalt  }
0x58: {  	_ =	shalt  }
0x59: {  	_ =	shalt  }
0x5a: {  	_ =	shalt  }
0x5b: {  	_ =	shalt  }
0x5c: {  	_ =	shalt  }
0x5d: {  	_ =	shalt  }
0x5e: {  	_ =	shalt  }
0x5f: {  	_ =	shalt  }
0x60: {  	_ =	shalt  }
0x61: {  	_ =	shalt  }
0x62: {  	_ =	shalt  }
0x63: {  	_ =	shalt  }
0x64: {  	_ =	shalt  }
0x65: {  	_ =	shalt  }
0x66: {  	_ =	shalt  }
0x67: {  	_ =	shalt  }
0x68: {  	_ =	shalt  }
0x69: {  	_ =	shalt  }
0x6a: {  	_ =	shalt  }
0x6b: {  	_ =	shalt  }
0x6c: {  	_ =	shalt  }
0x6d: {  	_ =	shalt  }
0x6e: {  	_ =	shalt  }
0x6f: {  	_ =	shalt  }
0x70: {  	_ =	shalt  }
0x71: {  	_ =	shalt  }
0x72: {  	_ =	shalt  }
0x73: {  	_ =	shalt  }
0x74: {  	_ =	shalt  }
0x75: {  	_ =	shalt  }
0x76: {  	_ =	shalt  }
0x77: {  	_ =	shalt  }
0x78: {  	_ =	shalt  }
0x79: {  	_ =	shalt  }
0x7a: {  	_ =	shalt  }
0x7b: {  	_ =	shalt  }
0x7c: {  	_ =	shalt  }
0x7d: {  	_ =	shalt  }
0x7e: {  	_ =	shalt  }
0x7f: {  	_ =	shalt  }
0x80: {  	_ =	shalt  }
0x81: {  	_ =	shalt  }
0x82: {  	_ =	shalt  }
0x83: {  	_ =	shalt  }
0x84: {  	_ =	shalt  }
0x85: {  	_ =	shalt  }
0x86: {  	_ =	shalt  }
0x87: {  	_ =	shalt  }
.Lfunc_end0:
.L_simem_size_0:
called_computation.1_lowered:
.L_overlay_start_0:
0x88: {  	s2 =	sld [smem:$0x3FD9]  }
0x89: {  	s3 =	sld [smem:$0x3FFE];
	_ =	sdelay $0x1  }
0x8a: {  	s1 =	srdreg.scid  }
0x8b: {  	s0 =	sand.u32 $0x1, s1  }
0x8c: {  	s17 =	sshll.u32 s0, $0xA;
	s2 =	sadd.s32 s3, s2  }
0x8d: {  	s2 =	sadd.s32 s2, s17  }
0x8e: {  	[smem:$0x3FC0] =	sst s2  }
0x8f: {  	_ = 	snop  }
0x90: {  	s18 =	sld [smem:$0x3FC7];
	(tm) =	ssettm $0x1  }
0x91: {  	s19 =	sld [smem:$0x3FFB];
	_ =	sdelay $0x3  }
0x92: {  	_ =	strace s19  }
0x93: {  	s2 =	sld [smem:$0x3FFC];
	_ =	sdelay $0x3  }
0x94: {  	_ =	strace s2  }
0x95: {  	s2 =	sld [smem:$0x3FFD];
	_ =	sdelay $0x3  }
0x96: {  	_ =	strace s2  }
0x97: {  	_ =	strace $0x8FFFFFFF  }
0x98: {  	s20 =	sld [smem:$0x3FDB];
	_ =	sdelay $0x1  }
0x99: {  	s4 =	simm.s32 $_scs_section_size  }
0x9a: {  	s5 =	simm.s32 $_size__tile_overlayer_lowered;
	s6 =	simm.s32 $_tile_overlayer_lowered  }
0x9b: {  	s7 =	simm.s32 $0x1BFF;
	s21 =	sshll.u32 s6, $0x1;
	s4 =	sadd.s32 s4, s20  }
0x9c: {  	s22 =	simm.s32 $0x0;
	s5 =	sshll.u32 s5, $0x1;
	s6 =	sadd.s32 s21, s4  }
0x9d: {  	[timem:s22], [sflag:s7] =	dma.local [hbm:s6], s5  }
0x9e: {  	_ =	swait.ge [sflag:s7], s5  }
0x9f: {  	s5 =	ssub.s32 $0x0, s5;
	[sflag:s7] =	ssyncset.done $0x0  }
0xa0: {  	[sflag:s7] =	ssyncadd.s32 s5;
	_ =	sdelay $0x1  }
0xa1: {  	s23 =	simm.s32 $0x1B8B  }
0xa2: {  	_ =	swait.ge [sflag:s23], $0x1  }
0xa3: {  	[sflag:s23] =	ssyncset.done $0x0  }
0xa4: {  	[sflag:s23] =	ssyncadd.s32 $0xFFFFFFFF  }
0xa5: {  	s5 =	sld [smem:$0x0]  }
0xa6: {  	s6 =	sand.u32 $0xFFFFFFFE, s1  }
0xa7: {  	p0 =	sne.s32 s1, s6  }
0xa8: {  	s6 =	sshll.u32 @p0 s6, $0xE  }
0xa9: {  	s6 =	sadd.s32 @p0 $0x11B8D, s6;
	s7 =	sshll.u32 @p0 s5, $0x11  }
0xaa: {  	s6 =	sor.u32 @p0 s7, s6  }
0xab: {  	[sflag:s6] =	ssyncadd.remote.s32 @p0 $0x1;
	_ =	sdelay $0x1  }
0xac: {  	s6 =	simm.s32 @p0 $0x1B8D  }
0xad: {  	_ =	swait.eq @p0 [sflag:s6], $0x1  }
0xae: {  	[sflag:s6] =	ssyncadd.s32 @p0 $0xFFFFFFFF  }
0xaf: {  	s7 =	sshll.u32 @!p0 s1, $0xE  }
0xb0: {  	s7 =	sor.u32 @!p0 $0x4000, s7;
	s6 =	simm.s32 @!p0 $0x1B8D  }
0xb1: {  	s5 =	sshll.u32 @!p0 s5, $0x11;
	s7 =	sadd.s32 @!p0 $0x11B8D, s7;
	_ =	swait.eq @!p0 [sflag:s6], $0x1  }
0xb2: {  	s5 =	sor.u32 @!p0 s5, s7;
	[sflag:s6] =	ssyncadd.s32 @!p0 $0xFFFFFFFF  }
0xb3: {  	s25 =	simm.s32 $0x1B8E;
	s24 =	sld [smem:$0x3FFE];
	[sflag:s5] =	ssyncadd.remote.s32 @!p0 $0x1  }
0xb4: {  	s26 =	simm.s32 $execute0_lowered;
	[smem:$0x3FD2] =	sst s25  }
0xb5: {  	s6 =	sshll.u32 s26, $0x1;
	_ =	strace $0x8000004C;
	[dreg:$0x1] =	wrdreg $0xFFFFFFFF  }
0xb6: {  	s28 =	simm.s32 $_size_execute0_lowered;
	s4 =	sadd.s32 s4, s6;
	[dreg:$0x0] =	wrdreg $0x0  }
0xb7: {  	s6 =	sshll.u32 s28, $0x1;
	[dreg:$0x2] =	wrdreg s4  }
0xb8: {  	[dreg:$0x3] =	wrdreg s6  }
0xb9: {  	[dreg:$0x4] =	wrdreg $0xC0  }
0xba: {  	_ =	task [dreg:s22], $0x5FFFF  }
0xbb: {  	[dreg:$0x1] =	wrdreg $0xFFFFFFFF  }
0xbc: {  	[dreg:$0x0] =	wrdreg $0x60  }
0xbd: {  	[dreg:$0x2] =	wrdreg s18  }
0xbe: {  	[dreg:$0x3] =	wrdreg s24  }
0xbf: {  	[dreg:$0x4] =	wrdreg $0xA  }
0xc0: {  	_ =	task.clear_ibuf [dreg:s22], $0x5FFFF;
	_ =	strace $0x9000004C  }
0xc1: {  	s29 =	simm.s32 $0xA;
	_ =	strace $0x8000004E  }
0xc2: {  	_ =	swait.ge [sflag:s29], $0x1  }
0xc3: {  	[sflag:s29] =	ssyncadd.s32 $0xFFFFFFFF  }
0xc4: {  	_ =	strace $0x9000004E  }
0xc5: {  	_ =	sfence  }
0xc6: {  	s30 =	sld [smem:$0x0];
	_ =	sdelay $0x2  }
0xc7: {  	s31 =	sshll.u32 s1, $0xD;
	s1 =	sshrl.u32 s1, $0x2  }
0xc8: {  	s4 =	sand.u32 $0x4000, s31;
	s1 =	sadd.s32 s1, s30  }
0xc9: {  	s0 =	sor.u32 s4, s0;
	s1 =	sshll.u32 s1, $0x11  }
0xca: {  	s0 =	sor.u32 s1, s0  }
0xcb: {  	s0 =	sadd.s32 $0x8F2B, s0  }
0xcc: {  	[sflag:s0] =	ssyncadd.remote.s32 $0x1  }
0xcd: {  	_ =	sfence.sel $0xFFFF  }
0xce: {  	[dreg:$0x0] =	wrdreg $0xFFFFFFFF;
	(pc) =	sbr.abs _section_cstart, $3  }
0xcf: {  	[dreg:$0x1] =	wrdreg $0xFFFFFFFF  }
0xd0: {  	_ =	task.clear_ibuf [dreg:s22], $0x2FFFF;
	_ =	strace $0x9FFFFFFF  }
0xd1: {  	(tm) =	ssettm $0x7FFFFFFF  }
tec
execute0_lowered:
.L_overlay_start_1:
0x0: {  	(tag) =	ssettag $0x1  }
0x1: {  	s2 =	rddreg [dreg:$0x0];
	s1 =	srdreg.scid  }
0x2: {  	s0 =	stileid.u32;
	s4 =	rddreg [dreg:$0x1];
	s3 =	simm.s32 $0x0  }
0x3: {  	s16 =	simm.s32 $0x8A80;
	s17 =	simm.s32 $0x180;
	s18 =	simm.s32 $0xCA80  }
0x4: {  	s19 =	simm.s32 $0x1;
	s20 =	simm.s32 $0x2;
	s21 =	simm.s32 $0x4  }
0x5: {  	s22 =	simm.s32 $0x5;
	s23 =	simm.s32 $0x6;
	s24 =	simm.s32 $0x7  }
0x6: {  	s25 =	simm.s32 $0x8;
	s26 =	simm.s32 $0x0;
	s12 =	smul.u32 $0xA0000, s0  }
0x7: {  	s8 =	sand.u32 $0x1, s1;
	s5 =	sshll.u32 s0, $0x1;
	s30 =	smul.u32 $0x14000, s0  }
0x8: {  	[smem:$0x7FF] =	sst s3;
	s10 =	sadd.s32 $0x2AC200, s4;
	s14 =	smul.u32 $0x50000, s8  }
0x9: {  	p0 =	sgt.u32 s0, $0x9;
	s7 =	sor.u32 s8, s5;
	s31 =	smul.u32 $0xA000, s8  }
0xa: {  	_ =	strace $0x8000004D;
	s11 =	ssub.s32 $0x2, s8;
	s5 =	smul.u32 $0x140, s7  }
0xb: {  	s6 =	sshll.u32 s7, $0x4;
	s9 =	sshll.u32 s7, $0xB;
	s13 =	sshrl.u32 s11, $0x1  }
0xc: {  	s28 =	smul.u32 $0xA000, s7;
	s6 =	sadd.s32 s6, s4;
	s9 =	sadd.s32 s9, s4  }
0xd: {  	s11 =	ssub.s32 s11, s13;
	s29 =	sadd.s32 s14, s12;
	s12 =	simm.s32 $0x80  }
.Ltmp0:
0xe: {  	s13 =	simm.s32 $0xA80;
	s5 =	sadd.s32 s5, s4;
	(pc) =	sbr.rel .LBB2_1-.Ltmp0, $4  }
0xf: {  	s7 =	smax.u32 s11, $0x1;
	s11 =	sshrl.u32 s29, $0x3;
	s4 =	sadd.s32 $0x153200, s5  }
0x10: {  	s5 =	sadd.s32 $0x150600, s6;
	s6 =	sadd.s32 $0x2A2200, s9;
	s9 =	sadd.s32 s10, s28  }
0x11: {  	s8 =	sadd.s32 $0x9000, s9;
	s9 =	sadd.s32 s11, s10;
	s10 =	sadd.s32 s30, s10  }
0x12: {  	s14 =	simm.s32 $0x4A80;
	s11 =	simm.s32 $0x9;
	s10 =	sadd.s32 s31, s10  }
.LBB2_4:
0x13: {  	_ =	swait.ge [sflag:s22], $0x4000  }
0x14: {  	[sflag:s22] =	ssyncset.done $0x0  }
0x15: {  	[sflag:s22] =	ssyncadd.s32 $0xFFFFC000  }
0x16: {  	_ =	swait.ge [sflag:s23], $0x4000  }
0x17: {  	[sflag:s23] =	ssyncset.done $0x0  }
0x18: {  	[sflag:s23] =	ssyncadd.s32 $0xFFFFC000  }
0x19: {  	_ =	swait.ge [sflag:s24], $0x4000  }
0x1a: {  	[sflag:s24] =	ssyncset.done $0x0  }
0x1b: {  	[sflag:s24] =	ssyncadd.s32 $0xFFFFC000  }
0x1c: {  	_ =	swait.ge [sflag:s25], $0x4000  }
0x1d: {  	s0 =	simm.s32 @!p0 $0x0;
	[sflag:s25] =	ssyncset.done $0x0  }
0x1e: {  	s1 =	simm.s32 @!p0 $0xA00;
	s15 =	simm.s32 @!p0 $0x9;
	[sflag:s25] =	ssyncadd.s32 $0xFFFFC000  }
0x1f: {  	[tilespmem:s1], [sflag:$0x9] =	stream.linear.gather @!p0 [hbm4b:s5+s0], $0x80, $0x38;
	[tilespmem:$0x10A80] =	vst v63  }
0x20: {  	_ =	swait.ge @!p0 [sflag:s15], $0x80  }
0x21: {  	[sflag:s15] =	ssyncset.done @!p0 $0x0  }
0x22: {  	s28 =	simm.s32 @!p0 $0x80;
	s29 =	simm.s32 @!p0 $0xA80;
	[sflag:s15] =	ssyncadd.s32 @!p0 $0xFFFFFF80  }
0x23: {  	[tilespmem:s29], [sflag:$0x1] =	stream.indirect.gather @!p0 [hbm4b:s2+s28], $0x80, s1, s28, $0xb8;
	[tilespmem:$0x10A80] =	vst v63  }
0x24: {  	s1 =	simm.s32 @!p0 $0x1  }
0x25: {  	s26 =	sadd.s32 $0x1, s26;
	_ =	swait.ge @!p0 [sflag:s1], $0x4000  }
0x26: {  	p1 =	sne.s32 s26, s7;
	[sflag:s1] =	ssyncset.done @!p0 $0x0  }
.Ltmp1:
0x27: {  	[sflag:s1] =	ssyncadd.s32 @!p0 $0xFFFFC000;
	(pc) =	sbr.rel @!p1 .LBB2_5-.Ltmp1, $4  }
0x28: {  	[hbm4b:s6+s0] =	stream.linear.scatter @!p0 [tilespmem:s29], [sflag:$0x9], $0x4000, $0x38;
	[tilespmem:$0x10A80] =	vst v63  }
0x29: {  	_ =	swait.ge @!p0 [sflag:s15], $0x4000  }
0x2a: {  	[sflag:s15] =	ssyncset.done @!p0 $0x0  }
0x2b: {  	[sflag:s15] =	ssyncadd.s32 @!p0 $0xFFFFC000  }
.LBB2_1:
0x2c: {  	[tilespmem:s3], [sflag:$0x9] =	stream.linear.gather [hbm4b:s4+s3], $0xA00, $0x38;
	[tilespmem:$0x10A80] =	vst v63  }
0x2d: {  	_ =	swait.ge [sflag:s11], $0xA00  }
0x2e: {  	[sflag:s11] =	ssyncset.done $0x0  }
0x2f: {  	[sflag:s11] =	ssyncadd.s32 $0xFFFFF600  }
0x30: {  	[tilespmem:s13], [sflag:$0x1] =	stream.indirect.gather [hbm4b:s2+s12], $0x80, s3, s12, $0xb8;
	[tilespmem:$0x10A80] =	vst v63  }
0x31: {  	_ = 	snop  }
0x32: {  	[tilespmem:s14], [sflag:$0x2] =	stream.indirect.gather [hbm4b:s2+s12], $0x80, s12, s12, $0xb8;
	[tilespmem:$0x10A80] =	vst v63  }
0x33: {  	s0 =	simm.s32 $0x100  }
0x34: {  	[tilespmem:s16], [sflag:$0x3] =	stream.indirect.gather [hbm4b:s2+s12], $0x80, s0, s12, $0xb8;
	[tilespmem:$0x10A80] =	vst v63  }
0x35: {  	s28 =	simm.s32 $0x200;
	s29 =	simm.s32 $0x0  }
0x36: {  	[tilespmem:s18], [sflag:$0x4] =	stream.indirect.gather [hbm4b:s2+s12], $0x80, s17, s12, $0xb8;
	[tilespmem:$0x10A80] =	vst v63  }
.LBB2_2:
0x37: {  	_ =	swait.ge [sflag:s19], $0x4000  }
0x38: {  	[sflag:s19] =	ssyncset.done $0x0  }
0x39: {  	s30 =	sadd.s32 s29, s9;
	p1 =	seq.s32 s29, $0x8000;
	[sflag:s19] =	ssyncadd.s32 $0xFFFFC000  }
0x3a: {  	[hbm4b:s30+s3] =	stream.linear.scatter [tilespmem:s13], [sflag:$0x5], $0x4000, $0x38;
	[tilespmem:$0x10A80] =	vst v63  }
0x3b: {  	s30 =	simm.s32 @!p1 $0x5  }
0x3c: {  	_ =	swait.ge @!p1 [sflag:s30], $0x4000  }
0x3d: {  	[sflag:s30] =	ssyncset.done @!p1 $0x0  }
0x3e: {  	s31 =	simm.s32 @!p1 $0xA80;
	[sflag:s30] =	ssyncadd.s32 @!p1 $0xFFFFC000;
	s30 =	simm.s32 @!p1 $0x80  }
0x3f: {  	[tilespmem:s31], [sflag:$0x1] =	stream.indirect.gather @!p1 [hbm4b:s2+s30], $0x80, s28, s30, $0xb8;
	[tilespmem:$0x10A80] =	vst v63  }
0x40: {  	_ =	swait.ge [sflag:s20], $0x4000  }
0x41: {  	s31 =	sadd.s32 s29, s10;
	[sflag:s20] =	ssyncset.done $0x0  }
0x42: {  	s1 =	sadd.s32 $0x800, s31;
	[sflag:s20] =	ssyncadd.s32 $0xFFFFC000  }
0x43: {  	[hbm4b:s1+s3] =	stream.linear.scatter [tilespmem:s14], [sflag:$0x6], $0x4000, $0x38;
	[tilespmem:$0x10A80] =	vst v63  }
0x44: {  	s1 =	simm.s32 @p1 $0x3  }
0x45: {  	_ =	swait.ge @p1 [sflag:s1], $0x4000  }
0x46: {  	[sflag:s1] =	ssyncset.done @p1 $0x0  }
0x47: {  	s0 =	simm.s32 @p1 $0x8A80;
	[sflag:s1] =	ssyncadd.s32 @p1 $0xFFFFC000;
	s1 =	simm.s32 @p1 $0x0  }
0x48: {  	[hbm4b:s8+s1] =	stream.linear.scatter @p1 [tilespmem:s0], [sflag:$0x7], $0x4000, $0x38;
	[tilespmem:$0x10A80] =	vst v63  }
0x49: {  	s0 =	simm.s32 @!p1 $0x6  }
0x4a: {  	_ =	swait.ge @!p1 [sflag:s0], $0x4000  }
0x4b: {  	[sflag:s0] =	ssyncset.done @!p1 $0x0  }
0x4c: {  	s1 =	simm.s32 @!p1 $0x4A80;
	[sflag:s0] =	ssyncadd.s32 @!p1 $0xFFFFC000;
	s0 =	sadd.s32 @!p1 $0x80, s28  }
0x4d: {  	[tilespmem:s1], [sflag:$0x2] =	stream.indirect.gather @!p1 [hbm4b:s2+s30], $0x80, s0, s30, $0xb8;
	[tilespmem:$0x10A80] =	vst v63  }
0x4e: {  	s0 =	simm.s32 @!p1 $0x3  }
0x4f: {  	_ =	swait.ge @!p1 [sflag:s0], $0x4000  }
0x50: {  	[sflag:s0] =	ssyncset.done @!p1 $0x0  }
0x51: {  	[sflag:s0] =	ssyncadd.s32 @!p1 $0xFFFFC000;
	s0 =	sadd.s32 @!p1 s29, s10  }
0x52: {  	s15 =	simm.s32 @!p1 $0x8A80;
	s1 =	simm.s32 @!p1 $0x0;
	s0 =	sadd.s32 @!p1 $0x1000, s0  }
0x53: {  	[hbm4b:s0+s1] =	stream.linear.scatter @!p1 [tilespmem:s15], [sflag:$0x7], $0x4000, $0x38;
	[tilespmem:$0x10A80] =	vst v63  }
0x54: {  	s0 =	simm.s32 @!p1 $0x7  }
0x55: {  	_ =	swait.ge @!p1 [sflag:s0], $0x4000  }
0x56: {  	[sflag:s0] =	ssyncset.done @!p1 $0x0  }
0x57: {  	[sflag:s0] =	ssyncadd.s32 @!p1 $0xFFFFC000;
	s0 =	sadd.s32 @!p1 $0x100, s28  }
0x58: {  	[tilespmem:s15], [sflag:$0x3] =	stream.indirect.gather @!p1 [hbm4b:s2+s30], $0x80, s0, s30, $0xb8;
	[tilespmem:$0x10A80] =	vst v63  }
.Ltmp2:
0x59: {  	_ = 	snop;
	(pc) =	sbr.rel @p1 .LBB2_4-.Ltmp2, $4  }
0x5a: {  	_ =	swait.ge [sflag:s21], $0x4000  }
0x5b: {  	[sflag:s21] =	ssyncset.done $0x0  }
0x5c: {  	s31 =	sadd.s32 $0x1800, s31;
	[sflag:s21] =	ssyncadd.s32 $0xFFFFC000  }
0x5d: {  	[hbm4b:s31+s3] =	stream.linear.scatter [tilespmem:s18], [sflag:$0x8], $0x4000, $0x38;
	[tilespmem:$0x10A80] =	vst v63  }
.Ltmp3:
0x5e: {  	(pc) =	sbr.rel .LBB2_2-.Ltmp3, $4  }
0x5f: {  	_ =	swait.ge [sflag:s25], $0x4000  }
0x60: {  	s0 =	sadd.s32 $0x180, s28;
	[sflag:s25] =	ssyncset.done $0x0  }
0x61: {  	s29 =	sadd.s32 $0x2000, s29;
	s28 =	sadd.s32 $0x200, s28;
	[sflag:s25] =	ssyncadd.s32 $0xFFFFC000  }
0x62: {  	[tilespmem:s18], [sflag:$0x4] =	stream.indirect.gather [hbm4b:s2+s12], $0x80, s0, s12, $0xb8;
	[tilespmem:$0x10A80] =	vst v63  }
.LBB2_5:
0x63: {  	_ =	sfence.sel $0x180000  }
0x64: {  	[bflag:$0x0] =	sbarrier.arrive $0xFFFF  }
0x65: {  	_ =	strace $0x9000004D  }
0x66: {  	s0 =	stileid.u32;
	[bflag:$0x2] =	sbarrier.arrive $0xFFFF  }
0x67: {  	p0 =	sne.s32 s0, $0x0;
	s0 =	rddreg [dreg:$0x2]  }
0x68: {  	s0 =	sadd.s32 @!p0 $0x100000, s0  }
0x69: {  	[sflag:s0] =	ssyncadd.tile.s32 @!p0 $0x1;
	_ =	shalt  }
.Lfunc_end2:
_tile_overlayer_lowered:
.L_overlay_start_2:
0x6a: {  	(tag) =	ssettag $0x2  }
0x6b: {  	s0 =	rddreg [dreg:$0x0];
	s2 =	stileid.u32  }
0x6c: {  	s1 =	rddreg [dreg:$0x1];
	p0 =	sne.s32 s2, $0x0  }
0x6d: {  	s3 =	rddreg [dreg:$0x2];
	[bflag:$0x3] =	sbarrier.arrive $0xFFFF;
	s2 =	simm.s32 @!p0 $0x1C09  }
0x6e: {  	[timem:s3], [sflag:s2] =	dma.local @!p0 [hbm:s0], s1  }
0x6f: {  	s0 =	simm.s32 @!p0 $0x9  }
0x70: {  	_ =	swait.ge @!p0 [sflag:s0], s1  }
0x71: {  	s1 =	ssub.s32 @!p0 $0x0, s1;
	[sflag:s0] =	ssyncset.done @!p0 $0x0  }
0x72: {  	[sflag:s0] =	ssyncadd.s32 @!p0 s1  }
0x73: {  	[bflag:$0x3] =	sbarrier.arrive $0xFFFF  }
0x74: {  	_ =	shalt  }

// kernel: kernel.16.cloned.1.call-start
scs
__scs_entry_jumppad:
0x0: {  	(pc) =	sbr.rel $0x88, $3  }
0x1: {  	(tag) =	ssettag $0x0;
	lr =	simm.s32 $0x1  }
0x2: {  	[smem:$0x3F99] =	sst lr;
	_ =	strace $0xD0000000  }
0x3: {  	_ = 	snop  }
0x4: {  	_ = 	snop  }
0x5: {  	_ = 	snop  }
0x6: {  	_ = 	snop  }
0x7: {  	_ = 	snop  }
__scs_overlays_trampoline_lowered:
0x8: {  	[smem:$0x3FA8] =	sst s0  }
0x9: {  	[smem:$0x3FA9] =	sst s1  }
0xa: {  	[smem:$0x3FAA] =	sst s2  }
0xb: {  	[smem:$0x3FAB] =	sst s3  }
0xc: {  	[smem:$0x3FAC] =	sst s4  }
0xd: {  	[smem:$0x3FAD] =	sst s5  }
0xe: {  	[smem:$0x3FAE] =	sst s6  }
0xf: {  	[smem:$0x3FAF] =	sst s7  }
0x10: {  	[smem:$0x3FB0] =	sst s8  }
0x11: {  	[smem:$0x3FB1] =	sst s9;
	s0 =	simm.s32 @!p0 $0x0  }
0x12: {  	s1 =	sld [smem:$0x3F97];
	s0 =	simm.s32 @p0 $0x1  }
0x13: {  	[smem:$0x3FB2] =	sst s0;
	s0 =	simm.s32 @!p1 $0x0  }
0x14: {  	s2 =	sld [smem:$0x3F96];
	s0 =	simm.s32 @p1 $0x1  }
0x15: {  	[smem:$0x3FB3] =	sst s0;
	s0 =	simm.s32 @!p2 $0x0  }
0x16: {  	s3 =	sld [smem:$0x3FDB];
	s0 =	simm.s32 @p2 $0x1  }
0x17: {  	s4 =	simm.s32 $0x1BF5;
	[smem:$0x3FB5] =	sst s0  }
0x18: {  	s0 =	sld [smem:$0x3F98];
	_ =	swait.ge [sflag:s4], $0x0  }
0x19: {  	s7 =	sld [smem:$0x3F99]  }
0x1a: {  	s8 =	sadd.s32 $0xFFFFE003, lr  }
0x1b: {  	s9 =	sadd.s32 $0xFFFFFEF7, lr;
	s5 =	simm.s32 $0xFFFFFFFF;
	p2 =	slt.u32 s8, $0xFFFFF086  }
0x1c: {  	p1 =	slt.u32 s9, $0xF7A;
	s5 =	simm.s32 @!p2 $0x0  }
0x1d: {  	s5 =	simm.s32 @p1 $0x1;
	p0 =	seq.s32 s7, s2  }
0x1e: {  	s7 =	smul.u32 @!p0 $0xF7A, s2;
	p2 =	seq.s32 @!p0 s5, $0x0  }
0x1f: {  	s9 =	smul.u32 $0xF7A, s1;
	s8 =	simm.s32 @!p0 $0x1BF5;
	p2 =	por !p2, p0  }
0x20: {  	[sflag:s8] =	ssyncset.s32 @!p0 $0xFFFFF086;
	s6 =	sadd.s32 @!p0 s3, s7;
	s7 =	simm.s32 @!p0 $0x108  }
0x21: {  	s3 =	sadd.s32 s3, s9;
	s6 =	sadd.s32 @!p0 $0x88, s6;
	s7 =	simm.s32 @p2 $0x1082  }
0x22: {  	[simem:s7], [sflag:s8] =	dma.local @!p0 [hbm:s6], $0xF7A  }
0x23: {  	s9 =	sor.u32 $0xD0000000, s2;
	s6 =	simm.s32 $0x108;
	_ =	swait.ge @!p0 [sflag:s8], $0x0  }
0x24: {  	s3 =	sadd.s32 $0x88, s3;
	s6 =	simm.s32 @!p1 $0x1082;
	[sflag:s4] =	ssyncset.s32 $0xFFFFF086  }
0x25: {  	[simem:s6], [sflag:s4] =	dma.local [hbm:s3], $0xF7A  }
0x26: {  	[smem:$0x3F99] =	sst s1;
	(tag) =	ssettag s2;
	_ =	strace s9  }
0x27: {  	s1 =	sld [smem:$0x3FA9]  }
0x28: {  	s2 =	sld [smem:$0x3FAA]  }
0x29: {  	s4 =	sld [smem:$0x3FAC]  }
0x2a: {  	p0 =	seq.s32 s5, $0x0;
	s5 =	sld [smem:$0x3FAD]  }
0x2b: {  	s6 =	sld [smem:$0x3FAE]  }
0x2c: {  	s7 =	sld [smem:$0x3FAF]  }
0x2d: {  	s3 =	simm.s32 $0x108;
	s8 =	sld [smem:$0x3FB0]  }
0x2e: {  	s3 =	simm.s32 @!p0 $0x1082;
	s9 =	sld [smem:$0x3FB1]  }
0x2f: {  	lr =	sadd.s32 s0, s3;
	s0 =	sld [smem:$0x3FA8]  }
0x30: {  	s3 =	sld [smem:$0x3FAB]  }
0x31: {  	[smem:$0x3FB4] =	sst s10  }
0x32: {  	s10 =	sld [smem:$0x3FB2];
	_ =	sdelay $0x3  }
0x33: {  	p0 =	seq.s32 s10, $0x1;
	s10 =	sld [smem:$0x3FB4];
	_ =	sdelay $0x3  }
0x34: {  	[smem:$0x3FB4] =	sst s10  }
0x35: {  	s10 =	sld [smem:$0x3FB3];
	_ =	sdelay $0x3  }
0x36: {  	p1 =	seq.s32 s10, $0x1;
	s10 =	sld [smem:$0x3FB4];
	_ =	sdelay $0x3  }
0x37: {  	[smem:$0x3FB4] =	sst s10  }
0x38: {  	s10 =	sld [smem:$0x3FB5]  }
0x39: {  	_ = 	snop;
	(pc) =	sbr.ind lr, $3  }
0x3a: {  	_ = 	snop  }
0x3b: {  	_ = 	snop  }
0x3c: {  	p2 =	seq.s32 s10, $0x1;
	s10 =	sld [smem:$0x3FB4]  }
0x3d: {  	_ =	shalt  }
0x3e: {  	_ =	shalt  }
0x3f: {  	_ =	shalt  }
0x40: {  	_ =	shalt  }
0x41: {  	_ =	shalt  }
0x42: {  	_ =	shalt  }
0x43: {  	_ =	shalt  }
0x44: {  	_ =	shalt  }
0x45: {  	_ =	shalt  }
0x46: {  	_ =	shalt  }
0x47: {  	_ =	shalt  }
0x48: {  	_ =	shalt  }
0x49: {  	_ =	shalt  }
0x4a: {  	_ =	shalt  }
0x4b: {  	_ =	shalt  }
0x4c: {  	_ =	shalt  }
0x4d: {  	_ =	shalt  }
0x4e: {  	_ =	shalt  }
0x4f: {  	_ =	shalt  }
0x50: {  	_ =	shalt  }
0x51: {  	_ =	shalt  }
0x52: {  	_ =	shalt  }
0x53: {  	_ =	shalt  }
0x54: {  	_ =	shalt  }
0x55: {  	_ =	shalt  }
0x56: {  	_ =	shalt  }
0x57: {  	_ =	shalt  }
0x58: {  	_ =	shalt  }
0x59: {  	_ =	shalt  }
0x5a: {  	_ =	shalt  }
0x5b: {  	_ =	shalt  }
0x5c: {  	_ =	shalt  }
0x5d: {  	_ =	shalt  }
0x5e: {  	_ =	shalt  }
0x5f: {  	_ =	shalt  }
0x60: {  	_ =	shalt  }
0x61: {  	_ =	shalt  }
0x62: {  	_ =	shalt  }
0x63: {  	_ =	shalt  }
0x64: {  	_ =	shalt  }
0x65: {  	_ =	shalt  }
0x66: {  	_ =	shalt  }
0x67: {  	_ =	shalt  }
0x68: {  	_ =	shalt  }
0x69: {  	_ =	shalt  }
0x6a: {  	_ =	shalt  }
0x6b: {  	_ =	shalt  }
0x6c: {  	_ =	shalt  }
0x6d: {  	_ =	shalt  }
0x6e: {  	_ =	shalt  }
0x6f: {  	_ =	shalt  }
0x70: {  	_ =	shalt  }
0x71: {  	_ =	shalt  }
0x72: {  	_ =	shalt  }
0x73: {  	_ =	shalt  }
0x74: {  	_ =	shalt  }
0x75: {  	_ =	shalt  }
0x76: {  	_ =	shalt  }
0x77: {  	_ =	shalt  }
0x78: {  	_ =	shalt  }
0x79: {  	_ =	shalt  }
0x7a: {  	_ =	shalt  }
0x7b: {  	_ =	shalt  }
0x7c: {  	_ =	shalt  }
0x7d: {  	_ =	shalt  }
0x7e: {  	_ =	shalt  }
0x7f: {  	_ =	shalt  }
0x80: {  	_ =	shalt  }
0x81: {  	_ =	shalt  }
0x82: {  	_ =	shalt  }
0x83: {  	_ =	shalt  }
0x84: {  	_ =	shalt  }
0x85: {  	_ =	shalt  }
0x86: {  	_ =	shalt  }
0x87: {  	_ =	shalt  }
.Lfunc_end0:
.L_simem_size_0:
called_computation.2_lowered:
.L_overlay_start_0:
0x88: {  	s2 =	sld [smem:$0x3FD9]  }
0x89: {  	s3 =	sld [smem:$0x3FFE];
	_ =	sdelay $0x1  }
0x8a: {  	s1 =	srdreg.scid  }
0x8b: {  	s0 =	sand.u32 $0x1, s1  }
0x8c: {  	s17 =	sshll.u32 s0, $0xA;
	s2 =	sadd.s32 s3, s2  }
0x8d: {  	s2 =	sadd.s32 s2, s17  }
0x8e: {  	[smem:$0x3FC0] =	sst s2  }
0x8f: {  	_ = 	snop  }
0x90: {  	s18 =	sld [smem:$0x3FC7];
	(tm) =	ssettm $0x1  }
0x91: {  	s19 =	sld [smem:$0x3FFB];
	_ =	sdelay $0x3  }
0x92: {  	_ =	strace s19  }
0x93: {  	s2 =	sld [smem:$0x3FFC];
	_ =	sdelay $0x3  }
0x94: {  	_ =	strace s2  }
0x95: {  	s2 =	sld [smem:$0x3FFD];
	_ =	sdelay $0x3  }
0x96: {  	_ =	strace s2  }
0x97: {  	_ =	strace $0x8FFFFFFF  }
0x98: {  	s20 =	sld [smem:$0x3FDB];
	_ =	sdelay $0x1  }
0x99: {  	s4 =	simm.s32 $_scs_section_size  }
0x9a: {  	s5 =	simm.s32 $_size__tile_overlayer_lowered;
	s6 =	simm.s32 $_tile_overlayer_lowered  }
0x9b: {  	s7 =	simm.s32 $0x1BFF;
	s21 =	sshll.u32 s6, $0x1;
	s4 =	sadd.s32 s4, s20  }
0x9c: {  	s22 =	simm.s32 $0x0;
	s5 =	sshll.u32 s5, $0x1;
	s6 =	sadd.s32 s21, s4  }
0x9d: {  	[timem:s22], [sflag:s7] =	dma.local [hbm:s6], s5  }
0x9e: {  	_ =	swait.ge [sflag:s7], s5  }
0x9f: {  	s5 =	ssub.s32 $0x0, s5;
	[sflag:s7] =	ssyncset.done $0x0  }
0xa0: {  	[sflag:s7] =	ssyncadd.s32 s5;
	_ =	sdelay $0x1  }
0xa1: {  	s23 =	simm.s32 $0x1B8B  }
0xa2: {  	_ =	swait.ge [sflag:s23], $0x1  }
0xa3: {  	[sflag:s23] =	ssyncset.done $0x0  }
0xa4: {  	[sflag:s23] =	ssyncadd.s32 $0xFFFFFFFF  }
0xa5: {  	s5 =	sld [smem:$0x0]  }
0xa6: {  	s6 =	sand.u32 $0xFFFFFFFE, s1  }
0xa7: {  	p0 =	sne.s32 s1, s6  }
0xa8: {  	s6 =	sshll.u32 @p0 s6, $0xE  }
0xa9: {  	s6 =	sadd.s32 @p0 $0x11B8D, s6;
	s7 =	sshll.u32 @p0 s5, $0x11  }
0xaa: {  	s6 =	sor.u32 @p0 s7, s6  }
0xab: {  	[sflag:s6] =	ssyncadd.remote.s32 @p0 $0x1;
	_ =	sdelay $0x1  }
0xac: {  	s6 =	simm.s32 @p0 $0x1B8D  }
0xad: {  	_ =	swait.eq @p0 [sflag:s6], $0x1  }
0xae: {  	[sflag:s6] =	ssyncadd.s32 @p0 $0xFFFFFFFF  }
0xaf: {  	s7 =	sshll.u32 @!p0 s1, $0xE  }
0xb0: {  	s7 =	sor.u32 @!p0 $0x4000, s7;
	s6 =	simm.s32 @!p0 $0x1B8D  }
0xb1: {  	s5 =	sshll.u32 @!p0 s5, $0x11;
	s7 =	sadd.s32 @!p0 $0x11B8D, s7;
	_ =	swait.eq @!p0 [sflag:s6], $0x1  }
0xb2: {  	s5 =	sor.u32 @!p0 s5, s7;
	[sflag:s6] =	ssyncadd.s32 @!p0 $0xFFFFFFFF  }
0xb3: {  	s25 =	simm.s32 $0x1B8E;
	s24 =	sld [smem:$0x3FFE];
	[sflag:s5] =	ssyncadd.remote.s32 @!p0 $0x1  }
0xb4: {  	s26 =	simm.s32 $execute0_lowered;
	[smem:$0x3FD2] =	sst s25  }
0xb5: {  	s6 =	sshll.u32 s26, $0x1;
	_ =	strace $0x80000049;
	[dreg:$0x1] =	wrdreg $0xFFFFFFFF  }
0xb6: {  	s28 =	simm.s32 $_size_execute0_lowered;
	s4 =	sadd.s32 s4, s6;
	[dreg:$0x0] =	wrdreg $0x0  }
0xb7: {  	s6 =	sshll.u32 s28, $0x1;
	[dreg:$0x2] =	wrdreg s4  }
0xb8: {  	[dreg:$0x3] =	wrdreg s6  }
0xb9: {  	[dreg:$0x4] =	wrdreg $0xC0  }
0xba: {  	_ =	task [dreg:s22], $0x5FFFF  }
0xbb: {  	[dreg:$0x1] =	wrdreg $0xFFFFFFFF  }
0xbc: {  	[dreg:$0x0] =	wrdreg $0x60  }
0xbd: {  	[dreg:$0x2] =	wrdreg s18  }
0xbe: {  	[dreg:$0x3] =	wrdreg s24  }
0xbf: {  	[dreg:$0x4] =	wrdreg $0xB  }
0xc0: {  	_ =	task.clear_ibuf [dreg:s22], $0x5FFFF;
	_ =	strace $0x90000049  }
0xc1: {  	s29 =	simm.s32 $0xB;
	_ =	strace $0x8000004B  }
0xc2: {  	_ =	swait.ge [sflag:s29], $0x1  }
0xc3: {  	[sflag:s29] =	ssyncadd.s32 $0xFFFFFFFF  }
0xc4: {  	_ =	strace $0x9000004B  }
0xc5: {  	_ =	sfence  }
0xc6: {  	s30 =	sld [smem:$0x0];
	_ =	sdelay $0x2  }
0xc7: {  	s31 =	sshll.u32 s1, $0xD;
	s1 =	sshrl.u32 s1, $0x2  }
0xc8: {  	s4 =	sand.u32 $0x4000, s31;
	s1 =	sadd.s32 s1, s30  }
0xc9: {  	s0 =	sor.u32 s4, s0;
	s1 =	sshll.u32 s1, $0x11  }
0xca: {  	s0 =	sor.u32 s1, s0  }
0xcb: {  	s0 =	sadd.s32 $0x8F2B, s0  }
0xcc: {  	[sflag:s0] =	ssyncadd.remote.s32 $0x1  }
0xcd: {  	_ =	sfence.sel $0xFFFF  }
0xce: {  	[dreg:$0x0] =	wrdreg $0xFFFFFFFF;
	(pc) =	sbr.abs _section_cstart, $3  }
0xcf: {  	[dreg:$0x1] =	wrdreg $0xFFFFFFFF  }
0xd0: {  	_ =	task.clear_ibuf [dreg:s22], $0x2FFFF;
	_ =	strace $0x9FFFFFFF  }
0xd1: {  	(tm) =	ssettm $0x7FFFFFFF  }
tec
execute0_lowered:
.L_overlay_start_1:
0x0: {  	(tag) =	ssettag $0x1  }
0x1: {  	s2 =	rddreg [dreg:$0x0];
	s1 =	srdreg.scid  }
0x2: {  	s0 =	stileid.u32;
	s4 =	rddreg [dreg:$0x1];
	s3 =	simm.s32 $0x0  }
0x3: {  	s16 =	simm.s32 $0x8A80;
	s17 =	simm.s32 $0x180;
	s18 =	simm.s32 $0xCA80  }
0x4: {  	s19 =	simm.s32 $0x1;
	s20 =	simm.s32 $0x2;
	s21 =	simm.s32 $0x4  }
0x5: {  	s22 =	simm.s32 $0x5;
	s23 =	simm.s32 $0x6;
	s24 =	simm.s32 $0x7  }
0x6: {  	s25 =	simm.s32 $0x8;
	s26 =	simm.s32 $0x0;
	s12 =	smul.u32 $0xA0000, s0  }
0x7: {  	s8 =	sand.u32 $0x1, s1;
	s5 =	sshll.u32 s0, $0x1;
	s30 =	smul.u32 $0x14000, s0  }
0x8: {  	[smem:$0x7FF] =	sst s3;
	s10 =	sadd.s32 $0x162200, s4;
	s14 =	smul.u32 $0x50000, s8  }
0x9: {  	p0 =	sgt.u32 s0, $0x9;
	s7 =	sor.u32 s8, s5;
	s31 =	smul.u32 $0xA000, s8  }
0xa: {  	_ =	strace $0x8000004A;
	s11 =	ssub.s32 $0x2, s8;
	s5 =	smul.u32 $0x140, s7  }
0xb: {  	s6 =	sshll.u32 s7, $0x4;
	s9 =	sshll.u32 s7, $0xB;
	s13 =	sshrl.u32 s11, $0x1  }
0xc: {  	s28 =	smul.u32 $0xA000, s7;
	s6 =	sadd.s32 s6, s4;
	s9 =	sadd.s32 s9, s4  }
0xd: {  	s11 =	ssub.s32 s11, s13;
	s29 =	sadd.s32 s14, s12;
	s12 =	simm.s32 $0x80  }
.Ltmp0:
0xe: {  	s13 =	simm.s32 $0xA80;
	s5 =	sadd.s32 s5, s4;
	(pc) =	sbr.rel .LBB2_1-.Ltmp0, $4  }
0xf: {  	s7 =	smax.u32 s11, $0x1;
	s11 =	sshrl.u32 s29, $0x3;
	s4 =	sadd.s32 $0x150A00, s5  }
0x10: {  	s5 =	sadd.s32 $0x150400, s6;
	s6 =	sadd.s32 $0x158200, s9;
	s9 =	sadd.s32 s10, s28  }
0x11: {  	s8 =	sadd.s32 $0x9000, s9;
	s9 =	sadd.s32 s11, s10;
	s10 =	sadd.s32 s30, s10  }
0x12: {  	s14 =	simm.s32 $0x4A80;
	s11 =	simm.s32 $0x9;
	s10 =	sadd.s32 s31, s10  }
.LBB2_4:
0x13: {  	_ =	swait.ge [sflag:s22], $0x4000  }
0x14: {  	[sflag:s22] =	ssyncset.done $0x0  }
0x15: {  	[sflag:s22] =	ssyncadd.s32 $0xFFFFC000  }
0x16: {  	_ =	swait.ge [sflag:s23], $0x4000  }
0x17: {  	[sflag:s23] =	ssyncset.done $0x0  }
0x18: {  	[sflag:s23] =	ssyncadd.s32 $0xFFFFC000  }
0x19: {  	_ =	swait.ge [sflag:s24], $0x4000  }
0x1a: {  	[sflag:s24] =	ssyncset.done $0x0  }
0x1b: {  	[sflag:s24] =	ssyncadd.s32 $0xFFFFC000  }
0x1c: {  	_ =	swait.ge [sflag:s25], $0x4000  }
0x1d: {  	s0 =	simm.s32 @!p0 $0x0;
	[sflag:s25] =	ssyncset.done $0x0  }
0x1e: {  	s1 =	simm.s32 @!p0 $0xA00;
	s15 =	simm.s32 @!p0 $0x9;
	[sflag:s25] =	ssyncadd.s32 $0xFFFFC000  }
0x1f: {  	[tilespmem:s1], [sflag:$0x9] =	stream.linear.gather @!p0 [hbm4b:s5+s0], $0x80, $0x38;
	[tilespmem:$0x10A80] =	vst v63  }
0x20: {  	_ =	swait.ge @!p0 [sflag:s15], $0x80  }
0x21: {  	[sflag:s15] =	ssyncset.done @!p0 $0x0  }
0x22: {  	s28 =	simm.s32 @!p0 $0x80;
	s29 =	simm.s32 @!p0 $0xA80;
	[sflag:s15] =	ssyncadd.s32 @!p0 $0xFFFFFF80  }
0x23: {  	[tilespmem:s29], [sflag:$0x1] =	stream.indirect.gather @!p0 [hbm4b:s2+s28], $0x80, s1, s28, $0xb8;
	[tilespmem:$0x10A80] =	vst v63  }
0x24: {  	s1 =	simm.s32 @!p0 $0x1  }
0x25: {  	s26 =	sadd.s32 $0x1, s26;
	_ =	swait.ge @!p0 [sflag:s1], $0x4000  }
0x26: {  	p1 =	sne.s32 s26, s7;
	[sflag:s1] =	ssyncset.done @!p0 $0x0  }
.Ltmp1:
0x27: {  	[sflag:s1] =	ssyncadd.s32 @!p0 $0xFFFFC000;
	(pc) =	sbr.rel @!p1 .LBB2_5-.Ltmp1, $4  }
0x28: {  	[hbm4b:s6+s0] =	stream.linear.scatter @!p0 [tilespmem:s29], [sflag:$0x9], $0x4000, $0x38;
	[tilespmem:$0x10A80] =	vst v63  }
0x29: {  	_ =	swait.ge @!p0 [sflag:s15], $0x4000  }
0x2a: {  	[sflag:s15] =	ssyncset.done @!p0 $0x0  }
0x2b: {  	[sflag:s15] =	ssyncadd.s32 @!p0 $0xFFFFC000  }
.LBB2_1:
0x2c: {  	[tilespmem:s3], [sflag:$0x9] =	stream.linear.gather [hbm4b:s4+s3], $0xA00, $0x38;
	[tilespmem:$0x10A80] =	vst v63  }
0x2d: {  	_ =	swait.ge [sflag:s11], $0xA00  }
0x2e: {  	[sflag:s11] =	ssyncset.done $0x0  }
0x2f: {  	[sflag:s11] =	ssyncadd.s32 $0xFFFFF600  }
0x30: {  	[tilespmem:s13], [sflag:$0x1] =	stream.indirect.gather [hbm4b:s2+s12], $0x80, s3, s12, $0xb8;
	[tilespmem:$0x10A80] =	vst v63  }
0x31: {  	_ = 	snop  }
0x32: {  	[tilespmem:s14], [sflag:$0x2] =	stream.indirect.gather [hbm4b:s2+s12], $0x80, s12, s12, $0xb8;
	[tilespmem:$0x10A80] =	vst v63  }
0x33: {  	s0 =	simm.s32 $0x100  }
0x34: {  	[tilespmem:s16], [sflag:$0x3] =	stream.indirect.gather [hbm4b:s2+s12], $0x80, s0, s12, $0xb8;
	[tilespmem:$0x10A80] =	vst v63  }
0x35: {  	s28 =	simm.s32 $0x200;
	s29 =	simm.s32 $0x0  }
0x36: {  	[tilespmem:s18], [sflag:$0x4] =	stream.indirect.gather [hbm4b:s2+s12], $0x80, s17, s12, $0xb8;
	[tilespmem:$0x10A80] =	vst v63  }
.LBB2_2:
0x37: {  	_ =	swait.ge [sflag:s19], $0x4000  }
0x38: {  	[sflag:s19] =	ssyncset.done $0x0  }
0x39: {  	s30 =	sadd.s32 s29, s9;
	p1 =	seq.s32 s29, $0x8000;
	[sflag:s19] =	ssyncadd.s32 $0xFFFFC000  }
0x3a: {  	[hbm4b:s30+s3] =	stream.linear.scatter [tilespmem:s13], [sflag:$0x5], $0x4000, $0x38;
	[tilespmem:$0x10A80] =	vst v63  }
0x3b: {  	s30 =	simm.s32 @!p1 $0x5  }
0x3c: {  	_ =	swait.ge @!p1 [sflag:s30], $0x4000  }
0x3d: {  	[sflag:s30] =	ssyncset.done @!p1 $0x0  }
0x3e: {  	s31 =	simm.s32 @!p1 $0xA80;
	[sflag:s30] =	ssyncadd.s32 @!p1 $0xFFFFC000;
	s30 =	simm.s32 @!p1 $0x80  }
0x3f: {  	[tilespmem:s31], [sflag:$0x1] =	stream.indirect.gather @!p1 [hbm4b:s2+s30], $0x80, s28, s30, $0xb8;
	[tilespmem:$0x10A80] =	vst v63  }
0x40: {  	_ =	swait.ge [sflag:s20], $0x4000  }
0x41: {  	s31 =	sadd.s32 s29, s10;
	[sflag:s20] =	ssyncset.done $0x0  }
0x42: {  	s1 =	sadd.s32 $0x800, s31;
	[sflag:s20] =	ssyncadd.s32 $0xFFFFC000  }
0x43: {  	[hbm4b:s1+s3] =	stream.linear.scatter [tilespmem:s14], [sflag:$0x6], $0x4000, $0x38;
	[tilespmem:$0x10A80] =	vst v63  }
0x44: {  	s1 =	simm.s32 @p1 $0x3  }
0x45: {  	_ =	swait.ge @p1 [sflag:s1], $0x4000  }
0x46: {  	[sflag:s1] =	ssyncset.done @p1 $0x0  }
0x47: {  	s0 =	simm.s32 @p1 $0x8A80;
	[sflag:s1] =	ssyncadd.s32 @p1 $0xFFFFC000;
	s1 =	simm.s32 @p1 $0x0  }
0x48: {  	[hbm4b:s8+s1] =	stream.linear.scatter @p1 [tilespmem:s0], [sflag:$0x7], $0x4000, $0x38;
	[tilespmem:$0x10A80] =	vst v63  }
0x49: {  	s0 =	simm.s32 @!p1 $0x6  }
0x4a: {  	_ =	swait.ge @!p1 [sflag:s0], $0x4000  }
0x4b: {  	[sflag:s0] =	ssyncset.done @!p1 $0x0  }
0x4c: {  	s1 =	simm.s32 @!p1 $0x4A80;
	[sflag:s0] =	ssyncadd.s32 @!p1 $0xFFFFC000;
	s0 =	sadd.s32 @!p1 $0x80, s28  }
0x4d: {  	[tilespmem:s1], [sflag:$0x2] =	stream.indirect.gather @!p1 [hbm4b:s2+s30], $0x80, s0, s30, $0xb8;
	[tilespmem:$0x10A80] =	vst v63  }
0x4e: {  	s0 =	simm.s32 @!p1 $0x3  }
0x4f: {  	_ =	swait.ge @!p1 [sflag:s0], $0x4000  }
0x50: {  	[sflag:s0] =	ssyncset.done @!p1 $0x0  }
0x51: {  	[sflag:s0] =	ssyncadd.s32 @!p1 $0xFFFFC000;
	s0 =	sadd.s32 @!p1 s29, s10  }
0x52: {  	s15 =	simm.s32 @!p1 $0x8A80;
	s1 =	simm.s32 @!p1 $0x0;
	s0 =	sadd.s32 @!p1 $0x1000, s0  }
0x53: {  	[hbm4b:s0+s1] =	stream.linear.scatter @!p1 [tilespmem:s15], [sflag:$0x7], $0x4000, $0x38;
	[tilespmem:$0x10A80] =	vst v63  }
0x54: {  	s0 =	simm.s32 @!p1 $0x7  }
0x55: {  	_ =	swait.ge @!p1 [sflag:s0], $0x4000  }
0x56: {  	[sflag:s0] =	ssyncset.done @!p1 $0x0  }
0x57: {  	[sflag:s0] =	ssyncadd.s32 @!p1 $0xFFFFC000;
	s0 =	sadd.s32 @!p1 $0x100, s28  }
0x58: {  	[tilespmem:s15], [sflag:$0x3] =	stream.indirect.gather @!p1 [hbm4b:s2+s30], $0x80, s0, s30, $0xb8;
	[tilespmem:$0x10A80] =	vst v63  }
.Ltmp2:
0x59: {  	_ = 	snop;
	(pc) =	sbr.rel @p1 .LBB2_4-.Ltmp2, $4  }
0x5a: {  	_ =	swait.ge [sflag:s21], $0x4000  }
0x5b: {  	[sflag:s21] =	ssyncset.done $0x0  }
0x5c: {  	s31 =	sadd.s32 $0x1800, s31;
	[sflag:s21] =	ssyncadd.s32 $0xFFFFC000  }
0x5d: {  	[hbm4b:s31+s3] =	stream.linear.scatter [tilespmem:s18], [sflag:$0x8], $0x4000, $0x38;
	[tilespmem:$0x10A80] =	vst v63  }
.Ltmp3:
0x5e: {  	(pc) =	sbr.rel .LBB2_2-.Ltmp3, $4  }
0x5f: {  	_ =	swait.ge [sflag:s25], $0x4000  }
0x60: {  	s0 =	sadd.s32 $0x180, s28;
	[sflag:s25] =	ssyncset.done $0x0  }
0x61: {  	s29 =	sadd.s32 $0x2000, s29;
	s28 =	sadd.s32 $0x200, s28;
	[sflag:s25] =	ssyncadd.s32 $0xFFFFC000  }
0x62: {  	[tilespmem:s18], [sflag:$0x4] =	stream.indirect.gather [hbm4b:s2+s12], $0x80, s0, s12, $0xb8;
	[tilespmem:$0x10A80] =	vst v63  }
.LBB2_5:
0x63: {  	_ =	sfence.sel $0x180000  }
0x64: {  	[bflag:$0x0] =	sbarrier.arrive $0xFFFF  }
0x65: {  	_ =	strace $0x9000004A  }
0x66: {  	s0 =	stileid.u32;
	[bflag:$0x2] =	sbarrier.arrive $0xFFFF  }
0x67: {  	p0 =	sne.s32 s0, $0x0;
	s0 =	rddreg [dreg:$0x2]  }
0x68: {  	s0 =	sadd.s32 @!p0 $0x100000, s0  }
0x69: {  	[sflag:s0] =	ssyncadd.tile.s32 @!p0 $0x1;
	_ =	shalt  }
.Lfunc_end2:
_tile_overlayer_lowered:
.L_overlay_start_2:
0x6a: {  	(tag) =	ssettag $0x2  }
0x6b: {  	s0 =	rddreg [dreg:$0x0];
	s2 =	stileid.u32  }
0x6c: {  	s1 =	rddreg [dreg:$0x1];
	p0 =	sne.s32 s2, $0x0  }
0x6d: {  	s3 =	rddreg [dreg:$0x2];
	[bflag:$0x3] =	sbarrier.arrive $0xFFFF;
	s2 =	simm.s32 @!p0 $0x1C09  }
0x6e: {  	[timem:s3], [sflag:s2] =	dma.local @!p0 [hbm:s0], s1  }
0x6f: {  	s0 =	simm.s32 @!p0 $0x9  }
0x70: {  	_ =	swait.ge @!p0 [sflag:s0], s1  }
0x71: {  	s1 =	ssub.s32 @!p0 $0x0, s1;
	[sflag:s0] =	ssyncset.done @!p0 $0x0  }
0x72: {  	[sflag:s0] =	ssyncadd.s32 @!p0 s1  }
0x73: {  	[bflag:$0x3] =	sbarrier.arrive $0xFFFF  }
0x74: {  	_ =	shalt  }

// kernel: kernel.19.cloned.1.call-start
scs
__scs_entry_jumppad:
0x0: {  	(pc) =	sbr.rel $0x88, $3  }
0x1: {  	(tag) =	ssettag $0x0;
	lr =	simm.s32 $0x1  }
0x2: {  	[smem:$0x3F99] =	sst lr;
	_ =	strace $0xD0000000  }
0x3: {  	_ = 	snop  }
0x4: {  	_ = 	snop  }
0x5: {  	_ = 	snop  }
0x6: {  	_ = 	snop  }
0x7: {  	_ = 	snop  }
__scs_overlays_trampoline_lowered:
0x8: {  	[smem:$0x3FA8] =	sst s0  }
0x9: {  	[smem:$0x3FA9] =	sst s1  }
0xa: {  	[smem:$0x3FAA] =	sst s2  }
0xb: {  	[smem:$0x3FAB] =	sst s3  }
0xc: {  	[smem:$0x3FAC] =	sst s4  }
0xd: {  	[smem:$0x3FAD] =	sst s5  }
0xe: {  	[smem:$0x3FAE] =	sst s6  }
0xf: {  	[smem:$0x3FAF] =	sst s7  }
0x10: {  	[smem:$0x3FB0] =	sst s8  }
0x11: {  	[smem:$0x3FB1] =	sst s9;
	s0 =	simm.s32 @!p0 $0x0  }
0x12: {  	s1 =	sld [smem:$0x3F97];
	s0 =	simm.s32 @p0 $0x1  }
0x13: {  	[smem:$0x3FB2] =	sst s0;
	s0 =	simm.s32 @!p1 $0x0  }
0x14: {  	s2 =	sld [smem:$0x3F96];
	s0 =	simm.s32 @p1 $0x1  }
0x15: {  	[smem:$0x3FB3] =	sst s0;
	s0 =	simm.s32 @!p2 $0x0  }
0x16: {  	s3 =	sld [smem:$0x3FDB];
	s0 =	simm.s32 @p2 $0x1  }
0x17: {  	s4 =	simm.s32 $0x1BF5;
	[smem:$0x3FB5] =	sst s0  }
0x18: {  	s0 =	sld [smem:$0x3F98];
	_ =	swait.ge [sflag:s4], $0x0  }
0x19: {  	s7 =	sld [smem:$0x3F99]  }
0x1a: {  	s8 =	sadd.s32 $0xFFFFE003, lr  }
0x1b: {  	s9 =	sadd.s32 $0xFFFFFEF7, lr;
	s5 =	simm.s32 $0xFFFFFFFF;
	p2 =	slt.u32 s8, $0xFFFFF086  }
0x1c: {  	p1 =	slt.u32 s9, $0xF7A;
	s5 =	simm.s32 @!p2 $0x0  }
0x1d: {  	s5 =	simm.s32 @p1 $0x1;
	p0 =	seq.s32 s7, s2  }
0x1e: {  	s7 =	smul.u32 @!p0 $0xF7A, s2;
	p2 =	seq.s32 @!p0 s5, $0x0  }
0x1f: {  	s9 =	smul.u32 $0xF7A, s1;
	s8 =	simm.s32 @!p0 $0x1BF5;
	p2 =	por !p2, p0  }
0x20: {  	[sflag:s8] =	ssyncset.s32 @!p0 $0xFFFFF086;
	s6 =	sadd.s32 @!p0 s3, s7;
	s7 =	simm.s32 @!p0 $0x108  }
0x21: {  	s3 =	sadd.s32 s3, s9;
	s6 =	sadd.s32 @!p0 $0x88, s6;
	s7 =	simm.s32 @p2 $0x1082  }
0x22: {  	[simem:s7], [sflag:s8] =	dma.local @!p0 [hbm:s6], $0xF7A  }
0x23: {  	s9 =	sor.u32 $0xD0000000, s2;
	s6 =	simm.s32 $0x108;
	_ =	swait.ge @!p0 [sflag:s8], $0x0  }
0x24: {  	s3 =	sadd.s32 $0x88, s3;
	s6 =	simm.s32 @!p1 $0x1082;
	[sflag:s4] =	ssyncset.s32 $0xFFFFF086  }
0x25: {  	[simem:s6], [sflag:s4] =	dma.local [hbm:s3], $0xF7A  }
0x26: {  	[smem:$0x3F99] =	sst s1;
	(tag) =	ssettag s2;
	_ =	strace s9  }
0x27: {  	s1 =	sld [smem:$0x3FA9]  }
0x28: {  	s2 =	sld [smem:$0x3FAA]  }
0x29: {  	s4 =	sld [smem:$0x3FAC]  }
0x2a: {  	p0 =	seq.s32 s5, $0x0;
	s5 =	sld [smem:$0x3FAD]  }
0x2b: {  	s6 =	sld [smem:$0x3FAE]  }
0x2c: {  	s7 =	sld [smem:$0x3FAF]  }
0x2d: {  	s3 =	simm.s32 $0x108;
	s8 =	sld [smem:$0x3FB0]  }
0x2e: {  	s3 =	simm.s32 @!p0 $0x1082;
	s9 =	sld [smem:$0x3FB1]  }
0x2f: {  	lr =	sadd.s32 s0, s3;
	s0 =	sld [smem:$0x3FA8]  }
0x30: {  	s3 =	sld [smem:$0x3FAB]  }
0x31: {  	[smem:$0x3FB4] =	sst s10  }
0x32: {  	s10 =	sld [smem:$0x3FB2];
	_ =	sdelay $0x3  }
0x33: {  	p0 =	seq.s32 s10, $0x1;
	s10 =	sld [smem:$0x3FB4];
	_ =	sdelay $0x3  }
0x34: {  	[smem:$0x3FB4] =	sst s10  }
0x35: {  	s10 =	sld [smem:$0x3FB3];
	_ =	sdelay $0x3  }
0x36: {  	p1 =	seq.s32 s10, $0x1;
	s10 =	sld [smem:$0x3FB4];
	_ =	sdelay $0x3  }
0x37: {  	[smem:$0x3FB4] =	sst s10  }
0x38: {  	s10 =	sld [smem:$0x3FB5]  }
0x39: {  	_ = 	snop;
	(pc) =	sbr.ind lr, $3  }
0x3a: {  	_ = 	snop  }
0x3b: {  	_ = 	snop  }
0x3c: {  	p2 =	seq.s32 s10, $0x1;
	s10 =	sld [smem:$0x3FB4]  }
0x3d: {  	_ =	shalt  }
0x3e: {  	_ =	shalt  }
0x3f: {  	_ =	shalt  }
0x40: {  	_ =	shalt  }
0x41: {  	_ =	shalt  }
0x42: {  	_ =	shalt  }
0x43: {  	_ =	shalt  }
0x44: {  	_ =	shalt  }
0x45: {  	_ =	shalt  }
0x46: {  	_ =	shalt  }
0x47: {  	_ =	shalt  }
0x48: {  	_ =	shalt  }
0x49: {  	_ =	shalt  }
0x4a: {  	_ =	shalt  }
0x4b: {  	_ =	shalt  }
0x4c: {  	_ =	shalt  }
0x4d: {  	_ =	shalt  }
0x4e: {  	_ =	shalt  }
0x4f: {  	_ =	shalt  }
0x50: {  	_ =	shalt  }
0x51: {  	_ =	shalt  }
0x52: {  	_ =	shalt  }
0x53: {  	_ =	shalt  }
0x54: {  	_ =	shalt  }
0x55: {  	_ =	shalt  }
0x56: {  	_ =	shalt  }
0x57: {  	_ =	shalt  }
0x58: {  	_ =	shalt  }
0x59: {  	_ =	shalt  }
0x5a: {  	_ =	shalt  }
0x5b: {  	_ =	shalt  }
0x5c: {  	_ =	shalt  }
0x5d: {  	_ =	shalt  }
0x5e: {  	_ =	shalt  }
0x5f: {  	_ =	shalt  }
0x60: {  	_ =	shalt  }
0x61: {  	_ =	shalt  }
0x62: {  	_ =	shalt  }
0x63: {  	_ =	shalt  }
0x64: {  	_ =	shalt  }
0x65: {  	_ =	shalt  }
0x66: {  	_ =	shalt  }
0x67: {  	_ =	shalt  }
0x68: {  	_ =	shalt  }
0x69: {  	_ =	shalt  }
0x6a: {  	_ =	shalt  }
0x6b: {  	_ =	shalt  }
0x6c: {  	_ =	shalt  }
0x6d: {  	_ =	shalt  }
0x6e: {  	_ =	shalt  }
0x6f: {  	_ =	shalt  }
0x70: {  	_ =	shalt  }
0x71: {  	_ =	shalt  }
0x72: {  	_ =	shalt  }
0x73: {  	_ =	shalt  }
0x74: {  	_ =	shalt  }
0x75: {  	_ =	shalt  }
0x76: {  	_ =	shalt  }
0x77: {  	_ =	shalt  }
0x78: {  	_ =	shalt  }
0x79: {  	_ =	shalt  }
0x7a: {  	_ =	shalt  }
0x7b: {  	_ =	shalt  }
0x7c: {  	_ =	shalt  }
0x7d: {  	_ =	shalt  }
0x7e: {  	_ =	shalt  }
0x7f: {  	_ =	shalt  }
0x80: {  	_ =	shalt  }
0x81: {  	_ =	shalt  }
0x82: {  	_ =	shalt  }
0x83: {  	_ =	shalt  }
0x84: {  	_ =	shalt  }
0x85: {  	_ =	shalt  }
0x86: {  	_ =	shalt  }
0x87: {  	_ =	shalt  }
.Lfunc_end0:
.L_simem_size_0:
called_computation.3_lowered:
.L_overlay_start_0:
0x88: {  	s2 =	sld [smem:$0x3FD9]  }
0x89: {  	s3 =	sld [smem:$0x3FFE];
	_ =	sdelay $0x1  }
0x8a: {  	s1 =	srdreg.scid  }
0x8b: {  	s0 =	sand.u32 $0x1, s1  }
0x8c: {  	s17 =	sshll.u32 s0, $0xA;
	s2 =	sadd.s32 s3, s2  }
0x8d: {  	s2 =	sadd.s32 s2, s17  }
0x8e: {  	[smem:$0x3FC0] =	sst s2  }
0x8f: {  	_ = 	snop  }
0x90: {  	s4 =	sld [smem:$0x3FC7]  }
0x91: {  	s18 =	sld [smem:$0x3FD0];
	(tm) =	ssettm $0x1  }
0x92: {  	s19 =	sld [smem:$0x3FFB];
	_ =	sdelay $0x3  }
0x93: {  	_ =	strace s19  }
0x94: {  	s2 =	sld [smem:$0x3FFC];
	_ =	sdelay $0x3  }
0x95: {  	_ =	strace s2  }
0x96: {  	s2 =	sld [smem:$0x3FFD];
	_ =	sdelay $0x3  }
0x97: {  	_ =	strace s2  }
0x98: {  	_ =	strace $0x8FFFFFFF  }
0x99: {  	s20 =	sld [smem:$0x3FDB];
	_ =	sdelay $0x1  }
0x9a: {  	s5 =	simm.s32 $_scs_section_size  }
0x9b: {  	s6 =	simm.s32 $_size__tile_overlayer_lowered;
	s7 =	simm.s32 $_tile_overlayer_lowered  }
0x9c: {  	s8 =	simm.s32 $0x1BFF;
	s21 =	sshll.u32 s7, $0x1;
	s5 =	sadd.s32 s5, s20  }
0x9d: {  	s22 =	simm.s32 $0x0;
	s6 =	sshll.u32 s6, $0x1;
	s7 =	sadd.s32 s21, s5  }
0x9e: {  	[timem:s22], [sflag:s8] =	dma.local [hbm:s7], s6  }
0x9f: {  	_ =	swait.ge [sflag:s8], s6  }
0xa0: {  	s6 =	ssub.s32 $0x0, s6;
	[sflag:s8] =	ssyncset.done $0x0  }
0xa1: {  	[sflag:s8] =	ssyncadd.s32 s6;
	_ =	sdelay $0x1  }
0xa2: {  	s23 =	simm.s32 $0x1B8B  }
0xa3: {  	_ =	swait.ge [sflag:s23], $0x1  }
0xa4: {  	[sflag:s23] =	ssyncset.done $0x0  }
0xa5: {  	[sflag:s23] =	ssyncadd.s32 $0xFFFFFFFF  }
0xa6: {  	s6 =	sld [smem:$0x0]  }
0xa7: {  	s7 =	sand.u32 $0xFFFFFFFE, s1  }
0xa8: {  	p0 =	sne.s32 s1, s7  }
0xa9: {  	s7 =	sshll.u32 @p0 s7, $0xE  }
0xaa: {  	s7 =	sadd.s32 @p0 $0x11B8D, s7;
	s8 =	sshll.u32 @p0 s6, $0x11  }
0xab: {  	s7 =	sor.u32 @p0 s8, s7  }
0xac: {  	[sflag:s7] =	ssyncadd.remote.s32 @p0 $0x1;
	_ =	sdelay $0x1  }
0xad: {  	s7 =	simm.s32 @p0 $0x1B8D  }
0xae: {  	_ =	swait.eq @p0 [sflag:s7], $0x1  }
0xaf: {  	[sflag:s7] =	ssyncadd.s32 @p0 $0xFFFFFFFF  }
0xb0: {  	s8 =	sshll.u32 @!p0 s1, $0xE  }
0xb1: {  	s8 =	sor.u32 @!p0 $0x4000, s8;
	s7 =	simm.s32 @!p0 $0x1B8D  }
0xb2: {  	s6 =	sshll.u32 @!p0 s6, $0x11;
	s8 =	sadd.s32 @!p0 $0x11B8D, s8;
	_ =	swait.eq @!p0 [sflag:s7], $0x1  }
0xb3: {  	s6 =	sor.u32 @!p0 s6, s8;
	[sflag:s7] =	ssyncadd.s32 @!p0 $0xFFFFFFFF  }
0xb4: {  	s25 =	simm.s32 $0x1B8E;
	s24 =	sld [smem:$0x3FFE];
	[sflag:s6] =	ssyncadd.remote.s32 @!p0 $0x1  }
0xb5: {  	s26 =	simm.s32 $execute0_lowered;
	[smem:$0x3FD2] =	sst s25  }
0xb6: {  	s7 =	sshll.u32 s26, $0x1;
	_ =	strace $0x8000004F;
	[dreg:$0x1] =	wrdreg $0xFFFFFFFF  }
0xb7: {  	s28 =	simm.s32 $_size_execute0_lowered;
	s5 =	sadd.s32 s5, s7;
	[dreg:$0x0] =	wrdreg $0x0  }
0xb8: {  	s7 =	sshll.u32 s28, $0x1;
	[dreg:$0x2] =	wrdreg s5  }
0xb9: {  	[dreg:$0x3] =	wrdreg s7  }
0xba: {  	[dreg:$0x4] =	wrdreg $0xC0  }
0xbb: {  	_ =	task [dreg:s22], $0x5FFFF  }
0xbc: {  	[dreg:$0x1] =	wrdreg $0xFFFFFFFF  }
0xbd: {  	[dreg:$0x0] =	wrdreg $0x60  }
0xbe: {  	[dreg:$0x2] =	wrdreg s4  }
0xbf: {  	[dreg:$0x3] =	wrdreg s24  }
0xc0: {  	[dreg:$0x4] =	wrdreg s18  }
0xc1: {  	[dreg:$0x5] =	wrdreg $0xC  }
0xc2: {  	_ =	task.clear_ibuf [dreg:s22], $0x6FFFF;
	_ =	strace $0x9000004F  }
0xc3: {  	s29 =	simm.s32 $0xC;
	_ =	strace $0x80000051  }
0xc4: {  	_ =	swait.ge [sflag:s29], $0x1  }
0xc5: {  	[sflag:s29] =	ssyncadd.s32 $0xFFFFFFFF  }
0xc6: {  	_ =	strace $0x90000051  }
0xc7: {  	_ =	sfence  }
0xc8: {  	s30 =	sld [smem:$0x0];
	_ =	sdelay $0x2  }
0xc9: {  	s31 =	sshll.u32 s1, $0xD;
	s1 =	sshrl.u32 s1, $0x2  }
0xca: {  	s4 =	sand.u32 $0x4000, s31;
	s1 =	sadd.s32 s1, s30  }
0xcb: {  	s0 =	sor.u32 s4, s0;
	s1 =	sshll.u32 s1, $0x11  }
0xcc: {  	s0 =	sor.u32 s1, s0  }
0xcd: {  	s0 =	sadd.s32 $0x8F2B, s0  }
0xce: {  	[sflag:s0] =	ssyncadd.remote.s32 $0x1  }
0xcf: {  	_ =	sfence.sel $0xFFFF  }
0xd0: {  	[dreg:$0x0] =	wrdreg $0xFFFFFFFF;
	(pc) =	sbr.abs _section_cstart, $3  }
0xd1: {  	[dreg:$0x1] =	wrdreg $0xFFFFFFFF  }
0xd2: {  	_ =	task.clear_ibuf [dreg:s22], $0x2FFFF;
	_ =	strace $0x9FFFFFFF  }
0xd3: {  	(tm) =	ssettm $0x7FFFFFFF  }
tec
execute0_lowered:
.L_overlay_start_1:
0x0: {  	(tag) =	ssettag $0x1  }
0x1: {  	s1 =	rddreg [dreg:$0x0]  }
0x2: {  	s4 =	rddreg [dreg:$0x1];
	s2 =	srdreg.scid  }
0x3: {  	s0 =	stileid.u32;
	s6 =	rddreg [dreg:$0x2]  }
0x4: {  	s3 =	simm.s32 $0x0;
	s16 =	simm.s32 $0x8A80;
	s17 =	simm.s32 $0x180  }
0x5: {  	s18 =	simm.s32 $0xCA80;
	s19 =	simm.s32 $0x1;
	s20 =	simm.s32 $0x2  }
0x6: {  	s21 =	simm.s32 $0x4;
	s22 =	simm.s32 $0x5;
	s23 =	simm.s32 $0x6  }
0x7: {  	s24 =	simm.s32 $0x7;
	s8 =	sand.u32 $0x1, s2;
	s25 =	smul.u32 $0xA0000, s0  }
0x8: {  	s5 =	sshll.u32 s0, $0x1;
	[smem:$0x7FF] =	sst s3;
	s29 =	smul.u32 $0x14000, s0  }
0x9: {  	s12 =	sadd.s32 $0x3EC200, s4;
	p0 =	sgt.u32 s0, $0x9;
	s14 =	smul.u32 $0x50000, s8  }
0xa: {  	s7 =	sor.u32 s8, s5;
	_ =	strace $0x80000050;
	s30 =	smul.u32 $0xA000, s8  }
0xb: {  	s10 =	ssub.s32 $0x2, s8;
	s5 =	smul.u32 $0x140, s7;
	s9 =	sshll.u32 s7, $0x4  }
0xc: {  	s11 =	sshrl.u32 s10, $0x1;
	s13 =	sshll.u32 s7, $0xB;
	s26 =	smul.u32 $0xA000, s7  }
0xd: {  	s31 =	sadd.s32 s29, s12;
	s9 =	sadd.s32 s9, s4;
	s10 =	ssub.s32 s10, s11  }
0xe: {  	s6 =	sadd.s32 s6, s13;
	s28 =	sadd.s32 s14, s25;
	s11 =	simm.s32 $0x9  }
.Ltmp0:
0xf: {  	s13 =	simm.s32 $0xA80;
	s14 =	simm.s32 $0x4A80;
	(pc) =	sbr.rel .LBB2_1-.Ltmp0, $4  }
0x10: {  	s25 =	simm.s32 $0x8;
	s5 =	sadd.s32 s5, s4;
	s7 =	smax.u32 s10, $0x1  }
0x11: {  	s4 =	sadd.s32 $0x155A00, s5;
	s5 =	sadd.s32 $0x150800, s9;
	s9 =	sadd.s32 s12, s26  }
0x12: {  	s10 =	sshrl.u32 s28, $0x3;
	s26 =	simm.s32 $0x0;
	s8 =	sadd.s32 $0x9000, s9  }
0x13: {  	s9 =	sadd.s32 s10, s12;
	s10 =	sadd.s32 s30, s31;
	s12 =	simm.s32 $0x80  }
.LBB2_4:
0x14: {  	_ =	swait.ge [sflag:s22], $0x4000  }
0x15: {  	[sflag:s22] =	ssyncset.done $0x0  }
0x16: {  	[sflag:s22] =	ssyncadd.s32 $0xFFFFC000  }
0x17: {  	_ =	swait.ge [sflag:s23], $0x4000  }
0x18: {  	[sflag:s23] =	ssyncset.done $0x0  }
0x19: {  	[sflag:s23] =	ssyncadd.s32 $0xFFFFC000  }
0x1a: {  	_ =	swait.ge [sflag:s24], $0x4000  }
0x1b: {  	[sflag:s24] =	ssyncset.done $0x0  }
0x1c: {  	[sflag:s24] =	ssyncadd.s32 $0xFFFFC000  }
0x1d: {  	_ =	swait.ge [sflag:s25], $0x4000  }
0x1e: {  	s0 =	simm.s32 @!p0 $0x0;
	[sflag:s25] =	ssyncset.done $0x0  }
0x1f: {  	s2 =	simm.s32 @!p0 $0xA00;
	s15 =	simm.s32 @!p0 $0x9;
	[sflag:s25] =	ssyncadd.s32 $0xFFFFC000  }
0x20: {  	[tilespmem:s2], [sflag:$0x9] =	stream.linear.gather @!p0 [hbm4b:s5+s0], $0x80, $0x38;
	[tilespmem:$0x10A80] =	vst v63  }
0x21: {  	_ =	swait.ge @!p0 [sflag:s15], $0x80  }
0x22: {  	[sflag:s15] =	ssyncset.done @!p0 $0x0  }
0x23: {  	s28 =	simm.s32 @!p0 $0x80;
	s29 =	simm.s32 @!p0 $0xA80;
	[sflag:s15] =	ssyncadd.s32 @!p0 $0xFFFFFF80  }
0x24: {  	[tilespmem:s29], [sflag:$0x1] =	stream.indirect.gather @!p0 [hbm4b:s1+s28], $0x80, s2, s28, $0xb8;
	[tilespmem:$0x10A80] =	vst v63  }
0x25: {  	s2 =	simm.s32 @!p0 $0x1  }
0x26: {  	s26 =	sadd.s32 $0x1, s26;
	_ =	swait.ge @!p0 [sflag:s2], $0x4000  }
0x27: {  	p1 =	sne.s32 s26, s7;
	[sflag:s2] =	ssyncset.done @!p0 $0x0  }
.Ltmp1:
0x28: {  	[sflag:s2] =	ssyncadd.s32 @!p0 $0xFFFFC000;
	(pc) =	sbr.rel @!p1 .LBB2_5-.Ltmp1, $4  }
0x29: {  	[hbm4b:s6+s0] =	stream.linear.scatter @!p0 [tilespmem:s29], [sflag:$0x9], $0x4000, $0x38;
	[tilespmem:$0x10A80] =	vst v63  }
0x2a: {  	_ =	swait.ge @!p0 [sflag:s15], $0x4000  }
0x2b: {  	[sflag:s15] =	ssyncset.done @!p0 $0x0  }
0x2c: {  	[sflag:s15] =	ssyncadd.s32 @!p0 $0xFFFFC000  }
.LBB2_1:
0x2d: {  	[tilespmem:s3], [sflag:$0x9] =	stream.linear.gather [hbm4b:s4+s3], $0xA00, $0x38;
	[tilespmem:$0x10A80] =	vst v63  }
0x2e: {  	_ =	swait.ge [sflag:s11], $0xA00  }
0x2f: {  	[sflag:s11] =	ssyncset.done $0x0  }
0x30: {  	[sflag:s11] =	ssyncadd.s32 $0xFFFFF600  }
0x31: {  	[tilespmem:s13], [sflag:$0x1] =	stream.indirect.gather [hbm4b:s1+s12], $0x80, s3, s12, $0xb8;
	[tilespmem:$0x10A80] =	vst v63  }
0x32: {  	_ = 	snop  }
0x33: {  	[tilespmem:s14], [sflag:$0x2] =	stream.indirect.gather [hbm4b:s1+s12], $0x80, s12, s12, $0xb8;
	[tilespmem:$0x10A80] =	vst v63  }
0x34: {  	s0 =	simm.s32 $0x100  }
0x35: {  	[tilespmem:s16], [sflag:$0x3] =	stream.indirect.gather [hbm4b:s1+s12], $0x80, s0, s12, $0xb8;
	[tilespmem:$0x10A80] =	vst v63  }
0x36: {  	s28 =	simm.s32 $0x200;
	s29 =	simm.s32 $0x0  }
0x37: {  	[tilespmem:s18], [sflag:$0x4] =	stream.indirect.gather [hbm4b:s1+s12], $0x80, s17, s12, $0xb8;
	[tilespmem:$0x10A80] =	vst v63  }
.LBB2_2:
0x38: {  	_ =	swait.ge [sflag:s19], $0x4000  }
0x39: {  	[sflag:s19] =	ssyncset.done $0x0  }
0x3a: {  	s30 =	sadd.s32 s29, s9;
	p1 =	seq.s32 s29, $0x8000;
	[sflag:s19] =	ssyncadd.s32 $0xFFFFC000  }
0x3b: {  	[hbm4b:s30+s3] =	stream.linear.scatter [tilespmem:s13], [sflag:$0x5], $0x4000, $0x38;
	[tilespmem:$0x10A80] =	vst v63  }
0x3c: {  	s30 =	simm.s32 @!p1 $0x5  }
0x3d: {  	_ =	swait.ge @!p1 [sflag:s30], $0x4000  }
0x3e: {  	[sflag:s30] =	ssyncset.done @!p1 $0x0  }
0x3f: {  	s31 =	simm.s32 @!p1 $0xA80;
	[sflag:s30] =	ssyncadd.s32 @!p1 $0xFFFFC000;
	s30 =	simm.s32 @!p1 $0x80  }
0x40: {  	[tilespmem:s31], [sflag:$0x1] =	stream.indirect.gather @!p1 [hbm4b:s1+s30], $0x80, s28, s30, $0xb8;
	[tilespmem:$0x10A80] =	vst v63  }
0x41: {  	_ =	swait.ge [sflag:s20], $0x4000  }
0x42: {  	s31 =	sadd.s32 s29, s10;
	[sflag:s20] =	ssyncset.done $0x0  }
0x43: {  	s2 =	sadd.s32 $0x800, s31;
	[sflag:s20] =	ssyncadd.s32 $0xFFFFC000  }
0x44: {  	[hbm4b:s2+s3] =	stream.linear.scatter [tilespmem:s14], [sflag:$0x6], $0x4000, $0x38;
	[tilespmem:$0x10A80] =	vst v63  }
0x45: {  	s2 =	simm.s32 @p1 $0x3  }
0x46: {  	_ =	swait.ge @p1 [sflag:s2], $0x4000  }
0x47: {  	[sflag:s2] =	ssyncset.done @p1 $0x0  }
0x48: {  	s0 =	simm.s32 @p1 $0x8A80;
	[sflag:s2] =	ssyncadd.s32 @p1 $0xFFFFC000;
	s2 =	simm.s32 @p1 $0x0  }
0x49: {  	[hbm4b:s8+s2] =	stream.linear.scatter @p1 [tilespmem:s0], [sflag:$0x7], $0x4000, $0x38;
	[tilespmem:$0x10A80] =	vst v63  }
0x4a: {  	s0 =	simm.s32 @!p1 $0x6  }
0x4b: {  	_ =	swait.ge @!p1 [sflag:s0], $0x4000  }
0x4c: {  	[sflag:s0] =	ssyncset.done @!p1 $0x0  }
0x4d: {  	s2 =	simm.s32 @!p1 $0x4A80;
	[sflag:s0] =	ssyncadd.s32 @!p1 $0xFFFFC000;
	s0 =	sadd.s32 @!p1 $0x80, s28  }
0x4e: {  	[tilespmem:s2], [sflag:$0x2] =	stream.indirect.gather @!p1 [hbm4b:s1+s30], $0x80, s0, s30, $0xb8;
	[tilespmem:$0x10A80] =	vst v63  }
0x4f: {  	s0 =	simm.s32 @!p1 $0x3  }
0x50: {  	_ =	swait.ge @!p1 [sflag:s0], $0x4000  }
0x51: {  	[sflag:s0] =	ssyncset.done @!p1 $0x0  }
0x52: {  	[sflag:s0] =	ssyncadd.s32 @!p1 $0xFFFFC000;
	s0 =	sadd.s32 @!p1 s29, s10  }
0x53: {  	s15 =	simm.s32 @!p1 $0x8A80;
	s2 =	simm.s32 @!p1 $0x0;
	s0 =	sadd.s32 @!p1 $0x1000, s0  }
0x54: {  	[hbm4b:s0+s2] =	stream.linear.scatter @!p1 [tilespmem:s15], [sflag:$0x7], $0x4000, $0x38;
	[tilespmem:$0x10A80] =	vst v63  }
0x55: {  	s0 =	simm.s32 @!p1 $0x7  }
0x56: {  	_ =	swait.ge @!p1 [sflag:s0], $0x4000  }
0x57: {  	[sflag:s0] =	ssyncset.done @!p1 $0x0  }
0x58: {  	[sflag:s0] =	ssyncadd.s32 @!p1 $0xFFFFC000;
	s0 =	sadd.s32 @!p1 $0x100, s28  }
0x59: {  	[tilespmem:s15], [sflag:$0x3] =	stream.indirect.gather @!p1 [hbm4b:s1+s30], $0x80, s0, s30, $0xb8;
	[tilespmem:$0x10A80] =	vst v63  }
.Ltmp2:
0x5a: {  	_ = 	snop;
	(pc) =	sbr.rel @p1 .LBB2_4-.Ltmp2, $4  }
0x5b: {  	_ =	swait.ge [sflag:s21], $0x4000  }
0x5c: {  	[sflag:s21] =	ssyncset.done $0x0  }
0x5d: {  	s31 =	sadd.s32 $0x1800, s31;
	[sflag:s21] =	ssyncadd.s32 $0xFFFFC000  }
0x5e: {  	[hbm4b:s31+s3] =	stream.linear.scatter [tilespmem:s18], [sflag:$0x8], $0x4000, $0x38;
	[tilespmem:$0x10A80] =	vst v63  }
.Ltmp3:
0x5f: {  	(pc) =	sbr.rel .LBB2_2-.Ltmp3, $4  }
0x60: {  	_ =	swait.ge [sflag:s25], $0x4000  }
0x61: {  	s0 =	sadd.s32 $0x180, s28;
	[sflag:s25] =	ssyncset.done $0x0  }
0x62: {  	s29 =	sadd.s32 $0x2000, s29;
	s28 =	sadd.s32 $0x200, s28;
	[sflag:s25] =	ssyncadd.s32 $0xFFFFC000  }
0x63: {  	[tilespmem:s18], [sflag:$0x4] =	stream.indirect.gather [hbm4b:s1+s12], $0x80, s0, s12, $0xb8;
	[tilespmem:$0x10A80] =	vst v63  }
.LBB2_5:
0x64: {  	_ =	sfence.sel $0x180000  }
0x65: {  	[bflag:$0x0] =	sbarrier.arrive $0xFFFF  }
0x66: {  	_ =	strace $0x90000050  }
0x67: {  	s0 =	stileid.u32;
	[bflag:$0x2] =	sbarrier.arrive $0xFFFF  }
0x68: {  	p0 =	sne.s32 s0, $0x0;
	s0 =	rddreg [dreg:$0x3]  }
0x69: {  	s0 =	sadd.s32 @!p0 $0x100000, s0  }
0x6a: {  	[sflag:s0] =	ssyncadd.tile.s32 @!p0 $0x1;
	_ =	shalt  }
.Lfunc_end2:
_tile_overlayer_lowered:
.L_overlay_start_2:
0x6b: {  	(tag) =	ssettag $0x2  }
0x6c: {  	s0 =	rddreg [dreg:$0x0];
	s2 =	stileid.u32  }
0x6d: {  	s1 =	rddreg [dreg:$0x1];
	p0 =	sne.s32 s2, $0x0  }
0x6e: {  	s3 =	rddreg [dreg:$0x2];
	[bflag:$0x3] =	sbarrier.arrive $0xFFFF;
	s2 =	simm.s32 @!p0 $0x1C09  }
0x6f: {  	[timem:s3], [sflag:s2] =	dma.local @!p0 [hbm:s0], s1  }
0x70: {  	s0 =	simm.s32 @!p0 $0x9  }
0x71: {  	_ =	swait.ge @!p0 [sflag:s0], s1  }
0x72: {  	s1 =	ssub.s32 @!p0 $0x0, s1;
	[sflag:s0] =	ssyncset.done @!p0 $0x0  }
0x73: {  	[sflag:s0] =	ssyncadd.s32 @!p0 s1  }
0x74: {  	[bflag:$0x3] =	sbarrier.arrive $0xFFFF  }
0x75: {  	_ =	shalt  }

</sc_bundles>
